<compile_context>
chip_gen: v7x
topology: tpu7x:2x2x1
jax: 0.10.2.dev20260603
libtpu: 0.0.44.dev20260713+nightly
codegen_flags: <defaults>
</compile_context>

<pallas_src>
import functools
import jax
import jax.numpy as jnp
from jax import lax
from jax.experimental import pallas as pl
from jax.experimental.pallas import tpu as pltpu
from jax.experimental.pallas import tpu_sc as plsc

N1, E, D, H = 10000, 160000, 256, 128
NUM_CLASSES = 10
K1, K2 = 8000, 6400
NP1, NP2, NP3 = 10240, 8192, 6656
EPAD = 163840
EPW = EPAD // 32
CH = 128
IMIN = -2147483648

_mesh = plsc.VectorSubcoreMesh(core_axis_name="c", subcore_axis_name="s")


def _key_from_score(s, rows, n_real):
    b = lax.bitcast_convert_type(s, jnp.int32)
    b = jnp.where(b == IMIN, 0, b)
    key = jnp.where(b < 0, b ^ 0x7FFFFFFF, b)
    return jnp.where(rows < n_real, key, IMIN)


def _score_tail(h, w, br, n_real, hs_ref, key_ref):
    wn = jnp.sqrt(jnp.sum(w * w))
    arg = lax.dot_general(h, w, (((1,), (0,)), ((), ())),
                          preferred_element_type=jnp.float32) / wn
    s = jnp.tanh(arg)
    hs_ref[...] = h * s
    rows = pl.program_id(0) * br + lax.broadcasted_iota(jnp.int32, (br, 1), 0)
    key_ref[...] = _key_from_score(s, rows, n_real)


_DN = (((1,), (1,)), ((), ()))


def _combine1_body(n_real, br, p_ref, x_ref, wrel_ref, wroot_ref,
                   ba_ref, bb_ref, w_ref, hs_ref, key_ref):
    a = lax.dot_general(p_ref[...], wrel_ref[...], _DN,
                        preferred_element_type=jnp.float32)
    xr = lax.dot_general(x_ref[...], wroot_ref[...], _DN,
                         preferred_element_type=jnp.float32)
    h = jnp.maximum((a + ba_ref[...]) + (xr + bb_ref[...]), 0.0)
    _score_tail(h, w_ref[...], br, n_real, hs_ref, key_ref)


def _combine1(npad, n_real, br):
    return pl.pallas_call(
        functools.partial(_combine1_body, n_real, br),
        grid=(npad // br,),
        in_specs=[
            pl.BlockSpec((br, D), lambda i: (i, 0)),
            pl.BlockSpec((br, D), lambda i: (i, 0)),
            pl.BlockSpec((H, D), lambda i: (0, 0)),
            pl.BlockSpec((H, D), lambda i: (0, 0)),
            pl.BlockSpec((1, H), lambda i: (0, 0)),
            pl.BlockSpec((1, H), lambda i: (0, 0)),
            pl.BlockSpec((H, 1), lambda i: (0, 0)),
        ],
        out_specs=[
            pl.BlockSpec((br, H), lambda i: (i, 0)),
            pl.BlockSpec((br, 1), lambda i: (i, 0)),
        ],
        out_shape=[
            jax.ShapeDtypeStruct((npad, H), jnp.float32),
            jax.ShapeDtypeStruct((npad, 1), jnp.int32),
        ],
    )


def _combine23_body(n_real, br, p_ref, hin_ref, wrel_ref, wroot_ref,
                    ba_ref, bb_ref, w_ref, hs_ref, key_ref):
    a = lax.dot_general(p_ref[...], wrel_ref[...], _DN,
                        preferred_element_type=jnp.float32)
    xr = lax.dot_general(hin_ref[...], wroot_ref[...], _DN,
                         preferred_element_type=jnp.float32)
    h = jnp.maximum((a + ba_ref[...]) + (xr + bb_ref[...]), 0.0)
    _score_tail(h, w_ref[...], br, n_real, hs_ref, key_ref)


def _combine23(npad, n_real, br):
    return pl.pallas_call(
        functools.partial(_combine23_body, n_real, br),
        grid=(npad // br,),
        in_specs=[
            pl.BlockSpec((br, H), lambda i: (i, 0)),
            pl.BlockSpec((br, H), lambda i: (i, 0)),
            pl.BlockSpec((H, H), lambda i: (0, 0)),
            pl.BlockSpec((H, H), lambda i: (0, 0)),
            pl.BlockSpec((1, H), lambda i: (0, 0)),
            pl.BlockSpec((1, H), lambda i: (0, 0)),
            pl.BlockSpec((H, 1), lambda i: (0, 0)),
        ],
        out_specs=[
            pl.BlockSpec((br, H), lambda i: (i, 0)),
            pl.BlockSpec((br, 1), lambda i: (i, 0)),
        ],
        out_shape=[
            jax.ShapeDtypeStruct((npad, H), jnp.float32),
            jax.ShapeDtypeStruct((npad, 1), jnp.int32),
        ],
    )


def _rank_body(cchunks, ki_ref, kt_ref, rank_ref):
    bi = pl.program_id(0)
    ki = ki_ref[0]
    iglob = bi * 128 + lax.broadcasted_iota(jnp.int32, (1, 128), 1)

    def step(c, acc):
        kj = kt_ref[c]
        jglob = c * 32 + lax.broadcasted_iota(jnp.int32, (32, 1), 0)
        jlt = jglob < iglob
        ge = jnp.where(kj >= ki, jnp.int32(1), jnp.int32(0))
        gt = jnp.where(kj > ki, jnp.int32(1), jnp.int32(0))
        return acc + jnp.where(jlt, ge, gt)

    acc = lax.fori_loop(0, cchunks, step, jnp.zeros((32, 128), jnp.int32))
    rank_ref[0] = jnp.sum(acc, axis=0, keepdims=True)


def _rank(npad):
    rrows, cchunks = npad // 128, npad // 32
    return pl.pallas_call(
        functools.partial(_rank_body, cchunks),
        grid=(rrows,),
        in_specs=[
            pl.BlockSpec((1, 1, 128), lambda i: (i, 0, 0)),
            pl.BlockSpec((cchunks, 32, 1), lambda i: (0, 0, 0)),
        ],
        out_specs=pl.BlockSpec((1, 1, 128), lambda i: (i, 0, 0)),
        out_shape=jax.ShapeDtypeStruct((rrows, 1, 128), jnp.int32),
    )


CHE = 4096
PEND = 256
FL = 128


def _aggord(nag, dummy):
    rows_pw = nag // 32
    nchunks = EPAD // CHE

    @functools.partial(
        pl.kernel, mesh=_mesh,
        compiler_params=pltpu.CompilerParams(needs_layout_passes=False),
        out_type=jax.ShapeDtypeStruct((nag, H), jnp.float32),
        scratch_types=[
            pltpu.VMEM((CHE,), jnp.int32),
            pltpu.VMEM((CHE,), jnp.int32),
            pltpu.VMEM((PEND,), jnp.int32),
            pltpu.VMEM((PEND,), jnp.int32),
            pltpu.VMEM((FL, H), jnp.float32),
            pltpu.VMEM((rows_pw, H), jnp.float32),
            pltpu.SemaphoreType.DMA,
        ],
    )
    def k(y_hbm, src_hbm, dst_hbm, zeros_hbm, out_hbm,
          sv_v, dv_v, psrc_v, pdst_v, rows_v, acc_v, sem):
        c = lax.axis_index("c")
        s = lax.axis_index("s")
        wid = s * 2 + c
        lo = wid * rows_pw
        pltpu.sync_copy(zeros_hbm, acc_v)
        zi = jnp.zeros((16,), jnp.int32)
        for kk in range(PEND // 16):
            psrc_v[pl.ds(kk * 16, 16)] = zi

        def add_edge(r, _):
            dl = pdst_v[pl.ds(r, 16)][0]
            for cc in range(H // 16):
                sl = pl.ds(cc * 16, 16)
                acc_v[dl, sl] = acc_v[dl, sl] + rows_v[r, sl]
            return _

        def flush():
            pltpu.async_copy(y_hbm.at[psrc_v.at[pl.ds(0, FL)]], rows_v, sem).wait()
            lax.fori_loop(0, FL, add_edge, 0)
            for kk in range(PEND // 16 - FL // 16):
                sld = pl.ds(FL + kk * 16, 16)
                sls = pl.ds(kk * 16, 16)
                psrc_v[sls] = psrc_v[sld]
                pdst_v[sls] = pdst_v[sld]

        def group(g, np_):
            sl = pl.ds(g * 16, 16)
            dv = dv_v[sl]
            m = (dv >= lo) & (dv < lo + rows_pw) & (dv != dummy)
            cnt = plsc.all_reduce_population_count(m)[0]

            def with_matches(np_):
                pos = np_ + plsc.cumsum(jnp.where(m, 1, 0)) - 1
                plsc.store_scatter(psrc_v, [pos], sv_v[sl], mask=m)
                plsc.store_scatter(pdst_v, [pos], dv - lo, mask=m)
                np2 = np_ + cnt
                return lax.cond(np2 >= FL, lambda: (flush(), np2 - FL)[1], lambda: np2)

            return lax.cond(cnt > 0, with_matches, lambda n: n, np_)

        def chunk(j, np_):
            pltpu.sync_copy(src_hbm.at[pl.ds(j * CHE, CHE)], sv_v)
            pltpu.sync_copy(dst_hbm.at[pl.ds(j * CHE, CHE)], dv_v)
            return lax.fori_loop(0, CHE // 16, group, np_)

        np_ = lax.fori_loop(0, nchunks, chunk, jnp.int32(0))
        pltpu.async_copy(y_hbm.at[psrc_v.at[pl.ds(0, FL)]], rows_v, sem).wait()
        lax.fori_loop(0, np_, add_edge, 0)
        pltpu.sync_copy(acc_v, out_hbm.at[pl.ds(lo, rows_pw)])

    return k


def _aggord2(nag, dummy):
    rows_pw = nag // 32
    nchunks = EPAD // CHE
    FL2 = 64

    @functools.partial(
        pl.kernel, mesh=_mesh,
        compiler_params=pltpu.CompilerParams(needs_layout_passes=False),
        out_type=jax.ShapeDtypeStruct((nag, D), jnp.float32),
        scratch_types=[
            pltpu.VMEM((CHE,), jnp.int32),
            pltpu.VMEM((CHE,), jnp.int32),
            pltpu.VMEM((PEND,), jnp.int32),
            pltpu.VMEM((PEND,), jnp.int32),
            pltpu.VMEM((64, H), jnp.float32),
            pltpu.VMEM((64, H), jnp.float32),
            pltpu.VMEM((rows_pw, D), jnp.float32),
            pltpu.SemaphoreType.DMA,
        ],
    )
    def k(ylo_hbm, yhi_hbm, src_hbm, dst_hbm, zeros_hbm, out_hbm,
          sv_v, dv_v, psrc_v, pdst_v, rlo_v, rhi_v, acc_v, sem):
        c = lax.axis_index("c")
        s = lax.axis_index("s")
        wid = s * 2 + c
        lo = wid * rows_pw
        pltpu.sync_copy(zeros_hbm, acc_v)
        zi = jnp.zeros((16,), jnp.int32)
        for kk in range(PEND // 16):
            psrc_v[pl.ds(kk * 16, 16)] = zi

        def add_edge(r, _):
            dl = pdst_v[pl.ds(r, 16)][0]
            for cc in range(H // 16):
                sl = pl.ds(cc * 16, 16)
                acc_v[dl, sl] = acc_v[dl, sl] + rlo_v[r, sl]
                sl2 = pl.ds(H + cc * 16, 16)
                acc_v[dl, sl2] = acc_v[dl, sl2] + rhi_v[r, sl]
            return _

        def flush():
            pltpu.async_copy(ylo_hbm.at[psrc_v.at[pl.ds(0, FL2)]], rlo_v, sem).wait()
            pltpu.async_copy(yhi_hbm.at[psrc_v.at[pl.ds(0, FL2)]], rhi_v, sem).wait()
            lax.fori_loop(0, FL2, add_edge, 0)
            for kk in range(PEND // 16 - FL2 // 16):
                sld = pl.ds(FL2 + kk * 16, 16)
                sls = pl.ds(kk * 16, 16)
                psrc_v[sls] = psrc_v[sld]
                pdst_v[sls] = pdst_v[sld]

        def group(g, np_):
            sl = pl.ds(g * 16, 16)
            dv = dv_v[sl]
            m = (dv >= lo) & (dv < lo + rows_pw) & (dv != dummy)
            cnt = plsc.all_reduce_population_count(m)[0]

            def with_matches(np_):
                pos = np_ + plsc.cumsum(jnp.where(m, 1, 0)) - 1
                plsc.store_scatter(psrc_v, [pos], sv_v[sl], mask=m)
                plsc.store_scatter(pdst_v, [pos], dv - lo, mask=m)
                np2 = np_ + cnt
                return lax.cond(np2 >= FL2, lambda: (flush(), np2 - FL2)[1], lambda: np2)

            return lax.cond(cnt > 0, with_matches, lambda n: n, np_)

        def chunk(j, np_):
            pltpu.sync_copy(src_hbm.at[pl.ds(j * CHE, CHE)], sv_v)
            pltpu.sync_copy(dst_hbm.at[pl.ds(j * CHE, CHE)], dv_v)
            return lax.fori_loop(0, CHE // 16, group, np_)

        np_ = lax.fori_loop(0, nchunks, chunk, jnp.int32(0))
        pltpu.async_copy(ylo_hbm.at[psrc_v.at[pl.ds(0, FL2)]], rlo_v, sem).wait()
        pltpu.async_copy(yhi_hbm.at[psrc_v.at[pl.ds(0, FL2)]], rhi_v, sem).wait()
        lax.fori_loop(0, np_, add_edge, 0)
        pltpu.sync_copy(acc_v, out_hbm.at[pl.ds(lo, rows_pw)])

    return k


def _rowscat(npad_in, nag_out, dummy, chunk, nchunks):
    rows_pw = npad_in // 32

    @functools.partial(
        pl.kernel, mesh=_mesh,
        compiler_params=pltpu.CompilerParams(needs_layout_passes=False),
        out_type=jax.ShapeDtypeStruct((nag_out, H), jnp.float32),
        scratch_types=[
            pltpu.VMEM((chunk,), jnp.int32),
            pltpu.VMEM((chunk,), jnp.int32),
            pltpu.VMEM((chunk, H), jnp.float32),
            pltpu.SemaphoreType.DMA,
        ],
    )
    def k(hs_hbm, rank_hbm, out_hbm, rank_v, idx_v, rows_v, sem):
        c = lax.axis_index("c")
        s = lax.axis_index("s")
        wid = s * 2 + c
        base = wid * rows_pw

        def step(j, carry):
            off = base + j * chunk
            pltpu.sync_copy(rank_hbm.at[pl.ds(off, chunk)], rank_v)
            for jj in range(chunk // 16):
                sl = pl.ds(jj * 16, 16)
                idx_v[sl] = jnp.minimum(rank_v[sl], jnp.int32(dummy))
            pltpu.sync_copy(hs_hbm.at[pl.ds(off, chunk)], rows_v)
            pltpu.async_copy(rows_v, out_hbm.at[idx_v], sem).wait()
            return carry

        lax.fori_loop(0, nchunks, step, 0)

    return k


def _remap(npad, kkeep):
    @functools.partial(
        pl.kernel, mesh=_mesh,
        compiler_params=pltpu.CompilerParams(needs_layout_passes=False),
        out_type=(jax.ShapeDtypeStruct((EPAD,), jnp.int32),
                  jax.ShapeDtypeStruct((EPAD,), jnp.int32)),
        scratch_types=[
            pltpu.VMEM((npad,), jnp.int32),
            pltpu.VMEM((EPW,), jnp.int32),
            pltpu.VMEM((EPW,), jnp.int32),
            pltpu.VMEM((EPW,), jnp.int32),
            pltpu.VMEM((EPW,), jnp.int32),
        ],
    )
    def k(src_hbm, dst_hbm, rank_hbm, nsrc_hbm, ndst_hbm, rank_v, src_v, dst_v, osrc_v, odst_v):
        c = lax.axis_index("c")
        s = lax.axis_index("s")
        wid = s * 2 + c
        base = wid * EPW
        pltpu.sync_copy(rank_hbm, rank_v)
        pltpu.sync_copy(src_hbm.at[pl.ds(base, EPW)], src_v)
        pltpu.sync_copy(dst_hbm.at[pl.ds(base, EPW)], dst_v)
        kk = jnp.int32(kkeep)

        def step(j, carry):
            sl = pl.ds(j * 16, 16)
            rs = plsc.load_gather(rank_v, [src_v[sl]])
            rd = plsc.load_gather(rank_v, [dst_v[sl]])
            valid = (rs < kk) & (rd < kk)
            osrc_v[sl] = jnp.where(valid, rs, 0)
            odst_v[sl] = jnp.where(valid, rd, kk)
            return carry

        lax.fori_loop(0, EPW // 16, step, 0)
        pltpu.sync_copy(osrc_v, nsrc_hbm.at[pl.ds(base, EPW)])
        pltpu.sync_copy(odst_v, ndst_hbm.at[pl.ds(base, EPW)])

    return k


def _lsm_body(in_ref, out_ref):
    v = in_ref[...][:NUM_CLASSES]
    m = jnp.max(v, axis=1, keepdims=True)
    lse = jnp.log(jnp.sum(jnp.exp(v - m), axis=1, keepdims=True)) + m
    out_ref[...] = v - lse


_lsm = pl.pallas_call(_lsm_body, out_shape=jax.ShapeDtypeStruct((NUM_CLASSES, H), jnp.float32))


def kernel(x, edge_index, num_target, W1_rel, b1_rel, W1_root, b1_root, pool1_w,
           W2_rel, b2_rel, W2_root, b2_root, pool2_w,
           W3_rel, b3_rel, W3_root, b3_root, pool3_w):
    del num_target
    f32, i32 = jnp.float32, jnp.int32
    src = jnp.concatenate([edge_index[0], jnp.zeros((EPAD - E,), i32)])
    dst = jnp.concatenate([edge_index[1], jnp.full((EPAD - E,), NP1 - 1, i32)])
    xp = jnp.pad(x, ((0, NP1 - N1), (0, 0)))
    zeros1 = jnp.zeros((NP1 // 16, H), f32)
    zeros2 = jnp.zeros((NP2 // 16, H), f32)
    zeros3 = jnp.zeros((NP3 // 16, H), f32)
    def rank_of(key, npad):
        keyr = key.reshape(npad // 128, 1, 128)
        keyt = key.reshape(npad // 32, 32, 1)
        return _rank(npad)(keyr, keyt).reshape(npad)

    z1 = jnp.zeros((NP1 // 32, H), f32)
    z256 = jnp.zeros((NP1 // 32, D), f32)
    p256 = _aggord2(NP1, NP1 - 1)(xp[:, :128], xp[:, 128:], src, dst, z256)
    hs1, key1 = _combine1(NP1, N1, 1024)(
        p256, xp, W1_rel, W1_root,
        b1_rel.reshape(1, H), b1_root.reshape(1, H), pool1_w.reshape(H, 1))
    rank1 = rank_of(key1, NP1)
    h2in = _rowscat(NP1, NP2, K1, 64, 5)(hs1, rank1)
    src2, dst2 = _remap(NP1, K1)(src, dst, rank1)

    p2 = _aggord(NP2, K1)(h2in, src2, dst2, jnp.zeros((NP2 // 32, H), f32))
    hs2, key2 = _combine23(NP2, K1, 1024)(
        p2, h2in, W2_rel, W2_root,
        b2_rel.reshape(1, H), b2_root.reshape(1, H), pool2_w.reshape(H, 1))
    rank2 = rank_of(key2, NP2)
    h3in = _rowscat(NP2, NP3, K2, 128, 2)(hs2, rank2)
    src3, dst3 = _remap(NP2, K2)(src2, dst2, rank2)

    p3 = _aggord(NP3, K2)(h3in, src3, dst3, jnp.zeros((NP3 // 32, H), f32))
    hs3, key3 = _combine23(NP3, K2, 832)(
        p3, h3in, W3_rel, W3_root,
        b3_rel.reshape(1, H), b3_root.reshape(1, H), pool3_w.reshape(H, 1))
    rank3 = rank_of(key3, NP3)
    out16 = _rowscat(NP3, 16, 15, 16, 13)(hs3, rank3)
    return _lsm(out16)

# --- scband reference (transcript-rebuilt; emitter-appended) ---
"""Pipeline reference for scband-top-kpool-net-neighbour-51788715655372 (READ-ONLY COPY).

The authoritative reference and input builder live on the scoring server;
editing this copy changes nothing except your own understanding.
"""

import jax, jax.numpy as jnp
import numpy as np
import math

N = 10000
E = 160000
D = 256
H = 128
NUM_CLASSES = 10


def _linear(x, W, b):
    return x @ W.T + b


def graph_conv(x_src, x_dst, edge_index, W_rel, b_rel, W_root, b_root):
    # PyG GraphConv(aggr='add'): out = lin_rel(sum_j x_j) + lin_root(x_dst)
    src = edge_index[0]
    dst = edge_index[1]
    agg = jnp.zeros((x_dst.shape[0], x_src.shape[1]), dtype=x_src.dtype).at[dst].add(x_src[src])
    return _linear(agg, W_rel, b_rel) + _linear(x_dst, W_root, b_root)


def topk_score(x, weight):
    # TopKPooling score: tanh((x . w) / ||w||)
    return jnp.tanh((x @ weight) / jnp.linalg.norm(weight))


def topk_perm(score, ratio):
    n = score.shape[0]
    if isinstance(ratio, int):
        k = min(ratio, n)
    else:
        k = int(math.ceil(ratio * n))
    return jnp.argsort(-score)[:k]


def filter_adj(edge_index, perm, n):
    # keep edges whose both endpoints survive pooling; remap node ids
    src = edge_index[0]
    dst = edge_index[1]
    k = perm.shape[0]
    mask = jnp.zeros((n + 1,), dtype=bool).at[perm].set(True)
    emask = mask[src] & mask[dst]
    new_idx = jnp.full((n + 1,), k, dtype=jnp.int32)
    new_idx = new_idx.at[perm].set(jnp.arange(k, dtype=jnp.int32))
    new_src = jnp.where(emask, new_idx[src], 0)
    new_dst = jnp.where(emask, new_idx[dst], k)
    return jnp.stack([new_src, new_dst])


def setup_inputs(seed: int = 0):
    key = jax.random.key(seed)
    ks = jax.random.split(key, 20)
    s1 = 1.0 / np.sqrt(D)
    s2 = 1.0 / np.sqrt(H)
    inp = {}
    inp["x"] = jax.random.normal(ks[0], (N, D), dtype=jnp.float32)
    inp["edge_index"] = jax.random.randint(ks[1], (2, E), 0, N, dtype=jnp.int32)
    inp["num_target"] = N
    inp["W1_rel"] = jax.random.uniform(ks[2], (H, D), minval=-s1, maxval=s1, dtype=jnp.float32)
    inp["b1_rel"] = jax.random.uniform(ks[3], (H,), minval=-s1, maxval=s1, dtype=jnp.float32)
    inp["W1_root"] = jax.random.uniform(ks[4], (H, D), minval=-s1, maxval=s1, dtype=jnp.float32)
    inp["b1_root"] = jax.random.uniform(ks[5], (H,), minval=-s1, maxval=s1, dtype=jnp.float32)
    inp["pool1_w"] = jax.random.uniform(ks[6], (H,), minval=-s2, maxval=s2, dtype=jnp.float32)
    inp["W2_rel"] = jax.random.uniform(ks[7], (H, H), minval=-s2, maxval=s2, dtype=jnp.float32)
    inp["b2_rel"] = jax.random.uniform(ks[8], (H,), minval=-s2, maxval=s2, dtype=jnp.float32)
    inp["W2_root"] = jax.random.uniform(ks[9], (H, H), minval=-s2, maxval=s2, dtype=jnp.float32)
    inp["b2_root"] = jax.random.uniform(ks[10], (H,), minval=-s2, maxval=s2, dtype=jnp.float32)
    inp["pool2_w"] = jax.random.uniform(ks[11], (H,), minval=-s2, maxval=s2, dtype=jnp.float32)
    inp["W3_rel"] = jax.random.uniform(ks[12], (H, H), minval=-s2, maxval=s2, dtype=jnp.float32)
    inp["b3_rel"] = jax.random.uniform(ks[13], (H,), minval=-s2, maxval=s2, dtype=jnp.float32)
    inp["W3_root"] = jax.random.uniform(ks[14], (H, H), minval=-s2, maxval=s2, dtype=jnp.float32)
    inp["b3_root"] = jax.random.uniform(ks[15], (H,), minval=-s2, maxval=s2, dtype=jnp.float32)
    inp["pool3_w"] = jax.random.uniform(ks[16], (H,), minval=-s2, maxval=s2, dtype=jnp.float32)
    return inp


def reference(x, edge_index, num_target, W1_rel, b1_rel, W1_root, b1_root, pool1_w, W2_rel, b2_rel, W2_root, b2_root, pool2_w, W3_rel, b3_rel, W3_root, b3_root, pool3_w):
    x_t = jax.lax.dynamic_slice_in_dim(x, num_target - x.shape[0], x.shape[0])
    h = jax.nn.relu(graph_conv(x, x_t, edge_index, W1_rel, b1_rel, W1_root, b1_root))
    s = topk_score(h, pool1_w)
    p = topk_perm(s, 0.8)
    ei = filter_adj(edge_index, p, h.shape[0])
    h = h[p] * s[p][:, None]
    h = jax.nn.relu(graph_conv(h, h, ei, W2_rel, b2_rel, W2_root, b2_root))
    s = topk_score(h, pool2_w)
    p = topk_perm(s, 0.8)
    ei = filter_adj(ei, p, h.shape[0])
    h = h[p] * s[p][:, None]
    h = jax.nn.relu(graph_conv(h, h, ei, W3_rel, b3_rel, W3_root, b3_root))
    s = topk_score(h, pool3_w)
    p = topk_perm(s, NUM_CLASSES)
    h = h[p] * s[p][:, None]
    return jax.nn.log_softmax(h, axis=-1)

if __name__ == "__main__":
    import jax
    _d = setup_inputs()
    print(jax.jit(kernel)(*tuple(_d.values())))

</pallas_src>

<mosaic_0001>
#map = affine_map<(d0, d1) -> (0, 0)>
#map1 = affine_map<(d0, d1) -> (0)>
module attributes {stable_mosaic.version = 14 : i64} {
  func.func @k(%arg0: i32, %arg1: i32, %arg2: memref<10240x128xf32, #tpu.memory_space<hbm>>, %arg3: memref<10240x128xf32, #tpu.memory_space<hbm>>, %arg4: memref<163840xi32, #tpu.memory_space<hbm>>, %arg5: memref<163840xi32, #tpu.memory_space<hbm>>, %arg6: memref<320x256xf32, #tpu.memory_space<hbm>>, %arg7: memref<10240x256xf32, #tpu.memory_space<hbm>>, %arg8: memref<4096xi32, #tpu.memory_space<vmem>>, %arg9: memref<4096xi32, #tpu.memory_space<vmem>>, %arg10: memref<256xi32, #tpu.memory_space<vmem>>, %arg11: memref<256xi32, #tpu.memory_space<vmem>>, %arg12: memref<64x128xf32, #tpu.memory_space<vmem>>, %arg13: memref<64x128xf32, #tpu.memory_space<vmem>>, %arg14: memref<320x256xf32, #tpu.memory_space<vmem>>, %arg15: memref<!tpu.dma_semaphore, #tpu.memory_space<semaphore_mem>>) attributes {dimension_semantics = [#tpu.dimension_semantics<core_parallel>, #tpu.dimension_semantics<subcore_parallel>], iteration_bounds = array<i64: 2, 16>, scalar_prefetch = 0 : i64, scratch_operands = 8 : i64, tpu.core_type = #tpu.core_type<sc_vector_subcore>, window_params = [{transform_indices = #map}, {transform_indices = #map}, {transform_indices = #map1}, {transform_indices = #map1}, {transform_indices = #map}, {transform_indices = #map}]} {
    %mul3A = arith.constant 2 : i32
    %mul3A_0 = arith.muli %arg1, %mul3A : i32
    %add3A = arith.addi %mul3A_0, %arg0 : i32
    %mul3A_1 = arith.constant 320 : i32
    %mul3A_2 = arith.muli %add3A, %mul3A_1 : i32
    "tpu.region"() ({
      %run_scoped3A = tpu.sem_alloc : memref<!tpu.dma_semaphore, #tpu.memory_space<semaphore_mem>>
      tpu.enqueue_dma source(%arg6 : memref<320x256xf32, #tpu.memory_space<hbm>>) target(%arg14 : memref<320x256xf32, #tpu.memory_space<vmem>>) target_semaphore(%run_scoped3A : memref<!tpu.dma_semaphore, #tpu.memory_space<semaphore_mem>>)
      tpu.wait_dma2 semaphore(%run_scoped3A : memref<!tpu.dma_semaphore, #tpu.memory_space<semaphore_mem>>) src(%arg6 : memref<320x256xf32, #tpu.memory_space<hbm>>) dst(%arg14 : memref<320x256xf32, #tpu.memory_space<vmem>>)
      tpu.yield
    }) : () -> ()
    %broadcast_in_dim3A = arith.constant 0 : i32
    %broadcast_in_dim3A_3 = vector.broadcast %broadcast_in_dim3A : i32 to vector<16xi32>
    %swap3A = arith.constant 0 : index
    %swap3A_4 = tpu.vector_load %arg10[%swap3A] {strides = array<i32>} : memref<256xi32, #tpu.memory_space<vmem>>, vector<16xi32>,
    tpu.vector_store %arg10[%swap3A], %broadcast_in_dim3A_3 {strides = array<i32>} : memref<256xi32, #tpu.memory_space<vmem>>, vector<16xi32>,
    %swap3A_5 = arith.constant 16 : index
    %swap3A_6 = tpu.vector_load %arg10[%swap3A_5] {strides = array<i32>} : memref<256xi32, #tpu.memory_space<vmem>>, vector<16xi32>,
    tpu.vector_store %arg10[%swap3A_5], %broadcast_in_dim3A_3 {strides = array<i32>} : memref<256xi32, #tpu.memory_space<vmem>>, vector<16xi32>,
    %swap3A_7 = arith.constant 32 : index
    %swap3A_8 = tpu.vector_load %arg10[%swap3A_7] {strides = array<i32>} : memref<256xi32, #tpu.memory_space<vmem>>, vector<16xi32>,
    tpu.vector_store %arg10[%swap3A_7], %broadcast_in_dim3A_3 {strides = array<i32>} : memref<256xi32, #tpu.memory_space<vmem>>, vector<16xi32>,
    %swap3A_9 = arith.constant 48 : index
    %swap3A_10 = tpu.vector_load %arg10[%swap3A_9] {strides = array<i32>} : memref<256xi32, #tpu.memory_space<vmem>>, vector<16xi32>,
    tpu.vector_store %arg10[%swap3A_9], %broadcast_in_dim3A_3 {strides = array<i32>} : memref<256xi32, #tpu.memory_space<vmem>>, vector<16xi32>,
    %swap3A_11 = arith.constant 64 : index
    %swap3A_12 = tpu.vector_load %arg10[%swap3A_11] {strides = array<i32>} : memref<256xi32, #tpu.memory_space<vmem>>, vector<16xi32>,
    tpu.vector_store %arg10[%swap3A_11], %broadcast_in_dim3A_3 {strides = array<i32>} : memref<256xi32, #tpu.memory_space<vmem>>, vector<16xi32>,
    %swap3A_13 = arith.constant 80 : index
    %swap3A_14 = tpu.vector_load %arg10[%swap3A_13] {strides = array<i32>} : memref<256xi32, #tpu.memory_space<vmem>>, vector<16xi32>,
    tpu.vector_store %arg10[%swap3A_13], %broadcast_in_dim3A_3 {strides = array<i32>} : memref<256xi32, #tpu.memory_space<vmem>>, vector<16xi32>,
    %swap3A_15 = arith.constant 96 : index
    %swap3A_16 = tpu.vector_load %arg10[%swap3A_15] {strides = array<i32>} : memref<256xi32, #tpu.memory_space<vmem>>, vector<16xi32>,
    tpu.vector_store %arg10[%swap3A_15], %broadcast_in_dim3A_3 {strides = array<i32>} : memref<256xi32, #tpu.memory_space<vmem>>, vector<16xi32>,
    %swap3A_17 = arith.constant 112 : index
    %swap3A_18 = tpu.vector_load %arg10[%swap3A_17] {strides = array<i32>} : memref<256xi32, #tpu.memory_space<vmem>>, vector<16xi32>,
    tpu.vector_store %arg10[%swap3A_17], %broadcast_in_dim3A_3 {strides = array<i32>} : memref<256xi32, #tpu.memory_space<vmem>>, vector<16xi32>,
    %swap3A_19 = arith.constant 128 : index
    %swap3A_20 = tpu.vector_load %arg10[%swap3A_19] {strides = array<i32>} : memref<256xi32, #tpu.memory_space<vmem>>, vector<16xi32>,
    tpu.vector_store %arg10[%swap3A_19], %broadcast_in_dim3A_3 {strides = array<i32>} : memref<256xi32, #tpu.memory_space<vmem>>, vector<16xi32>,
    %swap3A_21 = arith.constant 144 : index
    %swap3A_22 = tpu.vector_load %arg10[%swap3A_21] {strides = array<i32>} : memref<256xi32, #tpu.memory_space<vmem>>, vector<16xi32>,
    tpu.vector_store %arg10[%swap3A_21], %broadcast_in_dim3A_3 {strides = array<i32>} : memref<256xi32, #tpu.memory_space<vmem>>, vector<16xi32>,
    %swap3A_23 = arith.constant 160 : index
    %swap3A_24 = tpu.vector_load %arg10[%swap3A_23] {strides = array<i32>} : memref<256xi32, #tpu.memory_space<vmem>>, vector<16xi32>,
    tpu.vector_store %arg10[%swap3A_23], %broadcast_in_dim3A_3 {strides = array<i32>} : memref<256xi32, #tpu.memory_space<vmem>>, vector<16xi32>,
    %swap3A_25 = arith.constant 176 : index
    %swap3A_26 = tpu.vector_load %arg10[%swap3A_25] {strides = array<i32>} : memref<256xi32, #tpu.memory_space<vmem>>, vector<16xi32>,
    tpu.vector_store %arg10[%swap3A_25], %broadcast_in_dim3A_3 {strides = array<i32>} : memref<256xi32, #tpu.memory_space<vmem>>, vector<16xi32>,
    %swap3A_27 = arith.constant 192 : index
    %swap3A_28 = tpu.vector_load %arg10[%swap3A_27] {strides = array<i32>} : memref<256xi32, #tpu.memory_space<vmem>>, vector<16xi32>,
    tpu.vector_store %arg10[%swap3A_27], %broadcast_in_dim3A_3 {strides = array<i32>} : memref<256xi32, #tpu.memory_space<vmem>>, vector<16xi32>,
    %swap3A_29 = arith.constant 208 : index
    %swap3A_30 = tpu.vector_load %arg10[%swap3A_29] {strides = array<i32>} : memref<256xi32, #tpu.memory_space<vmem>>, vector<16xi32>,
    tpu.vector_store %arg10[%swap3A_29], %broadcast_in_dim3A_3 {strides = array<i32>} : memref<256xi32, #tpu.memory_space<vmem>>, vector<16xi32>,
    %swap3A_31 = arith.constant 224 : index
    %swap3A_32 = tpu.vector_load %arg10[%swap3A_31] {strides = array<i32>} : memref<256xi32, #tpu.memory_space<vmem>>, vector<16xi32>,
    tpu.vector_store %arg10[%swap3A_31], %broadcast_in_dim3A_3 {strides = array<i32>} : memref<256xi32, #tpu.memory_space<vmem>>, vector<16xi32>,
    %swap3A_33 = arith.constant 240 : index
    %swap3A_34 = tpu.vector_load %arg10[%swap3A_33] {strides = array<i32>} : memref<256xi32, #tpu.memory_space<vmem>>, vector<16xi32>,
    tpu.vector_store %arg10[%swap3A_33], %broadcast_in_dim3A_3 {strides = array<i32>} : memref<256xi32, #tpu.memory_space<vmem>>, vector<16xi32>,
    %scan3A = arith.constant 0 : i32
    %scan3A_35 = arith.constant 0 : i32
    %scan3A_36 = arith.constant 40 : i32
    %scan3A_37 = arith.addi %scan3A_35, %scan3A_36 : i32
    %scan3A_38 = arith.constant 1 : i32
    %scan3A_39 = scf.for %scan3A_68 = %scan3A_35 to %scan3A_37 step %scan3A_38 iter_args(%scan3A_69 = %scan3A) -> (i32)  : i32 {
      %mul3A_70 = arith.constant 4096 : i32
      %mul3A_71 = arith.muli %scan3A_68, %mul3A_70 : i32
      "tpu.region"() ({
        %run_scoped3A = tpu.sem_alloc : memref<!tpu.dma_semaphore, #tpu.memory_space<semaphore_mem>>
        %dma_start3A_80 = tpu.memref_slice %arg4[%mul3A_71] : memref<163840xi32, #tpu.memory_space<hbm>> -> memref<4096xi32, #tpu.memory_space<hbm>>
        %dma_start3A_81 = tpu.memref_slice %arg4[%mul3A_71] : memref<163840xi32, #tpu.memory_space<hbm>> -> memref<4096xi32, #tpu.memory_space<hbm>>
        tpu.enqueue_dma source(%dma_start3A_81 : memref<4096xi32, #tpu.memory_space<hbm>>) target(%arg8 : memref<4096xi32, #tpu.memory_space<vmem>>) target_semaphore(%run_scoped3A : memref<!tpu.dma_semaphore, #tpu.memory_space<semaphore_mem>>)
        %dma_wait3A_82 = tpu.memref_slice %arg4[%mul3A_71] : memref<163840xi32, #tpu.memory_space<hbm>> -> memref<4096xi32, #tpu.memory_space<hbm>>
        %dma_wait3A_83 = tpu.memref_slice %arg4[%mul3A_71] : memref<163840xi32, #tpu.memory_space<hbm>> -> memref<4096xi32, #tpu.memory_space<hbm>>
        tpu.wait_dma2 semaphore(%run_scoped3A : memref<!tpu.dma_semaphore, #tpu.memory_space<semaphore_mem>>) src(%dma_wait3A_83 : memref<4096xi32, #tpu.memory_space<hbm>>) dst(%arg8 : memref<4096xi32, #tpu.memory_space<vmem>>)
        tpu.yield
      }) : () -> ()
      %mul3A_72 = arith.constant 4096 : i32
      %mul3A_73 = arith.muli %scan3A_68, %mul3A_72 : i32
      "tpu.region"() ({
        %run_scoped3A = tpu.sem_alloc : memref<!tpu.dma_semaphore, #tpu.memory_space<semaphore_mem>>
        %dma_start3A_80 = tpu.memref_slice %arg5[%mul3A_73] : memref<163840xi32, #tpu.memory_space<hbm>> -> memref<4096xi32, #tpu.memory_space<hbm>>
        %dma_start3A_81 = tpu.memref_slice %arg5[%mul3A_73] : memref<163840xi32, #tpu.memory_space<hbm>> -> memref<4096xi32, #tpu.memory_space<hbm>>
        tpu.enqueue_dma source(%dma_start3A_81 : memref<4096xi32, #tpu.memory_space<hbm>>) target(%arg9 : memref<4096xi32, #tpu.memory_space<vmem>>) target_semaphore(%run_scoped3A : memref<!tpu.dma_semaphore, #tpu.memory_space<semaphore_mem>>)
        %dma_wait3A_82 = tpu.memref_slice %arg5[%mul3A_73] : memref<163840xi32, #tpu.memory_space<hbm>> -> memref<4096xi32, #tpu.memory_space<hbm>>
        %dma_wait3A_83 = tpu.memref_slice %arg5[%mul3A_73] : memref<163840xi32, #tpu.memory_space<hbm>> -> memref<4096xi32, #tpu.memory_space<hbm>>
        tpu.wait_dma2 semaphore(%run_scoped3A : memref<!tpu.dma_semaphore, #tpu.memory_space<semaphore_mem>>) src(%dma_wait3A_83 : memref<4096xi32, #tpu.memory_space<hbm>>) dst(%arg9 : memref<4096xi32, #tpu.memory_space<vmem>>)
        tpu.yield
      }) : () -> ()
      %scan3A_74 = arith.constant 0 : i32
      %scan3A_75 = arith.constant 256 : i32
      %scan3A_76 = arith.addi %scan3A_74, %scan3A_75 : i32
      %scan3A_77 = arith.constant 1 : i32
      %scan3A_78 = scf.for %scan3A_80 = %scan3A_74 to %scan3A_76 step %scan3A_77 iter_args(%scan3A_81 = %scan3A_69) -> (i32)  : i32 {
        %mul3A_82 = arith.constant 16 : i32
        %mul3A_83 = arith.muli %scan3A_80, %mul3A_82 : i32
        %get3A = arith.index_cast %mul3A_83 : i32 to index
        %get3A_84 = tpu.vector_load %arg9[%get3A] {strides = array<i32>} : memref<4096xi32, #tpu.memory_space<vmem>>, vector<16xi32>,
        %ge3A = vector.broadcast %mul3A_2 : i32 to vector<16xi32>
        %ge3A_85 = arith.cmpi sge, %get3A_84, %ge3A : vector<16xi32>
        %add3A_86 = arith.constant 320 : i32
        %add3A_87 = arith.addi %mul3A_2, %add3A_86 : i32
        %lt3A = vector.broadcast %add3A_87 : i32 to vector<16xi32>
        %lt3A_88 = arith.cmpi slt, %get3A_84, %lt3A : vector<16xi32>
        %and3A = arith.andi %ge3A_85, %lt3A_88 : vector<16xi1>
        %ne3A = arith.constant 10239 : i32
        %ne3A_89 = vector.broadcast %ne3A : i32 to vector<16xi32>
        %ne3A_90 = arith.cmpi ne, %get3A_84, %ne3A_89 : vector<16xi32>
        %and3A_91 = arith.andi %and3A, %ne3A_90 : vector<16xi1>
        %all_reduce_population_count3A = tpu.all_reduce %and3A_91 {dim = 0 : i64, kind = #tpu.reduction_kind<sum>} : vector<16xi1> -> vector<16xi32>
        %slice3A = vector.extract_strided_slice %all_reduce_population_count3A {offsets = [0], sizes = [1], strides = [1]} : vector<16xi32> to vector<1xi32>
        %squeeze3A = vector.extract %slice3A[0] : i32 from vector<1xi32>
        %gt3A = arith.constant 0 : i32
        %gt3A_92 = arith.cmpi sgt, %squeeze3A, %gt3A : i32
        %convert_element_type3A = arith.extui %gt3A_92 : i1 to i32
        %cond3A = arith.constant 0 : i32
        %cond3A_93 = arith.cmpi ne, %convert_element_type3A, %cond3A : i32
        %cond3A_94 = scf.if %cond3A_93 -> (i32) {
          %jit3A = arith.constant 1 : i32
          %jit3A_95 = arith.constant 0 : i32
          %broadcast_in_dim3A_96 = vector.broadcast %jit3A : i32 to vector<16xi32>
          %broadcast_in_dim3A_97 = vector.broadcast %jit3A_95 : i32 to vector<16xi32>
          %select_n3A = arith.select %and3A_91, %broadcast_in_dim3A_96, %broadcast_in_dim3A_97 : vector<16xi1>, vector<16xi32>
          %broadcast_in_dim3A_98 = arith.constant true
          %broadcast_in_dim3A_99 = vector.broadcast %broadcast_in_dim3A_98 : i1 to vector<16xi1>
          %masked_cumsum3A = tpu.scan <sum>, %select_n3A masked %broadcast_in_dim3A_99 : vector<16xi32>, vector<16xi1> -> vector<16xi32>
          %add3A_100 = vector.broadcast %scan3A_81 : i32 to vector<16xi32>
          %add3A_101 = arith.addi %add3A_100, %masked_cumsum3A : vector<16xi32>
          %sub3A = arith.constant 1 : i32
          %sub3A_102 = vector.broadcast %sub3A : i32 to vector<16xi32>
          %sub3A_103 = arith.subi %add3A_101, %sub3A_102 : vector<16xi32>
          %get3A_104 = arith.index_cast %mul3A_83 : i32 to index
          %get3A_105 = tpu.vector_load %arg8[%get3A_104] {strides = array<i32>} : memref<4096xi32, #tpu.memory_space<vmem>>, vector<16xi32>,
          tpu.vector_store_idx %arg10[%sub3A_103], %get3A_105 masked %and3A_91 : memref<256xi32, #tpu.memory_space<vmem>>[vector<16xi32>], vector<16xi32>, vector<16xi1>
          %sub3A_106 = vector.broadcast %mul3A_2 : i32 to vector<16xi32>
          %sub3A_107 = arith.subi %get3A_84, %sub3A_106 : vector<16xi32>
          tpu.vector_store_idx %arg11[%sub3A_103], %sub3A_107 masked %and3A_91 : memref<256xi32, #tpu.memory_space<vmem>>[vector<16xi32>], vector<16xi32>, vector<16xi1>
          %add3A_108 = arith.addi %scan3A_81, %squeeze3A : i32
          %ge3A_109 = arith.constant 64 : i32
          %ge3A_110 = arith.cmpi sge, %add3A_108, %ge3A_109 : i32
          %convert_element_type3A_111 = arith.extui %ge3A_110 : i1 to i32
          %cond3A_112 = arith.constant 0 : i32
          %cond3A_113 = arith.cmpi ne, %convert_element_type3A_111, %cond3A_112 : i32
          %cond3A_114 = scf.if %cond3A_113 -> (i32) {
            %dma_start3A_115 = arith.constant 0 : i32
            %dma_start3A_116 = tpu.memref_slice %arg10[%dma_start3A_115] : memref<256xi32, #tpu.memory_space<vmem>> -> memref<64xi32, #tpu.memory_space<vmem>>
            %dma_start3A_117 = arith.constant 0 : i32
            %dma_start3A_118 = arith.constant 0 : i32
            %dma_start3A_119 = tpu.memref_slice %arg2[%dma_start3A_117, %dma_start3A_118] : memref<10240x128xf32, #tpu.memory_space<hbm>> -> memref<10240x128xf32, #tpu.memory_space<hbm>>
            tpu.enqueue_indirect_dma source(%dma_start3A_119 : memref<10240x128xf32, #tpu.memory_space<hbm>>) target(%arg12 : memref<64x128xf32, #tpu.memory_space<vmem>>) offsets(%dma_start3A_116 : memref<64xi32, #tpu.memory_space<vmem>>) semaphore(%arg15 : memref<!tpu.dma_semaphore, #tpu.memory_space<semaphore_mem>>)
            %dma_wait3A_120 = arith.constant 0 : i32
            %dma_wait3A_121 = tpu.memref_slice %arg10[%dma_wait3A_120] : memref<256xi32, #tpu.memory_space<vmem>> -> memref<64xi32, #tpu.memory_space<vmem>>
            %dma_wait3A_122 = arith.constant 0 : i32
            %dma_wait3A_123 = arith.constant 0 : i32
            %dma_wait3A_124 = tpu.memref_slice %arg2[%dma_wait3A_122, %dma_wait3A_123] : memref<10240x128xf32, #tpu.memory_space<hbm>> -> memref<10240x128xf32, #tpu.memory_space<hbm>>
            tpu.wait_indirect_dma semaphore(%arg15 : memref<!tpu.dma_semaphore, #tpu.memory_space<semaphore_mem>>) src(%dma_wait3A_124 : memref<10240x128xf32, #tpu.memory_space<hbm>>) dst(%arg12 : memref<64x128xf32, #tpu.memory_space<vmem>>)
            %dma_start3A_125 = arith.constant 0 : i32
            %dma_start3A_126 = tpu.memref_slice %arg10[%dma_start3A_125] : memref<256xi32, #tpu.memory_space<vmem>> -> memref<64xi32, #tpu.memory_space<vmem>>
            %dma_start3A_127 = arith.constant 0 : i32
            %dma_start3A_128 = arith.constant 0 : i32
            %dma_start3A_129 = tpu.memref_slice %arg3[%dma_start3A_127, %dma_start3A_128] : memref<10240x128xf32, #tpu.memory_space<hbm>> -> memref<10240x128xf32, #tpu.memory_space<hbm>>
            tpu.enqueue_indirect_dma source(%dma_start3A_129 : memref<10240x128xf32, #tpu.memory_space<hbm>>) target(%arg13 : memref<64x128xf32, #tpu.memory_space<vmem>>) offsets(%dma_start3A_126 : memref<64xi32, #tpu.memory_space<vmem>>) semaphore(%arg15 : memref<!tpu.dma_semaphore, #tpu.memory_space<semaphore_mem>>)
            %dma_wait3A_130 = arith.constant 0 : i32
            %dma_wait3A_131 = tpu.memref_slice %arg10[%dma_wait3A_130] : memref<256xi32, #tpu.memory_space<vmem>> -> memref<64xi32, #tpu.memory_space<vmem>>
            %dma_wait3A_132 = arith.constant 0 : i32
            %dma_wait3A_133 = arith.constant 0 : i32
            %dma_wait3A_134 = tpu.memref_slice %arg3[%dma_wait3A_132, %dma_wait3A_133] : memref<10240x128xf32, #tpu.memory_space<hbm>> -> memref<10240x128xf32, #tpu.memory_space<hbm>>
            tpu.wait_indirect_dma semaphore(%arg15 : memref<!tpu.dma_semaphore, #tpu.memory_space<semaphore_mem>>) src(%dma_wait3A_134 : memref<10240x128xf32, #tpu.memory_space<hbm>>) dst(%arg13 : memref<64x128xf32, #tpu.memory_space<vmem>>)
            %scan3A_135 = arith.constant 0 : i32
            %scan3A_136 = arith.constant 0 : i32
            %scan3A_137 = arith.constant 64 : i32
            %scan3A_138 = arith.addi %scan3A_136, %scan3A_137 : i32
            %scan3A_139 = arith.constant 1 : i32
            scf.for %scan3A_239 = %scan3A_136 to %scan3A_138 step %scan3A_139  : i32 {
              %get3A_240 = arith.index_cast %scan3A_239 : i32 to index
              %get3A_241 = tpu.vector_load %arg11[%get3A_240] {strides = array<i32>} : memref<256xi32, #tpu.memory_space<vmem>>, vector<16xi32>,
              %slice3A_242 = vector.extract_strided_slice %get3A_241 {offsets = [0], sizes = [1], strides = [1]} : vector<16xi32> to vector<1xi32>
              %squeeze3A_243 = vector.extract %slice3A_242[0] : i32 from vector<1xi32>
              %get3A_244 = arith.index_cast %squeeze3A_243 : i32 to index
              %get3A_245 = arith.constant 0 : index
              %get3A_246 = tpu.vector_load %arg14[%get3A_244, %get3A_245] {strides = array<i32>} : memref<320x256xf32, #tpu.memory_space<vmem>>, vector<16xf32>,
              %get3A_247 = arith.index_cast %scan3A_239 : i32 to index
              %get3A_248 = arith.constant 0 : index
              %get3A_249 = tpu.vector_load %arg12[%get3A_247, %get3A_248] {strides = array<i32>} : memref<64x128xf32, #tpu.memory_space<vmem>>, vector<16xf32>,
              %add3A_250 = arith.addf %get3A_246, %get3A_249 : vector<16xf32>
              %swap3A_251 = arith.index_cast %squeeze3A_243 : i32 to index
              %swap3A_252 = arith.constant 0 : index
              %swap3A_253 = tpu.vector_load %arg14[%swap3A_251, %swap3A_252] {strides = array<i32>} : memref<320x256xf32, #tpu.memory_space<vmem>>, vector<16xf32>,
              tpu.vector_store %arg14[%swap3A_251, %swap3A_252], %add3A_250 {strides = array<i32>} : memref<320x256xf32, #tpu.memory_space<vmem>>, vector<16xf32>,
              %get3A_254 = arith.index_cast %squeeze3A_243 : i32 to index
              %get3A_255 = arith.constant 128 : index
              %get3A_256 = tpu.vector_load %arg14[%get3A_254, %get3A_255] {strides = array<i32>} : memref<320x256xf32, #tpu.memory_space<vmem>>, vector<16xf32>,
              %get3A_257 = arith.index_cast %scan3A_239 : i32 to index
              %get3A_258 = arith.constant 0 : index
              %get3A_259 = tpu.vector_load %arg13[%get3A_257, %get3A_258] {strides = array<i32>} : memref<64x128xf32, #tpu.memory_space<vmem>>, vector<16xf32>,
              %add3A_260 = arith.addf %get3A_256, %get3A_259 : vector<16xf32>
              %swap3A_261 = arith.index_cast %squeeze3A_243 : i32 to index
              %swap3A_262 = arith.constant 128 : index
              %swap3A_263 = tpu.vector_load %arg14[%swap3A_261, %swap3A_262] {strides = array<i32>} : memref<320x256xf32, #tpu.memory_space<vmem>>, vector<16xf32>,
              tpu.vector_store %arg14[%swap3A_261, %swap3A_262], %add3A_260 {strides = array<i32>} : memref<320x256xf32, #tpu.memory_space<vmem>>, vector<16xf32>,
              %get3A_264 = arith.index_cast %squeeze3A_243 : i32 to index
              %get3A_265 = arith.constant 16 : index
              %get3A_266 = tpu.vector_load %arg14[%get3A_264, %get3A_265] {strides = array<i32>} : memref<320x256xf32, #tpu.memory_space<vmem>>, vector<16xf32>,
              %get3A_267 = arith.index_cast %scan3A_239 : i32 to index
              %get3A_268 = arith.constant 16 : index
              %get3A_269 = tpu.vector_load %arg12[%get3A_267, %get3A_268] {strides = array<i32>} : memref<64x128xf32, #tpu.memory_space<vmem>>, vector<16xf32>,
              %add3A_270 = arith.addf %get3A_266, %get3A_269 : vector<16xf32>
              %swap3A_271 = arith.index_cast %squeeze3A_243 : i32 to index
              %swap3A_272 = arith.constant 16 : index
              %swap3A_273 = tpu.vector_load %arg14[%swap3A_271, %swap3A_272] {strides = array<i32>} : memref<320x256xf32, #tpu.memory_space<vmem>>, vector<16xf32>,
              tpu.vector_store %arg14[%swap3A_271, %swap3A_272], %add3A_270 {strides = array<i32>} : memref<320x256xf32, #tpu.memory_space<vmem>>, vector<16xf32>,
              %get3A_274 = arith.index_cast %squeeze3A_243 : i32 to index
              %get3A_275 = arith.constant 144 : index
              %get3A_276 = tpu.vector_load %arg14[%get3A_274, %get3A_275] {strides = array<i32>} : memref<320x256xf32, #tpu.memory_space<vmem>>, vector<16xf32>,
              %get3A_277 = arith.index_cast %scan3A_239 : i32 to index
              %get3A_278 = arith.constant 16 : index
              %get3A_279 = tpu.vector_load %arg13[%get3A_277, %get3A_278] {strides = array<i32>} : memref<64x128xf32, #tpu.memory_space<vmem>>, vector<16xf32>,
              %add3A_280 = arith.addf %get3A_276, %get3A_279 : vector<16xf32>
              %swap3A_281 = arith.index_cast %squeeze3A_243 : i32 to index
              %swap3A_282 = arith.constant 144 : index
              %swap3A_283 = tpu.vector_load %arg14[%swap3A_281, %swap3A_282] {strides = array<i32>} : memref<320x256xf32, #tpu.memory_space<vmem>>, vector<16xf32>,
              tpu.vector_store %arg14[%swap3A_281, %swap3A_282], %add3A_280 {strides = array<i32>} : memref<320x256xf32, #tpu.memory_space<vmem>>, vector<16xf32>,
              %get3A_284 = arith.index_cast %squeeze3A_243 : i32 to index
              %get3A_285 = arith.constant 32 : index
              %get3A_286 = tpu.vector_load %arg14[%get3A_284, %get3A_285] {strides = array<i32>} : memref<320x256xf32, #tpu.memory_space<vmem>>, vector<16xf32>,
              %get3A_287 = arith.index_cast %scan3A_239 : i32 to index
              %get3A_288 = arith.constant 32 : index
              %get3A_289 = tpu.vector_load %arg12[%get3A_287, %get3A_288] {strides = array<i32>} : memref<64x128xf32, #tpu.memory_space<vmem>>, vector<16xf32>,
              %add3A_290 = arith.addf %get3A_286, %get3A_289 : vector<16xf32>
              %swap3A_291 = arith.index_cast %squeeze3A_243 : i32 to index
              %swap3A_292 = arith.constant 32 : index
              %swap3A_293 = tpu.vector_load %arg14[%swap3A_291, %swap3A_292] {strides = array<i32>} : memref<320x256xf32, #tpu.memory_space<vmem>>, vector<16xf32>,
              tpu.vector_store %arg14[%swap3A_291, %swap3A_292], %add3A_290 {strides = array<i32>} : memref<320x256xf32, #tpu.memory_space<vmem>>, vector<16xf32>,
              %get3A_294 = arith.index_cast %squeeze3A_243 : i32 to index
              %get3A_295 = arith.constant 160 : index
              %get3A_296 = tpu.vector_load %arg14[%get3A_294, %get3A_295] {strides = array<i32>} : memref<320x256xf32, #tpu.memory_space<vmem>>, vector<16xf32>,
              %get3A_297 = arith.index_cast %scan3A_239 : i32 to index
              %get3A_298 = arith.constant 32 : index
              %get3A_299 = tpu.vector_load %arg13[%get3A_297, %get3A_298] {strides = array<i32>} : memref<64x128xf32, #tpu.memory_space<vmem>>, vector<16xf32>,
              %add3A_300 = arith.addf %get3A_296, %get3A_299 : vector<16xf32>
              %swap3A_301 = arith.index_cast %squeeze3A_243 : i32 to index
              %swap3A_302 = arith.constant 160 : index
              %swap3A_303 = tpu.vector_load %arg14[%swap3A_301, %swap3A_302] {strides = array<i32>} : memref<320x256xf32, #tpu.memory_space<vmem>>, vector<16xf32>,
              tpu.vector_store %arg14[%swap3A_301, %swap3A_302], %add3A_300 {strides = array<i32>} : memref<320x256xf32, #tpu.memory_space<vmem>>, vector<16xf32>,
              %get3A_304 = arith.index_cast %squeeze3A_243 : i32 to index
              %get3A_305 = arith.constant 48 : index
              %get3A_306 = tpu.vector_load %arg14[%get3A_304, %get3A_305] {strides = array<i32>} : memref<320x256xf32, #tpu.memory_space<vmem>>, vector<16xf32>,
              %get3A_307 = arith.index_cast %scan3A_239 : i32 to index
              %get3A_308 = arith.constant 48 : index
              %get3A_309 = tpu.vector_load %arg12[%get3A_307, %get3A_308] {strides = array<i32>} : memref<64x128xf32, #tpu.memory_space<vmem>>, vector<16xf32>,
              %add3A_310 = arith.addf %get3A_306, %get3A_309 : vector<16xf32>
              %swap3A_311 = arith.index_cast %squeeze3A_243 : i32 to index
              %swap3A_312 = arith.constant 48 : index
              %swap3A_313 = tpu.vector_load %arg14[%swap3A_311, %swap3A_312] {strides = array<i32>} : memref<320x256xf32, #tpu.memory_space<vmem>>, vector<16xf32>,
              tpu.vector_store %arg14[%swap3A_311, %swap3A_312], %add3A_310 {strides = array<i32>} : memref<320x256xf32, #tpu.memory_space<vmem>>, vector<16xf32>,
              %get3A_314 = arith.index_cast %squeeze3A_243 : i32 to index
              %get3A_315 = arith.constant 176 : index
              %get3A_316 = tpu.vector_load %arg14[%get3A_314, %get3A_315] {strides = array<i32>} : memref<320x256xf32, #tpu.memory_space<vmem>>, vector<16xf32>,
              %get3A_317 = arith.index_cast %scan3A_239 : i32 to index
              %get3A_318 = arith.constant 48 : index
              %get3A_319 = tpu.vector_load %arg13[%get3A_317, %get3A_318] {strides = array<i32>} : memref<64x128xf32, #tpu.memory_space<vmem>>, vector<16xf32>,
              %add3A_320 = arith.addf %get3A_316, %get3A_319 : vector<16xf32>
              %swap3A_321 = arith.index_cast %squeeze3A_243 : i32 to index
              %swap3A_322 = arith.constant 176 : index
              %swap3A_323 = tpu.vector_load %arg14[%swap3A_321, %swap3A_322] {strides = array<i32>} : memref<320x256xf32, #tpu.memory_space<vmem>>, vector<16xf32>,
              tpu.vector_store %arg14[%swap3A_321, %swap3A_322], %add3A_320 {strides = array<i32>} : memref<320x256xf32, #tpu.memory_space<vmem>>, vector<16xf32>,
              %get3A_324 = arith.index_cast %squeeze3A_243 : i32 to index
              %get3A_325 = arith.constant 64 : index
              %get3A_326 = tpu.vector_load %arg14[%get3A_324, %get3A_325] {strides = array<i32>} : memref<320x256xf32, #tpu.memory_space<vmem>>, vector<16xf32>,
              %get3A_327 = arith.index_cast %scan3A_239 : i32 to index
              %get3A_328 = arith.constant 64 : index
              %get3A_329 = tpu.vector_load %arg12[%get3A_327, %get3A_328] {strides = array<i32>} : memref<64x128xf32, #tpu.memory_space<vmem>>, vector<16xf32>,
              %add3A_330 = arith.addf %get3A_326, %get3A_329 : vector<16xf32>
              %swap3A_331 = arith.index_cast %squeeze3A_243 : i32 to index
              %swap3A_332 = arith.constant 64 : index
              %swap3A_333 = tpu.vector_load %arg14[%swap3A_331, %swap3A_332] {strides = array<i32>} : memref<320x256xf32, #tpu.memory_space<vmem>>, vector<16xf32>,
              tpu.vector_store %arg14[%swap3A_331, %swap3A_332], %add3A_330 {strides = array<i32>} : memref<320x256xf32, #tpu.memory_space<vmem>>, vector<16xf32>,
              %get3A_334 = arith.index_cast %squeeze3A_243 : i32 to index
              %get3A_335 = arith.constant 192 : index
              %get3A_336 = tpu.vector_load %arg14[%get3A_334, %get3A_335] {strides = array<i32>} : memref<320x256xf32, #tpu.memory_space<vmem>>, vector<16xf32>,
              %get3A_337 = arith.index_cast %scan3A_239 : i32 to index
              %get3A_338 = arith.constant 64 : index
              %get3A_339 = tpu.vector_load %arg13[%get3A_337, %get3A_338] {strides = array<i32>} : memref<64x128xf32, #tpu.memory_space<vmem>>, vector<16xf32>,
              %add3A_340 = arith.addf %get3A_336, %get3A_339 : vector<16xf32>
              %swap3A_341 = arith.index_cast %squeeze3A_243 : i32 to index
              %swap3A_342 = arith.constant 192 : index
              %swap3A_343 = tpu.vector_load %arg14[%swap3A_341, %swap3A_342] {strides = array<i32>} : memref<320x256xf32, #tpu.memory_space<vmem>>, vector<16xf32>,
              tpu.vector_store %arg14[%swap3A_341, %swap3A_342], %add3A_340 {strides = array<i32>} : memref<320x256xf32, #tpu.memory_space<vmem>>, vector<16xf32>,
              %get3A_344 = arith.index_cast %squeeze3A_243 : i32 to index
              %get3A_345 = arith.constant 80 : index
              %get3A_346 = tpu.vector_load %arg14[%get3A_344, %get3A_345] {strides = array<i32>} : memref<320x256xf32, #tpu.memory_space<vmem>>, vector<16xf32>,
              %get3A_347 = arith.index_cast %scan3A_239 : i32 to index
              %get3A_348 = arith.constant 80 : index
              %get3A_349 = tpu.vector_load %arg12[%get3A_347, %get3A_348] {strides = array<i32>} : memref<64x128xf32, #tpu.memory_space<vmem>>, vector<16xf32>,
              %add3A_350 = arith.addf %get3A_346, %get3A_349 : vector<16xf32>
              %swap3A_351 = arith.index_cast %squeeze3A_243 : i32 to index
              %swap3A_352 = arith.constant 80 : index
              %swap3A_353 = tpu.vector_load %arg14[%swap3A_351, %swap3A_352] {strides = array<i32>} : memref<320x256xf32, #tpu.memory_space<vmem>>, vector<16xf32>,
              tpu.vector_store %arg14[%swap3A_351, %swap3A_352], %add3A_350 {strides = array<i32>} : memref<320x256xf32, #tpu.memory_space<vmem>>, vector<16xf32>,
              %get3A_354 = arith.index_cast %squeeze3A_243 : i32 to index
              %get3A_355 = arith.constant 208 : index
              %get3A_356 = tpu.vector_load %arg14[%get3A_354, %get3A_355] {strides = array<i32>} : memref<320x256xf32, #tpu.memory_space<vmem>>, vector<16xf32>,
              %get3A_357 = arith.index_cast %scan3A_239 : i32 to index
              %get3A_358 = arith.constant 80 : index
              %get3A_359 = tpu.vector_load %arg13[%get3A_357, %get3A_358] {strides = array<i32>} : memref<64x128xf32, #tpu.memory_space<vmem>>, vector<16xf32>,
              %add3A_360 = arith.addf %get3A_356, %get3A_359 : vector<16xf32>
              %swap3A_361 = arith.index_cast %squeeze3A_243 : i32 to index
              %swap3A_362 = arith.constant 208 : index
              %swap3A_363 = tpu.vector_load %arg14[%swap3A_361, %swap3A_362] {strides = array<i32>} : memref<320x256xf32, #tpu.memory_space<vmem>>, vector<16xf32>,
              tpu.vector_store %arg14[%swap3A_361, %swap3A_362], %add3A_360 {strides = array<i32>} : memref<320x256xf32, #tpu.memory_space<vmem>>, vector<16xf32>,
              %get3A_364 = arith.index_cast %squeeze3A_243 : i32 to index
              %get3A_365 = arith.constant 96 : index
              %get3A_366 = tpu.vector_load %arg14[%get3A_364, %get3A_365] {strides = array<i32>} : memref<320x256xf32, #tpu.memory_space<vmem>>, vector<16xf32>,
              %get3A_367 = arith.index_cast %scan3A_239 : i32 to index
              %get3A_368 = arith.constant 96 : index
              %get3A_369 = tpu.vector_load %arg12[%get3A_367, %get3A_368] {strides = array<i32>} : memref<64x128xf32, #tpu.memory_space<vmem>>, vector<16xf32>,
              %add3A_370 = arith.addf %get3A_366, %get3A_369 : vector<16xf32>
              %swap3A_371 = arith.index_cast %squeeze3A_243 : i32 to index
              %swap3A_372 = arith.constant 96 : index
              %swap3A_373 = tpu.vector_load %arg14[%swap3A_371, %swap3A_372] {strides = array<i32>} : memref<320x256xf32, #tpu.memory_space<vmem>>, vector<16xf32>,
              tpu.vector_store %arg14[%swap3A_371, %swap3A_372], %add3A_370 {strides = array<i32>} : memref<320x256xf32, #tpu.memory_space<vmem>>, vector<16xf32>,
              %get3A_374 = arith.index_cast %squeeze3A_243 : i32 to index
              %get3A_375 = arith.constant 224 : index
              %get3A_376 = tpu.vector_load %arg14[%get3A_374, %get3A_375] {strides = array<i32>} : memref<320x256xf32, #tpu.memory_space<vmem>>, vector<16xf32>,
              %get3A_377 = arith.index_cast %scan3A_239 : i32 to index
              %get3A_378 = arith.constant 96 : index
              %get3A_379 = tpu.vector_load %arg13[%get3A_377, %get3A_378] {strides = array<i32>} : memref<64x128xf32, #tpu.memory_space<vmem>>, vector<16xf32>,
              %add3A_380 = arith.addf %get3A_376, %get3A_379 : vector<16xf32>
              %swap3A_381 = arith.index_cast %squeeze3A_243 : i32 to index
              %swap3A_382 = arith.constant 224 : index
              %swap3A_383 = tpu.vector_load %arg14[%swap3A_381, %swap3A_382] {strides = array<i32>} : memref<320x256xf32, #tpu.memory_space<vmem>>, vector<16xf32>,
              tpu.vector_store %arg14[%swap3A_381, %swap3A_382], %add3A_380 {strides = array<i32>} : memref<320x256xf32, #tpu.memory_space<vmem>>, vector<16xf32>,
              %get3A_384 = arith.index_cast %squeeze3A_243 : i32 to index
              %get3A_385 = arith.constant 112 : index
              %get3A_386 = tpu.vector_load %arg14[%get3A_384, %get3A_385] {strides = array<i32>} : memref<320x256xf32, #tpu.memory_space<vmem>>, vector<16xf32>,
              %get3A_387 = arith.index_cast %scan3A_239 : i32 to index
              %get3A_388 = arith.constant 112 : index
              %get3A_389 = tpu.vector_load %arg12[%get3A_387, %get3A_388] {strides = array<i32>} : memref<64x128xf32, #tpu.memory_space<vmem>>, vector<16xf32>,
              %add3A_390 = arith.addf %get3A_386, %get3A_389 : vector<16xf32>
              %swap3A_391 = arith.index_cast %squeeze3A_243 : i32 to index
              %swap3A_392 = arith.constant 112 : index
              %swap3A_393 = tpu.vector_load %arg14[%swap3A_391, %swap3A_392] {strides = array<i32>} : memref<320x256xf32, #tpu.memory_space<vmem>>, vector<16xf32>,
              tpu.vector_store %arg14[%swap3A_391, %swap3A_392], %add3A_390 {strides = array<i32>} : memref<320x256xf32, #tpu.memory_space<vmem>>, vector<16xf32>,
              %get3A_394 = arith.index_cast %squeeze3A_243 : i32 to index
              %get3A_395 = arith.constant 240 : index
              %get3A_396 = tpu.vector_load %arg14[%get3A_394, %get3A_395] {strides = array<i32>} : memref<320x256xf32, #tpu.memory_space<vmem>>, vector<16xf32>,
              %get3A_397 = arith.index_cast %scan3A_239 : i32 to index
              %get3A_398 = arith.constant 112 : index
              %get3A_399 = tpu.vector_load %arg13[%get3A_397, %get3A_398] {strides = array<i32>} : memref<64x128xf32, #tpu.memory_space<vmem>>, vector<16xf32>,
              %add3A_400 = arith.addf %get3A_396, %get3A_399 : vector<16xf32>
              %swap3A_401 = arith.index_cast %squeeze3A_243 : i32 to index
              %swap3A_402 = arith.constant 240 : index
              %swap3A_403 = tpu.vector_load %arg14[%swap3A_401, %swap3A_402] {strides = array<i32>} : memref<320x256xf32, #tpu.memory_space<vmem>>, vector<16xf32>,
              tpu.vector_store %arg14[%swap3A_401, %swap3A_402], %add3A_400 {strides = array<i32>} : memref<320x256xf32, #tpu.memory_space<vmem>>, vector<16xf32>,
            }
            %scan3A_140 = arith.constant 64 : i32
            %get3A_141 = arith.constant 64 : index
            %get3A_142 = tpu.vector_load %arg10[%get3A_141] {strides = array<i32>} : memref<256xi32, #tpu.memory_space<vmem>>, vector<16xi32>,
            %swap3A_143 = arith.constant 0 : index
            %swap3A_144 = tpu.vector_load %arg10[%swap3A_143] {strides = array<i32>} : memref<256xi32, #tpu.memory_space<vmem>>, vector<16xi32>,
            tpu.vector_store %arg10[%swap3A_143], %get3A_142 {strides = array<i32>} : memref<256xi32, #tpu.memory_space<vmem>>, vector<16xi32>,
            %get3A_145 = arith.constant 64 : index
            %get3A_146 = tpu.vector_load %arg11[%get3A_145] {strides = array<i32>} : memref<256xi32, #tpu.memory_space<vmem>>, vector<16xi32>,
            %swap3A_147 = arith.constant 0 : index
            %swap3A_148 = tpu.vector_load %arg11[%swap3A_147] {strides = array<i32>} : memref<256xi32, #tpu.memory_space<vmem>>, vector<16xi32>,
            tpu.vector_store %arg11[%swap3A_147], %get3A_146 {strides = array<i32>} : memref<256xi32, #tpu.memory_space<vmem>>, vector<16xi32>,
            %get3A_149 = arith.constant 80 : index
            %get3A_150 = tpu.vector_load %arg10[%get3A_149] {strides = array<i32>} : memref<256xi32, #tpu.memory_space<vmem>>, vector<16xi32>,
            %swap3A_151 = arith.constant 16 : index
            %swap3A_152 = tpu.vector_load %arg10[%swap3A_151] {strides = array<i32>} : memref<256xi32, #tpu.memory_space<vmem>>, vector<16xi32>,
            tpu.vector_store %arg10[%swap3A_151], %get3A_150 {strides = array<i32>} : memref<256xi32, #tpu.memory_space<vmem>>, vector<16xi32>,
            %get3A_153 = arith.constant 80 : index
            %get3A_154 = tpu.vector_load %arg11[%get3A_153] {strides = array<i32>} : memref<256xi32, #tpu.memory_space<vmem>>, vector<16xi32>,
            %swap3A_155 = arith.constant 16 : index
            %swap3A_156 = tpu.vector_load %arg11[%swap3A_155] {strides = array<i32>} : memref<256xi32, #tpu.memory_space<vmem>>, vector<16xi32>,
            tpu.vector_store %arg11[%swap3A_155], %get3A_154 {strides = array<i32>} : memref<256xi32, #tpu.memory_space<vmem>>, vector<16xi32>,
            %get3A_157 = arith.constant 96 : index
            %get3A_158 = tpu.vector_load %arg10[%get3A_157] {strides = array<i32>} : memref<256xi32, #tpu.memory_space<vmem>>, vector<16xi32>,
            %swap3A_159 = arith.constant 32 : index
            %swap3A_160 = tpu.vector_load %arg10[%swap3A_159] {strides = array<i32>} : memref<256xi32, #tpu.memory_space<vmem>>, vector<16xi32>,
            tpu.vector_store %arg10[%swap3A_159], %get3A_158 {strides = array<i32>} : memref<256xi32, #tpu.memory_space<vmem>>, vector<16xi32>,
            %get3A_161 = arith.constant 96 : index
            %get3A_162 = tpu.vector_load %arg11[%get3A_161] {strides = array<i32>} : memref<256xi32, #tpu.memory_space<vmem>>, vector<16xi32>,
            %swap3A_163 = arith.constant 32 : index
            %swap3A_164 = tpu.vector_load %arg11[%swap3A_163] {strides = array<i32>} : memref<256xi32, #tpu.memory_space<vmem>>, vector<16xi32>,
            tpu.vector_store %arg11[%swap3A_163], %get3A_162 {strides = array<i32>} : memref<256xi32, #tpu.memory_space<vmem>>, vector<16xi32>,
            %get3A_165 = arith.constant 112 : index
            %get3A_166 = tpu.vector_load %arg10[%get3A_165] {strides = array<i32>} : memref<256xi32, #tpu.memory_space<vmem>>, vector<16xi32>,
            %swap3A_167 = arith.constant 48 : index
            %swap3A_168 = tpu.vector_load %arg10[%swap3A_167] {strides = array<i32>} : memref<256xi32, #tpu.memory_space<vmem>>, vector<16xi32>,
            tpu.vector_store %arg10[%swap3A_167], %get3A_166 {strides = array<i32>} : memref<256xi32, #tpu.memory_space<vmem>>, vector<16xi32>,
            %get3A_169 = arith.constant 112 : index
            %get3A_170 = tpu.vector_load %arg11[%get3A_169] {strides = array<i32>} : memref<256xi32, #tpu.memory_space<vmem>>, vector<16xi32>,
            %swap3A_171 = arith.constant 48 : index
            %swap3A_172 = tpu.vector_load %arg11[%swap3A_171] {strides = array<i32>} : memref<256xi32, #tpu.memory_space<vmem>>, vector<16xi32>,
            tpu.vector_store %arg11[%swap3A_171], %get3A_170 {strides = array<i32>} : memref<256xi32, #tpu.memory_space<vmem>>, vector<16xi32>,
            %get3A_173 = arith.constant 128 : index
            %get3A_174 = tpu.vector_load %arg10[%get3A_173] {strides = array<i32>} : memref<256xi32, #tpu.memory_space<vmem>>, vector<16xi32>,
            %swap3A_175 = arith.constant 64 : index
            %swap3A_176 = tpu.vector_load %arg10[%swap3A_175] {strides = array<i32>} : memref<256xi32, #tpu.memory_space<vmem>>, vector<16xi32>,
            tpu.vector_store %arg10[%swap3A_175], %get3A_174 {strides = array<i32>} : memref<256xi32, #tpu.memory_space<vmem>>, vector<16xi32>,
            %get3A_177 = arith.constant 128 : index
            %get3A_178 = tpu.vector_load %arg11[%get3A_177] {strides = array<i32>} : memref<256xi32, #tpu.memory_space<vmem>>, vector<16xi32>,
            %swap3A_179 = arith.constant 64 : index
            %swap3A_180 = tpu.vector_load %arg11[%swap3A_179] {strides = array<i32>} : memref<256xi32, #tpu.memory_space<vmem>>, vector<16xi32>,
            tpu.vector_store %arg11[%swap3A_179], %get3A_178 {strides = array<i32>} : memref<256xi32, #tpu.memory_space<vmem>>, vector<16xi32>,
            %get3A_181 = arith.constant 144 : index
            %get3A_182 = tpu.vector_load %arg10[%get3A_181] {strides = array<i32>} : memref<256xi32, #tpu.memory_space<vmem>>, vector<16xi32>,
            %swap3A_183 = arith.constant 80 : index
            %swap3A_184 = tpu.vector_load %arg10[%swap3A_183] {strides = array<i32>} : memref<256xi32, #tpu.memory_space<vmem>>, vector<16xi32>,
            tpu.vector_store %arg10[%swap3A_183], %get3A_182 {strides = array<i32>} : memref<256xi32, #tpu.memory_space<vmem>>, vector<16xi32>,
            %get3A_185 = arith.constant 144 : index
            %get3A_186 = tpu.vector_load %arg11[%get3A_185] {strides = array<i32>} : memref<256xi32, #tpu.memory_space<vmem>>, vector<16xi32>,
            %swap3A_187 = arith.constant 80 : index
            %swap3A_188 = tpu.vector_load %arg11[%swap3A_187] {strides = array<i32>} : memref<256xi32, #tpu.memory_space<vmem>>, vector<16xi32>,
            tpu.vector_store %arg11[%swap3A_187], %get3A_186 {strides = array<i32>} : memref<256xi32, #tpu.memory_space<vmem>>, vector<16xi32>,
            %get3A_189 = arith.constant 160 : index
            %get3A_190 = tpu.vector_load %arg10[%get3A_189] {strides = array<i32>} : memref<256xi32, #tpu.memory_space<vmem>>, vector<16xi32>,
            %swap3A_191 = arith.constant 96 : index
            %swap3A_192 = tpu.vector_load %arg10[%swap3A_191] {strides = array<i32>} : memref<256xi32, #tpu.memory_space<vmem>>, vector<16xi32>,
            tpu.vector_store %arg10[%swap3A_191], %get3A_190 {strides = array<i32>} : memref<256xi32, #tpu.memory_space<vmem>>, vector<16xi32>,
            %get3A_193 = arith.constant 160 : index
            %get3A_194 = tpu.vector_load %arg11[%get3A_193] {strides = array<i32>} : memref<256xi32, #tpu.memory_space<vmem>>, vector<16xi32>,
            %swap3A_195 = arith.constant 96 : index
            %swap3A_196 = tpu.vector_load %arg11[%swap3A_195] {strides = array<i32>} : memref<256xi32, #tpu.memory_space<vmem>>, vector<16xi32>,
            tpu.vector_store %arg11[%swap3A_195], %get3A_194 {strides = array<i32>} : memref<256xi32, #tpu.memory_space<vmem>>, vector<16xi32>,
            %get3A_197 = arith.constant 176 : index
            %get3A_198 = tpu.vector_load %arg10[%get3A_197] {strides = array<i32>} : memref<256xi32, #tpu.memory_space<vmem>>, vector<16xi32>,
            %swap3A_199 = arith.constant 112 : index
            %swap3A_200 = tpu.vector_load %arg10[%swap3A_199] {strides = array<i32>} : memref<256xi32, #tpu.memory_space<vmem>>, vector<16xi32>,
            tpu.vector_store %arg10[%swap3A_199], %get3A_198 {strides = array<i32>} : memref<256xi32, #tpu.memory_space<vmem>>, vector<16xi32>,
            %get3A_201 = arith.constant 176 : index
            %get3A_202 = tpu.vector_load %arg11[%get3A_201] {strides = array<i32>} : memref<256xi32, #tpu.memory_space<vmem>>, vector<16xi32>,
            %swap3A_203 = arith.constant 112 : index
            %swap3A_204 = tpu.vector_load %arg11[%swap3A_203] {strides = array<i32>} : memref<256xi32, #tpu.memory_space<vmem>>, vector<16xi32>,
            tpu.vector_store %arg11[%swap3A_203], %get3A_202 {strides = array<i32>} : memref<256xi32, #tpu.memory_space<vmem>>, vector<16xi32>,
            %get3A_205 = arith.constant 192 : index
            %get3A_206 = tpu.vector_load %arg10[%get3A_205] {strides = array<i32>} : memref<256xi32, #tpu.memory_space<vmem>>, vector<16xi32>,
            %swap3A_207 = arith.constant 128 : index
            %swap3A_208 = tpu.vector_load %arg10[%swap3A_207] {strides = array<i32>} : memref<256xi32, #tpu.memory_space<vmem>>, vector<16xi32>,
            tpu.vector_store %arg10[%swap3A_207], %get3A_206 {strides = array<i32>} : memref<256xi32, #tpu.memory_space<vmem>>, vector<16xi32>,
            %get3A_209 = arith.constant 192 : index
            %get3A_210 = tpu.vector_load %arg11[%get3A_209] {strides = array<i32>} : memref<256xi32, #tpu.memory_space<vmem>>, vector<16xi32>,
            %swap3A_211 = arith.constant 128 : index
            %swap3A_212 = tpu.vector_load %arg11[%swap3A_211] {strides = array<i32>} : memref<256xi32, #tpu.memory_space<vmem>>, vector<16xi32>,
            tpu.vector_store %arg11[%swap3A_211], %get3A_210 {strides = array<i32>} : memref<256xi32, #tpu.memory_space<vmem>>, vector<16xi32>,
            %get3A_213 = arith.constant 208 : index
            %get3A_214 = tpu.vector_load %arg10[%get3A_213] {strides = array<i32>} : memref<256xi32, #tpu.memory_space<vmem>>, vector<16xi32>,
            %swap3A_215 = arith.constant 144 : index
            %swap3A_216 = tpu.vector_load %arg10[%swap3A_215] {strides = array<i32>} : memref<256xi32, #tpu.memory_space<vmem>>, vector<16xi32>,
            tpu.vector_store %arg10[%swap3A_215], %get3A_214 {strides = array<i32>} : memref<256xi32, #tpu.memory_space<vmem>>, vector<16xi32>,
            %get3A_217 = arith.constant 208 : index
            %get3A_218 = tpu.vector_load %arg11[%get3A_217] {strides = array<i32>} : memref<256xi32, #tpu.memory_space<vmem>>, vector<16xi32>,
            %swap3A_219 = arith.constant 144 : index
            %swap3A_220 = tpu.vector_load %arg11[%swap3A_219] {strides = array<i32>} : memref<256xi32, #tpu.memory_space<vmem>>, vector<16xi32>,
            tpu.vector_store %arg11[%swap3A_219], %get3A_218 {strides = array<i32>} : memref<256xi32, #tpu.memory_space<vmem>>, vector<16xi32>,
            %get3A_221 = arith.constant 224 : index
            %get3A_222 = tpu.vector_load %arg10[%get3A_221] {strides = array<i32>} : memref<256xi32, #tpu.memory_space<vmem>>, vector<16xi32>,
            %swap3A_223 = arith.constant 160 : index
            %swap3A_224 = tpu.vector_load %arg10[%swap3A_223] {strides = array<i32>} : memref<256xi32, #tpu.memory_space<vmem>>, vector<16xi32>,
            tpu.vector_store %arg10[%swap3A_223], %get3A_222 {strides = array<i32>} : memref<256xi32, #tpu.memory_space<vmem>>, vector<16xi32>,
            %get3A_225 = arith.constant 224 : index
            %get3A_226 = tpu.vector_load %arg11[%get3A_225] {strides = array<i32>} : memref<256xi32, #tpu.memory_space<vmem>>, vector<16xi32>,
            %swap3A_227 = arith.constant 160 : index
            %swap3A_228 = tpu.vector_load %arg11[%swap3A_227] {strides = array<i32>} : memref<256xi32, #tpu.memory_space<vmem>>, vector<16xi32>,
            tpu.vector_store %arg11[%swap3A_227], %get3A_226 {strides = array<i32>} : memref<256xi32, #tpu.memory_space<vmem>>, vector<16xi32>,
            %get3A_229 = arith.constant 240 : index
            %get3A_230 = tpu.vector_load %arg10[%get3A_229] {strides = array<i32>} : memref<256xi32, #tpu.memory_space<vmem>>, vector<16xi32>,
            %swap3A_231 = arith.constant 176 : index
            %swap3A_232 = tpu.vector_load %arg10[%swap3A_231] {strides = array<i32>} : memref<256xi32, #tpu.memory_space<vmem>>, vector<16xi32>,
            tpu.vector_store %arg10[%swap3A_231], %get3A_230 {strides = array<i32>} : memref<256xi32, #tpu.memory_space<vmem>>, vector<16xi32>,
            %get3A_233 = arith.constant 240 : index
            %get3A_234 = tpu.vector_load %arg11[%get3A_233] {strides = array<i32>} : memref<256xi32, #tpu.memory_space<vmem>>, vector<16xi32>,
            %swap3A_235 = arith.constant 176 : index
            %swap3A_236 = tpu.vector_load %arg11[%swap3A_235] {strides = array<i32>} : memref<256xi32, #tpu.memory_space<vmem>>, vector<16xi32>,
            tpu.vector_store %arg11[%swap3A_235], %get3A_234 {strides = array<i32>} : memref<256xi32, #tpu.memory_space<vmem>>, vector<16xi32>,
            %sub3A_237 = arith.constant 64 : i32
            %sub3A_238 = arith.subi %add3A_108, %sub3A_237 : i32
            scf.yield %sub3A_238 : i32
          } else {
            scf.yield %add3A_108 : i32
          }
          scf.yield %cond3A_114 : i32
        } else {
          scf.yield %scan3A_81 : i32
        }
        scf.yield %cond3A_94 : i32
      }
      %scan3A_79 = arith.constant 256 : i32
      scf.yield %scan3A_78 : i32
    }
    %scan3A_40 = arith.constant 40 : i32
    %dma_start3A = arith.constant 0 : i32
    %dma_start3A_41 = tpu.memref_slice %arg10[%dma_start3A] : memref<256xi32, #tpu.memory_space<vmem>> -> memref<64xi32, #tpu.memory_space<vmem>>
    %dma_start3A_42 = arith.constant 0 : i32
    %dma_start3A_43 = arith.constant 0 : i32
    %dma_start3A_44 = tpu.memref_slice %arg2[%dma_start3A_42, %dma_start3A_43] : memref<10240x128xf32, #tpu.memory_space<hbm>> -> memref<10240x128xf32, #tpu.memory_space<hbm>>
    tpu.enqueue_indirect_dma source(%dma_start3A_44 : memref<10240x128xf32, #tpu.memory_space<hbm>>) target(%arg12 : memref<64x128xf32, #tpu.memory_space<vmem>>) offsets(%dma_start3A_41 : memref<64xi32, #tpu.memory_space<vmem>>) semaphore(%arg15 : memref<!tpu.dma_semaphore, #tpu.memory_space<semaphore_mem>>)
    %dma_wait3A = arith.constant 0 : i32
    %dma_wait3A_45 = tpu.memref_slice %arg10[%dma_wait3A] : memref<256xi32, #tpu.memory_space<vmem>> -> memref<64xi32, #tpu.memory_space<vmem>>
    %dma_wait3A_46 = arith.constant 0 : i32
    %dma_wait3A_47 = arith.constant 0 : i32
    %dma_wait3A_48 = tpu.memref_slice %arg2[%dma_wait3A_46, %dma_wait3A_47] : memref<10240x128xf32, #tpu.memory_space<hbm>> -> memref<10240x128xf32, #tpu.memory_space<hbm>>
    tpu.wait_indirect_dma semaphore(%arg15 : memref<!tpu.dma_semaphore, #tpu.memory_space<semaphore_mem>>) src(%dma_wait3A_48 : memref<10240x128xf32, #tpu.memory_space<hbm>>) dst(%arg12 : memref<64x128xf32, #tpu.memory_space<vmem>>)
    %dma_start3A_49 = arith.constant 0 : i32
    %dma_start3A_50 = tpu.memref_slice %arg10[%dma_start3A_49] : memref<256xi32, #tpu.memory_space<vmem>> -> memref<64xi32, #tpu.memory_space<vmem>>
    %dma_start3A_51 = arith.constant 0 : i32
    %dma_start3A_52 = arith.constant 0 : i32
    %dma_start3A_53 = tpu.memref_slice %arg3[%dma_start3A_51, %dma_start3A_52] : memref<10240x128xf32, #tpu.memory_space<hbm>> -> memref<10240x128xf32, #tpu.memory_space<hbm>>
    tpu.enqueue_indirect_dma source(%dma_start3A_53 : memref<10240x128xf32, #tpu.memory_space<hbm>>) target(%arg13 : memref<64x128xf32, #tpu.memory_space<vmem>>) offsets(%dma_start3A_50 : memref<64xi32, #tpu.memory_space<vmem>>) semaphore(%arg15 : memref<!tpu.dma_semaphore, #tpu.memory_space<semaphore_mem>>)
    %dma_wait3A_54 = arith.constant 0 : i32
    %dma_wait3A_55 = tpu.memref_slice %arg10[%dma_wait3A_54] : memref<256xi32, #tpu.memory_space<vmem>> -> memref<64xi32, #tpu.memory_space<vmem>>
    %dma_wait3A_56 = arith.constant 0 : i32
    %dma_wait3A_57 = arith.constant 0 : i32
    %dma_wait3A_58 = tpu.memref_slice %arg3[%dma_wait3A_56, %dma_wait3A_57] : memref<10240x128xf32, #tpu.memory_space<hbm>> -> memref<10240x128xf32, #tpu.memory_space<hbm>>
    tpu.wait_indirect_dma semaphore(%arg15 : memref<!tpu.dma_semaphore, #tpu.memory_space<semaphore_mem>>) src(%dma_wait3A_58 : memref<10240x128xf32, #tpu.memory_space<hbm>>) dst(%arg13 : memref<64x128xf32, #tpu.memory_space<vmem>>)
    %while3A = arith.constant 0 : i32
    %while3A_59 = arith.constant 0 : i32
    %while3A_60 = arith.subi %scan3A_39, %while3A_59 : i32
    %while3A_61 = arith.addi %while3A_59, %while3A_60 : i32
    %while3A_62 = arith.constant 1 : i32
    %while3A_63 = arith.divsi %while3A_60, %while3A_62 : i32
    %while3A_64 = arith.muli %while3A_63, %while3A_62 : i32
    %while3A_65 = arith.addi %while3A_59, %while3A_64 : i32
    %while3A_66 = arith.constant 1 : i32
    scf.for %while3A_68 = %while3A_59 to %while3A_65 step %while3A_66  : i32 {
      %get3A = arith.index_cast %while3A_68 : i32 to index
      %get3A_69 = tpu.vector_load %arg11[%get3A] {strides = array<i32>} : memref<256xi32, #tpu.memory_space<vmem>>, vector<16xi32>,
      %slice3A = vector.extract_strided_slice %get3A_69 {offsets = [0], sizes = [1], strides = [1]} : vector<16xi32> to vector<1xi32>
      %squeeze3A = vector.extract %slice3A[0] : i32 from vector<1xi32>
      %get3A_70 = arith.index_cast %squeeze3A : i32 to index
      %get3A_71 = arith.constant 0 : index
      %get3A_72 = tpu.vector_load %arg14[%get3A_70, %get3A_71] {strides = array<i32>} : memref<320x256xf32, #tpu.memory_space<vmem>>, vector<16xf32>,
      %get3A_73 = arith.index_cast %while3A_68 : i32 to index
      %get3A_74 = arith.constant 0 : index
      %get3A_75 = tpu.vector_load %arg12[%get3A_73, %get3A_74] {strides = array<i32>} : memref<64x128xf32, #tpu.memory_space<vmem>>, vector<16xf32>,
      %add3A_76 = arith.addf %get3A_72, %get3A_75 : vector<16xf32>
      %swap3A_77 = arith.index_cast %squeeze3A : i32 to index
      %swap3A_78 = arith.constant 0 : index
      %swap3A_79 = tpu.vector_load %arg14[%swap3A_77, %swap3A_78] {strides = array<i32>} : memref<320x256xf32, #tpu.memory_space<vmem>>, vector<16xf32>,
      tpu.vector_store %arg14[%swap3A_77, %swap3A_78], %add3A_76 {strides = array<i32>} : memref<320x256xf32, #tpu.memory_space<vmem>>, vector<16xf32>,
      %get3A_80 = arith.index_cast %squeeze3A : i32 to index
      %get3A_81 = arith.constant 128 : index
      %get3A_82 = tpu.vector_load %arg14[%get3A_80, %get3A_81] {strides = array<i32>} : memref<320x256xf32, #tpu.memory_space<vmem>>, vector<16xf32>,
      %get3A_83 = arith.index_cast %while3A_68 : i32 to index
      %get3A_84 = arith.constant 0 : index
      %get3A_85 = tpu.vector_load %arg13[%get3A_83, %get3A_84] {strides = array<i32>} : memref<64x128xf32, #tpu.memory_space<vmem>>, vector<16xf32>,
      %add3A_86 = arith.addf %get3A_82, %get3A_85 : vector<16xf32>
      %swap3A_87 = arith.index_cast %squeeze3A : i32 to index
      %swap3A_88 = arith.constant 128 : index
      %swap3A_89 = tpu.vector_load %arg14[%swap3A_87, %swap3A_88] {strides = array<i32>} : memref<320x256xf32, #tpu.memory_space<vmem>>, vector<16xf32>,
      tpu.vector_store %arg14[%swap3A_87, %swap3A_88], %add3A_86 {strides = array<i32>} : memref<320x256xf32, #tpu.memory_space<vmem>>, vector<16xf32>,
      %get3A_90 = arith.index_cast %squeeze3A : i32 to index
      %get3A_91 = arith.constant 16 : index
      %get3A_92 = tpu.vector_load %arg14[%get3A_90, %get3A_91] {strides = array<i32>} : memref<320x256xf32, #tpu.memory_space<vmem>>, vector<16xf32>,
      %get3A_93 = arith.index_cast %while3A_68 : i32 to index
      %get3A_94 = arith.constant 16 : index
      %get3A_95 = tpu.vector_load %arg12[%get3A_93, %get3A_94] {strides = array<i32>} : memref<64x128xf32, #tpu.memory_space<vmem>>, vector<16xf32>,
      %add3A_96 = arith.addf %get3A_92, %get3A_95 : vector<16xf32>
      %swap3A_97 = arith.index_cast %squeeze3A : i32 to index
      %swap3A_98 = arith.constant 16 : index
      %swap3A_99 = tpu.vector_load %arg14[%swap3A_97, %swap3A_98] {strides = array<i32>} : memref<320x256xf32, #tpu.memory_space<vmem>>, vector<16xf32>,
      tpu.vector_store %arg14[%swap3A_97, %swap3A_98], %add3A_96 {strides = array<i32>} : memref<320x256xf32, #tpu.memory_space<vmem>>, vector<16xf32>,
      %get3A_100 = arith.index_cast %squeeze3A : i32 to index
      %get3A_101 = arith.constant 144 : index
      %get3A_102 = tpu.vector_load %arg14[%get3A_100, %get3A_101] {strides = array<i32>} : memref<320x256xf32, #tpu.memory_space<vmem>>, vector<16xf32>,
      %get3A_103 = arith.index_cast %while3A_68 : i32 to index
      %get3A_104 = arith.constant 16 : index
      %get3A_105 = tpu.vector_load %arg13[%get3A_103, %get3A_104] {strides = array<i32>} : memref<64x128xf32, #tpu.memory_space<vmem>>, vector<16xf32>,
      %add3A_106 = arith.addf %get3A_102, %get3A_105 : vector<16xf32>
      %swap3A_107 = arith.index_cast %squeeze3A : i32 to index
      %swap3A_108 = arith.constant 144 : index
      %swap3A_109 = tpu.vector_load %arg14[%swap3A_107, %swap3A_108] {strides = array<i32>} : memref<320x256xf32, #tpu.memory_space<vmem>>, vector<16xf32>,
      tpu.vector_store %arg14[%swap3A_107, %swap3A_108], %add3A_106 {strides = array<i32>} : memref<320x256xf32, #tpu.memory_space<vmem>>, vector<16xf32>,
      %get3A_110 = arith.index_cast %squeeze3A : i32 to index
      %get3A_111 = arith.constant 32 : index
      %get3A_112 = tpu.vector_load %arg14[%get3A_110, %get3A_111] {strides = array<i32>} : memref<320x256xf32, #tpu.memory_space<vmem>>, vector<16xf32>,
      %get3A_113 = arith.index_cast %while3A_68 : i32 to index
      %get3A_114 = arith.constant 32 : index
      %get3A_115 = tpu.vector_load %arg12[%get3A_113, %get3A_114] {strides = array<i32>} : memref<64x128xf32, #tpu.memory_space<vmem>>, vector<16xf32>,
      %add3A_116 = arith.addf %get3A_112, %get3A_115 : vector<16xf32>
      %swap3A_117 = arith.index_cast %squeeze3A : i32 to index
      %swap3A_118 = arith.constant 32 : index
      %swap3A_119 = tpu.vector_load %arg14[%swap3A_117, %swap3A_118] {strides = array<i32>} : memref<320x256xf32, #tpu.memory_space<vmem>>, vector<16xf32>,
      tpu.vector_store %arg14[%swap3A_117, %swap3A_118], %add3A_116 {strides = array<i32>} : memref<320x256xf32, #tpu.memory_space<vmem>>, vector<16xf32>,
      %get3A_120 = arith.index_cast %squeeze3A : i32 to index
      %get3A_121 = arith.constant 160 : index
      %get3A_122 = tpu.vector_load %arg14[%get3A_120, %get3A_121] {strides = array<i32>} : memref<320x256xf32, #tpu.memory_space<vmem>>, vector<16xf32>,
      %get3A_123 = arith.index_cast %while3A_68 : i32 to index
      %get3A_124 = arith.constant 32 : index
      %get3A_125 = tpu.vector_load %arg13[%get3A_123, %get3A_124] {strides = array<i32>} : memref<64x128xf32, #tpu.memory_space<vmem>>, vector<16xf32>,
      %add3A_126 = arith.addf %get3A_122, %get3A_125 : vector<16xf32>
      %swap3A_127 = arith.index_cast %squeeze3A : i32 to index
      %swap3A_128 = arith.constant 160 : index
      %swap3A_129 = tpu.vector_load %arg14[%swap3A_127, %swap3A_128] {strides = array<i32>} : memref<320x256xf32, #tpu.memory_space<vmem>>, vector<16xf32>,
      tpu.vector_store %arg14[%swap3A_127, %swap3A_128], %add3A_126 {strides = array<i32>} : memref<320x256xf32, #tpu.memory_space<vmem>>, vector<16xf32>,
      %get3A_130 = arith.index_cast %squeeze3A : i32 to index
      %get3A_131 = arith.constant 48 : index
      %get3A_132 = tpu.vector_load %arg14[%get3A_130, %get3A_131] {strides = array<i32>} : memref<320x256xf32, #tpu.memory_space<vmem>>, vector<16xf32>,
      %get3A_133 = arith.index_cast %while3A_68 : i32 to index
      %get3A_134 = arith.constant 48 : index
      %get3A_135 = tpu.vector_load %arg12[%get3A_133, %get3A_134] {strides = array<i32>} : memref<64x128xf32, #tpu.memory_space<vmem>>, vector<16xf32>,
      %add3A_136 = arith.addf %get3A_132, %get3A_135 : vector<16xf32>
      %swap3A_137 = arith.index_cast %squeeze3A : i32 to index
      %swap3A_138 = arith.constant 48 : index
      %swap3A_139 = tpu.vector_load %arg14[%swap3A_137, %swap3A_138] {strides = array<i32>} : memref<320x256xf32, #tpu.memory_space<vmem>>, vector<16xf32>,
      tpu.vector_store %arg14[%swap3A_137, %swap3A_138], %add3A_136 {strides = array<i32>} : memref<320x256xf32, #tpu.memory_space<vmem>>, vector<16xf32>,
      %get3A_140 = arith.index_cast %squeeze3A : i32 to index
      %get3A_141 = arith.constant 176 : index
      %get3A_142 = tpu.vector_load %arg14[%get3A_140, %get3A_141] {strides = array<i32>} : memref<320x256xf32, #tpu.memory_space<vmem>>, vector<16xf32>,
      %get3A_143 = arith.index_cast %while3A_68 : i32 to index
      %get3A_144 = arith.constant 48 : index
      %get3A_145 = tpu.vector_load %arg13[%get3A_143, %get3A_144] {strides = array<i32>} : memref<64x128xf32, #tpu.memory_space<vmem>>, vector<16xf32>,
      %add3A_146 = arith.addf %get3A_142, %get3A_145 : vector<16xf32>
      %swap3A_147 = arith.index_cast %squeeze3A : i32 to index
      %swap3A_148 = arith.constant 176 : index
      %swap3A_149 = tpu.vector_load %arg14[%swap3A_147, %swap3A_148] {strides = array<i32>} : memref<320x256xf32, #tpu.memory_space<vmem>>, vector<16xf32>,
      tpu.vector_store %arg14[%swap3A_147, %swap3A_148], %add3A_146 {strides = array<i32>} : memref<320x256xf32, #tpu.memory_space<vmem>>, vector<16xf32>,
      %get3A_150 = arith.index_cast %squeeze3A : i32 to index
      %get3A_151 = arith.constant 64 : index
      %get3A_152 = tpu.vector_load %arg14[%get3A_150, %get3A_151] {strides = array<i32>} : memref<320x256xf32, #tpu.memory_space<vmem>>, vector<16xf32>,
      %get3A_153 = arith.index_cast %while3A_68 : i32 to index
      %get3A_154 = arith.constant 64 : index
      %get3A_155 = tpu.vector_load %arg12[%get3A_153, %get3A_154] {strides = array<i32>} : memref<64x128xf32, #tpu.memory_space<vmem>>, vector<16xf32>,
      %add3A_156 = arith.addf %get3A_152, %get3A_155 : vector<16xf32>
      %swap3A_157 = arith.index_cast %squeeze3A : i32 to index
      %swap3A_158 = arith.constant 64 : index
      %swap3A_159 = tpu.vector_load %arg14[%swap3A_157, %swap3A_158] {strides = array<i32>} : memref<320x256xf32, #tpu.memory_space<vmem>>, vector<16xf32>,
      tpu.vector_store %arg14[%swap3A_157, %swap3A_158], %add3A_156 {strides = array<i32>} : memref<320x256xf32, #tpu.memory_space<vmem>>, vector<16xf32>,
      %get3A_160 = arith.index_cast %squeeze3A : i32 to index
      %get3A_161 = arith.constant 192 : index
      %get3A_162 = tpu.vector_load %arg14[%get3A_160, %get3A_161] {strides = array<i32>} : memref<320x256xf32, #tpu.memory_space<vmem>>, vector<16xf32>,
      %get3A_163 = arith.index_cast %while3A_68 : i32 to index
      %get3A_164 = arith.constant 64 : index
      %get3A_165 = tpu.vector_load %arg13[%get3A_163, %get3A_164] {strides = array<i32>} : memref<64x128xf32, #tpu.memory_space<vmem>>, vector<16xf32>,
      %add3A_166 = arith.addf %get3A_162, %get3A_165 : vector<16xf32>
      %swap3A_167 = arith.index_cast %squeeze3A : i32 to index
      %swap3A_168 = arith.constant 192 : index
      %swap3A_169 = tpu.vector_load %arg14[%swap3A_167, %swap3A_168] {strides = array<i32>} : memref<320x256xf32, #tpu.memory_space<vmem>>, vector<16xf32>,
      tpu.vector_store %arg14[%swap3A_167, %swap3A_168], %add3A_166 {strides = array<i32>} : memref<320x256xf32, #tpu.memory_space<vmem>>, vector<16xf32>,
      %get3A_170 = arith.index_cast %squeeze3A : i32 to index
      %get3A_171 = arith.constant 80 : index
      %get3A_172 = tpu.vector_load %arg14[%get3A_170, %get3A_171] {strides = array<i32>} : memref<320x256xf32, #tpu.memory_space<vmem>>, vector<16xf32>,
      %get3A_173 = arith.index_cast %while3A_68 : i32 to index
      %get3A_174 = arith.constant 80 : index
      %get3A_175 = tpu.vector_load %arg12[%get3A_173, %get3A_174] {strides = array<i32>} : memref<64x128xf32, #tpu.memory_space<vmem>>, vector<16xf32>,
      %add3A_176 = arith.addf %get3A_172, %get3A_175 : vector<16xf32>
      %swap3A_177 = arith.index_cast %squeeze3A : i32 to index
      %swap3A_178 = arith.constant 80 : index
      %swap3A_179 = tpu.vector_load %arg14[%swap3A_177, %swap3A_178] {strides = array<i32>} : memref<320x256xf32, #tpu.memory_space<vmem>>, vector<16xf32>,
      tpu.vector_store %arg14[%swap3A_177, %swap3A_178], %add3A_176 {strides = array<i32>} : memref<320x256xf32, #tpu.memory_space<vmem>>, vector<16xf32>,
      %get3A_180 = arith.index_cast %squeeze3A : i32 to index
      %get3A_181 = arith.constant 208 : index
      %get3A_182 = tpu.vector_load %arg14[%get3A_180, %get3A_181] {strides = array<i32>} : memref<320x256xf32, #tpu.memory_space<vmem>>, vector<16xf32>,
      %get3A_183 = arith.index_cast %while3A_68 : i32 to index
      %get3A_184 = arith.constant 80 : index
      %get3A_185 = tpu.vector_load %arg13[%get3A_183, %get3A_184] {strides = array<i32>} : memref<64x128xf32, #tpu.memory_space<vmem>>, vector<16xf32>,
      %add3A_186 = arith.addf %get3A_182, %get3A_185 : vector<16xf32>
      %swap3A_187 = arith.index_cast %squeeze3A : i32 to index
      %swap3A_188 = arith.constant 208 : index
      %swap3A_189 = tpu.vector_load %arg14[%swap3A_187, %swap3A_188] {strides = array<i32>} : memref<320x256xf32, #tpu.memory_space<vmem>>, vector<16xf32>,
      tpu.vector_store %arg14[%swap3A_187, %swap3A_188], %add3A_186 {strides = array<i32>} : memref<320x256xf32, #tpu.memory_space<vmem>>, vector<16xf32>,
      %get3A_190 = arith.index_cast %squeeze3A : i32 to index
      %get3A_191 = arith.constant 96 : index
      %get3A_192 = tpu.vector_load %arg14[%get3A_190, %get3A_191] {strides = array<i32>} : memref<320x256xf32, #tpu.memory_space<vmem>>, vector<16xf32>,
      %get3A_193 = arith.index_cast %while3A_68 : i32 to index
      %get3A_194 = arith.constant 96 : index
      %get3A_195 = tpu.vector_load %arg12[%get3A_193, %get3A_194] {strides = array<i32>} : memref<64x128xf32, #tpu.memory_space<vmem>>, vector<16xf32>,
      %add3A_196 = arith.addf %get3A_192, %get3A_195 : vector<16xf32>
      %swap3A_197 = arith.index_cast %squeeze3A : i32 to index
      %swap3A_198 = arith.constant 96 : index
      %swap3A_199 = tpu.vector_load %arg14[%swap3A_197, %swap3A_198] {strides = array<i32>} : memref<320x256xf32, #tpu.memory_space<vmem>>, vector<16xf32>,
      tpu.vector_store %arg14[%swap3A_197, %swap3A_198], %add3A_196 {strides = array<i32>} : memref<320x256xf32, #tpu.memory_space<vmem>>, vector<16xf32>,
      %get3A_200 = arith.index_cast %squeeze3A : i32 to index
      %get3A_201 = arith.constant 224 : index
      %get3A_202 = tpu.vector_load %arg14[%get3A_200, %get3A_201] {strides = array<i32>} : memref<320x256xf32, #tpu.memory_space<vmem>>, vector<16xf32>,
      %get3A_203 = arith.index_cast %while3A_68 : i32 to index
      %get3A_204 = arith.constant 96 : index
      %get3A_205 = tpu.vector_load %arg13[%get3A_203, %get3A_204] {strides = array<i32>} : memref<64x128xf32, #tpu.memory_space<vmem>>, vector<16xf32>,
      %add3A_206 = arith.addf %get3A_202, %get3A_205 : vector<16xf32>
      %swap3A_207 = arith.index_cast %squeeze3A : i32 to index
      %swap3A_208 = arith.constant 224 : index
      %swap3A_209 = tpu.vector_load %arg14[%swap3A_207, %swap3A_208] {strides = array<i32>} : memref<320x256xf32, #tpu.memory_space<vmem>>, vector<16xf32>,
      tpu.vector_store %arg14[%swap3A_207, %swap3A_208], %add3A_206 {strides = array<i32>} : memref<320x256xf32, #tpu.memory_space<vmem>>, vector<16xf32>,
      %get3A_210 = arith.index_cast %squeeze3A : i32 to index
      %get3A_211 = arith.constant 112 : index
      %get3A_212 = tpu.vector_load %arg14[%get3A_210, %get3A_211] {strides = array<i32>} : memref<320x256xf32, #tpu.memory_space<vmem>>, vector<16xf32>,
      %get3A_213 = arith.index_cast %while3A_68 : i32 to index
      %get3A_214 = arith.constant 112 : index
      %get3A_215 = tpu.vector_load %arg12[%get3A_213, %get3A_214] {strides = array<i32>} : memref<64x128xf32, #tpu.memory_space<vmem>>, vector<16xf32>,
      %add3A_216 = arith.addf %get3A_212, %get3A_215 : vector<16xf32>
      %swap3A_217 = arith.index_cast %squeeze3A : i32 to index
      %swap3A_218 = arith.constant 112 : index
      %swap3A_219 = tpu.vector_load %arg14[%swap3A_217, %swap3A_218] {strides = array<i32>} : memref<320x256xf32, #tpu.memory_space<vmem>>, vector<16xf32>,
      tpu.vector_store %arg14[%swap3A_217, %swap3A_218], %add3A_216 {strides = array<i32>} : memref<320x256xf32, #tpu.memory_space<vmem>>, vector<16xf32>,
      %get3A_220 = arith.index_cast %squeeze3A : i32 to index
      %get3A_221 = arith.constant 240 : index
      %get3A_222 = tpu.vector_load %arg14[%get3A_220, %get3A_221] {strides = array<i32>} : memref<320x256xf32, #tpu.memory_space<vmem>>, vector<16xf32>,
      %get3A_223 = arith.index_cast %while3A_68 : i32 to index
      %get3A_224 = arith.constant 112 : index
      %get3A_225 = tpu.vector_load %arg13[%get3A_223, %get3A_224] {strides = array<i32>} : memref<64x128xf32, #tpu.memory_space<vmem>>, vector<16xf32>,
      %add3A_226 = arith.addf %get3A_222, %get3A_225 : vector<16xf32>
      %swap3A_227 = arith.index_cast %squeeze3A : i32 to index
      %swap3A_228 = arith.constant 240 : index
      %swap3A_229 = tpu.vector_load %arg14[%swap3A_227, %swap3A_228] {strides = array<i32>} : memref<320x256xf32, #tpu.memory_space<vmem>>, vector<16xf32>,
      tpu.vector_store %arg14[%swap3A_227, %swap3A_228], %add3A_226 {strides = array<i32>} : memref<320x256xf32, #tpu.memory_space<vmem>>, vector<16xf32>,
    }
    %while3A_67 = arith.constant 1 : i32
    scf.for %while3A_68 = %while3A_65 to %while3A_61 step %while3A_67  : i32 {
      %get3A = arith.index_cast %while3A_68 : i32 to index
      %get3A_69 = tpu.vector_load %arg11[%get3A] {strides = array<i32>} : memref<256xi32, #tpu.memory_space<vmem>>, vector<16xi32>,
      %slice3A = vector.extract_strided_slice %get3A_69 {offsets = [0], sizes = [1], strides = [1]} : vector<16xi32> to vector<1xi32>
      %squeeze3A = vector.extract %slice3A[0] : i32 from vector<1xi32>
      %get3A_70 = arith.index_cast %squeeze3A : i32 to index
      %get3A_71 = arith.constant 0 : index
      %get3A_72 = tpu.vector_load %arg14[%get3A_70, %get3A_71] {strides = array<i32>} : memref<320x256xf32, #tpu.memory_space<vmem>>, vector<16xf32>,
      %get3A_73 = arith.index_cast %while3A_68 : i32 to index
      %get3A_74 = arith.constant 0 : index
      %get3A_75 = tpu.vector_load %arg12[%get3A_73, %get3A_74] {strides = array<i32>} : memref<64x128xf32, #tpu.memory_space<vmem>>, vector<16xf32>,
      %add3A_76 = arith.addf %get3A_72, %get3A_75 : vector<16xf32>
      %swap3A_77 = arith.index_cast %squeeze3A : i32 to index
      %swap3A_78 = arith.constant 0 : index
      %swap3A_79 = tpu.vector_load %arg14[%swap3A_77, %swap3A_78] {strides = array<i32>} : memref<320x256xf32, #tpu.memory_space<vmem>>, vector<16xf32>,
      tpu.vector_store %arg14[%swap3A_77, %swap3A_78], %add3A_76 {strides = array<i32>} : memref<320x256xf32, #tpu.memory_space<vmem>>, vector<16xf32>,
      %get3A_80 = arith.index_cast %squeeze3A : i32 to index
      %get3A_81 = arith.constant 128 : index
      %get3A_82 = tpu.vector_load %arg14[%get3A_80, %get3A_81] {strides = array<i32>} : memref<320x256xf32, #tpu.memory_space<vmem>>, vector<16xf32>,
      %get3A_83 = arith.index_cast %while3A_68 : i32 to index
      %get3A_84 = arith.constant 0 : index
      %get3A_85 = tpu.vector_load %arg13[%get3A_83, %get3A_84] {strides = array<i32>} : memref<64x128xf32, #tpu.memory_space<vmem>>, vector<16xf32>,
      %add3A_86 = arith.addf %get3A_82, %get3A_85 : vector<16xf32>
      %swap3A_87 = arith.index_cast %squeeze3A : i32 to index
      %swap3A_88 = arith.constant 128 : index
      %swap3A_89 = tpu.vector_load %arg14[%swap3A_87, %swap3A_88] {strides = array<i32>} : memref<320x256xf32, #tpu.memory_space<vmem>>, vector<16xf32>,
      tpu.vector_store %arg14[%swap3A_87, %swap3A_88], %add3A_86 {strides = array<i32>} : memref<320x256xf32, #tpu.memory_space<vmem>>, vector<16xf32>,
      %get3A_90 = arith.index_cast %squeeze3A : i32 to index
      %get3A_91 = arith.constant 16 : index
      %get3A_92 = tpu.vector_load %arg14[%get3A_90, %get3A_91] {strides = array<i32>} : memref<320x256xf32, #tpu.memory_space<vmem>>, vector<16xf32>,
      %get3A_93 = arith.index_cast %while3A_68 : i32 to index
      %get3A_94 = arith.constant 16 : index
      %get3A_95 = tpu.vector_load %arg12[%get3A_93, %get3A_94] {strides = array<i32>} : memref<64x128xf32, #tpu.memory_space<vmem>>, vector<16xf32>,
      %add3A_96 = arith.addf %get3A_92, %get3A_95 : vector<16xf32>
      %swap3A_97 = arith.index_cast %squeeze3A : i32 to index
      %swap3A_98 = arith.constant 16 : index
      %swap3A_99 = tpu.vector_load %arg14[%swap3A_97, %swap3A_98] {strides = array<i32>} : memref<320x256xf32, #tpu.memory_space<vmem>>, vector<16xf32>,
      tpu.vector_store %arg14[%swap3A_97, %swap3A_98], %add3A_96 {strides = array<i32>} : memref<320x256xf32, #tpu.memory_space<vmem>>, vector<16xf32>,
      %get3A_100 = arith.index_cast %squeeze3A : i32 to index
      %get3A_101 = arith.constant 144 : index
      %get3A_102 = tpu.vector_load %arg14[%get3A_100, %get3A_101] {strides = array<i32>} : memref<320x256xf32, #tpu.memory_space<vmem>>, vector<16xf32>,
      %get3A_103 = arith.index_cast %while3A_68 : i32 to index
      %get3A_104 = arith.constant 16 : index
      %get3A_105 = tpu.vector_load %arg13[%get3A_103, %get3A_104] {strides = array<i32>} : memref<64x128xf32, #tpu.memory_space<vmem>>, vector<16xf32>,
      %add3A_106 = arith.addf %get3A_102, %get3A_105 : vector<16xf32>
      %swap3A_107 = arith.index_cast %squeeze3A : i32 to index
      %swap3A_108 = arith.constant 144 : index
      %swap3A_109 = tpu.vector_load %arg14[%swap3A_107, %swap3A_108] {strides = array<i32>} : memref<320x256xf32, #tpu.memory_space<vmem>>, vector<16xf32>,
      tpu.vector_store %arg14[%swap3A_107, %swap3A_108], %add3A_106 {strides = array<i32>} : memref<320x256xf32, #tpu.memory_space<vmem>>, vector<16xf32>,
      %get3A_110 = arith.index_cast %squeeze3A : i32 to index
      %get3A_111 = arith.constant 32 : index
      %get3A_112 = tpu.vector_load %arg14[%get3A_110, %get3A_111] {strides = array<i32>} : memref<320x256xf32, #tpu.memory_space<vmem>>, vector<16xf32>,
      %get3A_113 = arith.index_cast %while3A_68 : i32 to index
      %get3A_114 = arith.constant 32 : index
      %get3A_115 = tpu.vector_load %arg12[%get3A_113, %get3A_114] {strides = array<i32>} : memref<64x128xf32, #tpu.memory_space<vmem>>, vector<16xf32>,
      %add3A_116 = arith.addf %get3A_112, %get3A_115 : vector<16xf32>
      %swap3A_117 = arith.index_cast %squeeze3A : i32 to index
      %swap3A_118 = arith.constant 32 : index
      %swap3A_119 = tpu.vector_load %arg14[%swap3A_117, %swap3A_118] {strides = array<i32>} : memref<320x256xf32, #tpu.memory_space<vmem>>, vector<16xf32>,
      tpu.vector_store %arg14[%swap3A_117, %swap3A_118], %add3A_116 {strides = array<i32>} : memref<320x256xf32, #tpu.memory_space<vmem>>, vector<16xf32>,
      %get3A_120 = arith.index_cast %squeeze3A : i32 to index
      %get3A_121 = arith.constant 160 : index
      %get3A_122 = tpu.vector_load %arg14[%get3A_120, %get3A_121] {strides = array<i32>} : memref<320x256xf32, #tpu.memory_space<vmem>>, vector<16xf32>,
      %get3A_123 = arith.index_cast %while3A_68 : i32 to index
      %get3A_124 = arith.constant 32 : index
      %get3A_125 = tpu.vector_load %arg13[%get3A_123, %get3A_124] {strides = array<i32>} : memref<64x128xf32, #tpu.memory_space<vmem>>, vector<16xf32>,
      %add3A_126 = arith.addf %get3A_122, %get3A_125 : vector<16xf32>
      %swap3A_127 = arith.index_cast %squeeze3A : i32 to index
      %swap3A_128 = arith.constant 160 : index
      %swap3A_129 = tpu.vector_load %arg14[%swap3A_127, %swap3A_128] {strides = array<i32>} : memref<320x256xf32, #tpu.memory_space<vmem>>, vector<16xf32>,
      tpu.vector_store %arg14[%swap3A_127, %swap3A_128], %add3A_126 {strides = array<i32>} : memref<320x256xf32, #tpu.memory_space<vmem>>, vector<16xf32>,
      %get3A_130 = arith.index_cast %squeeze3A : i32 to index
      %get3A_131 = arith.constant 48 : index
      %get3A_132 = tpu.vector_load %arg14[%get3A_130, %get3A_131] {strides = array<i32>} : memref<320x256xf32, #tpu.memory_space<vmem>>, vector<16xf32>,
      %get3A_133 = arith.index_cast %while3A_68 : i32 to index
      %get3A_134 = arith.constant 48 : index
      %get3A_135 = tpu.vector_load %arg12[%get3A_133, %get3A_134] {strides = array<i32>} : memref<64x128xf32, #tpu.memory_space<vmem>>, vector<16xf32>,
      %add3A_136 = arith.addf %get3A_132, %get3A_135 : vector<16xf32>
      %swap3A_137 = arith.index_cast %squeeze3A : i32 to index
      %swap3A_138 = arith.constant 48 : index
      %swap3A_139 = tpu.vector_load %arg14[%swap3A_137, %swap3A_138] {strides = array<i32>} : memref<320x256xf32, #tpu.memory_space<vmem>>, vector<16xf32>,
      tpu.vector_store %arg14[%swap3A_137, %swap3A_138], %add3A_136 {strides = array<i32>} : memref<320x256xf32, #tpu.memory_space<vmem>>, vector<16xf32>,
      %get3A_140 = arith.index_cast %squeeze3A : i32 to index
      %get3A_141 = arith.constant 176 : index
      %get3A_142 = tpu.vector_load %arg14[%get3A_140, %get3A_141] {strides = array<i32>} : memref<320x256xf32, #tpu.memory_space<vmem>>, vector<16xf32>,
      %get3A_143 = arith.index_cast %while3A_68 : i32 to index
      %get3A_144 = arith.constant 48 : index
      %get3A_145 = tpu.vector_load %arg13[%get3A_143, %get3A_144] {strides = array<i32>} : memref<64x128xf32, #tpu.memory_space<vmem>>, vector<16xf32>,
      %add3A_146 = arith.addf %get3A_142, %get3A_145 : vector<16xf32>
      %swap3A_147 = arith.index_cast %squeeze3A : i32 to index
      %swap3A_148 = arith.constant 176 : index
      %swap3A_149 = tpu.vector_load %arg14[%swap3A_147, %swap3A_148] {strides = array<i32>} : memref<320x256xf32, #tpu.memory_space<vmem>>, vector<16xf32>,
      tpu.vector_store %arg14[%swap3A_147, %swap3A_148], %add3A_146 {strides = array<i32>} : memref<320x256xf32, #tpu.memory_space<vmem>>, vector<16xf32>,
      %get3A_150 = arith.index_cast %squeeze3A : i32 to index
      %get3A_151 = arith.constant 64 : index
      %get3A_152 = tpu.vector_load %arg14[%get3A_150, %get3A_151] {strides = array<i32>} : memref<320x256xf32, #tpu.memory_space<vmem>>, vector<16xf32>,
      %get3A_153 = arith.index_cast %while3A_68 : i32 to index
      %get3A_154 = arith.constant 64 : index
      %get3A_155 = tpu.vector_load %arg12[%get3A_153, %get3A_154] {strides = array<i32>} : memref<64x128xf32, #tpu.memory_space<vmem>>, vector<16xf32>,
      %add3A_156 = arith.addf %get3A_152, %get3A_155 : vector<16xf32>
      %swap3A_157 = arith.index_cast %squeeze3A : i32 to index
      %swap3A_158 = arith.constant 64 : index
      %swap3A_159 = tpu.vector_load %arg14[%swap3A_157, %swap3A_158] {strides = array<i32>} : memref<320x256xf32, #tpu.memory_space<vmem>>, vector<16xf32>,
      tpu.vector_store %arg14[%swap3A_157, %swap3A_158], %add3A_156 {strides = array<i32>} : memref<320x256xf32, #tpu.memory_space<vmem>>, vector<16xf32>,
      %get3A_160 = arith.index_cast %squeeze3A : i32 to index
      %get3A_161 = arith.constant 192 : index
      %get3A_162 = tpu.vector_load %arg14[%get3A_160, %get3A_161] {strides = array<i32>} : memref<320x256xf32, #tpu.memory_space<vmem>>, vector<16xf32>,
      %get3A_163 = arith.index_cast %while3A_68 : i32 to index
      %get3A_164 = arith.constant 64 : index
      %get3A_165 = tpu.vector_load %arg13[%get3A_163, %get3A_164] {strides = array<i32>} : memref<64x128xf32, #tpu.memory_space<vmem>>, vector<16xf32>,
      %add3A_166 = arith.addf %get3A_162, %get3A_165 : vector<16xf32>
      %swap3A_167 = arith.index_cast %squeeze3A : i32 to index
      %swap3A_168 = arith.constant 192 : index
      %swap3A_169 = tpu.vector_load %arg14[%swap3A_167, %swap3A_168] {strides = array<i32>} : memref<320x256xf32, #tpu.memory_space<vmem>>, vector<16xf32>,
      tpu.vector_store %arg14[%swap3A_167, %swap3A_168], %add3A_166 {strides = array<i32>} : memref<320x256xf32, #tpu.memory_space<vmem>>, vector<16xf32>,
      %get3A_170 = arith.index_cast %squeeze3A : i32 to index
      %get3A_171 = arith.constant 80 : index
      %get3A_172 = tpu.vector_load %arg14[%get3A_170, %get3A_171] {strides = array<i32>} : memref<320x256xf32, #tpu.memory_space<vmem>>, vector<16xf32>,
      %get3A_173 = arith.index_cast %while3A_68 : i32 to index
      %get3A_174 = arith.constant 80 : index
      %get3A_175 = tpu.vector_load %arg12[%get3A_173, %get3A_174] {strides = array<i32>} : memref<64x128xf32, #tpu.memory_space<vmem>>, vector<16xf32>,
      %add3A_176 = arith.addf %get3A_172, %get3A_175 : vector<16xf32>
      %swap3A_177 = arith.index_cast %squeeze3A : i32 to index
      %swap3A_178 = arith.constant 80 : index
      %swap3A_179 = tpu.vector_load %arg14[%swap3A_177, %swap3A_178] {strides = array<i32>} : memref<320x256xf32, #tpu.memory_space<vmem>>, vector<16xf32>,
      tpu.vector_store %arg14[%swap3A_177, %swap3A_178], %add3A_176 {strides = array<i32>} : memref<320x256xf32, #tpu.memory_space<vmem>>, vector<16xf32>,
      %get3A_180 = arith.index_cast %squeeze3A : i32 to index
      %get3A_181 = arith.constant 208 : index
      %get3A_182 = tpu.vector_load %arg14[%get3A_180, %get3A_181] {strides = array<i32>} : memref<320x256xf32, #tpu.memory_space<vmem>>, vector<16xf32>,
      %get3A_183 = arith.index_cast %while3A_68 : i32 to index
      %get3A_184 = arith.constant 80 : index
      %get3A_185 = tpu.vector_load %arg13[%get3A_183, %get3A_184] {strides = array<i32>} : memref<64x128xf32, #tpu.memory_space<vmem>>, vector<16xf32>,
      %add3A_186 = arith.addf %get3A_182, %get3A_185 : vector<16xf32>
      %swap3A_187 = arith.index_cast %squeeze3A : i32 to index
      %swap3A_188 = arith.constant 208 : index
      %swap3A_189 = tpu.vector_load %arg14[%swap3A_187, %swap3A_188] {strides = array<i32>} : memref<320x256xf32, #tpu.memory_space<vmem>>, vector<16xf32>,
      tpu.vector_store %arg14[%swap3A_187, %swap3A_188], %add3A_186 {strides = array<i32>} : memref<320x256xf32, #tpu.memory_space<vmem>>, vector<16xf32>,
      %get3A_190 = arith.index_cast %squeeze3A : i32 to index
      %get3A_191 = arith.constant 96 : index
      %get3A_192 = tpu.vector_load %arg14[%get3A_190, %get3A_191] {strides = array<i32>} : memref<320x256xf32, #tpu.memory_space<vmem>>, vector<16xf32>,
      %get3A_193 = arith.index_cast %while3A_68 : i32 to index
      %get3A_194 = arith.constant 96 : index
      %get3A_195 = tpu.vector_load %arg12[%get3A_193, %get3A_194] {strides = array<i32>} : memref<64x128xf32, #tpu.memory_space<vmem>>, vector<16xf32>,
      %add3A_196 = arith.addf %get3A_192, %get3A_195 : vector<16xf32>
      %swap3A_197 = arith.index_cast %squeeze3A : i32 to index
      %swap3A_198 = arith.constant 96 : index
      %swap3A_199 = tpu.vector_load %arg14[%swap3A_197, %swap3A_198] {strides = array<i32>} : memref<320x256xf32, #tpu.memory_space<vmem>>, vector<16xf32>,
      tpu.vector_store %arg14[%swap3A_197, %swap3A_198], %add3A_196 {strides = array<i32>} : memref<320x256xf32, #tpu.memory_space<vmem>>, vector<16xf32>,
      %get3A_200 = arith.index_cast %squeeze3A : i32 to index
      %get3A_201 = arith.constant 224 : index
      %get3A_202 = tpu.vector_load %arg14[%get3A_200, %get3A_201] {strides = array<i32>} : memref<320x256xf32, #tpu.memory_space<vmem>>, vector<16xf32>,
      %get3A_203 = arith.index_cast %while3A_68 : i32 to index
      %get3A_204 = arith.constant 96 : index
      %get3A_205 = tpu.vector_load %arg13[%get3A_203, %get3A_204] {strides = array<i32>} : memref<64x128xf32, #tpu.memory_space<vmem>>, vector<16xf32>,
      %add3A_206 = arith.addf %get3A_202, %get3A_205 : vector<16xf32>
      %swap3A_207 = arith.index_cast %squeeze3A : i32 to index
      %swap3A_208 = arith.constant 224 : index
      %swap3A_209 = tpu.vector_load %arg14[%swap3A_207, %swap3A_208] {strides = array<i32>} : memref<320x256xf32, #tpu.memory_space<vmem>>, vector<16xf32>,
      tpu.vector_store %arg14[%swap3A_207, %swap3A_208], %add3A_206 {strides = array<i32>} : memref<320x256xf32, #tpu.memory_space<vmem>>, vector<16xf32>,
      %get3A_210 = arith.index_cast %squeeze3A : i32 to index
      %get3A_211 = arith.constant 112 : index
      %get3A_212 = tpu.vector_load %arg14[%get3A_210, %get3A_211] {strides = array<i32>} : memref<320x256xf32, #tpu.memory_space<vmem>>, vector<16xf32>,
      %get3A_213 = arith.index_cast %while3A_68 : i32 to index
      %get3A_214 = arith.constant 112 : index
      %get3A_215 = tpu.vector_load %arg12[%get3A_213, %get3A_214] {strides = array<i32>} : memref<64x128xf32, #tpu.memory_space<vmem>>, vector<16xf32>,
      %add3A_216 = arith.addf %get3A_212, %get3A_215 : vector<16xf32>
      %swap3A_217 = arith.index_cast %squeeze3A : i32 to index
      %swap3A_218 = arith.constant 112 : index
      %swap3A_219 = tpu.vector_load %arg14[%swap3A_217, %swap3A_218] {strides = array<i32>} : memref<320x256xf32, #tpu.memory_space<vmem>>, vector<16xf32>,
      tpu.vector_store %arg14[%swap3A_217, %swap3A_218], %add3A_216 {strides = array<i32>} : memref<320x256xf32, #tpu.memory_space<vmem>>, vector<16xf32>,
      %get3A_220 = arith.index_cast %squeeze3A : i32 to index
      %get3A_221 = arith.constant 240 : index
      %get3A_222 = tpu.vector_load %arg14[%get3A_220, %get3A_221] {strides = array<i32>} : memref<320x256xf32, #tpu.memory_space<vmem>>, vector<16xf32>,
      %get3A_223 = arith.index_cast %while3A_68 : i32 to index
      %get3A_224 = arith.constant 112 : index
      %get3A_225 = tpu.vector_load %arg13[%get3A_223, %get3A_224] {strides = array<i32>} : memref<64x128xf32, #tpu.memory_space<vmem>>, vector<16xf32>,
      %add3A_226 = arith.addf %get3A_222, %get3A_225 : vector<16xf32>
      %swap3A_227 = arith.index_cast %squeeze3A : i32 to index
      %swap3A_228 = arith.constant 240 : index
      %swap3A_229 = tpu.vector_load %arg14[%swap3A_227, %swap3A_228] {strides = array<i32>} : memref<320x256xf32, #tpu.memory_space<vmem>>, vector<16xf32>,
      tpu.vector_store %arg14[%swap3A_227, %swap3A_228], %add3A_226 {strides = array<i32>} : memref<320x256xf32, #tpu.memory_space<vmem>>, vector<16xf32>,
    }
    "tpu.region"() ({
      %run_scoped3A = tpu.sem_alloc : memref<!tpu.dma_semaphore, #tpu.memory_space<semaphore_mem>>
      %dma_start3A_68 = arith.constant 0 : i32
      %dma_start3A_69 = tpu.memref_slice %arg7[%mul3A_2, %dma_start3A_68] : memref<10240x256xf32, #tpu.memory_space<hbm>> -> memref<320x256xf32, #tpu.memory_space<hbm>>
      %dma_start3A_70 = arith.constant 0 : i32
      %dma_start3A_71 = tpu.memref_slice %arg7[%mul3A_2, %dma_start3A_70] : memref<10240x256xf32, #tpu.memory_space<hbm>> -> memref<320x256xf32, #tpu.memory_space<hbm>>
      tpu.enqueue_dma source(%arg14 : memref<320x256xf32, #tpu.memory_space<vmem>>) target(%dma_start3A_71 : memref<320x256xf32, #tpu.memory_space<hbm>>) target_semaphore(%run_scoped3A : memref<!tpu.dma_semaphore, #tpu.memory_space<semaphore_mem>>)
      %dma_wait3A_72 = arith.constant 0 : i32
      %dma_wait3A_73 = tpu.memref_slice %arg7[%mul3A_2, %dma_wait3A_72] : memref<10240x256xf32, #tpu.memory_space<hbm>> -> memref<320x256xf32, #tpu.memory_space<hbm>>
      %dma_wait3A_74 = arith.constant 0 : i32
      %dma_wait3A_75 = tpu.memref_slice %arg7[%mul3A_2, %dma_wait3A_74] : memref<10240x256xf32, #tpu.memory_space<hbm>> -> memref<320x256xf32, #tpu.memory_space<hbm>>
      tpu.wait_dma2 semaphore(%run_scoped3A : memref<!tpu.dma_semaphore, #tpu.memory_space<semaphore_mem>>) src(%arg14 : memref<320x256xf32, #tpu.memory_space<vmem>>) dst(%dma_wait3A_75 : memref<320x256xf32, #tpu.memory_space<hbm>>)
      tpu.yield
    }) : () -> ()
    return
  }
}

#map = affine_map<(d0, d1) -> (0, 0)>
#map1 = affine_map<(d0, d1) -> (0)>
module attributes {stable_mosaic.version = 14 : i64} {
  func.func @k(%arg0: i32, %arg1: i32, %arg2: memref<10240x128xf32, #tpu.memory_space<hbm>>, %arg3: memref<10240xi32, #tpu.memory_space<hbm>>, %arg4: memref<8192x128xf32, #tpu.memory_space<hbm>>, %arg5: memref<64xi32, #tpu.memory_space<vmem>>, %arg6: memref<64xi32, #tpu.memory_space<vmem>>, %arg7: memref<64x128xf32, #tpu.memory_space<vmem>>, %arg8: memref<!tpu.dma_semaphore, #tpu.memory_space<semaphore_mem>>) attributes {dimension_semantics = [#tpu.dimension_semantics<core_parallel>, #tpu.dimension_semantics<subcore_parallel>], iteration_bounds = array<i64: 2, 16>, scalar_prefetch = 0 : i64, scratch_operands = 4 : i64, tpu.core_type = #tpu.core_type<sc_vector_subcore>, window_params = [{transform_indices = #map}, {transform_indices = #map1}, {transform_indices = #map}]} {
    %mul3A = arith.constant 2 : i32
    %mul3A_0 = arith.muli %arg1, %mul3A : i32
    %add3A = arith.addi %mul3A_0, %arg0 : i32
    %mul3A_1 = arith.constant 320 : i32
    %mul3A_2 = arith.muli %add3A, %mul3A_1 : i32
    %scan3A = arith.constant 0 : i32
    %scan3A_3 = arith.constant 0 : i32
    %scan3A_4 = arith.constant 5 : i32
    %scan3A_5 = arith.addi %scan3A_3, %scan3A_4 : i32
    %scan3A_6 = arith.constant 1 : i32
    scf.for %scan3A_8 = %scan3A_3 to %scan3A_5 step %scan3A_6  : i32 {
      %mul3A_9 = arith.constant 64 : i32
      %mul3A_10 = arith.muli %scan3A_8, %mul3A_9 : i32
      %add3A_11 = arith.addi %mul3A_2, %mul3A_10 : i32
      "tpu.region"() ({
        %run_scoped3A = tpu.sem_alloc : memref<!tpu.dma_semaphore, #tpu.memory_space<semaphore_mem>>
        %dma_start3A_41 = tpu.memref_slice %arg3[%add3A_11] : memref<10240xi32, #tpu.memory_space<hbm>> -> memref<64xi32, #tpu.memory_space<hbm>>
        %dma_start3A_42 = tpu.memref_slice %arg3[%add3A_11] : memref<10240xi32, #tpu.memory_space<hbm>> -> memref<64xi32, #tpu.memory_space<hbm>>
        tpu.enqueue_dma source(%dma_start3A_42 : memref<64xi32, #tpu.memory_space<hbm>>) target(%arg5 : memref<64xi32, #tpu.memory_space<vmem>>) target_semaphore(%run_scoped3A : memref<!tpu.dma_semaphore, #tpu.memory_space<semaphore_mem>>)
        %dma_wait3A_43 = tpu.memref_slice %arg3[%add3A_11] : memref<10240xi32, #tpu.memory_space<hbm>> -> memref<64xi32, #tpu.memory_space<hbm>>
        %dma_wait3A_44 = tpu.memref_slice %arg3[%add3A_11] : memref<10240xi32, #tpu.memory_space<hbm>> -> memref<64xi32, #tpu.memory_space<hbm>>
        tpu.wait_dma2 semaphore(%run_scoped3A : memref<!tpu.dma_semaphore, #tpu.memory_space<semaphore_mem>>) src(%dma_wait3A_44 : memref<64xi32, #tpu.memory_space<hbm>>) dst(%arg5 : memref<64xi32, #tpu.memory_space<vmem>>)
        tpu.yield
      }) : () -> ()
      %get3A = arith.constant 0 : index
      %get3A_12 = tpu.vector_load %arg5[%get3A] {strides = array<i32>} : memref<64xi32, #tpu.memory_space<vmem>>, vector<16xi32>,
      %min3A = arith.constant 8000 : i32
      %min3A_13 = vector.broadcast %min3A : i32 to vector<16xi32>
      %min3A_14 = arith.minsi %get3A_12, %min3A_13 : vector<16xi32>
      %swap3A = arith.constant 0 : index
      %swap3A_15 = tpu.vector_load %arg6[%swap3A] {strides = array<i32>} : memref<64xi32, #tpu.memory_space<vmem>>, vector<16xi32>,
      tpu.vector_store %arg6[%swap3A], %min3A_14 {strides = array<i32>} : memref<64xi32, #tpu.memory_space<vmem>>, vector<16xi32>,
      %get3A_16 = arith.constant 16 : index
      %get3A_17 = tpu.vector_load %arg5[%get3A_16] {strides = array<i32>} : memref<64xi32, #tpu.memory_space<vmem>>, vector<16xi32>,
      %min3A_18 = arith.constant 8000 : i32
      %min3A_19 = vector.broadcast %min3A_18 : i32 to vector<16xi32>
      %min3A_20 = arith.minsi %get3A_17, %min3A_19 : vector<16xi32>
      %swap3A_21 = arith.constant 16 : index
      %swap3A_22 = tpu.vector_load %arg6[%swap3A_21] {strides = array<i32>} : memref<64xi32, #tpu.memory_space<vmem>>, vector<16xi32>,
      tpu.vector_store %arg6[%swap3A_21], %min3A_20 {strides = array<i32>} : memref<64xi32, #tpu.memory_space<vmem>>, vector<16xi32>,
      %get3A_23 = arith.constant 32 : index
      %get3A_24 = tpu.vector_load %arg5[%get3A_23] {strides = array<i32>} : memref<64xi32, #tpu.memory_space<vmem>>, vector<16xi32>,
      %min3A_25 = arith.constant 8000 : i32
      %min3A_26 = vector.broadcast %min3A_25 : i32 to vector<16xi32>
      %min3A_27 = arith.minsi %get3A_24, %min3A_26 : vector<16xi32>
      %swap3A_28 = arith.constant 32 : index
      %swap3A_29 = tpu.vector_load %arg6[%swap3A_28] {strides = array<i32>} : memref<64xi32, #tpu.memory_space<vmem>>, vector<16xi32>,
      tpu.vector_store %arg6[%swap3A_28], %min3A_27 {strides = array<i32>} : memref<64xi32, #tpu.memory_space<vmem>>, vector<16xi32>,
      %get3A_30 = arith.constant 48 : index
      %get3A_31 = tpu.vector_load %arg5[%get3A_30] {strides = array<i32>} : memref<64xi32, #tpu.memory_space<vmem>>, vector<16xi32>,
      %min3A_32 = arith.constant 8000 : i32
      %min3A_33 = vector.broadcast %min3A_32 : i32 to vector<16xi32>
      %min3A_34 = arith.minsi %get3A_31, %min3A_33 : vector<16xi32>
      %swap3A_35 = arith.constant 48 : index
      %swap3A_36 = tpu.vector_load %arg6[%swap3A_35] {strides = array<i32>} : memref<64xi32, #tpu.memory_space<vmem>>, vector<16xi32>,
      tpu.vector_store %arg6[%swap3A_35], %min3A_34 {strides = array<i32>} : memref<64xi32, #tpu.memory_space<vmem>>, vector<16xi32>,
      "tpu.region"() ({
        %run_scoped3A = tpu.sem_alloc : memref<!tpu.dma_semaphore, #tpu.memory_space<semaphore_mem>>
        %dma_start3A_41 = arith.constant 0 : i32
        %dma_start3A_42 = tpu.memref_slice %arg2[%add3A_11, %dma_start3A_41] : memref<10240x128xf32, #tpu.memory_space<hbm>> -> memref<64x128xf32, #tpu.memory_space<hbm>>
        %dma_start3A_43 = arith.constant 0 : i32
        %dma_start3A_44 = tpu.memref_slice %arg2[%add3A_11, %dma_start3A_43] : memref<10240x128xf32, #tpu.memory_space<hbm>> -> memref<64x128xf32, #tpu.memory_space<hbm>>
        tpu.enqueue_dma source(%dma_start3A_44 : memref<64x128xf32, #tpu.memory_space<hbm>>) target(%arg7 : memref<64x128xf32, #tpu.memory_space<vmem>>) target_semaphore(%run_scoped3A : memref<!tpu.dma_semaphore, #tpu.memory_space<semaphore_mem>>)
        %dma_wait3A_45 = arith.constant 0 : i32
        %dma_wait3A_46 = tpu.memref_slice %arg2[%add3A_11, %dma_wait3A_45] : memref<10240x128xf32, #tpu.memory_space<hbm>> -> memref<64x128xf32, #tpu.memory_space<hbm>>
        %dma_wait3A_47 = arith.constant 0 : i32
        %dma_wait3A_48 = tpu.memref_slice %arg2[%add3A_11, %dma_wait3A_47] : memref<10240x128xf32, #tpu.memory_space<hbm>> -> memref<64x128xf32, #tpu.memory_space<hbm>>
        tpu.wait_dma2 semaphore(%run_scoped3A : memref<!tpu.dma_semaphore, #tpu.memory_space<semaphore_mem>>) src(%dma_wait3A_48 : memref<64x128xf32, #tpu.memory_space<hbm>>) dst(%arg7 : memref<64x128xf32, #tpu.memory_space<vmem>>)
        tpu.yield
      }) : () -> ()
      %dma_start3A = arith.constant 0 : i32
      %dma_start3A_37 = arith.constant 0 : i32
      %dma_start3A_38 = tpu.memref_slice %arg4[%dma_start3A, %dma_start3A_37] : memref<8192x128xf32, #tpu.memory_space<hbm>> -> memref<8192x128xf32, #tpu.memory_space<hbm>>
      tpu.enqueue_indirect_dma source(%arg7 : memref<64x128xf32, #tpu.memory_space<vmem>>) target(%dma_start3A_38 : memref<8192x128xf32, #tpu.memory_space<hbm>>) offsets(%arg6 : memref<64xi32, #tpu.memory_space<vmem>>) semaphore(%arg8 : memref<!tpu.dma_semaphore, #tpu.memory_space<semaphore_mem>>)
      %dma_wait3A = arith.constant 0 : i32
      %dma_wait3A_39 = arith.constant 0 : i32
      %dma_wait3A_40 = tpu.memref_slice %arg4[%dma_wait3A, %dma_wait3A_39] : memref<8192x128xf32, #tpu.memory_space<hbm>> -> memref<8192x128xf32, #tpu.memory_space<hbm>>
      tpu.wait_indirect_dma semaphore(%arg8 : memref<!tpu.dma_semaphore, #tpu.memory_space<semaphore_mem>>) src(%arg7 : memref<64x128xf32, #tpu.memory_space<vmem>>) dst(%dma_wait3A_40 : memref<8192x128xf32, #tpu.memory_space<hbm>>)
    }
    %scan3A_7 = arith.constant 5 : i32
    return
  }
}

#map = affine_map<(d0, d1) -> (0)>
module attributes {stable_mosaic.version = 14 : i64} {
  func.func @k(%arg0: i32, %arg1: i32, %arg2: memref<163840xi32, #tpu.memory_space<hbm>>, %arg3: memref<163840xi32, #tpu.memory_space<hbm>>, %arg4: memref<10240xi32, #tpu.memory_space<hbm>>, %arg5: memref<163840xi32, #tpu.memory_space<hbm>>, %arg6: memref<163840xi32, #tpu.memory_space<hbm>>, %arg7: memref<10240xi32, #tpu.memory_space<vmem>>, %arg8: memref<5120xi32, #tpu.memory_space<vmem>>, %arg9: memref<5120xi32, #tpu.memory_space<vmem>>, %arg10: memref<5120xi32, #tpu.memory_space<vmem>>, %arg11: memref<5120xi32, #tpu.memory_space<vmem>>) attributes {dimension_semantics = [#tpu.dimension_semantics<core_parallel>, #tpu.dimension_semantics<subcore_parallel>], iteration_bounds = array<i64: 2, 16>, scalar_prefetch = 0 : i64, scratch_operands = 5 : i64, tpu.core_type = #tpu.core_type<sc_vector_subcore>, window_params = [{transform_indices = #map}, {transform_indices = #map}, {transform_indices = #map}, {transform_indices = #map}, {transform_indices = #map}]} {
    %mul3A = arith.constant 2 : i32
    %mul3A_0 = arith.muli %arg1, %mul3A : i32
    %add3A = arith.addi %mul3A_0, %arg0 : i32
    %mul3A_1 = arith.constant 5120 : i32
    %mul3A_2 = arith.muli %add3A, %mul3A_1 : i32
    "tpu.region"() ({
      %run_scoped3A = tpu.sem_alloc : memref<!tpu.dma_semaphore, #tpu.memory_space<semaphore_mem>>
      tpu.enqueue_dma source(%arg4 : memref<10240xi32, #tpu.memory_space<hbm>>) target(%arg7 : memref<10240xi32, #tpu.memory_space<vmem>>) target_semaphore(%run_scoped3A : memref<!tpu.dma_semaphore, #tpu.memory_space<semaphore_mem>>)
      tpu.wait_dma2 semaphore(%run_scoped3A : memref<!tpu.dma_semaphore, #tpu.memory_space<semaphore_mem>>) src(%arg4 : memref<10240xi32, #tpu.memory_space<hbm>>) dst(%arg7 : memref<10240xi32, #tpu.memory_space<vmem>>)
      tpu.yield
    }) : () -> ()
    "tpu.region"() ({
      %run_scoped3A = tpu.sem_alloc : memref<!tpu.dma_semaphore, #tpu.memory_space<semaphore_mem>>
      %dma_start3A = tpu.memref_slice %arg2[%mul3A_2] : memref<163840xi32, #tpu.memory_space<hbm>> -> memref<5120xi32, #tpu.memory_space<hbm>>
      %dma_start3A_9 = tpu.memref_slice %arg2[%mul3A_2] : memref<163840xi32, #tpu.memory_space<hbm>> -> memref<5120xi32, #tpu.memory_space<hbm>>
      tpu.enqueue_dma source(%dma_start3A_9 : memref<5120xi32, #tpu.memory_space<hbm>>) target(%arg8 : memref<5120xi32, #tpu.memory_space<vmem>>) target_semaphore(%run_scoped3A : memref<!tpu.dma_semaphore, #tpu.memory_space<semaphore_mem>>)
      %dma_wait3A = tpu.memref_slice %arg2[%mul3A_2] : memref<163840xi32, #tpu.memory_space<hbm>> -> memref<5120xi32, #tpu.memory_space<hbm>>
      %dma_wait3A_10 = tpu.memref_slice %arg2[%mul3A_2] : memref<163840xi32, #tpu.memory_space<hbm>> -> memref<5120xi32, #tpu.memory_space<hbm>>
      tpu.wait_dma2 semaphore(%run_scoped3A : memref<!tpu.dma_semaphore, #tpu.memory_space<semaphore_mem>>) src(%dma_wait3A_10 : memref<5120xi32, #tpu.memory_space<hbm>>) dst(%arg8 : memref<5120xi32, #tpu.memory_space<vmem>>)
      tpu.yield
    }) : () -> ()
    "tpu.region"() ({
      %run_scoped3A = tpu.sem_alloc : memref<!tpu.dma_semaphore, #tpu.memory_space<semaphore_mem>>
      %dma_start3A = tpu.memref_slice %arg3[%mul3A_2] : memref<163840xi32, #tpu.memory_space<hbm>> -> memref<5120xi32, #tpu.memory_space<hbm>>
      %dma_start3A_9 = tpu.memref_slice %arg3[%mul3A_2] : memref<163840xi32, #tpu.memory_space<hbm>> -> memref<5120xi32, #tpu.memory_space<hbm>>
      tpu.enqueue_dma source(%dma_start3A_9 : memref<5120xi32, #tpu.memory_space<hbm>>) target(%arg9 : memref<5120xi32, #tpu.memory_space<vmem>>) target_semaphore(%run_scoped3A : memref<!tpu.dma_semaphore, #tpu.memory_space<semaphore_mem>>)
      %dma_wait3A = tpu.memref_slice %arg3[%mul3A_2] : memref<163840xi32, #tpu.memory_space<hbm>> -> memref<5120xi32, #tpu.memory_space<hbm>>
      %dma_wait3A_10 = tpu.memref_slice %arg3[%mul3A_2] : memref<163840xi32, #tpu.memory_space<hbm>> -> memref<5120xi32, #tpu.memory_space<hbm>>
      tpu.wait_dma2 semaphore(%run_scoped3A : memref<!tpu.dma_semaphore, #tpu.memory_space<semaphore_mem>>) src(%dma_wait3A_10 : memref<5120xi32, #tpu.memory_space<hbm>>) dst(%arg9 : memref<5120xi32, #tpu.memory_space<vmem>>)
      tpu.yield
    }) : () -> ()
    %scan3A = arith.constant 0 : i32
    %scan3A_3 = arith.constant 8000 : i32
    %scan3A_4 = arith.constant 0 : i32
    %scan3A_5 = arith.constant 320 : i32
    %scan3A_6 = arith.addi %scan3A_4, %scan3A_5 : i32
    %scan3A_7 = arith.constant 1 : i32
    scf.for %scan3A_9 = %scan3A_4 to %scan3A_6 step %scan3A_7  : i32 {
      %mul3A_10 = arith.constant 16 : i32
      %mul3A_11 = arith.muli %scan3A_9, %mul3A_10 : i32
      %get3A = arith.index_cast %mul3A_11 : i32 to index
      %get3A_12 = tpu.vector_load %arg8[%get3A] {strides = array<i32>} : memref<5120xi32, #tpu.memory_space<vmem>>, vector<16xi32>,
      %gather3A = tpu.vector_load_idx %arg7[%get3A_12] : memref<10240xi32, #tpu.memory_space<vmem>>[vector<16xi32>], vector<16xi32>,
      %get3A_13 = arith.index_cast %mul3A_11 : i32 to index
      %get3A_14 = tpu.vector_load %arg9[%get3A_13] {strides = array<i32>} : memref<5120xi32, #tpu.memory_space<vmem>>, vector<16xi32>,
      %gather3A_15 = tpu.vector_load_idx %arg7[%get3A_14] : memref<10240xi32, #tpu.memory_space<vmem>>[vector<16xi32>], vector<16xi32>,
      %lt3A = vector.broadcast %scan3A_3 : i32 to vector<16xi32>
      %lt3A_16 = arith.cmpi slt, %gather3A, %lt3A : vector<16xi32>
      %lt3A_17 = vector.broadcast %scan3A_3 : i32 to vector<16xi32>
      %lt3A_18 = arith.cmpi slt, %gather3A_15, %lt3A_17 : vector<16xi32>
      %and3A = arith.andi %lt3A_16, %lt3A_18 : vector<16xi1>
      %jit3A = arith.constant 0 : i32
      %broadcast_in_dim3A = vector.broadcast %jit3A : i32 to vector<16xi32>
      %select_n3A = arith.select %and3A, %gather3A, %broadcast_in_dim3A : vector<16xi1>, vector<16xi32>
      %swap3A = arith.index_cast %mul3A_11 : i32 to index
      %swap3A_19 = tpu.vector_load %arg10[%swap3A] {strides = array<i32>} : memref<5120xi32, #tpu.memory_space<vmem>>, vector<16xi32>,
      tpu.vector_store %arg10[%swap3A], %select_n3A {strides = array<i32>} : memref<5120xi32, #tpu.memory_space<vmem>>, vector<16xi32>,
      %broadcast_in_dim3A_20 = vector.broadcast %scan3A_3 : i32 to vector<16xi32>
      %select_n3A_21 = arith.select %and3A, %gather3A_15, %broadcast_in_dim3A_20 : vector<16xi1>, vector<16xi32>
      %swap3A_22 = arith.index_cast %mul3A_11 : i32 to index
      %swap3A_23 = tpu.vector_load %arg11[%swap3A_22] {strides = array<i32>} : memref<5120xi32, #tpu.memory_space<vmem>>, vector<16xi32>,
      tpu.vector_store %arg11[%swap3A_22], %select_n3A_21 {strides = array<i32>} : memref<5120xi32, #tpu.memory_space<vmem>>, vector<16xi32>,
    }
    %scan3A_8 = arith.constant 320 : i32
    "tpu.region"() ({
      %run_scoped3A = tpu.sem_alloc : memref<!tpu.dma_semaphore, #tpu.memory_space<semaphore_mem>>
      %dma_start3A = tpu.memref_slice %arg5[%mul3A_2] : memref<163840xi32, #tpu.memory_space<hbm>> -> memref<5120xi32, #tpu.memory_space<hbm>>
      %dma_start3A_9 = tpu.memref_slice %arg5[%mul3A_2] : memref<163840xi32, #tpu.memory_space<hbm>> -> memref<5120xi32, #tpu.memory_space<hbm>>
      tpu.enqueue_dma source(%arg10 : memref<5120xi32, #tpu.memory_space<vmem>>) target(%dma_start3A_9 : memref<5120xi32, #tpu.memory_space<hbm>>) target_semaphore(%run_scoped3A : memref<!tpu.dma_semaphore, #tpu.memory_space<semaphore_mem>>)
      %dma_wait3A = tpu.memref_slice %arg5[%mul3A_2] : memref<163840xi32, #tpu.memory_space<hbm>> -> memref<5120xi32, #tpu.memory_space<hbm>>
      %dma_wait3A_10 = tpu.memref_slice %arg5[%mul3A_2] : memref<163840xi32, #tpu.memory_space<hbm>> -> memref<5120xi32, #tpu.memory_space<hbm>>
      tpu.wait_dma2 semaphore(%run_scoped3A : memref<!tpu.dma_semaphore, #tpu.memory_space<semaphore_mem>>) src(%arg10 : memref<5120xi32, #tpu.memory_space<vmem>>) dst(%dma_wait3A_10 : memref<5120xi32, #tpu.memory_space<hbm>>)
      tpu.yield
    }) : () -> ()
    "tpu.region"() ({
      %run_scoped3A = tpu.sem_alloc : memref<!tpu.dma_semaphore, #tpu.memory_space<semaphore_mem>>
      %dma_start3A = tpu.memref_slice %arg6[%mul3A_2] : memref<163840xi32, #tpu.memory_space<hbm>> -> memref<5120xi32, #tpu.memory_space<hbm>>
      %dma_start3A_9 = tpu.memref_slice %arg6[%mul3A_2] : memref<163840xi32, #tpu.memory_space<hbm>> -> memref<5120xi32, #tpu.memory_space<hbm>>
      tpu.enqueue_dma source(%arg11 : memref<5120xi32, #tpu.memory_space<vmem>>) target(%dma_start3A_9 : memref<5120xi32, #tpu.memory_space<hbm>>) target_semaphore(%run_scoped3A : memref<!tpu.dma_semaphore, #tpu.memory_space<semaphore_mem>>)
      %dma_wait3A = tpu.memref_slice %arg6[%mul3A_2] : memref<163840xi32, #tpu.memory_space<hbm>> -> memref<5120xi32, #tpu.memory_space<hbm>>
      %dma_wait3A_10 = tpu.memref_slice %arg6[%mul3A_2] : memref<163840xi32, #tpu.memory_space<hbm>> -> memref<5120xi32, #tpu.memory_space<hbm>>
      tpu.wait_dma2 semaphore(%run_scoped3A : memref<!tpu.dma_semaphore, #tpu.memory_space<semaphore_mem>>) src(%arg11 : memref<5120xi32, #tpu.memory_space<vmem>>) dst(%dma_wait3A_10 : memref<5120xi32, #tpu.memory_space<hbm>>)
      tpu.yield
    }) : () -> ()
    return
  }
}

#map = affine_map<(d0, d1) -> (0, 0)>
#map1 = affine_map<(d0, d1) -> (0)>
module attributes {stable_mosaic.version = 14 : i64} {
  func.func @k(%arg0: i32, %arg1: i32, %arg2: memref<8192x128xf32, #tpu.memory_space<hbm>>, %arg3: memref<163840xi32, #tpu.memory_space<hbm>>, %arg4: memref<163840xi32, #tpu.memory_space<hbm>>, %arg5: memref<256x128xf32, #tpu.memory_space<hbm>>, %arg6: memref<8192x128xf32, #tpu.memory_space<hbm>>, %arg7: memref<4096xi32, #tpu.memory_space<vmem>>, %arg8: memref<4096xi32, #tpu.memory_space<vmem>>, %arg9: memref<256xi32, #tpu.memory_space<vmem>>, %arg10: memref<256xi32, #tpu.memory_space<vmem>>, %arg11: memref<128x128xf32, #tpu.memory_space<vmem>>, %arg12: memref<256x128xf32, #tpu.memory_space<vmem>>, %arg13: memref<!tpu.dma_semaphore, #tpu.memory_space<semaphore_mem>>) attributes {dimension_semantics = [#tpu.dimension_semantics<core_parallel>, #tpu.dimension_semantics<subcore_parallel>], iteration_bounds = array<i64: 2, 16>, scalar_prefetch = 0 : i64, scratch_operands = 7 : i64, tpu.core_type = #tpu.core_type<sc_vector_subcore>, window_params = [{transform_indices = #map}, {transform_indices = #map1}, {transform_indices = #map1}, {transform_indices = #map}, {transform_indices = #map}]} {
    %mul3A = arith.constant 2 : i32
    %mul3A_0 = arith.muli %arg1, %mul3A : i32
    %add3A = arith.addi %mul3A_0, %arg0 : i32
    %mul3A_1 = arith.constant 256 : i32
    %mul3A_2 = arith.muli %add3A, %mul3A_1 : i32
    "tpu.region"() ({
      %run_scoped3A = tpu.sem_alloc : memref<!tpu.dma_semaphore, #tpu.memory_space<semaphore_mem>>
      tpu.enqueue_dma source(%arg5 : memref<256x128xf32, #tpu.memory_space<hbm>>) target(%arg12 : memref<256x128xf32, #tpu.memory_space<vmem>>) target_semaphore(%run_scoped3A : memref<!tpu.dma_semaphore, #tpu.memory_space<semaphore_mem>>)
      tpu.wait_dma2 semaphore(%run_scoped3A : memref<!tpu.dma_semaphore, #tpu.memory_space<semaphore_mem>>) src(%arg5 : memref<256x128xf32, #tpu.memory_space<hbm>>) dst(%arg12 : memref<256x128xf32, #tpu.memory_space<vmem>>)
      tpu.yield
    }) : () -> ()
    %broadcast_in_dim3A = arith.constant 0 : i32
    %broadcast_in_dim3A_3 = vector.broadcast %broadcast_in_dim3A : i32 to vector<16xi32>
    %swap3A = arith.constant 0 : index
    %swap3A_4 = tpu.vector_load %arg9[%swap3A] {strides = array<i32>} : memref<256xi32, #tpu.memory_space<vmem>>, vector<16xi32>,
    tpu.vector_store %arg9[%swap3A], %broadcast_in_dim3A_3 {strides = array<i32>} : memref<256xi32, #tpu.memory_space<vmem>>, vector<16xi32>,
    %swap3A_5 = arith.constant 16 : index
    %swap3A_6 = tpu.vector_load %arg9[%swap3A_5] {strides = array<i32>} : memref<256xi32, #tpu.memory_space<vmem>>, vector<16xi32>,
    tpu.vector_store %arg9[%swap3A_5], %broadcast_in_dim3A_3 {strides = array<i32>} : memref<256xi32, #tpu.memory_space<vmem>>, vector<16xi32>,
    %swap3A_7 = arith.constant 32 : index
    %swap3A_8 = tpu.vector_load %arg9[%swap3A_7] {strides = array<i32>} : memref<256xi32, #tpu.memory_space<vmem>>, vector<16xi32>,
    tpu.vector_store %arg9[%swap3A_7], %broadcast_in_dim3A_3 {strides = array<i32>} : memref<256xi32, #tpu.memory_space<vmem>>, vector<16xi32>,
    %swap3A_9 = arith.constant 48 : index
    %swap3A_10 = tpu.vector_load %arg9[%swap3A_9] {strides = array<i32>} : memref<256xi32, #tpu.memory_space<vmem>>, vector<16xi32>,
    tpu.vector_store %arg9[%swap3A_9], %broadcast_in_dim3A_3 {strides = array<i32>} : memref<256xi32, #tpu.memory_space<vmem>>, vector<16xi32>,
    %swap3A_11 = arith.constant 64 : index
    %swap3A_12 = tpu.vector_load %arg9[%swap3A_11] {strides = array<i32>} : memref<256xi32, #tpu.memory_space<vmem>>, vector<16xi32>,
    tpu.vector_store %arg9[%swap3A_11], %broadcast_in_dim3A_3 {strides = array<i32>} : memref<256xi32, #tpu.memory_space<vmem>>, vector<16xi32>,
    %swap3A_13 = arith.constant 80 : index
    %swap3A_14 = tpu.vector_load %arg9[%swap3A_13] {strides = array<i32>} : memref<256xi32, #tpu.memory_space<vmem>>, vector<16xi32>,
    tpu.vector_store %arg9[%swap3A_13], %broadcast_in_dim3A_3 {strides = array<i32>} : memref<256xi32, #tpu.memory_space<vmem>>, vector<16xi32>,
    %swap3A_15 = arith.constant 96 : index
    %swap3A_16 = tpu.vector_load %arg9[%swap3A_15] {strides = array<i32>} : memref<256xi32, #tpu.memory_space<vmem>>, vector<16xi32>,
    tpu.vector_store %arg9[%swap3A_15], %broadcast_in_dim3A_3 {strides = array<i32>} : memref<256xi32, #tpu.memory_space<vmem>>, vector<16xi32>,
    %swap3A_17 = arith.constant 112 : index
    %swap3A_18 = tpu.vector_load %arg9[%swap3A_17] {strides = array<i32>} : memref<256xi32, #tpu.memory_space<vmem>>, vector<16xi32>,
    tpu.vector_store %arg9[%swap3A_17], %broadcast_in_dim3A_3 {strides = array<i32>} : memref<256xi32, #tpu.memory_space<vmem>>, vector<16xi32>,
    %swap3A_19 = arith.constant 128 : index
    %swap3A_20 = tpu.vector_load %arg9[%swap3A_19] {strides = array<i32>} : memref<256xi32, #tpu.memory_space<vmem>>, vector<16xi32>,
    tpu.vector_store %arg9[%swap3A_19], %broadcast_in_dim3A_3 {strides = array<i32>} : memref<256xi32, #tpu.memory_space<vmem>>, vector<16xi32>,
    %swap3A_21 = arith.constant 144 : index
    %swap3A_22 = tpu.vector_load %arg9[%swap3A_21] {strides = array<i32>} : memref<256xi32, #tpu.memory_space<vmem>>, vector<16xi32>,
    tpu.vector_store %arg9[%swap3A_21], %broadcast_in_dim3A_3 {strides = array<i32>} : memref<256xi32, #tpu.memory_space<vmem>>, vector<16xi32>,
    %swap3A_23 = arith.constant 160 : index
    %swap3A_24 = tpu.vector_load %arg9[%swap3A_23] {strides = array<i32>} : memref<256xi32, #tpu.memory_space<vmem>>, vector<16xi32>,
    tpu.vector_store %arg9[%swap3A_23], %broadcast_in_dim3A_3 {strides = array<i32>} : memref<256xi32, #tpu.memory_space<vmem>>, vector<16xi32>,
    %swap3A_25 = arith.constant 176 : index
    %swap3A_26 = tpu.vector_load %arg9[%swap3A_25] {strides = array<i32>} : memref<256xi32, #tpu.memory_space<vmem>>, vector<16xi32>,
    tpu.vector_store %arg9[%swap3A_25], %broadcast_in_dim3A_3 {strides = array<i32>} : memref<256xi32, #tpu.memory_space<vmem>>, vector<16xi32>,
    %swap3A_27 = arith.constant 192 : index
    %swap3A_28 = tpu.vector_load %arg9[%swap3A_27] {strides = array<i32>} : memref<256xi32, #tpu.memory_space<vmem>>, vector<16xi32>,
    tpu.vector_store %arg9[%swap3A_27], %broadcast_in_dim3A_3 {strides = array<i32>} : memref<256xi32, #tpu.memory_space<vmem>>, vector<16xi32>,
    %swap3A_29 = arith.constant 208 : index
    %swap3A_30 = tpu.vector_load %arg9[%swap3A_29] {strides = array<i32>} : memref<256xi32, #tpu.memory_space<vmem>>, vector<16xi32>,
    tpu.vector_store %arg9[%swap3A_29], %broadcast_in_dim3A_3 {strides = array<i32>} : memref<256xi32, #tpu.memory_space<vmem>>, vector<16xi32>,
    %swap3A_31 = arith.constant 224 : index
    %swap3A_32 = tpu.vector_load %arg9[%swap3A_31] {strides = array<i32>} : memref<256xi32, #tpu.memory_space<vmem>>, vector<16xi32>,
    tpu.vector_store %arg9[%swap3A_31], %broadcast_in_dim3A_3 {strides = array<i32>} : memref<256xi32, #tpu.memory_space<vmem>>, vector<16xi32>,
    %swap3A_33 = arith.constant 240 : index
    %swap3A_34 = tpu.vector_load %arg9[%swap3A_33] {strides = array<i32>} : memref<256xi32, #tpu.memory_space<vmem>>, vector<16xi32>,
    tpu.vector_store %arg9[%swap3A_33], %broadcast_in_dim3A_3 {strides = array<i32>} : memref<256xi32, #tpu.memory_space<vmem>>, vector<16xi32>,
    %scan3A = arith.constant 0 : i32
    %scan3A_35 = arith.constant 0 : i32
    %scan3A_36 = arith.constant 40 : i32
    %scan3A_37 = arith.addi %scan3A_35, %scan3A_36 : i32
    %scan3A_38 = arith.constant 1 : i32
    %scan3A_39 = scf.for %scan3A_58 = %scan3A_35 to %scan3A_37 step %scan3A_38 iter_args(%scan3A_59 = %scan3A) -> (i32)  : i32 {
      %mul3A_60 = arith.constant 4096 : i32
      %mul3A_61 = arith.muli %scan3A_58, %mul3A_60 : i32
      "tpu.region"() ({
        %run_scoped3A = tpu.sem_alloc : memref<!tpu.dma_semaphore, #tpu.memory_space<semaphore_mem>>
        %dma_start3A_70 = tpu.memref_slice %arg3[%mul3A_61] : memref<163840xi32, #tpu.memory_space<hbm>> -> memref<4096xi32, #tpu.memory_space<hbm>>
        %dma_start3A_71 = tpu.memref_slice %arg3[%mul3A_61] : memref<163840xi32, #tpu.memory_space<hbm>> -> memref<4096xi32, #tpu.memory_space<hbm>>
        tpu.enqueue_dma source(%dma_start3A_71 : memref<4096xi32, #tpu.memory_space<hbm>>) target(%arg7 : memref<4096xi32, #tpu.memory_space<vmem>>) target_semaphore(%run_scoped3A : memref<!tpu.dma_semaphore, #tpu.memory_space<semaphore_mem>>)
        %dma_wait3A_72 = tpu.memref_slice %arg3[%mul3A_61] : memref<163840xi32, #tpu.memory_space<hbm>> -> memref<4096xi32, #tpu.memory_space<hbm>>
        %dma_wait3A_73 = tpu.memref_slice %arg3[%mul3A_61] : memref<163840xi32, #tpu.memory_space<hbm>> -> memref<4096xi32, #tpu.memory_space<hbm>>
        tpu.wait_dma2 semaphore(%run_scoped3A : memref<!tpu.dma_semaphore, #tpu.memory_space<semaphore_mem>>) src(%dma_wait3A_73 : memref<4096xi32, #tpu.memory_space<hbm>>) dst(%arg7 : memref<4096xi32, #tpu.memory_space<vmem>>)
        tpu.yield
      }) : () -> ()
      %mul3A_62 = arith.constant 4096 : i32
      %mul3A_63 = arith.muli %scan3A_58, %mul3A_62 : i32
      "tpu.region"() ({
        %run_scoped3A = tpu.sem_alloc : memref<!tpu.dma_semaphore, #tpu.memory_space<semaphore_mem>>
        %dma_start3A_70 = tpu.memref_slice %arg4[%mul3A_63] : memref<163840xi32, #tpu.memory_space<hbm>> -> memref<4096xi32, #tpu.memory_space<hbm>>
        %dma_start3A_71 = tpu.memref_slice %arg4[%mul3A_63] : memref<163840xi32, #tpu.memory_space<hbm>> -> memref<4096xi32, #tpu.memory_space<hbm>>
        tpu.enqueue_dma source(%dma_start3A_71 : memref<4096xi32, #tpu.memory_space<hbm>>) target(%arg8 : memref<4096xi32, #tpu.memory_space<vmem>>) target_semaphore(%run_scoped3A : memref<!tpu.dma_semaphore, #tpu.memory_space<semaphore_mem>>)
        %dma_wait3A_72 = tpu.memref_slice %arg4[%mul3A_63] : memref<163840xi32, #tpu.memory_space<hbm>> -> memref<4096xi32, #tpu.memory_space<hbm>>
        %dma_wait3A_73 = tpu.memref_slice %arg4[%mul3A_63] : memref<163840xi32, #tpu.memory_space<hbm>> -> memref<4096xi32, #tpu.memory_space<hbm>>
        tpu.wait_dma2 semaphore(%run_scoped3A : memref<!tpu.dma_semaphore, #tpu.memory_space<semaphore_mem>>) src(%dma_wait3A_73 : memref<4096xi32, #tpu.memory_space<hbm>>) dst(%arg8 : memref<4096xi32, #tpu.memory_space<vmem>>)
        tpu.yield
      }) : () -> ()
      %scan3A_64 = arith.constant 0 : i32
      %scan3A_65 = arith.constant 256 : i32
      %scan3A_66 = arith.addi %scan3A_64, %scan3A_65 : i32
      %scan3A_67 = arith.constant 1 : i32
      %scan3A_68 = scf.for %scan3A_70 = %scan3A_64 to %scan3A_66 step %scan3A_67 iter_args(%scan3A_71 = %scan3A_59) -> (i32)  : i32 {
        %mul3A_72 = arith.constant 16 : i32
        %mul3A_73 = arith.muli %scan3A_70, %mul3A_72 : i32
        %get3A = arith.index_cast %mul3A_73 : i32 to index
        %get3A_74 = tpu.vector_load %arg8[%get3A] {strides = array<i32>} : memref<4096xi32, #tpu.memory_space<vmem>>, vector<16xi32>,
        %ge3A = vector.broadcast %mul3A_2 : i32 to vector<16xi32>
        %ge3A_75 = arith.cmpi sge, %get3A_74, %ge3A : vector<16xi32>
        %add3A_76 = arith.constant 256 : i32
        %add3A_77 = arith.addi %mul3A_2, %add3A_76 : i32
        %lt3A = vector.broadcast %add3A_77 : i32 to vector<16xi32>
        %lt3A_78 = arith.cmpi slt, %get3A_74, %lt3A : vector<16xi32>
        %and3A = arith.andi %ge3A_75, %lt3A_78 : vector<16xi1>
        %ne3A = arith.constant 8000 : i32
        %ne3A_79 = vector.broadcast %ne3A : i32 to vector<16xi32>
        %ne3A_80 = arith.cmpi ne, %get3A_74, %ne3A_79 : vector<16xi32>
        %and3A_81 = arith.andi %and3A, %ne3A_80 : vector<16xi1>
        %all_reduce_population_count3A = tpu.all_reduce %and3A_81 {dim = 0 : i64, kind = #tpu.reduction_kind<sum>} : vector<16xi1> -> vector<16xi32>
        %slice3A = vector.extract_strided_slice %all_reduce_population_count3A {offsets = [0], sizes = [1], strides = [1]} : vector<16xi32> to vector<1xi32>
        %squeeze3A = vector.extract %slice3A[0] : i32 from vector<1xi32>
        %gt3A = arith.constant 0 : i32
        %gt3A_82 = arith.cmpi sgt, %squeeze3A, %gt3A : i32
        %convert_element_type3A = arith.extui %gt3A_82 : i1 to i32
        %cond3A = arith.constant 0 : i32
        %cond3A_83 = arith.cmpi ne, %convert_element_type3A, %cond3A : i32
        %cond3A_84 = scf.if %cond3A_83 -> (i32) {
          %jit3A = arith.constant 1 : i32
          %jit3A_85 = arith.constant 0 : i32
          %broadcast_in_dim3A_86 = vector.broadcast %jit3A : i32 to vector<16xi32>
          %broadcast_in_dim3A_87 = vector.broadcast %jit3A_85 : i32 to vector<16xi32>
          %select_n3A = arith.select %and3A_81, %broadcast_in_dim3A_86, %broadcast_in_dim3A_87 : vector<16xi1>, vector<16xi32>
          %broadcast_in_dim3A_88 = arith.constant true
          %broadcast_in_dim3A_89 = vector.broadcast %broadcast_in_dim3A_88 : i1 to vector<16xi1>
          %masked_cumsum3A = tpu.scan <sum>, %select_n3A masked %broadcast_in_dim3A_89 : vector<16xi32>, vector<16xi1> -> vector<16xi32>
          %add3A_90 = vector.broadcast %scan3A_71 : i32 to vector<16xi32>
          %add3A_91 = arith.addi %add3A_90, %masked_cumsum3A : vector<16xi32>
          %sub3A = arith.constant 1 : i32
          %sub3A_92 = vector.broadcast %sub3A : i32 to vector<16xi32>
          %sub3A_93 = arith.subi %add3A_91, %sub3A_92 : vector<16xi32>
          %get3A_94 = arith.index_cast %mul3A_73 : i32 to index
          %get3A_95 = tpu.vector_load %arg7[%get3A_94] {strides = array<i32>} : memref<4096xi32, #tpu.memory_space<vmem>>, vector<16xi32>,
          tpu.vector_store_idx %arg9[%sub3A_93], %get3A_95 masked %and3A_81 : memref<256xi32, #tpu.memory_space<vmem>>[vector<16xi32>], vector<16xi32>, vector<16xi1>
          %sub3A_96 = vector.broadcast %mul3A_2 : i32 to vector<16xi32>
          %sub3A_97 = arith.subi %get3A_74, %sub3A_96 : vector<16xi32>
          tpu.vector_store_idx %arg10[%sub3A_93], %sub3A_97 masked %and3A_81 : memref<256xi32, #tpu.memory_space<vmem>>[vector<16xi32>], vector<16xi32>, vector<16xi1>
          %add3A_98 = arith.addi %scan3A_71, %squeeze3A : i32
          %ge3A_99 = arith.constant 128 : i32
          %ge3A_100 = arith.cmpi sge, %add3A_98, %ge3A_99 : i32
          %convert_element_type3A_101 = arith.extui %ge3A_100 : i1 to i32
          %cond3A_102 = arith.constant 0 : i32
          %cond3A_103 = arith.cmpi ne, %convert_element_type3A_101, %cond3A_102 : i32
          %cond3A_104 = scf.if %cond3A_103 -> (i32) {
            %dma_start3A_105 = arith.constant 0 : i32
            %dma_start3A_106 = tpu.memref_slice %arg9[%dma_start3A_105] : memref<256xi32, #tpu.memory_space<vmem>> -> memref<128xi32, #tpu.memory_space<vmem>>
            %dma_start3A_107 = arith.constant 0 : i32
            %dma_start3A_108 = arith.constant 0 : i32
            %dma_start3A_109 = tpu.memref_slice %arg2[%dma_start3A_107, %dma_start3A_108] : memref<8192x128xf32, #tpu.memory_space<hbm>> -> memref<8192x128xf32, #tpu.memory_space<hbm>>
            tpu.enqueue_indirect_dma source(%dma_start3A_109 : memref<8192x128xf32, #tpu.memory_space<hbm>>) target(%arg11 : memref<128x128xf32, #tpu.memory_space<vmem>>) offsets(%dma_start3A_106 : memref<128xi32, #tpu.memory_space<vmem>>) semaphore(%arg13 : memref<!tpu.dma_semaphore, #tpu.memory_space<semaphore_mem>>)
            %dma_wait3A_110 = arith.constant 0 : i32
            %dma_wait3A_111 = tpu.memref_slice %arg9[%dma_wait3A_110] : memref<256xi32, #tpu.memory_space<vmem>> -> memref<128xi32, #tpu.memory_space<vmem>>
            %dma_wait3A_112 = arith.constant 0 : i32
            %dma_wait3A_113 = arith.constant 0 : i32
            %dma_wait3A_114 = tpu.memref_slice %arg2[%dma_wait3A_112, %dma_wait3A_113] : memref<8192x128xf32, #tpu.memory_space<hbm>> -> memref<8192x128xf32, #tpu.memory_space<hbm>>
            tpu.wait_indirect_dma semaphore(%arg13 : memref<!tpu.dma_semaphore, #tpu.memory_space<semaphore_mem>>) src(%dma_wait3A_114 : memref<8192x128xf32, #tpu.memory_space<hbm>>) dst(%arg11 : memref<128x128xf32, #tpu.memory_space<vmem>>)
            %scan3A_115 = arith.constant 0 : i32
            %scan3A_116 = arith.constant 0 : i32
            %scan3A_117 = arith.constant 128 : i32
            %scan3A_118 = arith.addi %scan3A_116, %scan3A_117 : i32
            %scan3A_119 = arith.constant 1 : i32
            scf.for %scan3A_187 = %scan3A_116 to %scan3A_118 step %scan3A_119  : i32 {
              %get3A_188 = arith.index_cast %scan3A_187 : i32 to index
              %get3A_189 = tpu.vector_load %arg10[%get3A_188] {strides = array<i32>} : memref<256xi32, #tpu.memory_space<vmem>>, vector<16xi32>,
              %slice3A_190 = vector.extract_strided_slice %get3A_189 {offsets = [0], sizes = [1], strides = [1]} : vector<16xi32> to vector<1xi32>
              %squeeze3A_191 = vector.extract %slice3A_190[0] : i32 from vector<1xi32>
              %get3A_192 = arith.index_cast %squeeze3A_191 : i32 to index
              %get3A_193 = arith.constant 0 : index
              %get3A_194 = tpu.vector_load %arg12[%get3A_192, %get3A_193] {strides = array<i32>} : memref<256x128xf32, #tpu.memory_space<vmem>>, vector<16xf32>,
              %get3A_195 = arith.index_cast %scan3A_187 : i32 to index
              %get3A_196 = arith.constant 0 : index
              %get3A_197 = tpu.vector_load %arg11[%get3A_195, %get3A_196] {strides = array<i32>} : memref<128x128xf32, #tpu.memory_space<vmem>>, vector<16xf32>,
              %add3A_198 = arith.addf %get3A_194, %get3A_197 : vector<16xf32>
              %swap3A_199 = arith.index_cast %squeeze3A_191 : i32 to index
              %swap3A_200 = arith.constant 0 : index
              %swap3A_201 = tpu.vector_load %arg12[%swap3A_199, %swap3A_200] {strides = array<i32>} : memref<256x128xf32, #tpu.memory_space<vmem>>, vector<16xf32>,
              tpu.vector_store %arg12[%swap3A_199, %swap3A_200], %add3A_198 {strides = array<i32>} : memref<256x128xf32, #tpu.memory_space<vmem>>, vector<16xf32>,
              %get3A_202 = arith.index_cast %squeeze3A_191 : i32 to index
              %get3A_203 = arith.constant 16 : index
              %get3A_204 = tpu.vector_load %arg12[%get3A_202, %get3A_203] {strides = array<i32>} : memref<256x128xf32, #tpu.memory_space<vmem>>, vector<16xf32>,
              %get3A_205 = arith.index_cast %scan3A_187 : i32 to index
              %get3A_206 = arith.constant 16 : index
              %get3A_207 = tpu.vector_load %arg11[%get3A_205, %get3A_206] {strides = array<i32>} : memref<128x128xf32, #tpu.memory_space<vmem>>, vector<16xf32>,
              %add3A_208 = arith.addf %get3A_204, %get3A_207 : vector<16xf32>
              %swap3A_209 = arith.index_cast %squeeze3A_191 : i32 to index
              %swap3A_210 = arith.constant 16 : index
              %swap3A_211 = tpu.vector_load %arg12[%swap3A_209, %swap3A_210] {strides = array<i32>} : memref<256x128xf32, #tpu.memory_space<vmem>>, vector<16xf32>,
              tpu.vector_store %arg12[%swap3A_209, %swap3A_210], %add3A_208 {strides = array<i32>} : memref<256x128xf32, #tpu.memory_space<vmem>>, vector<16xf32>,
              %get3A_212 = arith.index_cast %squeeze3A_191 : i32 to index
              %get3A_213 = arith.constant 32 : index
              %get3A_214 = tpu.vector_load %arg12[%get3A_212, %get3A_213] {strides = array<i32>} : memref<256x128xf32, #tpu.memory_space<vmem>>, vector<16xf32>,
              %get3A_215 = arith.index_cast %scan3A_187 : i32 to index
              %get3A_216 = arith.constant 32 : index
              %get3A_217 = tpu.vector_load %arg11[%get3A_215, %get3A_216] {strides = array<i32>} : memref<128x128xf32, #tpu.memory_space<vmem>>, vector<16xf32>,
              %add3A_218 = arith.addf %get3A_214, %get3A_217 : vector<16xf32>
              %swap3A_219 = arith.index_cast %squeeze3A_191 : i32 to index
              %swap3A_220 = arith.constant 32 : index
              %swap3A_221 = tpu.vector_load %arg12[%swap3A_219, %swap3A_220] {strides = array<i32>} : memref<256x128xf32, #tpu.memory_space<vmem>>, vector<16xf32>,
              tpu.vector_store %arg12[%swap3A_219, %swap3A_220], %add3A_218 {strides = array<i32>} : memref<256x128xf32, #tpu.memory_space<vmem>>, vector<16xf32>,
              %get3A_222 = arith.index_cast %squeeze3A_191 : i32 to index
              %get3A_223 = arith.constant 48 : index
              %get3A_224 = tpu.vector_load %arg12[%get3A_222, %get3A_223] {strides = array<i32>} : memref<256x128xf32, #tpu.memory_space<vmem>>, vector<16xf32>,
              %get3A_225 = arith.index_cast %scan3A_187 : i32 to index
              %get3A_226 = arith.constant 48 : index
              %get3A_227 = tpu.vector_load %arg11[%get3A_225, %get3A_226] {strides = array<i32>} : memref<128x128xf32, #tpu.memory_space<vmem>>, vector<16xf32>,
              %add3A_228 = arith.addf %get3A_224, %get3A_227 : vector<16xf32>
              %swap3A_229 = arith.index_cast %squeeze3A_191 : i32 to index
              %swap3A_230 = arith.constant 48 : index
              %swap3A_231 = tpu.vector_load %arg12[%swap3A_229, %swap3A_230] {strides = array<i32>} : memref<256x128xf32, #tpu.memory_space<vmem>>, vector<16xf32>,
              tpu.vector_store %arg12[%swap3A_229, %swap3A_230], %add3A_228 {strides = array<i32>} : memref<256x128xf32, #tpu.memory_space<vmem>>, vector<16xf32>,
              %get3A_232 = arith.index_cast %squeeze3A_191 : i32 to index
              %get3A_233 = arith.constant 64 : index
              %get3A_234 = tpu.vector_load %arg12[%get3A_232, %get3A_233] {strides = array<i32>} : memref<256x128xf32, #tpu.memory_space<vmem>>, vector<16xf32>,
              %get3A_235 = arith.index_cast %scan3A_187 : i32 to index
              %get3A_236 = arith.constant 64 : index
              %get3A_237 = tpu.vector_load %arg11[%get3A_235, %get3A_236] {strides = array<i32>} : memref<128x128xf32, #tpu.memory_space<vmem>>, vector<16xf32>,
              %add3A_238 = arith.addf %get3A_234, %get3A_237 : vector<16xf32>
              %swap3A_239 = arith.index_cast %squeeze3A_191 : i32 to index
              %swap3A_240 = arith.constant 64 : index
              %swap3A_241 = tpu.vector_load %arg12[%swap3A_239, %swap3A_240] {strides = array<i32>} : memref<256x128xf32, #tpu.memory_space<vmem>>, vector<16xf32>,
              tpu.vector_store %arg12[%swap3A_239, %swap3A_240], %add3A_238 {strides = array<i32>} : memref<256x128xf32, #tpu.memory_space<vmem>>, vector<16xf32>,
              %get3A_242 = arith.index_cast %squeeze3A_191 : i32 to index
              %get3A_243 = arith.constant 80 : index
              %get3A_244 = tpu.vector_load %arg12[%get3A_242, %get3A_243] {strides = array<i32>} : memref<256x128xf32, #tpu.memory_space<vmem>>, vector<16xf32>,
              %get3A_245 = arith.index_cast %scan3A_187 : i32 to index
              %get3A_246 = arith.constant 80 : index
              %get3A_247 = tpu.vector_load %arg11[%get3A_245, %get3A_246] {strides = array<i32>} : memref<128x128xf32, #tpu.memory_space<vmem>>, vector<16xf32>,
              %add3A_248 = arith.addf %get3A_244, %get3A_247 : vector<16xf32>
              %swap3A_249 = arith.index_cast %squeeze3A_191 : i32 to index
              %swap3A_250 = arith.constant 80 : index
              %swap3A_251 = tpu.vector_load %arg12[%swap3A_249, %swap3A_250] {strides = array<i32>} : memref<256x128xf32, #tpu.memory_space<vmem>>, vector<16xf32>,
              tpu.vector_store %arg12[%swap3A_249, %swap3A_250], %add3A_248 {strides = array<i32>} : memref<256x128xf32, #tpu.memory_space<vmem>>, vector<16xf32>,
              %get3A_252 = arith.index_cast %squeeze3A_191 : i32 to index
              %get3A_253 = arith.constant 96 : index
              %get3A_254 = tpu.vector_load %arg12[%get3A_252, %get3A_253] {strides = array<i32>} : memref<256x128xf32, #tpu.memory_space<vmem>>, vector<16xf32>,
              %get3A_255 = arith.index_cast %scan3A_187 : i32 to index
              %get3A_256 = arith.constant 96 : index
              %get3A_257 = tpu.vector_load %arg11[%get3A_255, %get3A_256] {strides = array<i32>} : memref<128x128xf32, #tpu.memory_space<vmem>>, vector<16xf32>,
              %add3A_258 = arith.addf %get3A_254, %get3A_257 : vector<16xf32>
              %swap3A_259 = arith.index_cast %squeeze3A_191 : i32 to index
              %swap3A_260 = arith.constant 96 : index
              %swap3A_261 = tpu.vector_load %arg12[%swap3A_259, %swap3A_260] {strides = array<i32>} : memref<256x128xf32, #tpu.memory_space<vmem>>, vector<16xf32>,
              tpu.vector_store %arg12[%swap3A_259, %swap3A_260], %add3A_258 {strides = array<i32>} : memref<256x128xf32, #tpu.memory_space<vmem>>, vector<16xf32>,
              %get3A_262 = arith.index_cast %squeeze3A_191 : i32 to index
              %get3A_263 = arith.constant 112 : index
              %get3A_264 = tpu.vector_load %arg12[%get3A_262, %get3A_263] {strides = array<i32>} : memref<256x128xf32, #tpu.memory_space<vmem>>, vector<16xf32>,
              %get3A_265 = arith.index_cast %scan3A_187 : i32 to index
              %get3A_266 = arith.constant 112 : index
              %get3A_267 = tpu.vector_load %arg11[%get3A_265, %get3A_266] {strides = array<i32>} : memref<128x128xf32, #tpu.memory_space<vmem>>, vector<16xf32>,
              %add3A_268 = arith.addf %get3A_264, %get3A_267 : vector<16xf32>
              %swap3A_269 = arith.index_cast %squeeze3A_191 : i32 to index
              %swap3A_270 = arith.constant 112 : index
              %swap3A_271 = tpu.vector_load %arg12[%swap3A_269, %swap3A_270] {strides = array<i32>} : memref<256x128xf32, #tpu.memory_space<vmem>>, vector<16xf32>,
              tpu.vector_store %arg12[%swap3A_269, %swap3A_270], %add3A_268 {strides = array<i32>} : memref<256x128xf32, #tpu.memory_space<vmem>>, vector<16xf32>,
            }
            %scan3A_120 = arith.constant 128 : i32
            %get3A_121 = arith.constant 128 : index
            %get3A_122 = tpu.vector_load %arg9[%get3A_121] {strides = array<i32>} : memref<256xi32, #tpu.memory_space<vmem>>, vector<16xi32>,
            %swap3A_123 = arith.constant 0 : index
            %swap3A_124 = tpu.vector_load %arg9[%swap3A_123] {strides = array<i32>} : memref<256xi32, #tpu.memory_space<vmem>>, vector<16xi32>,
            tpu.vector_store %arg9[%swap3A_123], %get3A_122 {strides = array<i32>} : memref<256xi32, #tpu.memory_space<vmem>>, vector<16xi32>,
            %get3A_125 = arith.constant 128 : index
            %get3A_126 = tpu.vector_load %arg10[%get3A_125] {strides = array<i32>} : memref<256xi32, #tpu.memory_space<vmem>>, vector<16xi32>,
            %swap3A_127 = arith.constant 0 : index
            %swap3A_128 = tpu.vector_load %arg10[%swap3A_127] {strides = array<i32>} : memref<256xi32, #tpu.memory_space<vmem>>, vector<16xi32>,
            tpu.vector_store %arg10[%swap3A_127], %get3A_126 {strides = array<i32>} : memref<256xi32, #tpu.memory_space<vmem>>, vector<16xi32>,
            %get3A_129 = arith.constant 144 : index
            %get3A_130 = tpu.vector_load %arg9[%get3A_129] {strides = array<i32>} : memref<256xi32, #tpu.memory_space<vmem>>, vector<16xi32>,
            %swap3A_131 = arith.constant 16 : index
            %swap3A_132 = tpu.vector_load %arg9[%swap3A_131] {strides = array<i32>} : memref<256xi32, #tpu.memory_space<vmem>>, vector<16xi32>,
            tpu.vector_store %arg9[%swap3A_131], %get3A_130 {strides = array<i32>} : memref<256xi32, #tpu.memory_space<vmem>>, vector<16xi32>,
            %get3A_133 = arith.constant 144 : index
            %get3A_134 = tpu.vector_load %arg10[%get3A_133] {strides = array<i32>} : memref<256xi32, #tpu.memory_space<vmem>>, vector<16xi32>,
            %swap3A_135 = arith.constant 16 : index
            %swap3A_136 = tpu.vector_load %arg10[%swap3A_135] {strides = array<i32>} : memref<256xi32, #tpu.memory_space<vmem>>, vector<16xi32>,
            tpu.vector_store %arg10[%swap3A_135], %get3A_134 {strides = array<i32>} : memref<256xi32, #tpu.memory_space<vmem>>, vector<16xi32>,
            %get3A_137 = arith.constant 160 : index
            %get3A_138 = tpu.vector_load %arg9[%get3A_137] {strides = array<i32>} : memref<256xi32, #tpu.memory_space<vmem>>, vector<16xi32>,
            %swap3A_139 = arith.constant 32 : index
            %swap3A_140 = tpu.vector_load %arg9[%swap3A_139] {strides = array<i32>} : memref<256xi32, #tpu.memory_space<vmem>>, vector<16xi32>,
            tpu.vector_store %arg9[%swap3A_139], %get3A_138 {strides = array<i32>} : memref<256xi32, #tpu.memory_space<vmem>>, vector<16xi32>,
            %get3A_141 = arith.constant 160 : index
            %get3A_142 = tpu.vector_load %arg10[%get3A_141] {strides = array<i32>} : memref<256xi32, #tpu.memory_space<vmem>>, vector<16xi32>,
            %swap3A_143 = arith.constant 32 : index
            %swap3A_144 = tpu.vector_load %arg10[%swap3A_143] {strides = array<i32>} : memref<256xi32, #tpu.memory_space<vmem>>, vector<16xi32>,
            tpu.vector_store %arg10[%swap3A_143], %get3A_142 {strides = array<i32>} : memref<256xi32, #tpu.memory_space<vmem>>, vector<16xi32>,
            %get3A_145 = arith.constant 176 : index
            %get3A_146 = tpu.vector_load %arg9[%get3A_145] {strides = array<i32>} : memref<256xi32, #tpu.memory_space<vmem>>, vector<16xi32>,
            %swap3A_147 = arith.constant 48 : index
            %swap3A_148 = tpu.vector_load %arg9[%swap3A_147] {strides = array<i32>} : memref<256xi32, #tpu.memory_space<vmem>>, vector<16xi32>,
            tpu.vector_store %arg9[%swap3A_147], %get3A_146 {strides = array<i32>} : memref<256xi32, #tpu.memory_space<vmem>>, vector<16xi32>,
            %get3A_149 = arith.constant 176 : index
            %get3A_150 = tpu.vector_load %arg10[%get3A_149] {strides = array<i32>} : memref<256xi32, #tpu.memory_space<vmem>>, vector<16xi32>,
            %swap3A_151 = arith.constant 48 : index
            %swap3A_152 = tpu.vector_load %arg10[%swap3A_151] {strides = array<i32>} : memref<256xi32, #tpu.memory_space<vmem>>, vector<16xi32>,
            tpu.vector_store %arg10[%swap3A_151], %get3A_150 {strides = array<i32>} : memref<256xi32, #tpu.memory_space<vmem>>, vector<16xi32>,
            %get3A_153 = arith.constant 192 : index
            %get3A_154 = tpu.vector_load %arg9[%get3A_153] {strides = array<i32>} : memref<256xi32, #tpu.memory_space<vmem>>, vector<16xi32>,
            %swap3A_155 = arith.constant 64 : index
            %swap3A_156 = tpu.vector_load %arg9[%swap3A_155] {strides = array<i32>} : memref<256xi32, #tpu.memory_space<vmem>>, vector<16xi32>,
            tpu.vector_store %arg9[%swap3A_155], %get3A_154 {strides = array<i32>} : memref<256xi32, #tpu.memory_space<vmem>>, vector<16xi32>,
            %get3A_157 = arith.constant 192 : index
            %get3A_158 = tpu.vector_load %arg10[%get3A_157] {strides = array<i32>} : memref<256xi32, #tpu.memory_space<vmem>>, vector<16xi32>,
            %swap3A_159 = arith.constant 64 : index
            %swap3A_160 = tpu.vector_load %arg10[%swap3A_159] {strides = array<i32>} : memref<256xi32, #tpu.memory_space<vmem>>, vector<16xi32>,
            tpu.vector_store %arg10[%swap3A_159], %get3A_158 {strides = array<i32>} : memref<256xi32, #tpu.memory_space<vmem>>, vector<16xi32>,
            %get3A_161 = arith.constant 208 : index
            %get3A_162 = tpu.vector_load %arg9[%get3A_161] {strides = array<i32>} : memref<256xi32, #tpu.memory_space<vmem>>, vector<16xi32>,
            %swap3A_163 = arith.constant 80 : index
            %swap3A_164 = tpu.vector_load %arg9[%swap3A_163] {strides = array<i32>} : memref<256xi32, #tpu.memory_space<vmem>>, vector<16xi32>,
            tpu.vector_store %arg9[%swap3A_163], %get3A_162 {strides = array<i32>} : memref<256xi32, #tpu.memory_space<vmem>>, vector<16xi32>,
            %get3A_165 = arith.constant 208 : index
            %get3A_166 = tpu.vector_load %arg10[%get3A_165] {strides = array<i32>} : memref<256xi32, #tpu.memory_space<vmem>>, vector<16xi32>,
            %swap3A_167 = arith.constant 80 : index
            %swap3A_168 = tpu.vector_load %arg10[%swap3A_167] {strides = array<i32>} : memref<256xi32, #tpu.memory_space<vmem>>, vector<16xi32>,
            tpu.vector_store %arg10[%swap3A_167], %get3A_166 {strides = array<i32>} : memref<256xi32, #tpu.memory_space<vmem>>, vector<16xi32>,
            %get3A_169 = arith.constant 224 : index
            %get3A_170 = tpu.vector_load %arg9[%get3A_169] {strides = array<i32>} : memref<256xi32, #tpu.memory_space<vmem>>, vector<16xi32>,
            %swap3A_171 = arith.constant 96 : index
            %swap3A_172 = tpu.vector_load %arg9[%swap3A_171] {strides = array<i32>} : memref<256xi32, #tpu.memory_space<vmem>>, vector<16xi32>,
            tpu.vector_store %arg9[%swap3A_171], %get3A_170 {strides = array<i32>} : memref<256xi32, #tpu.memory_space<vmem>>, vector<16xi32>,
            %get3A_173 = arith.constant 224 : index
            %get3A_174 = tpu.vector_load %arg10[%get3A_173] {strides = array<i32>} : memref<256xi32, #tpu.memory_space<vmem>>, vector<16xi32>,
            %swap3A_175 = arith.constant 96 : index
            %swap3A_176 = tpu.vector_load %arg10[%swap3A_175] {strides = array<i32>} : memref<256xi32, #tpu.memory_space<vmem>>, vector<16xi32>,
            tpu.vector_store %arg10[%swap3A_175], %get3A_174 {strides = array<i32>} : memref<256xi32, #tpu.memory_space<vmem>>, vector<16xi32>,
            %get3A_177 = arith.constant 240 : index
            %get3A_178 = tpu.vector_load %arg9[%get3A_177] {strides = array<i32>} : memref<256xi32, #tpu.memory_space<vmem>>, vector<16xi32>,
            %swap3A_179 = arith.constant 112 : index
            %swap3A_180 = tpu.vector_load %arg9[%swap3A_179] {strides = array<i32>} : memref<256xi32, #tpu.memory_space<vmem>>, vector<16xi32>,
            tpu.vector_store %arg9[%swap3A_179], %get3A_178 {strides = array<i32>} : memref<256xi32, #tpu.memory_space<vmem>>, vector<16xi32>,
            %get3A_181 = arith.constant 240 : index
            %get3A_182 = tpu.vector_load %arg10[%get3A_181] {strides = array<i32>} : memref<256xi32, #tpu.memory_space<vmem>>, vector<16xi32>,
            %swap3A_183 = arith.constant 112 : index
            %swap3A_184 = tpu.vector_load %arg10[%swap3A_183] {strides = array<i32>} : memref<256xi32, #tpu.memory_space<vmem>>, vector<16xi32>,
            tpu.vector_store %arg10[%swap3A_183], %get3A_182 {strides = array<i32>} : memref<256xi32, #tpu.memory_space<vmem>>, vector<16xi32>,
            %sub3A_185 = arith.constant 128 : i32
            %sub3A_186 = arith.subi %add3A_98, %sub3A_185 : i32
            scf.yield %sub3A_186 : i32
          } else {
            scf.yield %add3A_98 : i32
          }
          scf.yield %cond3A_104 : i32
        } else {
          scf.yield %scan3A_71 : i32
        }
        scf.yield %cond3A_84 : i32
      }
      %scan3A_69 = arith.constant 256 : i32
      scf.yield %scan3A_68 : i32
    }
    %scan3A_40 = arith.constant 40 : i32
    %dma_start3A = arith.constant 0 : i32
    %dma_start3A_41 = tpu.memref_slice %arg9[%dma_start3A] : memref<256xi32, #tpu.memory_space<vmem>> -> memref<128xi32, #tpu.memory_space<vmem>>
    %dma_start3A_42 = arith.constant 0 : i32
    %dma_start3A_43 = arith.constant 0 : i32
    %dma_start3A_44 = tpu.memref_slice %arg2[%dma_start3A_42, %dma_start3A_43] : memref<8192x128xf32, #tpu.memory_space<hbm>> -> memref<8192x128xf32, #tpu.memory_space<hbm>>
    tpu.enqueue_indirect_dma source(%dma_start3A_44 : memref<8192x128xf32, #tpu.memory_space<hbm>>) target(%arg11 : memref<128x128xf32, #tpu.memory_space<vmem>>) offsets(%dma_start3A_41 : memref<128xi32, #tpu.memory_space<vmem>>) semaphore(%arg13 : memref<!tpu.dma_semaphore, #tpu.memory_space<semaphore_mem>>)
    %dma_wait3A = arith.constant 0 : i32
    %dma_wait3A_45 = tpu.memref_slice %arg9[%dma_wait3A] : memref<256xi32, #tpu.memory_space<vmem>> -> memref<128xi32, #tpu.memory_space<vmem>>
    %dma_wait3A_46 = arith.constant 0 : i32
    %dma_wait3A_47 = arith.constant 0 : i32
    %dma_wait3A_48 = tpu.memref_slice %arg2[%dma_wait3A_46, %dma_wait3A_47] : memref<8192x128xf32, #tpu.memory_space<hbm>> -> memref<8192x128xf32, #tpu.memory_space<hbm>>
    tpu.wait_indirect_dma semaphore(%arg13 : memref<!tpu.dma_semaphore, #tpu.memory_space<semaphore_mem>>) src(%dma_wait3A_48 : memref<8192x128xf32, #tpu.memory_space<hbm>>) dst(%arg11 : memref<128x128xf32, #tpu.memory_space<vmem>>)
    %while3A = arith.constant 0 : i32
    %while3A_49 = arith.constant 0 : i32
    %while3A_50 = arith.subi %scan3A_39, %while3A_49 : i32
    %while3A_51 = arith.addi %while3A_49, %while3A_50 : i32
    %while3A_52 = arith.constant 1 : i32
    %while3A_53 = arith.divsi %while3A_50, %while3A_52 : i32
    %while3A_54 = arith.muli %while3A_53, %while3A_52 : i32
    %while3A_55 = arith.addi %while3A_49, %while3A_54 : i32
    %while3A_56 = arith.constant 1 : i32
    scf.for %while3A_58 = %while3A_49 to %while3A_55 step %while3A_56  : i32 {
      %get3A = arith.index_cast %while3A_58 : i32 to index
      %get3A_59 = tpu.vector_load %arg10[%get3A] {strides = array<i32>} : memref<256xi32, #tpu.memory_space<vmem>>, vector<16xi32>,
      %slice3A = vector.extract_strided_slice %get3A_59 {offsets = [0], sizes = [1], strides = [1]} : vector<16xi32> to vector<1xi32>
      %squeeze3A = vector.extract %slice3A[0] : i32 from vector<1xi32>
      %get3A_60 = arith.index_cast %squeeze3A : i32 to index
      %get3A_61 = arith.constant 0 : index
      %get3A_62 = tpu.vector_load %arg12[%get3A_60, %get3A_61] {strides = array<i32>} : memref<256x128xf32, #tpu.memory_space<vmem>>, vector<16xf32>,
      %get3A_63 = arith.index_cast %while3A_58 : i32 to index
      %get3A_64 = arith.constant 0 : index
      %get3A_65 = tpu.vector_load %arg11[%get3A_63, %get3A_64] {strides = array<i32>} : memref<128x128xf32, #tpu.memory_space<vmem>>, vector<16xf32>,
      %add3A_66 = arith.addf %get3A_62, %get3A_65 : vector<16xf32>
      %swap3A_67 = arith.index_cast %squeeze3A : i32 to index
      %swap3A_68 = arith.constant 0 : index
      %swap3A_69 = tpu.vector_load %arg12[%swap3A_67, %swap3A_68] {strides = array<i32>} : memref<256x128xf32, #tpu.memory_space<vmem>>, vector<16xf32>,
      tpu.vector_store %arg12[%swap3A_67, %swap3A_68], %add3A_66 {strides = array<i32>} : memref<256x128xf32, #tpu.memory_space<vmem>>, vector<16xf32>,
      %get3A_70 = arith.index_cast %squeeze3A : i32 to index
      %get3A_71 = arith.constant 16 : index
      %get3A_72 = tpu.vector_load %arg12[%get3A_70, %get3A_71] {strides = array<i32>} : memref<256x128xf32, #tpu.memory_space<vmem>>, vector<16xf32>,
      %get3A_73 = arith.index_cast %while3A_58 : i32 to index
      %get3A_74 = arith.constant 16 : index
      %get3A_75 = tpu.vector_load %arg11[%get3A_73, %get3A_74] {strides = array<i32>} : memref<128x128xf32, #tpu.memory_space<vmem>>, vector<16xf32>,
      %add3A_76 = arith.addf %get3A_72, %get3A_75 : vector<16xf32>
      %swap3A_77 = arith.index_cast %squeeze3A : i32 to index
      %swap3A_78 = arith.constant 16 : index
      %swap3A_79 = tpu.vector_load %arg12[%swap3A_77, %swap3A_78] {strides = array<i32>} : memref<256x128xf32, #tpu.memory_space<vmem>>, vector<16xf32>,
      tpu.vector_store %arg12[%swap3A_77, %swap3A_78], %add3A_76 {strides = array<i32>} : memref<256x128xf32, #tpu.memory_space<vmem>>, vector<16xf32>,
      %get3A_80 = arith.index_cast %squeeze3A : i32 to index
      %get3A_81 = arith.constant 32 : index
      %get3A_82 = tpu.vector_load %arg12[%get3A_80, %get3A_81] {strides = array<i32>} : memref<256x128xf32, #tpu.memory_space<vmem>>, vector<16xf32>,
      %get3A_83 = arith.index_cast %while3A_58 : i32 to index
      %get3A_84 = arith.constant 32 : index
      %get3A_85 = tpu.vector_load %arg11[%get3A_83, %get3A_84] {strides = array<i32>} : memref<128x128xf32, #tpu.memory_space<vmem>>, vector<16xf32>,
      %add3A_86 = arith.addf %get3A_82, %get3A_85 : vector<16xf32>
      %swap3A_87 = arith.index_cast %squeeze3A : i32 to index
      %swap3A_88 = arith.constant 32 : index
      %swap3A_89 = tpu.vector_load %arg12[%swap3A_87, %swap3A_88] {strides = array<i32>} : memref<256x128xf32, #tpu.memory_space<vmem>>, vector<16xf32>,
      tpu.vector_store %arg12[%swap3A_87, %swap3A_88], %add3A_86 {strides = array<i32>} : memref<256x128xf32, #tpu.memory_space<vmem>>, vector<16xf32>,
      %get3A_90 = arith.index_cast %squeeze3A : i32 to index
      %get3A_91 = arith.constant 48 : index
      %get3A_92 = tpu.vector_load %arg12[%get3A_90, %get3A_91] {strides = array<i32>} : memref<256x128xf32, #tpu.memory_space<vmem>>, vector<16xf32>,
      %get3A_93 = arith.index_cast %while3A_58 : i32 to index
      %get3A_94 = arith.constant 48 : index
      %get3A_95 = tpu.vector_load %arg11[%get3A_93, %get3A_94] {strides = array<i32>} : memref<128x128xf32, #tpu.memory_space<vmem>>, vector<16xf32>,
      %add3A_96 = arith.addf %get3A_92, %get3A_95 : vector<16xf32>
      %swap3A_97 = arith.index_cast %squeeze3A : i32 to index
      %swap3A_98 = arith.constant 48 : index
      %swap3A_99 = tpu.vector_load %arg12[%swap3A_97, %swap3A_98] {strides = array<i32>} : memref<256x128xf32, #tpu.memory_space<vmem>>, vector<16xf32>,
      tpu.vector_store %arg12[%swap3A_97, %swap3A_98], %add3A_96 {strides = array<i32>} : memref<256x128xf32, #tpu.memory_space<vmem>>, vector<16xf32>,
      %get3A_100 = arith.index_cast %squeeze3A : i32 to index
      %get3A_101 = arith.constant 64 : index
      %get3A_102 = tpu.vector_load %arg12[%get3A_100, %get3A_101] {strides = array<i32>} : memref<256x128xf32, #tpu.memory_space<vmem>>, vector<16xf32>,
      %get3A_103 = arith.index_cast %while3A_58 : i32 to index
      %get3A_104 = arith.constant 64 : index
      %get3A_105 = tpu.vector_load %arg11[%get3A_103, %get3A_104] {strides = array<i32>} : memref<128x128xf32, #tpu.memory_space<vmem>>, vector<16xf32>,
      %add3A_106 = arith.addf %get3A_102, %get3A_105 : vector<16xf32>
      %swap3A_107 = arith.index_cast %squeeze3A : i32 to index
      %swap3A_108 = arith.constant 64 : index
      %swap3A_109 = tpu.vector_load %arg12[%swap3A_107, %swap3A_108] {strides = array<i32>} : memref<256x128xf32, #tpu.memory_space<vmem>>, vector<16xf32>,
      tpu.vector_store %arg12[%swap3A_107, %swap3A_108], %add3A_106 {strides = array<i32>} : memref<256x128xf32, #tpu.memory_space<vmem>>, vector<16xf32>,
      %get3A_110 = arith.index_cast %squeeze3A : i32 to index
      %get3A_111 = arith.constant 80 : index
      %get3A_112 = tpu.vector_load %arg12[%get3A_110, %get3A_111] {strides = array<i32>} : memref<256x128xf32, #tpu.memory_space<vmem>>, vector<16xf32>,
      %get3A_113 = arith.index_cast %while3A_58 : i32 to index
      %get3A_114 = arith.constant 80 : index
      %get3A_115 = tpu.vector_load %arg11[%get3A_113, %get3A_114] {strides = array<i32>} : memref<128x128xf32, #tpu.memory_space<vmem>>, vector<16xf32>,
      %add3A_116 = arith.addf %get3A_112, %get3A_115 : vector<16xf32>
      %swap3A_117 = arith.index_cast %squeeze3A : i32 to index
      %swap3A_118 = arith.constant 80 : index
      %swap3A_119 = tpu.vector_load %arg12[%swap3A_117, %swap3A_118] {strides = array<i32>} : memref<256x128xf32, #tpu.memory_space<vmem>>, vector<16xf32>,
      tpu.vector_store %arg12[%swap3A_117, %swap3A_118], %add3A_116 {strides = array<i32>} : memref<256x128xf32, #tpu.memory_space<vmem>>, vector<16xf32>,
      %get3A_120 = arith.index_cast %squeeze3A : i32 to index
      %get3A_121 = arith.constant 96 : index
      %get3A_122 = tpu.vector_load %arg12[%get3A_120, %get3A_121] {strides = array<i32>} : memref<256x128xf32, #tpu.memory_space<vmem>>, vector<16xf32>,
      %get3A_123 = arith.index_cast %while3A_58 : i32 to index
      %get3A_124 = arith.constant 96 : index
      %get3A_125 = tpu.vector_load %arg11[%get3A_123, %get3A_124] {strides = array<i32>} : memref<128x128xf32, #tpu.memory_space<vmem>>, vector<16xf32>,
      %add3A_126 = arith.addf %get3A_122, %get3A_125 : vector<16xf32>
      %swap3A_127 = arith.index_cast %squeeze3A : i32 to index
      %swap3A_128 = arith.constant 96 : index
      %swap3A_129 = tpu.vector_load %arg12[%swap3A_127, %swap3A_128] {strides = array<i32>} : memref<256x128xf32, #tpu.memory_space<vmem>>, vector<16xf32>,
      tpu.vector_store %arg12[%swap3A_127, %swap3A_128], %add3A_126 {strides = array<i32>} : memref<256x128xf32, #tpu.memory_space<vmem>>, vector<16xf32>,
      %get3A_130 = arith.index_cast %squeeze3A : i32 to index
      %get3A_131 = arith.constant 112 : index
      %get3A_132 = tpu.vector_load %arg12[%get3A_130, %get3A_131] {strides = array<i32>} : memref<256x128xf32, #tpu.memory_space<vmem>>, vector<16xf32>,
      %get3A_133 = arith.index_cast %while3A_58 : i32 to index
      %get3A_134 = arith.constant 112 : index
      %get3A_135 = tpu.vector_load %arg11[%get3A_133, %get3A_134] {strides = array<i32>} : memref<128x128xf32, #tpu.memory_space<vmem>>, vector<16xf32>,
      %add3A_136 = arith.addf %get3A_132, %get3A_135 : vector<16xf32>
      %swap3A_137 = arith.index_cast %squeeze3A : i32 to index
      %swap3A_138 = arith.constant 112 : index
      %swap3A_139 = tpu.vector_load %arg12[%swap3A_137, %swap3A_138] {strides = array<i32>} : memref<256x128xf32, #tpu.memory_space<vmem>>, vector<16xf32>,
      tpu.vector_store %arg12[%swap3A_137, %swap3A_138], %add3A_136 {strides = array<i32>} : memref<256x128xf32, #tpu.memory_space<vmem>>, vector<16xf32>,
    }
    %while3A_57 = arith.constant 1 : i32
    scf.for %while3A_58 = %while3A_55 to %while3A_51 step %while3A_57  : i32 {
      %get3A = arith.index_cast %while3A_58 : i32 to index
      %get3A_59 = tpu.vector_load %arg10[%get3A] {strides = array<i32>} : memref<256xi32, #tpu.memory_space<vmem>>, vector<16xi32>,
      %slice3A = vector.extract_strided_slice %get3A_59 {offsets = [0], sizes = [1], strides = [1]} : vector<16xi32> to vector<1xi32>
      %squeeze3A = vector.extract %slice3A[0] : i32 from vector<1xi32>
      %get3A_60 = arith.index_cast %squeeze3A : i32 to index
      %get3A_61 = arith.constant 0 : index
      %get3A_62 = tpu.vector_load %arg12[%get3A_60, %get3A_61] {strides = array<i32>} : memref<256x128xf32, #tpu.memory_space<vmem>>, vector<16xf32>,
      %get3A_63 = arith.index_cast %while3A_58 : i32 to index
      %get3A_64 = arith.constant 0 : index
      %get3A_65 = tpu.vector_load %arg11[%get3A_63, %get3A_64] {strides = array<i32>} : memref<128x128xf32, #tpu.memory_space<vmem>>, vector<16xf32>,
      %add3A_66 = arith.addf %get3A_62, %get3A_65 : vector<16xf32>
      %swap3A_67 = arith.index_cast %squeeze3A : i32 to index
      %swap3A_68 = arith.constant 0 : index
      %swap3A_69 = tpu.vector_load %arg12[%swap3A_67, %swap3A_68] {strides = array<i32>} : memref<256x128xf32, #tpu.memory_space<vmem>>, vector<16xf32>,
      tpu.vector_store %arg12[%swap3A_67, %swap3A_68], %add3A_66 {strides = array<i32>} : memref<256x128xf32, #tpu.memory_space<vmem>>, vector<16xf32>,
      %get3A_70 = arith.index_cast %squeeze3A : i32 to index
      %get3A_71 = arith.constant 16 : index
      %get3A_72 = tpu.vector_load %arg12[%get3A_70, %get3A_71] {strides = array<i32>} : memref<256x128xf32, #tpu.memory_space<vmem>>, vector<16xf32>,
      %get3A_73 = arith.index_cast %while3A_58 : i32 to index
      %get3A_74 = arith.constant 16 : index
      %get3A_75 = tpu.vector_load %arg11[%get3A_73, %get3A_74] {strides = array<i32>} : memref<128x128xf32, #tpu.memory_space<vmem>>, vector<16xf32>,
      %add3A_76 = arith.addf %get3A_72, %get3A_75 : vector<16xf32>
      %swap3A_77 = arith.index_cast %squeeze3A : i32 to index
      %swap3A_78 = arith.constant 16 : index
      %swap3A_79 = tpu.vector_load %arg12[%swap3A_77, %swap3A_78] {strides = array<i32>} : memref<256x128xf32, #tpu.memory_space<vmem>>, vector<16xf32>,
      tpu.vector_store %arg12[%swap3A_77, %swap3A_78], %add3A_76 {strides = array<i32>} : memref<256x128xf32, #tpu.memory_space<vmem>>, vector<16xf32>,
      %get3A_80 = arith.index_cast %squeeze3A : i32 to index
      %get3A_81 = arith.constant 32 : index
      %get3A_82 = tpu.vector_load %arg12[%get3A_80, %get3A_81] {strides = array<i32>} : memref<256x128xf32, #tpu.memory_space<vmem>>, vector<16xf32>,
      %get3A_83 = arith.index_cast %while3A_58 : i32 to index
      %get3A_84 = arith.constant 32 : index
      %get3A_85 = tpu.vector_load %arg11[%get3A_83, %get3A_84] {strides = array<i32>} : memref<128x128xf32, #tpu.memory_space<vmem>>, vector<16xf32>,
      %add3A_86 = arith.addf %get3A_82, %get3A_85 : vector<16xf32>
      %swap3A_87 = arith.index_cast %squeeze3A : i32 to index
      %swap3A_88 = arith.constant 32 : index
      %swap3A_89 = tpu.vector_load %arg12[%swap3A_87, %swap3A_88] {strides = array<i32>} : memref<256x128xf32, #tpu.memory_space<vmem>>, vector<16xf32>,
      tpu.vector_store %arg12[%swap3A_87, %swap3A_88], %add3A_86 {strides = array<i32>} : memref<256x128xf32, #tpu.memory_space<vmem>>, vector<16xf32>,
      %get3A_90 = arith.index_cast %squeeze3A : i32 to index
      %get3A_91 = arith.constant 48 : index
      %get3A_92 = tpu.vector_load %arg12[%get3A_90, %get3A_91] {strides = array<i32>} : memref<256x128xf32, #tpu.memory_space<vmem>>, vector<16xf32>,
      %get3A_93 = arith.index_cast %while3A_58 : i32 to index
      %get3A_94 = arith.constant 48 : index
      %get3A_95 = tpu.vector_load %arg11[%get3A_93, %get3A_94] {strides = array<i32>} : memref<128x128xf32, #tpu.memory_space<vmem>>, vector<16xf32>,
      %add3A_96 = arith.addf %get3A_92, %get3A_95 : vector<16xf32>
      %swap3A_97 = arith.index_cast %squeeze3A : i32 to index
      %swap3A_98 = arith.constant 48 : index
      %swap3A_99 = tpu.vector_load %arg12[%swap3A_97, %swap3A_98] {strides = array<i32>} : memref<256x128xf32, #tpu.memory_space<vmem>>, vector<16xf32>,
      tpu.vector_store %arg12[%swap3A_97, %swap3A_98], %add3A_96 {strides = array<i32>} : memref<256x128xf32, #tpu.memory_space<vmem>>, vector<16xf32>,
      %get3A_100 = arith.index_cast %squeeze3A : i32 to index
      %get3A_101 = arith.constant 64 : index
      %get3A_102 = tpu.vector_load %arg12[%get3A_100, %get3A_101] {strides = array<i32>} : memref<256x128xf32, #tpu.memory_space<vmem>>, vector<16xf32>,
      %get3A_103 = arith.index_cast %while3A_58 : i32 to index
      %get3A_104 = arith.constant 64 : index
      %get3A_105 = tpu.vector_load %arg11[%get3A_103, %get3A_104] {strides = array<i32>} : memref<128x128xf32, #tpu.memory_space<vmem>>, vector<16xf32>,
      %add3A_106 = arith.addf %get3A_102, %get3A_105 : vector<16xf32>
      %swap3A_107 = arith.index_cast %squeeze3A : i32 to index
      %swap3A_108 = arith.constant 64 : index
      %swap3A_109 = tpu.vector_load %arg12[%swap3A_107, %swap3A_108] {strides = array<i32>} : memref<256x128xf32, #tpu.memory_space<vmem>>, vector<16xf32>,
      tpu.vector_store %arg12[%swap3A_107, %swap3A_108], %add3A_106 {strides = array<i32>} : memref<256x128xf32, #tpu.memory_space<vmem>>, vector<16xf32>,
      %get3A_110 = arith.index_cast %squeeze3A : i32 to index
      %get3A_111 = arith.constant 80 : index
      %get3A_112 = tpu.vector_load %arg12[%get3A_110, %get3A_111] {strides = array<i32>} : memref<256x128xf32, #tpu.memory_space<vmem>>, vector<16xf32>,
      %get3A_113 = arith.index_cast %while3A_58 : i32 to index
      %get3A_114 = arith.constant 80 : index
      %get3A_115 = tpu.vector_load %arg11[%get3A_113, %get3A_114] {strides = array<i32>} : memref<128x128xf32, #tpu.memory_space<vmem>>, vector<16xf32>,
      %add3A_116 = arith.addf %get3A_112, %get3A_115 : vector<16xf32>
      %swap3A_117 = arith.index_cast %squeeze3A : i32 to index
      %swap3A_118 = arith.constant 80 : index
      %swap3A_119 = tpu.vector_load %arg12[%swap3A_117, %swap3A_118] {strides = array<i32>} : memref<256x128xf32, #tpu.memory_space<vmem>>, vector<16xf32>,
      tpu.vector_store %arg12[%swap3A_117, %swap3A_118], %add3A_116 {strides = array<i32>} : memref<256x128xf32, #tpu.memory_space<vmem>>, vector<16xf32>,
      %get3A_120 = arith.index_cast %squeeze3A : i32 to index
      %get3A_121 = arith.constant 96 : index
      %get3A_122 = tpu.vector_load %arg12[%get3A_120, %get3A_121] {strides = array<i32>} : memref<256x128xf32, #tpu.memory_space<vmem>>, vector<16xf32>,
      %get3A_123 = arith.index_cast %while3A_58 : i32 to index
      %get3A_124 = arith.constant 96 : index
      %get3A_125 = tpu.vector_load %arg11[%get3A_123, %get3A_124] {strides = array<i32>} : memref<128x128xf32, #tpu.memory_space<vmem>>, vector<16xf32>,
      %add3A_126 = arith.addf %get3A_122, %get3A_125 : vector<16xf32>
      %swap3A_127 = arith.index_cast %squeeze3A : i32 to index
      %swap3A_128 = arith.constant 96 : index
      %swap3A_129 = tpu.vector_load %arg12[%swap3A_127, %swap3A_128] {strides = array<i32>} : memref<256x128xf32, #tpu.memory_space<vmem>>, vector<16xf32>,
      tpu.vector_store %arg12[%swap3A_127, %swap3A_128], %add3A_126 {strides = array<i32>} : memref<256x128xf32, #tpu.memory_space<vmem>>, vector<16xf32>,
      %get3A_130 = arith.index_cast %squeeze3A : i32 to index
      %get3A_131 = arith.constant 112 : index
      %get3A_132 = tpu.vector_load %arg12[%get3A_130, %get3A_131] {strides = array<i32>} : memref<256x128xf32, #tpu.memory_space<vmem>>, vector<16xf32>,
      %get3A_133 = arith.index_cast %while3A_58 : i32 to index
      %get3A_134 = arith.constant 112 : index
      %get3A_135 = tpu.vector_load %arg11[%get3A_133, %get3A_134] {strides = array<i32>} : memref<128x128xf32, #tpu.memory_space<vmem>>, vector<16xf32>,
      %add3A_136 = arith.addf %get3A_132, %get3A_135 : vector<16xf32>
      %swap3A_137 = arith.index_cast %squeeze3A : i32 to index
      %swap3A_138 = arith.constant 112 : index
      %swap3A_139 = tpu.vector_load %arg12[%swap3A_137, %swap3A_138] {strides = array<i32>} : memref<256x128xf32, #tpu.memory_space<vmem>>, vector<16xf32>,
      tpu.vector_store %arg12[%swap3A_137, %swap3A_138], %add3A_136 {strides = array<i32>} : memref<256x128xf32, #tpu.memory_space<vmem>>, vector<16xf32>,
    }
    "tpu.region"() ({
      %run_scoped3A = tpu.sem_alloc : memref<!tpu.dma_semaphore, #tpu.memory_space<semaphore_mem>>
      %dma_start3A_58 = arith.constant 0 : i32
      %dma_start3A_59 = tpu.memref_slice %arg6[%mul3A_2, %dma_start3A_58] : memref<8192x128xf32, #tpu.memory_space<hbm>> -> memref<256x128xf32, #tpu.memory_space<hbm>>
      %dma_start3A_60 = arith.constant 0 : i32
      %dma_start3A_61 = tpu.memref_slice %arg6[%mul3A_2, %dma_start3A_60] : memref<8192x128xf32, #tpu.memory_space<hbm>> -> memref<256x128xf32, #tpu.memory_space<hbm>>
      tpu.enqueue_dma source(%arg12 : memref<256x128xf32, #tpu.memory_space<vmem>>) target(%dma_start3A_61 : memref<256x128xf32, #tpu.memory_space<hbm>>) target_semaphore(%run_scoped3A : memref<!tpu.dma_semaphore, #tpu.memory_space<semaphore_mem>>)
      %dma_wait3A_62 = arith.constant 0 : i32
      %dma_wait3A_63 = tpu.memref_slice %arg6[%mul3A_2, %dma_wait3A_62] : memref<8192x128xf32, #tpu.memory_space<hbm>> -> memref<256x128xf32, #tpu.memory_space<hbm>>
      %dma_wait3A_64 = arith.constant 0 : i32
      %dma_wait3A_65 = tpu.memref_slice %arg6[%mul3A_2, %dma_wait3A_64] : memref<8192x128xf32, #tpu.memory_space<hbm>> -> memref<256x128xf32, #tpu.memory_space<hbm>>
      tpu.wait_dma2 semaphore(%run_scoped3A : memref<!tpu.dma_semaphore, #tpu.memory_space<semaphore_mem>>) src(%arg12 : memref<256x128xf32, #tpu.memory_space<vmem>>) dst(%dma_wait3A_65 : memref<256x128xf32, #tpu.memory_space<hbm>>)
      tpu.yield
    }) : () -> ()
    return
  }
}

#map = affine_map<(d0, d1) -> (0)>
module attributes {stable_mosaic.version = 14 : i64} {
  func.func @k(%arg0: i32, %arg1: i32, %arg2: memref<163840xi32, #tpu.memory_space<hbm>>, %arg3: memref<163840xi32, #tpu.memory_space<hbm>>, %arg4: memref<8192xi32, #tpu.memory_space<hbm>>, %arg5: memref<163840xi32, #tpu.memory_space<hbm>>, %arg6: memref<163840xi32, #tpu.memory_space<hbm>>, %arg7: memref<8192xi32, #tpu.memory_space<vmem>>, %arg8: memref<5120xi32, #tpu.memory_space<vmem>>, %arg9: memref<5120xi32, #tpu.memory_space<vmem>>, %arg10: memref<5120xi32, #tpu.memory_space<vmem>>, %arg11: memref<5120xi32, #tpu.memory_space<vmem>>) attributes {dimension_semantics = [#tpu.dimension_semantics<core_parallel>, #tpu.dimension_semantics<subcore_parallel>], iteration_bounds = array<i64: 2, 16>, scalar_prefetch = 0 : i64, scratch_operands = 5 : i64, tpu.core_type = #tpu.core_type<sc_vector_subcore>, window_params = [{transform_indices = #map}, {transform_indices = #map}, {transform_indices = #map}, {transform_indices = #map}, {transform_indices = #map}]} {
    %mul3A = arith.constant 2 : i32
    %mul3A_0 = arith.muli %arg1, %mul3A : i32
    %add3A = arith.addi %mul3A_0, %arg0 : i32
    %mul3A_1 = arith.constant 5120 : i32
    %mul3A_2 = arith.muli %add3A, %mul3A_1 : i32
    "tpu.region"() ({
      %run_scoped3A = tpu.sem_alloc : memref<!tpu.dma_semaphore, #tpu.memory_space<semaphore_mem>>
      tpu.enqueue_dma source(%arg4 : memref<8192xi32, #tpu.memory_space<hbm>>) target(%arg7 : memref<8192xi32, #tpu.memory_space<vmem>>) target_semaphore(%run_scoped3A : memref<!tpu.dma_semaphore, #tpu.memory_space<semaphore_mem>>)
      tpu.wait_dma2 semaphore(%run_scoped3A : memref<!tpu.dma_semaphore, #tpu.memory_space<semaphore_mem>>) src(%arg4 : memref<8192xi32, #tpu.memory_space<hbm>>) dst(%arg7 : memref<8192xi32, #tpu.memory_space<vmem>>)
      tpu.yield
    }) : () -> ()
    "tpu.region"() ({
      %run_scoped3A = tpu.sem_alloc : memref<!tpu.dma_semaphore, #tpu.memory_space<semaphore_mem>>
      %dma_start3A = tpu.memref_slice %arg2[%mul3A_2] : memref<163840xi32, #tpu.memory_space<hbm>> -> memref<5120xi32, #tpu.memory_space<hbm>>
      %dma_start3A_9 = tpu.memref_slice %arg2[%mul3A_2] : memref<163840xi32, #tpu.memory_space<hbm>> -> memref<5120xi32, #tpu.memory_space<hbm>>
      tpu.enqueue_dma source(%dma_start3A_9 : memref<5120xi32, #tpu.memory_space<hbm>>) target(%arg8 : memref<5120xi32, #tpu.memory_space<vmem>>) target_semaphore(%run_scoped3A : memref<!tpu.dma_semaphore, #tpu.memory_space<semaphore_mem>>)
      %dma_wait3A = tpu.memref_slice %arg2[%mul3A_2] : memref<163840xi32, #tpu.memory_space<hbm>> -> memref<5120xi32, #tpu.memory_space<hbm>>
      %dma_wait3A_10 = tpu.memref_slice %arg2[%mul3A_2] : memref<163840xi32, #tpu.memory_space<hbm>> -> memref<5120xi32, #tpu.memory_space<hbm>>
      tpu.wait_dma2 semaphore(%run_scoped3A : memref<!tpu.dma_semaphore, #tpu.memory_space<semaphore_mem>>) src(%dma_wait3A_10 : memref<5120xi32, #tpu.memory_space<hbm>>) dst(%arg8 : memref<5120xi32, #tpu.memory_space<vmem>>)
      tpu.yield
    }) : () -> ()
    "tpu.region"() ({
      %run_scoped3A = tpu.sem_alloc : memref<!tpu.dma_semaphore, #tpu.memory_space<semaphore_mem>>
      %dma_start3A = tpu.memref_slice %arg3[%mul3A_2] : memref<163840xi32, #tpu.memory_space<hbm>> -> memref<5120xi32, #tpu.memory_space<hbm>>
      %dma_start3A_9 = tpu.memref_slice %arg3[%mul3A_2] : memref<163840xi32, #tpu.memory_space<hbm>> -> memref<5120xi32, #tpu.memory_space<hbm>>
      tpu.enqueue_dma source(%dma_start3A_9 : memref<5120xi32, #tpu.memory_space<hbm>>) target(%arg9 : memref<5120xi32, #tpu.memory_space<vmem>>) target_semaphore(%run_scoped3A : memref<!tpu.dma_semaphore, #tpu.memory_space<semaphore_mem>>)
      %dma_wait3A = tpu.memref_slice %arg3[%mul3A_2] : memref<163840xi32, #tpu.memory_space<hbm>> -> memref<5120xi32, #tpu.memory_space<hbm>>
      %dma_wait3A_10 = tpu.memref_slice %arg3[%mul3A_2] : memref<163840xi32, #tpu.memory_space<hbm>> -> memref<5120xi32, #tpu.memory_space<hbm>>
      tpu.wait_dma2 semaphore(%run_scoped3A : memref<!tpu.dma_semaphore, #tpu.memory_space<semaphore_mem>>) src(%dma_wait3A_10 : memref<5120xi32, #tpu.memory_space<hbm>>) dst(%arg9 : memref<5120xi32, #tpu.memory_space<vmem>>)
      tpu.yield
    }) : () -> ()
    %scan3A = arith.constant 0 : i32
    %scan3A_3 = arith.constant 6400 : i32
    %scan3A_4 = arith.constant 0 : i32
    %scan3A_5 = arith.constant 320 : i32
    %scan3A_6 = arith.addi %scan3A_4, %scan3A_5 : i32
    %scan3A_7 = arith.constant 1 : i32
    scf.for %scan3A_9 = %scan3A_4 to %scan3A_6 step %scan3A_7  : i32 {
      %mul3A_10 = arith.constant 16 : i32
      %mul3A_11 = arith.muli %scan3A_9, %mul3A_10 : i32
      %get3A = arith.index_cast %mul3A_11 : i32 to index
      %get3A_12 = tpu.vector_load %arg8[%get3A] {strides = array<i32>} : memref<5120xi32, #tpu.memory_space<vmem>>, vector<16xi32>,
      %gather3A = tpu.vector_load_idx %arg7[%get3A_12] : memref<8192xi32, #tpu.memory_space<vmem>>[vector<16xi32>], vector<16xi32>,
      %get3A_13 = arith.index_cast %mul3A_11 : i32 to index
      %get3A_14 = tpu.vector_load %arg9[%get3A_13] {strides = array<i32>} : memref<5120xi32, #tpu.memory_space<vmem>>, vector<16xi32>,
      %gather3A_15 = tpu.vector_load_idx %arg7[%get3A_14] : memref<8192xi32, #tpu.memory_space<vmem>>[vector<16xi32>], vector<16xi32>,
      %lt3A = vector.broadcast %scan3A_3 : i32 to vector<16xi32>
      %lt3A_16 = arith.cmpi slt, %gather3A, %lt3A : vector<16xi32>
      %lt3A_17 = vector.broadcast %scan3A_3 : i32 to vector<16xi32>
      %lt3A_18 = arith.cmpi slt, %gather3A_15, %lt3A_17 : vector<16xi32>
      %and3A = arith.andi %lt3A_16, %lt3A_18 : vector<16xi1>
      %jit3A = arith.constant 0 : i32
      %broadcast_in_dim3A = vector.broadcast %jit3A : i32 to vector<16xi32>
      %select_n3A = arith.select %and3A, %gather3A, %broadcast_in_dim3A : vector<16xi1>, vector<16xi32>
      %swap3A = arith.index_cast %mul3A_11 : i32 to index
      %swap3A_19 = tpu.vector_load %arg10[%swap3A] {strides = array<i32>} : memref<5120xi32, #tpu.memory_space<vmem>>, vector<16xi32>,
      tpu.vector_store %arg10[%swap3A], %select_n3A {strides = array<i32>} : memref<5120xi32, #tpu.memory_space<vmem>>, vector<16xi32>,
      %broadcast_in_dim3A_20 = vector.broadcast %scan3A_3 : i32 to vector<16xi32>
      %select_n3A_21 = arith.select %and3A, %gather3A_15, %broadcast_in_dim3A_20 : vector<16xi1>, vector<16xi32>
      %swap3A_22 = arith.index_cast %mul3A_11 : i32 to index
      %swap3A_23 = tpu.vector_load %arg11[%swap3A_22] {strides = array<i32>} : memref<5120xi32, #tpu.memory_space<vmem>>, vector<16xi32>,
      tpu.vector_store %arg11[%swap3A_22], %select_n3A_21 {strides = array<i32>} : memref<5120xi32, #tpu.memory_space<vmem>>, vector<16xi32>,
    }
    %scan3A_8 = arith.constant 320 : i32
    "tpu.region"() ({
      %run_scoped3A = tpu.sem_alloc : memref<!tpu.dma_semaphore, #tpu.memory_space<semaphore_mem>>
      %dma_start3A = tpu.memref_slice %arg5[%mul3A_2] : memref<163840xi32, #tpu.memory_space<hbm>> -> memref<5120xi32, #tpu.memory_space<hbm>>
      %dma_start3A_9 = tpu.memref_slice %arg5[%mul3A_2] : memref<163840xi32, #tpu.memory_space<hbm>> -> memref<5120xi32, #tpu.memory_space<hbm>>
      tpu.enqueue_dma source(%arg10 : memref<5120xi32, #tpu.memory_space<vmem>>) target(%dma_start3A_9 : memref<5120xi32, #tpu.memory_space<hbm>>) target_semaphore(%run_scoped3A : memref<!tpu.dma_semaphore, #tpu.memory_space<semaphore_mem>>)
      %dma_wait3A = tpu.memref_slice %arg5[%mul3A_2] : memref<163840xi32, #tpu.memory_space<hbm>> -> memref<5120xi32, #tpu.memory_space<hbm>>
      %dma_wait3A_10 = tpu.memref_slice %arg5[%mul3A_2] : memref<163840xi32, #tpu.memory_space<hbm>> -> memref<5120xi32, #tpu.memory_space<hbm>>
      tpu.wait_dma2 semaphore(%run_scoped3A : memref<!tpu.dma_semaphore, #tpu.memory_space<semaphore_mem>>) src(%arg10 : memref<5120xi32, #tpu.memory_space<vmem>>) dst(%dma_wait3A_10 : memref<5120xi32, #tpu.memory_space<hbm>>)
      tpu.yield
    }) : () -> ()
    "tpu.region"() ({
      %run_scoped3A = tpu.sem_alloc : memref<!tpu.dma_semaphore, #tpu.memory_space<semaphore_mem>>
      %dma_start3A = tpu.memref_slice %arg6[%mul3A_2] : memref<163840xi32, #tpu.memory_space<hbm>> -> memref<5120xi32, #tpu.memory_space<hbm>>
      %dma_start3A_9 = tpu.memref_slice %arg6[%mul3A_2] : memref<163840xi32, #tpu.memory_space<hbm>> -> memref<5120xi32, #tpu.memory_space<hbm>>
      tpu.enqueue_dma source(%arg11 : memref<5120xi32, #tpu.memory_space<vmem>>) target(%dma_start3A_9 : memref<5120xi32, #tpu.memory_space<hbm>>) target_semaphore(%run_scoped3A : memref<!tpu.dma_semaphore, #tpu.memory_space<semaphore_mem>>)
      %dma_wait3A = tpu.memref_slice %arg6[%mul3A_2] : memref<163840xi32, #tpu.memory_space<hbm>> -> memref<5120xi32, #tpu.memory_space<hbm>>
      %dma_wait3A_10 = tpu.memref_slice %arg6[%mul3A_2] : memref<163840xi32, #tpu.memory_space<hbm>> -> memref<5120xi32, #tpu.memory_space<hbm>>
      tpu.wait_dma2 semaphore(%run_scoped3A : memref<!tpu.dma_semaphore, #tpu.memory_space<semaphore_mem>>) src(%arg11 : memref<5120xi32, #tpu.memory_space<vmem>>) dst(%dma_wait3A_10 : memref<5120xi32, #tpu.memory_space<hbm>>)
      tpu.yield
    }) : () -> ()
    return
  }
}

#map = affine_map<(d0, d1) -> (0, 0)>
#map1 = affine_map<(d0, d1) -> (0)>
module attributes {stable_mosaic.version = 14 : i64} {
  func.func @k(%arg0: i32, %arg1: i32, %arg2: memref<8192x128xf32, #tpu.memory_space<hbm>>, %arg3: memref<8192xi32, #tpu.memory_space<hbm>>, %arg4: memref<6656x128xf32, #tpu.memory_space<hbm>>, %arg5: memref<128xi32, #tpu.memory_space<vmem>>, %arg6: memref<128xi32, #tpu.memory_space<vmem>>, %arg7: memref<128x128xf32, #tpu.memory_space<vmem>>, %arg8: memref<!tpu.dma_semaphore, #tpu.memory_space<semaphore_mem>>) attributes {dimension_semantics = [#tpu.dimension_semantics<core_parallel>, #tpu.dimension_semantics<subcore_parallel>], iteration_bounds = array<i64: 2, 16>, scalar_prefetch = 0 : i64, scratch_operands = 4 : i64, tpu.core_type = #tpu.core_type<sc_vector_subcore>, window_params = [{transform_indices = #map}, {transform_indices = #map1}, {transform_indices = #map}]} {
    %mul3A = arith.constant 2 : i32
    %mul3A_0 = arith.muli %arg1, %mul3A : i32
    %add3A = arith.addi %mul3A_0, %arg0 : i32
    %mul3A_1 = arith.constant 256 : i32
    %mul3A_2 = arith.muli %add3A, %mul3A_1 : i32
    %scan3A = arith.constant 0 : i32
    %scan3A_3 = arith.constant 0 : i32
    %scan3A_4 = arith.constant 2 : i32
    %scan3A_5 = arith.addi %scan3A_3, %scan3A_4 : i32
    %scan3A_6 = arith.constant 1 : i32
    scf.for %scan3A_8 = %scan3A_3 to %scan3A_5 step %scan3A_6  : i32 {
      %mul3A_9 = arith.constant 128 : i32
      %mul3A_10 = arith.muli %scan3A_8, %mul3A_9 : i32
      %add3A_11 = arith.addi %mul3A_2, %mul3A_10 : i32
      "tpu.region"() ({
        %run_scoped3A = tpu.sem_alloc : memref<!tpu.dma_semaphore, #tpu.memory_space<semaphore_mem>>
        %dma_start3A_69 = tpu.memref_slice %arg3[%add3A_11] : memref<8192xi32, #tpu.memory_space<hbm>> -> memref<128xi32, #tpu.memory_space<hbm>>
        %dma_start3A_70 = tpu.memref_slice %arg3[%add3A_11] : memref<8192xi32, #tpu.memory_space<hbm>> -> memref<128xi32, #tpu.memory_space<hbm>>
        tpu.enqueue_dma source(%dma_start3A_70 : memref<128xi32, #tpu.memory_space<hbm>>) target(%arg5 : memref<128xi32, #tpu.memory_space<vmem>>) target_semaphore(%run_scoped3A : memref<!tpu.dma_semaphore, #tpu.memory_space<semaphore_mem>>)
        %dma_wait3A_71 = tpu.memref_slice %arg3[%add3A_11] : memref<8192xi32, #tpu.memory_space<hbm>> -> memref<128xi32, #tpu.memory_space<hbm>>
        %dma_wait3A_72 = tpu.memref_slice %arg3[%add3A_11] : memref<8192xi32, #tpu.memory_space<hbm>> -> memref<128xi32, #tpu.memory_space<hbm>>
        tpu.wait_dma2 semaphore(%run_scoped3A : memref<!tpu.dma_semaphore, #tpu.memory_space<semaphore_mem>>) src(%dma_wait3A_72 : memref<128xi32, #tpu.memory_space<hbm>>) dst(%arg5 : memref<128xi32, #tpu.memory_space<vmem>>)
        tpu.yield
      }) : () -> ()
      %get3A = arith.constant 0 : index
      %get3A_12 = tpu.vector_load %arg5[%get3A] {strides = array<i32>} : memref<128xi32, #tpu.memory_space<vmem>>, vector<16xi32>,
      %min3A = arith.constant 6400 : i32
      %min3A_13 = vector.broadcast %min3A : i32 to vector<16xi32>
      %min3A_14 = arith.minsi %get3A_12, %min3A_13 : vector<16xi32>
      %swap3A = arith.constant 0 : index
      %swap3A_15 = tpu.vector_load %arg6[%swap3A] {strides = array<i32>} : memref<128xi32, #tpu.memory_space<vmem>>, vector<16xi32>,
      tpu.vector_store %arg6[%swap3A], %min3A_14 {strides = array<i32>} : memref<128xi32, #tpu.memory_space<vmem>>, vector<16xi32>,
      %get3A_16 = arith.constant 16 : index
      %get3A_17 = tpu.vector_load %arg5[%get3A_16] {strides = array<i32>} : memref<128xi32, #tpu.memory_space<vmem>>, vector<16xi32>,
      %min3A_18 = arith.constant 6400 : i32
      %min3A_19 = vector.broadcast %min3A_18 : i32 to vector<16xi32>
      %min3A_20 = arith.minsi %get3A_17, %min3A_19 : vector<16xi32>
      %swap3A_21 = arith.constant 16 : index
      %swap3A_22 = tpu.vector_load %arg6[%swap3A_21] {strides = array<i32>} : memref<128xi32, #tpu.memory_space<vmem>>, vector<16xi32>,
      tpu.vector_store %arg6[%swap3A_21], %min3A_20 {strides = array<i32>} : memref<128xi32, #tpu.memory_space<vmem>>, vector<16xi32>,
      %get3A_23 = arith.constant 32 : index
      %get3A_24 = tpu.vector_load %arg5[%get3A_23] {strides = array<i32>} : memref<128xi32, #tpu.memory_space<vmem>>, vector<16xi32>,
      %min3A_25 = arith.constant 6400 : i32
      %min3A_26 = vector.broadcast %min3A_25 : i32 to vector<16xi32>
      %min3A_27 = arith.minsi %get3A_24, %min3A_26 : vector<16xi32>
      %swap3A_28 = arith.constant 32 : index
      %swap3A_29 = tpu.vector_load %arg6[%swap3A_28] {strides = array<i32>} : memref<128xi32, #tpu.memory_space<vmem>>, vector<16xi32>,
      tpu.vector_store %arg6[%swap3A_28], %min3A_27 {strides = array<i32>} : memref<128xi32, #tpu.memory_space<vmem>>, vector<16xi32>,
      %get3A_30 = arith.constant 48 : index
      %get3A_31 = tpu.vector_load %arg5[%get3A_30] {strides = array<i32>} : memref<128xi32, #tpu.memory_space<vmem>>, vector<16xi32>,
      %min3A_32 = arith.constant 6400 : i32
      %min3A_33 = vector.broadcast %min3A_32 : i32 to vector<16xi32>
      %min3A_34 = arith.minsi %get3A_31, %min3A_33 : vector<16xi32>
      %swap3A_35 = arith.constant 48 : index
      %swap3A_36 = tpu.vector_load %arg6[%swap3A_35] {strides = array<i32>} : memref<128xi32, #tpu.memory_space<vmem>>, vector<16xi32>,
      tpu.vector_store %arg6[%swap3A_35], %min3A_34 {strides = array<i32>} : memref<128xi32, #tpu.memory_space<vmem>>, vector<16xi32>,
      %get3A_37 = arith.constant 64 : index
      %get3A_38 = tpu.vector_load %arg5[%get3A_37] {strides = array<i32>} : memref<128xi32, #tpu.memory_space<vmem>>, vector<16xi32>,
      %min3A_39 = arith.constant 6400 : i32
      %min3A_40 = vector.broadcast %min3A_39 : i32 to vector<16xi32>
      %min3A_41 = arith.minsi %get3A_38, %min3A_40 : vector<16xi32>
      %swap3A_42 = arith.constant 64 : index
      %swap3A_43 = tpu.vector_load %arg6[%swap3A_42] {strides = array<i32>} : memref<128xi32, #tpu.memory_space<vmem>>, vector<16xi32>,
      tpu.vector_store %arg6[%swap3A_42], %min3A_41 {strides = array<i32>} : memref<128xi32, #tpu.memory_space<vmem>>, vector<16xi32>,
      %get3A_44 = arith.constant 80 : index
      %get3A_45 = tpu.vector_load %arg5[%get3A_44] {strides = array<i32>} : memref<128xi32, #tpu.memory_space<vmem>>, vector<16xi32>,
      %min3A_46 = arith.constant 6400 : i32
      %min3A_47 = vector.broadcast %min3A_46 : i32 to vector<16xi32>
      %min3A_48 = arith.minsi %get3A_45, %min3A_47 : vector<16xi32>
      %swap3A_49 = arith.constant 80 : index
      %swap3A_50 = tpu.vector_load %arg6[%swap3A_49] {strides = array<i32>} : memref<128xi32, #tpu.memory_space<vmem>>, vector<16xi32>,
      tpu.vector_store %arg6[%swap3A_49], %min3A_48 {strides = array<i32>} : memref<128xi32, #tpu.memory_space<vmem>>, vector<16xi32>,
      %get3A_51 = arith.constant 96 : index
      %get3A_52 = tpu.vector_load %arg5[%get3A_51] {strides = array<i32>} : memref<128xi32, #tpu.memory_space<vmem>>, vector<16xi32>,
      %min3A_53 = arith.constant 6400 : i32
      %min3A_54 = vector.broadcast %min3A_53 : i32 to vector<16xi32>
      %min3A_55 = arith.minsi %get3A_52, %min3A_54 : vector<16xi32>
      %swap3A_56 = arith.constant 96 : index
      %swap3A_57 = tpu.vector_load %arg6[%swap3A_56] {strides = array<i32>} : memref<128xi32, #tpu.memory_space<vmem>>, vector<16xi32>,
      tpu.vector_store %arg6[%swap3A_56], %min3A_55 {strides = array<i32>} : memref<128xi32, #tpu.memory_space<vmem>>, vector<16xi32>,
      %get3A_58 = arith.constant 112 : index
      %get3A_59 = tpu.vector_load %arg5[%get3A_58] {strides = array<i32>} : memref<128xi32, #tpu.memory_space<vmem>>, vector<16xi32>,
      %min3A_60 = arith.constant 6400 : i32
      %min3A_61 = vector.broadcast %min3A_60 : i32 to vector<16xi32>
      %min3A_62 = arith.minsi %get3A_59, %min3A_61 : vector<16xi32>
      %swap3A_63 = arith.constant 112 : index
      %swap3A_64 = tpu.vector_load %arg6[%swap3A_63] {strides = array<i32>} : memref<128xi32, #tpu.memory_space<vmem>>, vector<16xi32>,
      tpu.vector_store %arg6[%swap3A_63], %min3A_62 {strides = array<i32>} : memref<128xi32, #tpu.memory_space<vmem>>, vector<16xi32>,
      "tpu.region"() ({
        %run_scoped3A = tpu.sem_alloc : memref<!tpu.dma_semaphore, #tpu.memory_space<semaphore_mem>>
        %dma_start3A_69 = arith.constant 0 : i32
        %dma_start3A_70 = tpu.memref_slice %arg2[%add3A_11, %dma_start3A_69] : memref<8192x128xf32, #tpu.memory_space<hbm>> -> memref<128x128xf32, #tpu.memory_space<hbm>>
        %dma_start3A_71 = arith.constant 0 : i32
        %dma_start3A_72 = tpu.memref_slice %arg2[%add3A_11, %dma_start3A_71] : memref<8192x128xf32, #tpu.memory_space<hbm>> -> memref<128x128xf32, #tpu.memory_space<hbm>>
        tpu.enqueue_dma source(%dma_start3A_72 : memref<128x128xf32, #tpu.memory_space<hbm>>) target(%arg7 : memref<128x128xf32, #tpu.memory_space<vmem>>) target_semaphore(%run_scoped3A : memref<!tpu.dma_semaphore, #tpu.memory_space<semaphore_mem>>)
        %dma_wait3A_73 = arith.constant 0 : i32
        %dma_wait3A_74 = tpu.memref_slice %arg2[%add3A_11, %dma_wait3A_73] : memref<8192x128xf32, #tpu.memory_space<hbm>> -> memref<128x128xf32, #tpu.memory_space<hbm>>
        %dma_wait3A_75 = arith.constant 0 : i32
        %dma_wait3A_76 = tpu.memref_slice %arg2[%add3A_11, %dma_wait3A_75] : memref<8192x128xf32, #tpu.memory_space<hbm>> -> memref<128x128xf32, #tpu.memory_space<hbm>>
        tpu.wait_dma2 semaphore(%run_scoped3A : memref<!tpu.dma_semaphore, #tpu.memory_space<semaphore_mem>>) src(%dma_wait3A_76 : memref<128x128xf32, #tpu.memory_space<hbm>>) dst(%arg7 : memref<128x128xf32, #tpu.memory_space<vmem>>)
        tpu.yield
      }) : () -> ()
      %dma_start3A = arith.constant 0 : i32
      %dma_start3A_65 = arith.constant 0 : i32
      %dma_start3A_66 = tpu.memref_slice %arg4[%dma_start3A, %dma_start3A_65] : memref<6656x128xf32, #tpu.memory_space<hbm>> -> memref<6656x128xf32, #tpu.memory_space<hbm>>
      tpu.enqueue_indirect_dma source(%arg7 : memref<128x128xf32, #tpu.memory_space<vmem>>) target(%dma_start3A_66 : memref<6656x128xf32, #tpu.memory_space<hbm>>) offsets(%arg6 : memref<128xi32, #tpu.memory_space<vmem>>) semaphore(%arg8 : memref<!tpu.dma_semaphore, #tpu.memory_space<semaphore_mem>>)
      %dma_wait3A = arith.constant 0 : i32
      %dma_wait3A_67 = arith.constant 0 : i32
      %dma_wait3A_68 = tpu.memref_slice %arg4[%dma_wait3A, %dma_wait3A_67] : memref<6656x128xf32, #tpu.memory_space<hbm>> -> memref<6656x128xf32, #tpu.memory_space<hbm>>
      tpu.wait_indirect_dma semaphore(%arg8 : memref<!tpu.dma_semaphore, #tpu.memory_space<semaphore_mem>>) src(%arg7 : memref<128x128xf32, #tpu.memory_space<vmem>>) dst(%dma_wait3A_68 : memref<6656x128xf32, #tpu.memory_space<hbm>>)
    }
    %scan3A_7 = arith.constant 2 : i32
    return
  }
}

#map = affine_map<(d0, d1) -> (0, 0)>
#map1 = affine_map<(d0, d1) -> (0)>
module attributes {stable_mosaic.version = 14 : i64} {
  func.func @k(%arg0: i32, %arg1: i32, %arg2: memref<6656x128xf32, #tpu.memory_space<hbm>>, %arg3: memref<163840xi32, #tpu.memory_space<hbm>>, %arg4: memref<163840xi32, #tpu.memory_space<hbm>>, %arg5: memref<208x128xf32, #tpu.memory_space<hbm>>, %arg6: memref<6656x128xf32, #tpu.memory_space<hbm>>, %arg7: memref<4096xi32, #tpu.memory_space<vmem>>, %arg8: memref<4096xi32, #tpu.memory_space<vmem>>, %arg9: memref<256xi32, #tpu.memory_space<vmem>>, %arg10: memref<256xi32, #tpu.memory_space<vmem>>, %arg11: memref<128x128xf32, #tpu.memory_space<vmem>>, %arg12: memref<208x128xf32, #tpu.memory_space<vmem>>, %arg13: memref<!tpu.dma_semaphore, #tpu.memory_space<semaphore_mem>>) attributes {dimension_semantics = [#tpu.dimension_semantics<core_parallel>, #tpu.dimension_semantics<subcore_parallel>], iteration_bounds = array<i64: 2, 16>, scalar_prefetch = 0 : i64, scratch_operands = 7 : i64, tpu.core_type = #tpu.core_type<sc_vector_subcore>, window_params = [{transform_indices = #map}, {transform_indices = #map1}, {transform_indices = #map1}, {transform_indices = #map}, {transform_indices = #map}]} {
    %mul3A = arith.constant 2 : i32
    %mul3A_0 = arith.muli %arg1, %mul3A : i32
    %add3A = arith.addi %mul3A_0, %arg0 : i32
    %mul3A_1 = arith.constant 208 : i32
    %mul3A_2 = arith.muli %add3A, %mul3A_1 : i32
    "tpu.region"() ({
      %run_scoped3A = tpu.sem_alloc : memref<!tpu.dma_semaphore, #tpu.memory_space<semaphore_mem>>
      tpu.enqueue_dma source(%arg5 : memref<208x128xf32, #tpu.memory_space<hbm>>) target(%arg12 : memref<208x128xf32, #tpu.memory_space<vmem>>) target_semaphore(%run_scoped3A : memref<!tpu.dma_semaphore, #tpu.memory_space<semaphore_mem>>)
      tpu.wait_dma2 semaphore(%run_scoped3A : memref<!tpu.dma_semaphore, #tpu.memory_space<semaphore_mem>>) src(%arg5 : memref<208x128xf32, #tpu.memory_space<hbm>>) dst(%arg12 : memref<208x128xf32, #tpu.memory_space<vmem>>)
      tpu.yield
    }) : () -> ()
    %broadcast_in_dim3A = arith.constant 0 : i32
    %broadcast_in_dim3A_3 = vector.broadcast %broadcast_in_dim3A : i32 to vector<16xi32>
    %swap3A = arith.constant 0 : index
    %swap3A_4 = tpu.vector_load %arg9[%swap3A] {strides = array<i32>} : memref<256xi32, #tpu.memory_space<vmem>>, vector<16xi32>,
    tpu.vector_store %arg9[%swap3A], %broadcast_in_dim3A_3 {strides = array<i32>} : memref<256xi32, #tpu.memory_space<vmem>>, vector<16xi32>,
    %swap3A_5 = arith.constant 16 : index
    %swap3A_6 = tpu.vector_load %arg9[%swap3A_5] {strides = array<i32>} : memref<256xi32, #tpu.memory_space<vmem>>, vector<16xi32>,
    tpu.vector_store %arg9[%swap3A_5], %broadcast_in_dim3A_3 {strides = array<i32>} : memref<256xi32, #tpu.memory_space<vmem>>, vector<16xi32>,
    %swap3A_7 = arith.constant 32 : index
    %swap3A_8 = tpu.vector_load %arg9[%swap3A_7] {strides = array<i32>} : memref<256xi32, #tpu.memory_space<vmem>>, vector<16xi32>,
    tpu.vector_store %arg9[%swap3A_7], %broadcast_in_dim3A_3 {strides = array<i32>} : memref<256xi32, #tpu.memory_space<vmem>>, vector<16xi32>,
    %swap3A_9 = arith.constant 48 : index
    %swap3A_10 = tpu.vector_load %arg9[%swap3A_9] {strides = array<i32>} : memref<256xi32, #tpu.memory_space<vmem>>, vector<16xi32>,
    tpu.vector_store %arg9[%swap3A_9], %broadcast_in_dim3A_3 {strides = array<i32>} : memref<256xi32, #tpu.memory_space<vmem>>, vector<16xi32>,
    %swap3A_11 = arith.constant 64 : index
    %swap3A_12 = tpu.vector_load %arg9[%swap3A_11] {strides = array<i32>} : memref<256xi32, #tpu.memory_space<vmem>>, vector<16xi32>,
    tpu.vector_store %arg9[%swap3A_11], %broadcast_in_dim3A_3 {strides = array<i32>} : memref<256xi32, #tpu.memory_space<vmem>>, vector<16xi32>,
    %swap3A_13 = arith.constant 80 : index
    %swap3A_14 = tpu.vector_load %arg9[%swap3A_13] {strides = array<i32>} : memref<256xi32, #tpu.memory_space<vmem>>, vector<16xi32>,
    tpu.vector_store %arg9[%swap3A_13], %broadcast_in_dim3A_3 {strides = array<i32>} : memref<256xi32, #tpu.memory_space<vmem>>, vector<16xi32>,
    %swap3A_15 = arith.constant 96 : index
    %swap3A_16 = tpu.vector_load %arg9[%swap3A_15] {strides = array<i32>} : memref<256xi32, #tpu.memory_space<vmem>>, vector<16xi32>,
    tpu.vector_store %arg9[%swap3A_15], %broadcast_in_dim3A_3 {strides = array<i32>} : memref<256xi32, #tpu.memory_space<vmem>>, vector<16xi32>,
    %swap3A_17 = arith.constant 112 : index
    %swap3A_18 = tpu.vector_load %arg9[%swap3A_17] {strides = array<i32>} : memref<256xi32, #tpu.memory_space<vmem>>, vector<16xi32>,
    tpu.vector_store %arg9[%swap3A_17], %broadcast_in_dim3A_3 {strides = array<i32>} : memref<256xi32, #tpu.memory_space<vmem>>, vector<16xi32>,
    %swap3A_19 = arith.constant 128 : index
    %swap3A_20 = tpu.vector_load %arg9[%swap3A_19] {strides = array<i32>} : memref<256xi32, #tpu.memory_space<vmem>>, vector<16xi32>,
    tpu.vector_store %arg9[%swap3A_19], %broadcast_in_dim3A_3 {strides = array<i32>} : memref<256xi32, #tpu.memory_space<vmem>>, vector<16xi32>,
    %swap3A_21 = arith.constant 144 : index
    %swap3A_22 = tpu.vector_load %arg9[%swap3A_21] {strides = array<i32>} : memref<256xi32, #tpu.memory_space<vmem>>, vector<16xi32>,
    tpu.vector_store %arg9[%swap3A_21], %broadcast_in_dim3A_3 {strides = array<i32>} : memref<256xi32, #tpu.memory_space<vmem>>, vector<16xi32>,
    %swap3A_23 = arith.constant 160 : index
    %swap3A_24 = tpu.vector_load %arg9[%swap3A_23] {strides = array<i32>} : memref<256xi32, #tpu.memory_space<vmem>>, vector<16xi32>,
    tpu.vector_store %arg9[%swap3A_23], %broadcast_in_dim3A_3 {strides = array<i32>} : memref<256xi32, #tpu.memory_space<vmem>>, vector<16xi32>,
    %swap3A_25 = arith.constant 176 : index
    %swap3A_26 = tpu.vector_load %arg9[%swap3A_25] {strides = array<i32>} : memref<256xi32, #tpu.memory_space<vmem>>, vector<16xi32>,
    tpu.vector_store %arg9[%swap3A_25], %broadcast_in_dim3A_3 {strides = array<i32>} : memref<256xi32, #tpu.memory_space<vmem>>, vector<16xi32>,
    %swap3A_27 = arith.constant 192 : index
    %swap3A_28 = tpu.vector_load %arg9[%swap3A_27] {strides = array<i32>} : memref<256xi32, #tpu.memory_space<vmem>>, vector<16xi32>,
    tpu.vector_store %arg9[%swap3A_27], %broadcast_in_dim3A_3 {strides = array<i32>} : memref<256xi32, #tpu.memory_space<vmem>>, vector<16xi32>,
    %swap3A_29 = arith.constant 208 : index
    %swap3A_30 = tpu.vector_load %arg9[%swap3A_29] {strides = array<i32>} : memref<256xi32, #tpu.memory_space<vmem>>, vector<16xi32>,
    tpu.vector_store %arg9[%swap3A_29], %broadcast_in_dim3A_3 {strides = array<i32>} : memref<256xi32, #tpu.memory_space<vmem>>, vector<16xi32>,
    %swap3A_31 = arith.constant 224 : index
    %swap3A_32 = tpu.vector_load %arg9[%swap3A_31] {strides = array<i32>} : memref<256xi32, #tpu.memory_space<vmem>>, vector<16xi32>,
    tpu.vector_store %arg9[%swap3A_31], %broadcast_in_dim3A_3 {strides = array<i32>} : memref<256xi32, #tpu.memory_space<vmem>>, vector<16xi32>,
    %swap3A_33 = arith.constant 240 : index
    %swap3A_34 = tpu.vector_load %arg9[%swap3A_33] {strides = array<i32>} : memref<256xi32, #tpu.memory_space<vmem>>, vector<16xi32>,
    tpu.vector_store %arg9[%swap3A_33], %broadcast_in_dim3A_3 {strides = array<i32>} : memref<256xi32, #tpu.memory_space<vmem>>, vector<16xi32>,
    %scan3A = arith.constant 0 : i32
    %scan3A_35 = arith.constant 0 : i32
    %scan3A_36 = arith.constant 40 : i32
    %scan3A_37 = arith.addi %scan3A_35, %scan3A_36 : i32
    %scan3A_38 = arith.constant 1 : i32
    %scan3A_39 = scf.for %scan3A_58 = %scan3A_35 to %scan3A_37 step %scan3A_38 iter_args(%scan3A_59 = %scan3A) -> (i32)  : i32 {
      %mul3A_60 = arith.constant 4096 : i32
      %mul3A_61 = arith.muli %scan3A_58, %mul3A_60 : i32
      "tpu.region"() ({
        %run_scoped3A = tpu.sem_alloc : memref<!tpu.dma_semaphore, #tpu.memory_space<semaphore_mem>>
        %dma_start3A_70 = tpu.memref_slice %arg3[%mul3A_61] : memref<163840xi32, #tpu.memory_space<hbm>> -> memref<4096xi32, #tpu.memory_space<hbm>>
        %dma_start3A_71 = tpu.memref_slice %arg3[%mul3A_61] : memref<163840xi32, #tpu.memory_space<hbm>> -> memref<4096xi32, #tpu.memory_space<hbm>>
        tpu.enqueue_dma source(%dma_start3A_71 : memref<4096xi32, #tpu.memory_space<hbm>>) target(%arg7 : memref<4096xi32, #tpu.memory_space<vmem>>) target_semaphore(%run_scoped3A : memref<!tpu.dma_semaphore, #tpu.memory_space<semaphore_mem>>)
        %dma_wait3A_72 = tpu.memref_slice %arg3[%mul3A_61] : memref<163840xi32, #tpu.memory_space<hbm>> -> memref<4096xi32, #tpu.memory_space<hbm>>
        %dma_wait3A_73 = tpu.memref_slice %arg3[%mul3A_61] : memref<163840xi32, #tpu.memory_space<hbm>> -> memref<4096xi32, #tpu.memory_space<hbm>>
        tpu.wait_dma2 semaphore(%run_scoped3A : memref<!tpu.dma_semaphore, #tpu.memory_space<semaphore_mem>>) src(%dma_wait3A_73 : memref<4096xi32, #tpu.memory_space<hbm>>) dst(%arg7 : memref<4096xi32, #tpu.memory_space<vmem>>)
        tpu.yield
      }) : () -> ()
      %mul3A_62 = arith.constant 4096 : i32
      %mul3A_63 = arith.muli %scan3A_58, %mul3A_62 : i32
      "tpu.region"() ({
        %run_scoped3A = tpu.sem_alloc : memref<!tpu.dma_semaphore, #tpu.memory_space<semaphore_mem>>
        %dma_start3A_70 = tpu.memref_slice %arg4[%mul3A_63] : memref<163840xi32, #tpu.memory_space<hbm>> -> memref<4096xi32, #tpu.memory_space<hbm>>
        %dma_start3A_71 = tpu.memref_slice %arg4[%mul3A_63] : memref<163840xi32, #tpu.memory_space<hbm>> -> memref<4096xi32, #tpu.memory_space<hbm>>
        tpu.enqueue_dma source(%dma_start3A_71 : memref<4096xi32, #tpu.memory_space<hbm>>) target(%arg8 : memref<4096xi32, #tpu.memory_space<vmem>>) target_semaphore(%run_scoped3A : memref<!tpu.dma_semaphore, #tpu.memory_space<semaphore_mem>>)
        %dma_wait3A_72 = tpu.memref_slice %arg4[%mul3A_63] : memref<163840xi32, #tpu.memory_space<hbm>> -> memref<4096xi32, #tpu.memory_space<hbm>>
        %dma_wait3A_73 = tpu.memref_slice %arg4[%mul3A_63] : memref<163840xi32, #tpu.memory_space<hbm>> -> memref<4096xi32, #tpu.memory_space<hbm>>
        tpu.wait_dma2 semaphore(%run_scoped3A : memref<!tpu.dma_semaphore, #tpu.memory_space<semaphore_mem>>) src(%dma_wait3A_73 : memref<4096xi32, #tpu.memory_space<hbm>>) dst(%arg8 : memref<4096xi32, #tpu.memory_space<vmem>>)
        tpu.yield
      }) : () -> ()
      %scan3A_64 = arith.constant 0 : i32
      %scan3A_65 = arith.constant 256 : i32
      %scan3A_66 = arith.addi %scan3A_64, %scan3A_65 : i32
      %scan3A_67 = arith.constant 1 : i32
      %scan3A_68 = scf.for %scan3A_70 = %scan3A_64 to %scan3A_66 step %scan3A_67 iter_args(%scan3A_71 = %scan3A_59) -> (i32)  : i32 {
        %mul3A_72 = arith.constant 16 : i32
        %mul3A_73 = arith.muli %scan3A_70, %mul3A_72 : i32
        %get3A = arith.index_cast %mul3A_73 : i32 to index
        %get3A_74 = tpu.vector_load %arg8[%get3A] {strides = array<i32>} : memref<4096xi32, #tpu.memory_space<vmem>>, vector<16xi32>,
        %ge3A = vector.broadcast %mul3A_2 : i32 to vector<16xi32>
        %ge3A_75 = arith.cmpi sge, %get3A_74, %ge3A : vector<16xi32>
        %add3A_76 = arith.constant 208 : i32
        %add3A_77 = arith.addi %mul3A_2, %add3A_76 : i32
        %lt3A = vector.broadcast %add3A_77 : i32 to vector<16xi32>
        %lt3A_78 = arith.cmpi slt, %get3A_74, %lt3A : vector<16xi32>
        %and3A = arith.andi %ge3A_75, %lt3A_78 : vector<16xi1>
        %ne3A = arith.constant 6400 : i32
        %ne3A_79 = vector.broadcast %ne3A : i32 to vector<16xi32>
        %ne3A_80 = arith.cmpi ne, %get3A_74, %ne3A_79 : vector<16xi32>
        %and3A_81 = arith.andi %and3A, %ne3A_80 : vector<16xi1>
        %all_reduce_population_count3A = tpu.all_reduce %and3A_81 {dim = 0 : i64, kind = #tpu.reduction_kind<sum>} : vector<16xi1> -> vector<16xi32>
        %slice3A = vector.extract_strided_slice %all_reduce_population_count3A {offsets = [0], sizes = [1], strides = [1]} : vector<16xi32> to vector<1xi32>
        %squeeze3A = vector.extract %slice3A[0] : i32 from vector<1xi32>
        %gt3A = arith.constant 0 : i32
        %gt3A_82 = arith.cmpi sgt, %squeeze3A, %gt3A : i32
        %convert_element_type3A = arith.extui %gt3A_82 : i1 to i32
        %cond3A = arith.constant 0 : i32
        %cond3A_83 = arith.cmpi ne, %convert_element_type3A, %cond3A : i32
        %cond3A_84 = scf.if %cond3A_83 -> (i32) {
          %jit3A = arith.constant 1 : i32
          %jit3A_85 = arith.constant 0 : i32
          %broadcast_in_dim3A_86 = vector.broadcast %jit3A : i32 to vector<16xi32>
          %broadcast_in_dim3A_87 = vector.broadcast %jit3A_85 : i32 to vector<16xi32>
          %select_n3A = arith.select %and3A_81, %broadcast_in_dim3A_86, %broadcast_in_dim3A_87 : vector<16xi1>, vector<16xi32>
          %broadcast_in_dim3A_88 = arith.constant true
          %broadcast_in_dim3A_89 = vector.broadcast %broadcast_in_dim3A_88 : i1 to vector<16xi1>
          %masked_cumsum3A = tpu.scan <sum>, %select_n3A masked %broadcast_in_dim3A_89 : vector<16xi32>, vector<16xi1> -> vector<16xi32>
          %add3A_90 = vector.broadcast %scan3A_71 : i32 to vector<16xi32>
          %add3A_91 = arith.addi %add3A_90, %masked_cumsum3A : vector<16xi32>
          %sub3A = arith.constant 1 : i32
          %sub3A_92 = vector.broadcast %sub3A : i32 to vector<16xi32>
          %sub3A_93 = arith.subi %add3A_91, %sub3A_92 : vector<16xi32>
          %get3A_94 = arith.index_cast %mul3A_73 : i32 to index
          %get3A_95 = tpu.vector_load %arg7[%get3A_94] {strides = array<i32>} : memref<4096xi32, #tpu.memory_space<vmem>>, vector<16xi32>,
          tpu.vector_store_idx %arg9[%sub3A_93], %get3A_95 masked %and3A_81 : memref<256xi32, #tpu.memory_space<vmem>>[vector<16xi32>], vector<16xi32>, vector<16xi1>
          %sub3A_96 = vector.broadcast %mul3A_2 : i32 to vector<16xi32>
          %sub3A_97 = arith.subi %get3A_74, %sub3A_96 : vector<16xi32>
          tpu.vector_store_idx %arg10[%sub3A_93], %sub3A_97 masked %and3A_81 : memref<256xi32, #tpu.memory_space<vmem>>[vector<16xi32>], vector<16xi32>, vector<16xi1>
          %add3A_98 = arith.addi %scan3A_71, %squeeze3A : i32
          %ge3A_99 = arith.constant 128 : i32
          %ge3A_100 = arith.cmpi sge, %add3A_98, %ge3A_99 : i32
          %convert_element_type3A_101 = arith.extui %ge3A_100 : i1 to i32
          %cond3A_102 = arith.constant 0 : i32
          %cond3A_103 = arith.cmpi ne, %convert_element_type3A_101, %cond3A_102 : i32
          %cond3A_104 = scf.if %cond3A_103 -> (i32) {
            %dma_start3A_105 = arith.constant 0 : i32
            %dma_start3A_106 = tpu.memref_slice %arg9[%dma_start3A_105] : memref<256xi32, #tpu.memory_space<vmem>> -> memref<128xi32, #tpu.memory_space<vmem>>
            %dma_start3A_107 = arith.constant 0 : i32
            %dma_start3A_108 = arith.constant 0 : i32
            %dma_start3A_109 = tpu.memref_slice %arg2[%dma_start3A_107, %dma_start3A_108] : memref<6656x128xf32, #tpu.memory_space<hbm>> -> memref<6656x128xf32, #tpu.memory_space<hbm>>
            tpu.enqueue_indirect_dma source(%dma_start3A_109 : memref<6656x128xf32, #tpu.memory_space<hbm>>) target(%arg11 : memref<128x128xf32, #tpu.memory_space<vmem>>) offsets(%dma_start3A_106 : memref<128xi32, #tpu.memory_space<vmem>>) semaphore(%arg13 : memref<!tpu.dma_semaphore, #tpu.memory_space<semaphore_mem>>)
            %dma_wait3A_110 = arith.constant 0 : i32
            %dma_wait3A_111 = tpu.memref_slice %arg9[%dma_wait3A_110] : memref<256xi32, #tpu.memory_space<vmem>> -> memref<128xi32, #tpu.memory_space<vmem>>
            %dma_wait3A_112 = arith.constant 0 : i32
            %dma_wait3A_113 = arith.constant 0 : i32
            %dma_wait3A_114 = tpu.memref_slice %arg2[%dma_wait3A_112, %dma_wait3A_113] : memref<6656x128xf32, #tpu.memory_space<hbm>> -> memref<6656x128xf32, #tpu.memory_space<hbm>>
            tpu.wait_indirect_dma semaphore(%arg13 : memref<!tpu.dma_semaphore, #tpu.memory_space<semaphore_mem>>) src(%dma_wait3A_114 : memref<6656x128xf32, #tpu.memory_space<hbm>>) dst(%arg11 : memref<128x128xf32, #tpu.memory_space<vmem>>)
            %scan3A_115 = arith.constant 0 : i32
            %scan3A_116 = arith.constant 0 : i32
            %scan3A_117 = arith.constant 128 : i32
            %scan3A_118 = arith.addi %scan3A_116, %scan3A_117 : i32
            %scan3A_119 = arith.constant 1 : i32
            scf.for %scan3A_187 = %scan3A_116 to %scan3A_118 step %scan3A_119  : i32 {
              %get3A_188 = arith.index_cast %scan3A_187 : i32 to index
              %get3A_189 = tpu.vector_load %arg10[%get3A_188] {strides = array<i32>} : memref<256xi32, #tpu.memory_space<vmem>>, vector<16xi32>,
              %slice3A_190 = vector.extract_strided_slice %get3A_189 {offsets = [0], sizes = [1], strides = [1]} : vector<16xi32> to vector<1xi32>
              %squeeze3A_191 = vector.extract %slice3A_190[0] : i32 from vector<1xi32>
              %get3A_192 = arith.index_cast %squeeze3A_191 : i32 to index
              %get3A_193 = arith.constant 0 : index
              %get3A_194 = tpu.vector_load %arg12[%get3A_192, %get3A_193] {strides = array<i32>} : memref<208x128xf32, #tpu.memory_space<vmem>>, vector<16xf32>,
              %get3A_195 = arith.index_cast %scan3A_187 : i32 to index
              %get3A_196 = arith.constant 0 : index
              %get3A_197 = tpu.vector_load %arg11[%get3A_195, %get3A_196] {strides = array<i32>} : memref<128x128xf32, #tpu.memory_space<vmem>>, vector<16xf32>,
              %add3A_198 = arith.addf %get3A_194, %get3A_197 : vector<16xf32>
              %swap3A_199 = arith.index_cast %squeeze3A_191 : i32 to index
              %swap3A_200 = arith.constant 0 : index
              %swap3A_201 = tpu.vector_load %arg12[%swap3A_199, %swap3A_200] {strides = array<i32>} : memref<208x128xf32, #tpu.memory_space<vmem>>, vector<16xf32>,
              tpu.vector_store %arg12[%swap3A_199, %swap3A_200], %add3A_198 {strides = array<i32>} : memref<208x128xf32, #tpu.memory_space<vmem>>, vector<16xf32>,
              %get3A_202 = arith.index_cast %squeeze3A_191 : i32 to index
              %get3A_203 = arith.constant 16 : index
              %get3A_204 = tpu.vector_load %arg12[%get3A_202, %get3A_203] {strides = array<i32>} : memref<208x128xf32, #tpu.memory_space<vmem>>, vector<16xf32>,
              %get3A_205 = arith.index_cast %scan3A_187 : i32 to index
              %get3A_206 = arith.constant 16 : index
              %get3A_207 = tpu.vector_load %arg11[%get3A_205, %get3A_206] {strides = array<i32>} : memref<128x128xf32, #tpu.memory_space<vmem>>, vector<16xf32>,
              %add3A_208 = arith.addf %get3A_204, %get3A_207 : vector<16xf32>
              %swap3A_209 = arith.index_cast %squeeze3A_191 : i32 to index
              %swap3A_210 = arith.constant 16 : index
              %swap3A_211 = tpu.vector_load %arg12[%swap3A_209, %swap3A_210] {strides = array<i32>} : memref<208x128xf32, #tpu.memory_space<vmem>>, vector<16xf32>,
              tpu.vector_store %arg12[%swap3A_209, %swap3A_210], %add3A_208 {strides = array<i32>} : memref<208x128xf32, #tpu.memory_space<vmem>>, vector<16xf32>,
              %get3A_212 = arith.index_cast %squeeze3A_191 : i32 to index
              %get3A_213 = arith.constant 32 : index
              %get3A_214 = tpu.vector_load %arg12[%get3A_212, %get3A_213] {strides = array<i32>} : memref<208x128xf32, #tpu.memory_space<vmem>>, vector<16xf32>,
              %get3A_215 = arith.index_cast %scan3A_187 : i32 to index
              %get3A_216 = arith.constant 32 : index
              %get3A_217 = tpu.vector_load %arg11[%get3A_215, %get3A_216] {strides = array<i32>} : memref<128x128xf32, #tpu.memory_space<vmem>>, vector<16xf32>,
              %add3A_218 = arith.addf %get3A_214, %get3A_217 : vector<16xf32>
              %swap3A_219 = arith.index_cast %squeeze3A_191 : i32 to index
              %swap3A_220 = arith.constant 32 : index
              %swap3A_221 = tpu.vector_load %arg12[%swap3A_219, %swap3A_220] {strides = array<i32>} : memref<208x128xf32, #tpu.memory_space<vmem>>, vector<16xf32>,
              tpu.vector_store %arg12[%swap3A_219, %swap3A_220], %add3A_218 {strides = array<i32>} : memref<208x128xf32, #tpu.memory_space<vmem>>, vector<16xf32>,
              %get3A_222 = arith.index_cast %squeeze3A_191 : i32 to index
              %get3A_223 = arith.constant 48 : index
              %get3A_224 = tpu.vector_load %arg12[%get3A_222, %get3A_223] {strides = array<i32>} : memref<208x128xf32, #tpu.memory_space<vmem>>, vector<16xf32>,
              %get3A_225 = arith.index_cast %scan3A_187 : i32 to index
              %get3A_226 = arith.constant 48 : index
              %get3A_227 = tpu.vector_load %arg11[%get3A_225, %get3A_226] {strides = array<i32>} : memref<128x128xf32, #tpu.memory_space<vmem>>, vector<16xf32>,
              %add3A_228 = arith.addf %get3A_224, %get3A_227 : vector<16xf32>
              %swap3A_229 = arith.index_cast %squeeze3A_191 : i32 to index
              %swap3A_230 = arith.constant 48 : index
              %swap3A_231 = tpu.vector_load %arg12[%swap3A_229, %swap3A_230] {strides = array<i32>} : memref<208x128xf32, #tpu.memory_space<vmem>>, vector<16xf32>,
              tpu.vector_store %arg12[%swap3A_229, %swap3A_230], %add3A_228 {strides = array<i32>} : memref<208x128xf32, #tpu.memory_space<vmem>>, vector<16xf32>,
              %get3A_232 = arith.index_cast %squeeze3A_191 : i32 to index
              %get3A_233 = arith.constant 64 : index
              %get3A_234 = tpu.vector_load %arg12[%get3A_232, %get3A_233] {strides = array<i32>} : memref<208x128xf32, #tpu.memory_space<vmem>>, vector<16xf32>,
              %get3A_235 = arith.index_cast %scan3A_187 : i32 to index
              %get3A_236 = arith.constant 64 : index
              %get3A_237 = tpu.vector_load %arg11[%get3A_235, %get3A_236] {strides = array<i32>} : memref<128x128xf32, #tpu.memory_space<vmem>>, vector<16xf32>,
              %add3A_238 = arith.addf %get3A_234, %get3A_237 : vector<16xf32>
              %swap3A_239 = arith.index_cast %squeeze3A_191 : i32 to index
              %swap3A_240 = arith.constant 64 : index
              %swap3A_241 = tpu.vector_load %arg12[%swap3A_239, %swap3A_240] {strides = array<i32>} : memref<208x128xf32, #tpu.memory_space<vmem>>, vector<16xf32>,
              tpu.vector_store %arg12[%swap3A_239, %swap3A_240], %add3A_238 {strides = array<i32>} : memref<208x128xf32, #tpu.memory_space<vmem>>, vector<16xf32>,
              %get3A_242 = arith.index_cast %squeeze3A_191 : i32 to index
              %get3A_243 = arith.constant 80 : index
              %get3A_244 = tpu.vector_load %arg12[%get3A_242, %get3A_243] {strides = array<i32>} : memref<208x128xf32, #tpu.memory_space<vmem>>, vector<16xf32>,
              %get3A_245 = arith.index_cast %scan3A_187 : i32 to index
              %get3A_246 = arith.constant 80 : index
              %get3A_247 = tpu.vector_load %arg11[%get3A_245, %get3A_246] {strides = array<i32>} : memref<128x128xf32, #tpu.memory_space<vmem>>, vector<16xf32>,
              %add3A_248 = arith.addf %get3A_244, %get3A_247 : vector<16xf32>
              %swap3A_249 = arith.index_cast %squeeze3A_191 : i32 to index
              %swap3A_250 = arith.constant 80 : index
              %swap3A_251 = tpu.vector_load %arg12[%swap3A_249, %swap3A_250] {strides = array<i32>} : memref<208x128xf32, #tpu.memory_space<vmem>>, vector<16xf32>,
              tpu.vector_store %arg12[%swap3A_249, %swap3A_250], %add3A_248 {strides = array<i32>} : memref<208x128xf32, #tpu.memory_space<vmem>>, vector<16xf32>,
              %get3A_252 = arith.index_cast %squeeze3A_191 : i32 to index
              %get3A_253 = arith.constant 96 : index
              %get3A_254 = tpu.vector_load %arg12[%get3A_252, %get3A_253] {strides = array<i32>} : memref<208x128xf32, #tpu.memory_space<vmem>>, vector<16xf32>,
              %get3A_255 = arith.index_cast %scan3A_187 : i32 to index
              %get3A_256 = arith.constant 96 : index
              %get3A_257 = tpu.vector_load %arg11[%get3A_255, %get3A_256] {strides = array<i32>} : memref<128x128xf32, #tpu.memory_space<vmem>>, vector<16xf32>,
              %add3A_258 = arith.addf %get3A_254, %get3A_257 : vector<16xf32>
              %swap3A_259 = arith.index_cast %squeeze3A_191 : i32 to index
              %swap3A_260 = arith.constant 96 : index
              %swap3A_261 = tpu.vector_load %arg12[%swap3A_259, %swap3A_260] {strides = array<i32>} : memref<208x128xf32, #tpu.memory_space<vmem>>, vector<16xf32>,
              tpu.vector_store %arg12[%swap3A_259, %swap3A_260], %add3A_258 {strides = array<i32>} : memref<208x128xf32, #tpu.memory_space<vmem>>, vector<16xf32>,
              %get3A_262 = arith.index_cast %squeeze3A_191 : i32 to index
              %get3A_263 = arith.constant 112 : index
              %get3A_264 = tpu.vector_load %arg12[%get3A_262, %get3A_263] {strides = array<i32>} : memref<208x128xf32, #tpu.memory_space<vmem>>, vector<16xf32>,
              %get3A_265 = arith.index_cast %scan3A_187 : i32 to index
              %get3A_266 = arith.constant 112 : index
              %get3A_267 = tpu.vector_load %arg11[%get3A_265, %get3A_266] {strides = array<i32>} : memref<128x128xf32, #tpu.memory_space<vmem>>, vector<16xf32>,
              %add3A_268 = arith.addf %get3A_264, %get3A_267 : vector<16xf32>
              %swap3A_269 = arith.index_cast %squeeze3A_191 : i32 to index
              %swap3A_270 = arith.constant 112 : index
              %swap3A_271 = tpu.vector_load %arg12[%swap3A_269, %swap3A_270] {strides = array<i32>} : memref<208x128xf32, #tpu.memory_space<vmem>>, vector<16xf32>,
              tpu.vector_store %arg12[%swap3A_269, %swap3A_270], %add3A_268 {strides = array<i32>} : memref<208x128xf32, #tpu.memory_space<vmem>>, vector<16xf32>,
            }
            %scan3A_120 = arith.constant 128 : i32
            %get3A_121 = arith.constant 128 : index
            %get3A_122 = tpu.vector_load %arg9[%get3A_121] {strides = array<i32>} : memref<256xi32, #tpu.memory_space<vmem>>, vector<16xi32>,
            %swap3A_123 = arith.constant 0 : index
            %swap3A_124 = tpu.vector_load %arg9[%swap3A_123] {strides = array<i32>} : memref<256xi32, #tpu.memory_space<vmem>>, vector<16xi32>,
            tpu.vector_store %arg9[%swap3A_123], %get3A_122 {strides = array<i32>} : memref<256xi32, #tpu.memory_space<vmem>>, vector<16xi32>,
            %get3A_125 = arith.constant 128 : index
            %get3A_126 = tpu.vector_load %arg10[%get3A_125] {strides = array<i32>} : memref<256xi32, #tpu.memory_space<vmem>>, vector<16xi32>,
            %swap3A_127 = arith.constant 0 : index
            %swap3A_128 = tpu.vector_load %arg10[%swap3A_127] {strides = array<i32>} : memref<256xi32, #tpu.memory_space<vmem>>, vector<16xi32>,
            tpu.vector_store %arg10[%swap3A_127], %get3A_126 {strides = array<i32>} : memref<256xi32, #tpu.memory_space<vmem>>, vector<16xi32>,
            %get3A_129 = arith.constant 144 : index
            %get3A_130 = tpu.vector_load %arg9[%get3A_129] {strides = array<i32>} : memref<256xi32, #tpu.memory_space<vmem>>, vector<16xi32>,
            %swap3A_131 = arith.constant 16 : index
            %swap3A_132 = tpu.vector_load %arg9[%swap3A_131] {strides = array<i32>} : memref<256xi32, #tpu.memory_space<vmem>>, vector<16xi32>,
            tpu.vector_store %arg9[%swap3A_131], %get3A_130 {strides = array<i32>} : memref<256xi32, #tpu.memory_space<vmem>>, vector<16xi32>,
            %get3A_133 = arith.constant 144 : index
            %get3A_134 = tpu.vector_load %arg10[%get3A_133] {strides = array<i32>} : memref<256xi32, #tpu.memory_space<vmem>>, vector<16xi32>,
            %swap3A_135 = arith.constant 16 : index
            %swap3A_136 = tpu.vector_load %arg10[%swap3A_135] {strides = array<i32>} : memref<256xi32, #tpu.memory_space<vmem>>, vector<16xi32>,
            tpu.vector_store %arg10[%swap3A_135], %get3A_134 {strides = array<i32>} : memref<256xi32, #tpu.memory_space<vmem>>, vector<16xi32>,
            %get3A_137 = arith.constant 160 : index
            %get3A_138 = tpu.vector_load %arg9[%get3A_137] {strides = array<i32>} : memref<256xi32, #tpu.memory_space<vmem>>, vector<16xi32>,
            %swap3A_139 = arith.constant 32 : index
            %swap3A_140 = tpu.vector_load %arg9[%swap3A_139] {strides = array<i32>} : memref<256xi32, #tpu.memory_space<vmem>>, vector<16xi32>,
            tpu.vector_store %arg9[%swap3A_139], %get3A_138 {strides = array<i32>} : memref<256xi32, #tpu.memory_space<vmem>>, vector<16xi32>,
            %get3A_141 = arith.constant 160 : index
            %get3A_142 = tpu.vector_load %arg10[%get3A_141] {strides = array<i32>} : memref<256xi32, #tpu.memory_space<vmem>>, vector<16xi32>,
            %swap3A_143 = arith.constant 32 : index
            %swap3A_144 = tpu.vector_load %arg10[%swap3A_143] {strides = array<i32>} : memref<256xi32, #tpu.memory_space<vmem>>, vector<16xi32>,
            tpu.vector_store %arg10[%swap3A_143], %get3A_142 {strides = array<i32>} : memref<256xi32, #tpu.memory_space<vmem>>, vector<16xi32>,
            %get3A_145 = arith.constant 176 : index
            %get3A_146 = tpu.vector_load %arg9[%get3A_145] {strides = array<i32>} : memref<256xi32, #tpu.memory_space<vmem>>, vector<16xi32>,
            %swap3A_147 = arith.constant 48 : index
            %swap3A_148 = tpu.vector_load %arg9[%swap3A_147] {strides = array<i32>} : memref<256xi32, #tpu.memory_space<vmem>>, vector<16xi32>,
            tpu.vector_store %arg9[%swap3A_147], %get3A_146 {strides = array<i32>} : memref<256xi32, #tpu.memory_space<vmem>>, vector<16xi32>,
            %get3A_149 = arith.constant 176 : index
            %get3A_150 = tpu.vector_load %arg10[%get3A_149] {strides = array<i32>} : memref<256xi32, #tpu.memory_space<vmem>>, vector<16xi32>,
            %swap3A_151 = arith.constant 48 : index
            %swap3A_152 = tpu.vector_load %arg10[%swap3A_151] {strides = array<i32>} : memref<256xi32, #tpu.memory_space<vmem>>, vector<16xi32>,
            tpu.vector_store %arg10[%swap3A_151], %get3A_150 {strides = array<i32>} : memref<256xi32, #tpu.memory_space<vmem>>, vector<16xi32>,
            %get3A_153 = arith.constant 192 : index
            %get3A_154 = tpu.vector_load %arg9[%get3A_153] {strides = array<i32>} : memref<256xi32, #tpu.memory_space<vmem>>, vector<16xi32>,
            %swap3A_155 = arith.constant 64 : index
            %swap3A_156 = tpu.vector_load %arg9[%swap3A_155] {strides = array<i32>} : memref<256xi32, #tpu.memory_space<vmem>>, vector<16xi32>,
            tpu.vector_store %arg9[%swap3A_155], %get3A_154 {strides = array<i32>} : memref<256xi32, #tpu.memory_space<vmem>>, vector<16xi32>,
            %get3A_157 = arith.constant 192 : index
            %get3A_158 = tpu.vector_load %arg10[%get3A_157] {strides = array<i32>} : memref<256xi32, #tpu.memory_space<vmem>>, vector<16xi32>,
            %swap3A_159 = arith.constant 64 : index
            %swap3A_160 = tpu.vector_load %arg10[%swap3A_159] {strides = array<i32>} : memref<256xi32, #tpu.memory_space<vmem>>, vector<16xi32>,
            tpu.vector_store %arg10[%swap3A_159], %get3A_158 {strides = array<i32>} : memref<256xi32, #tpu.memory_space<vmem>>, vector<16xi32>,
            %get3A_161 = arith.constant 208 : index
            %get3A_162 = tpu.vector_load %arg9[%get3A_161] {strides = array<i32>} : memref<256xi32, #tpu.memory_space<vmem>>, vector<16xi32>,
            %swap3A_163 = arith.constant 80 : index
            %swap3A_164 = tpu.vector_load %arg9[%swap3A_163] {strides = array<i32>} : memref<256xi32, #tpu.memory_space<vmem>>, vector<16xi32>,
            tpu.vector_store %arg9[%swap3A_163], %get3A_162 {strides = array<i32>} : memref<256xi32, #tpu.memory_space<vmem>>, vector<16xi32>,
            %get3A_165 = arith.constant 208 : index
            %get3A_166 = tpu.vector_load %arg10[%get3A_165] {strides = array<i32>} : memref<256xi32, #tpu.memory_space<vmem>>, vector<16xi32>,
            %swap3A_167 = arith.constant 80 : index
            %swap3A_168 = tpu.vector_load %arg10[%swap3A_167] {strides = array<i32>} : memref<256xi32, #tpu.memory_space<vmem>>, vector<16xi32>,
            tpu.vector_store %arg10[%swap3A_167], %get3A_166 {strides = array<i32>} : memref<256xi32, #tpu.memory_space<vmem>>, vector<16xi32>,
            %get3A_169 = arith.constant 224 : index
            %get3A_170 = tpu.vector_load %arg9[%get3A_169] {strides = array<i32>} : memref<256xi32, #tpu.memory_space<vmem>>, vector<16xi32>,
            %swap3A_171 = arith.constant 96 : index
            %swap3A_172 = tpu.vector_load %arg9[%swap3A_171] {strides = array<i32>} : memref<256xi32, #tpu.memory_space<vmem>>, vector<16xi32>,
            tpu.vector_store %arg9[%swap3A_171], %get3A_170 {strides = array<i32>} : memref<256xi32, #tpu.memory_space<vmem>>, vector<16xi32>,
            %get3A_173 = arith.constant 224 : index
            %get3A_174 = tpu.vector_load %arg10[%get3A_173] {strides = array<i32>} : memref<256xi32, #tpu.memory_space<vmem>>, vector<16xi32>,
            %swap3A_175 = arith.constant 96 : index
            %swap3A_176 = tpu.vector_load %arg10[%swap3A_175] {strides = array<i32>} : memref<256xi32, #tpu.memory_space<vmem>>, vector<16xi32>,
            tpu.vector_store %arg10[%swap3A_175], %get3A_174 {strides = array<i32>} : memref<256xi32, #tpu.memory_space<vmem>>, vector<16xi32>,
            %get3A_177 = arith.constant 240 : index
            %get3A_178 = tpu.vector_load %arg9[%get3A_177] {strides = array<i32>} : memref<256xi32, #tpu.memory_space<vmem>>, vector<16xi32>,
            %swap3A_179 = arith.constant 112 : index
            %swap3A_180 = tpu.vector_load %arg9[%swap3A_179] {strides = array<i32>} : memref<256xi32, #tpu.memory_space<vmem>>, vector<16xi32>,
            tpu.vector_store %arg9[%swap3A_179], %get3A_178 {strides = array<i32>} : memref<256xi32, #tpu.memory_space<vmem>>, vector<16xi32>,
            %get3A_181 = arith.constant 240 : index
            %get3A_182 = tpu.vector_load %arg10[%get3A_181] {strides = array<i32>} : memref<256xi32, #tpu.memory_space<vmem>>, vector<16xi32>,
            %swap3A_183 = arith.constant 112 : index
            %swap3A_184 = tpu.vector_load %arg10[%swap3A_183] {strides = array<i32>} : memref<256xi32, #tpu.memory_space<vmem>>, vector<16xi32>,
            tpu.vector_store %arg10[%swap3A_183], %get3A_182 {strides = array<i32>} : memref<256xi32, #tpu.memory_space<vmem>>, vector<16xi32>,
            %sub3A_185 = arith.constant 128 : i32
            %sub3A_186 = arith.subi %add3A_98, %sub3A_185 : i32
            scf.yield %sub3A_186 : i32
          } else {
            scf.yield %add3A_98 : i32
          }
          scf.yield %cond3A_104 : i32
        } else {
          scf.yield %scan3A_71 : i32
        }
        scf.yield %cond3A_84 : i32
      }
      %scan3A_69 = arith.constant 256 : i32
      scf.yield %scan3A_68 : i32
    }
    %scan3A_40 = arith.constant 40 : i32
    %dma_start3A = arith.constant 0 : i32
    %dma_start3A_41 = tpu.memref_slice %arg9[%dma_start3A] : memref<256xi32, #tpu.memory_space<vmem>> -> memref<128xi32, #tpu.memory_space<vmem>>
    %dma_start3A_42 = arith.constant 0 : i32
    %dma_start3A_43 = arith.constant 0 : i32
    %dma_start3A_44 = tpu.memref_slice %arg2[%dma_start3A_42, %dma_start3A_43] : memref<6656x128xf32, #tpu.memory_space<hbm>> -> memref<6656x128xf32, #tpu.memory_space<hbm>>
    tpu.enqueue_indirect_dma source(%dma_start3A_44 : memref<6656x128xf32, #tpu.memory_space<hbm>>) target(%arg11 : memref<128x128xf32, #tpu.memory_space<vmem>>) offsets(%dma_start3A_41 : memref<128xi32, #tpu.memory_space<vmem>>) semaphore(%arg13 : memref<!tpu.dma_semaphore, #tpu.memory_space<semaphore_mem>>)
    %dma_wait3A = arith.constant 0 : i32
    %dma_wait3A_45 = tpu.memref_slice %arg9[%dma_wait3A] : memref<256xi32, #tpu.memory_space<vmem>> -> memref<128xi32, #tpu.memory_space<vmem>>
    %dma_wait3A_46 = arith.constant 0 : i32
    %dma_wait3A_47 = arith.constant 0 : i32
    %dma_wait3A_48 = tpu.memref_slice %arg2[%dma_wait3A_46, %dma_wait3A_47] : memref<6656x128xf32, #tpu.memory_space<hbm>> -> memref<6656x128xf32, #tpu.memory_space<hbm>>
    tpu.wait_indirect_dma semaphore(%arg13 : memref<!tpu.dma_semaphore, #tpu.memory_space<semaphore_mem>>) src(%dma_wait3A_48 : memref<6656x128xf32, #tpu.memory_space<hbm>>) dst(%arg11 : memref<128x128xf32, #tpu.memory_space<vmem>>)
    %while3A = arith.constant 0 : i32
    %while3A_49 = arith.constant 0 : i32
    %while3A_50 = arith.subi %scan3A_39, %while3A_49 : i32
    %while3A_51 = arith.addi %while3A_49, %while3A_50 : i32
    %while3A_52 = arith.constant 1 : i32
    %while3A_53 = arith.divsi %while3A_50, %while3A_52 : i32
    %while3A_54 = arith.muli %while3A_53, %while3A_52 : i32
    %while3A_55 = arith.addi %while3A_49, %while3A_54 : i32
    %while3A_56 = arith.constant 1 : i32
    scf.for %while3A_58 = %while3A_49 to %while3A_55 step %while3A_56  : i32 {
      %get3A = arith.index_cast %while3A_58 : i32 to index
      %get3A_59 = tpu.vector_load %arg10[%get3A] {strides = array<i32>} : memref<256xi32, #tpu.memory_space<vmem>>, vector<16xi32>,
      %slice3A = vector.extract_strided_slice %get3A_59 {offsets = [0], sizes = [1], strides = [1]} : vector<16xi32> to vector<1xi32>
      %squeeze3A = vector.extract %slice3A[0] : i32 from vector<1xi32>
      %get3A_60 = arith.index_cast %squeeze3A : i32 to index
      %get3A_61 = arith.constant 0 : index
      %get3A_62 = tpu.vector_load %arg12[%get3A_60, %get3A_61] {strides = array<i32>} : memref<208x128xf32, #tpu.memory_space<vmem>>, vector<16xf32>,
      %get3A_63 = arith.index_cast %while3A_58 : i32 to index
      %get3A_64 = arith.constant 0 : index
      %get3A_65 = tpu.vector_load %arg11[%get3A_63, %get3A_64] {strides = array<i32>} : memref<128x128xf32, #tpu.memory_space<vmem>>, vector<16xf32>,
      %add3A_66 = arith.addf %get3A_62, %get3A_65 : vector<16xf32>
      %swap3A_67 = arith.index_cast %squeeze3A : i32 to index
      %swap3A_68 = arith.constant 0 : index
      %swap3A_69 = tpu.vector_load %arg12[%swap3A_67, %swap3A_68] {strides = array<i32>} : memref<208x128xf32, #tpu.memory_space<vmem>>, vector<16xf32>,
      tpu.vector_store %arg12[%swap3A_67, %swap3A_68], %add3A_66 {strides = array<i32>} : memref<208x128xf32, #tpu.memory_space<vmem>>, vector<16xf32>,
      %get3A_70 = arith.index_cast %squeeze3A : i32 to index
      %get3A_71 = arith.constant 16 : index
      %get3A_72 = tpu.vector_load %arg12[%get3A_70, %get3A_71] {strides = array<i32>} : memref<208x128xf32, #tpu.memory_space<vmem>>, vector<16xf32>,
      %get3A_73 = arith.index_cast %while3A_58 : i32 to index
      %get3A_74 = arith.constant 16 : index
      %get3A_75 = tpu.vector_load %arg11[%get3A_73, %get3A_74] {strides = array<i32>} : memref<128x128xf32, #tpu.memory_space<vmem>>, vector<16xf32>,
      %add3A_76 = arith.addf %get3A_72, %get3A_75 : vector<16xf32>
      %swap3A_77 = arith.index_cast %squeeze3A : i32 to index
      %swap3A_78 = arith.constant 16 : index
      %swap3A_79 = tpu.vector_load %arg12[%swap3A_77, %swap3A_78] {strides = array<i32>} : memref<208x128xf32, #tpu.memory_space<vmem>>, vector<16xf32>,
      tpu.vector_store %arg12[%swap3A_77, %swap3A_78], %add3A_76 {strides = array<i32>} : memref<208x128xf32, #tpu.memory_space<vmem>>, vector<16xf32>,
      %get3A_80 = arith.index_cast %squeeze3A : i32 to index
      %get3A_81 = arith.constant 32 : index
      %get3A_82 = tpu.vector_load %arg12[%get3A_80, %get3A_81] {strides = array<i32>} : memref<208x128xf32, #tpu.memory_space<vmem>>, vector<16xf32>,
      %get3A_83 = arith.index_cast %while3A_58 : i32 to index
      %get3A_84 = arith.constant 32 : index
      %get3A_85 = tpu.vector_load %arg11[%get3A_83, %get3A_84] {strides = array<i32>} : memref<128x128xf32, #tpu.memory_space<vmem>>, vector<16xf32>,
      %add3A_86 = arith.addf %get3A_82, %get3A_85 : vector<16xf32>
      %swap3A_87 = arith.index_cast %squeeze3A : i32 to index
      %swap3A_88 = arith.constant 32 : index
      %swap3A_89 = tpu.vector_load %arg12[%swap3A_87, %swap3A_88] {strides = array<i32>} : memref<208x128xf32, #tpu.memory_space<vmem>>, vector<16xf32>,
      tpu.vector_store %arg12[%swap3A_87, %swap3A_88], %add3A_86 {strides = array<i32>} : memref<208x128xf32, #tpu.memory_space<vmem>>, vector<16xf32>,
      %get3A_90 = arith.index_cast %squeeze3A : i32 to index
      %get3A_91 = arith.constant 48 : index
      %get3A_92 = tpu.vector_load %arg12[%get3A_90, %get3A_91] {strides = array<i32>} : memref<208x128xf32, #tpu.memory_space<vmem>>, vector<16xf32>,
      %get3A_93 = arith.index_cast %while3A_58 : i32 to index
      %get3A_94 = arith.constant 48 : index
      %get3A_95 = tpu.vector_load %arg11[%get3A_93, %get3A_94] {strides = array<i32>} : memref<128x128xf32, #tpu.memory_space<vmem>>, vector<16xf32>,
      %add3A_96 = arith.addf %get3A_92, %get3A_95 : vector<16xf32>
      %swap3A_97 = arith.index_cast %squeeze3A : i32 to index
      %swap3A_98 = arith.constant 48 : index
      %swap3A_99 = tpu.vector_load %arg12[%swap3A_97, %swap3A_98] {strides = array<i32>} : memref<208x128xf32, #tpu.memory_space<vmem>>, vector<16xf32>,
      tpu.vector_store %arg12[%swap3A_97, %swap3A_98], %add3A_96 {strides = array<i32>} : memref<208x128xf32, #tpu.memory_space<vmem>>, vector<16xf32>,
      %get3A_100 = arith.index_cast %squeeze3A : i32 to index
      %get3A_101 = arith.constant 64 : index
      %get3A_102 = tpu.vector_load %arg12[%get3A_100, %get3A_101] {strides = array<i32>} : memref<208x128xf32, #tpu.memory_space<vmem>>, vector<16xf32>,
      %get3A_103 = arith.index_cast %while3A_58 : i32 to index
      %get3A_104 = arith.constant 64 : index
      %get3A_105 = tpu.vector_load %arg11[%get3A_103, %get3A_104] {strides = array<i32>} : memref<128x128xf32, #tpu.memory_space<vmem>>, vector<16xf32>,
      %add3A_106 = arith.addf %get3A_102, %get3A_105 : vector<16xf32>
      %swap3A_107 = arith.index_cast %squeeze3A : i32 to index
      %swap3A_108 = arith.constant 64 : index
      %swap3A_109 = tpu.vector_load %arg12[%swap3A_107, %swap3A_108] {strides = array<i32>} : memref<208x128xf32, #tpu.memory_space<vmem>>, vector<16xf32>,
      tpu.vector_store %arg12[%swap3A_107, %swap3A_108], %add3A_106 {strides = array<i32>} : memref<208x128xf32, #tpu.memory_space<vmem>>, vector<16xf32>,
      %get3A_110 = arith.index_cast %squeeze3A : i32 to index
      %get3A_111 = arith.constant 80 : index
      %get3A_112 = tpu.vector_load %arg12[%get3A_110, %get3A_111] {strides = array<i32>} : memref<208x128xf32, #tpu.memory_space<vmem>>, vector<16xf32>,
      %get3A_113 = arith.index_cast %while3A_58 : i32 to index
      %get3A_114 = arith.constant 80 : index
      %get3A_115 = tpu.vector_load %arg11[%get3A_113, %get3A_114] {strides = array<i32>} : memref<128x128xf32, #tpu.memory_space<vmem>>, vector<16xf32>,
      %add3A_116 = arith.addf %get3A_112, %get3A_115 : vector<16xf32>
      %swap3A_117 = arith.index_cast %squeeze3A : i32 to index
      %swap3A_118 = arith.constant 80 : index
      %swap3A_119 = tpu.vector_load %arg12[%swap3A_117, %swap3A_118] {strides = array<i32>} : memref<208x128xf32, #tpu.memory_space<vmem>>, vector<16xf32>,
      tpu.vector_store %arg12[%swap3A_117, %swap3A_118], %add3A_116 {strides = array<i32>} : memref<208x128xf32, #tpu.memory_space<vmem>>, vector<16xf32>,
      %get3A_120 = arith.index_cast %squeeze3A : i32 to index
      %get3A_121 = arith.constant 96 : index
      %get3A_122 = tpu.vector_load %arg12[%get3A_120, %get3A_121] {strides = array<i32>} : memref<208x128xf32, #tpu.memory_space<vmem>>, vector<16xf32>,
      %get3A_123 = arith.index_cast %while3A_58 : i32 to index
      %get3A_124 = arith.constant 96 : index
      %get3A_125 = tpu.vector_load %arg11[%get3A_123, %get3A_124] {strides = array<i32>} : memref<128x128xf32, #tpu.memory_space<vmem>>, vector<16xf32>,
      %add3A_126 = arith.addf %get3A_122, %get3A_125 : vector<16xf32>
      %swap3A_127 = arith.index_cast %squeeze3A : i32 to index
      %swap3A_128 = arith.constant 96 : index
      %swap3A_129 = tpu.vector_load %arg12[%swap3A_127, %swap3A_128] {strides = array<i32>} : memref<208x128xf32, #tpu.memory_space<vmem>>, vector<16xf32>,
      tpu.vector_store %arg12[%swap3A_127, %swap3A_128], %add3A_126 {strides = array<i32>} : memref<208x128xf32, #tpu.memory_space<vmem>>, vector<16xf32>,
      %get3A_130 = arith.index_cast %squeeze3A : i32 to index
      %get3A_131 = arith.constant 112 : index
      %get3A_132 = tpu.vector_load %arg12[%get3A_130, %get3A_131] {strides = array<i32>} : memref<208x128xf32, #tpu.memory_space<vmem>>, vector<16xf32>,
      %get3A_133 = arith.index_cast %while3A_58 : i32 to index
      %get3A_134 = arith.constant 112 : index
      %get3A_135 = tpu.vector_load %arg11[%get3A_133, %get3A_134] {strides = array<i32>} : memref<128x128xf32, #tpu.memory_space<vmem>>, vector<16xf32>,
      %add3A_136 = arith.addf %get3A_132, %get3A_135 : vector<16xf32>
      %swap3A_137 = arith.index_cast %squeeze3A : i32 to index
      %swap3A_138 = arith.constant 112 : index
      %swap3A_139 = tpu.vector_load %arg12[%swap3A_137, %swap3A_138] {strides = array<i32>} : memref<208x128xf32, #tpu.memory_space<vmem>>, vector<16xf32>,
      tpu.vector_store %arg12[%swap3A_137, %swap3A_138], %add3A_136 {strides = array<i32>} : memref<208x128xf32, #tpu.memory_space<vmem>>, vector<16xf32>,
    }
    %while3A_57 = arith.constant 1 : i32
    scf.for %while3A_58 = %while3A_55 to %while3A_51 step %while3A_57  : i32 {
      %get3A = arith.index_cast %while3A_58 : i32 to index
      %get3A_59 = tpu.vector_load %arg10[%get3A] {strides = array<i32>} : memref<256xi32, #tpu.memory_space<vmem>>, vector<16xi32>,
      %slice3A = vector.extract_strided_slice %get3A_59 {offsets = [0], sizes = [1], strides = [1]} : vector<16xi32> to vector<1xi32>
      %squeeze3A = vector.extract %slice3A[0] : i32 from vector<1xi32>
      %get3A_60 = arith.index_cast %squeeze3A : i32 to index
      %get3A_61 = arith.constant 0 : index
      %get3A_62 = tpu.vector_load %arg12[%get3A_60, %get3A_61] {strides = array<i32>} : memref<208x128xf32, #tpu.memory_space<vmem>>, vector<16xf32>,
      %get3A_63 = arith.index_cast %while3A_58 : i32 to index
      %get3A_64 = arith.constant 0 : index
      %get3A_65 = tpu.vector_load %arg11[%get3A_63, %get3A_64] {strides = array<i32>} : memref<128x128xf32, #tpu.memory_space<vmem>>, vector<16xf32>,
      %add3A_66 = arith.addf %get3A_62, %get3A_65 : vector<16xf32>
      %swap3A_67 = arith.index_cast %squeeze3A : i32 to index
      %swap3A_68 = arith.constant 0 : index
      %swap3A_69 = tpu.vector_load %arg12[%swap3A_67, %swap3A_68] {strides = array<i32>} : memref<208x128xf32, #tpu.memory_space<vmem>>, vector<16xf32>,
      tpu.vector_store %arg12[%swap3A_67, %swap3A_68], %add3A_66 {strides = array<i32>} : memref<208x128xf32, #tpu.memory_space<vmem>>, vector<16xf32>,
      %get3A_70 = arith.index_cast %squeeze3A : i32 to index
      %get3A_71 = arith.constant 16 : index
      %get3A_72 = tpu.vector_load %arg12[%get3A_70, %get3A_71] {strides = array<i32>} : memref<208x128xf32, #tpu.memory_space<vmem>>, vector<16xf32>,
      %get3A_73 = arith.index_cast %while3A_58 : i32 to index
      %get3A_74 = arith.constant 16 : index
      %get3A_75 = tpu.vector_load %arg11[%get3A_73, %get3A_74] {strides = array<i32>} : memref<128x128xf32, #tpu.memory_space<vmem>>, vector<16xf32>,
      %add3A_76 = arith.addf %get3A_72, %get3A_75 : vector<16xf32>
      %swap3A_77 = arith.index_cast %squeeze3A : i32 to index
      %swap3A_78 = arith.constant 16 : index
      %swap3A_79 = tpu.vector_load %arg12[%swap3A_77, %swap3A_78] {strides = array<i32>} : memref<208x128xf32, #tpu.memory_space<vmem>>, vector<16xf32>,
      tpu.vector_store %arg12[%swap3A_77, %swap3A_78], %add3A_76 {strides = array<i32>} : memref<208x128xf32, #tpu.memory_space<vmem>>, vector<16xf32>,
      %get3A_80 = arith.index_cast %squeeze3A : i32 to index
      %get3A_81 = arith.constant 32 : index
      %get3A_82 = tpu.vector_load %arg12[%get3A_80, %get3A_81] {strides = array<i32>} : memref<208x128xf32, #tpu.memory_space<vmem>>, vector<16xf32>,
      %get3A_83 = arith.index_cast %while3A_58 : i32 to index
      %get3A_84 = arith.constant 32 : index
      %get3A_85 = tpu.vector_load %arg11[%get3A_83, %get3A_84] {strides = array<i32>} : memref<128x128xf32, #tpu.memory_space<vmem>>, vector<16xf32>,
      %add3A_86 = arith.addf %get3A_82, %get3A_85 : vector<16xf32>
      %swap3A_87 = arith.index_cast %squeeze3A : i32 to index
      %swap3A_88 = arith.constant 32 : index
      %swap3A_89 = tpu.vector_load %arg12[%swap3A_87, %swap3A_88] {strides = array<i32>} : memref<208x128xf32, #tpu.memory_space<vmem>>, vector<16xf32>,
      tpu.vector_store %arg12[%swap3A_87, %swap3A_88], %add3A_86 {strides = array<i32>} : memref<208x128xf32, #tpu.memory_space<vmem>>, vector<16xf32>,
      %get3A_90 = arith.index_cast %squeeze3A : i32 to index
      %get3A_91 = arith.constant 48 : index
      %get3A_92 = tpu.vector_load %arg12[%get3A_90, %get3A_91] {strides = array<i32>} : memref<208x128xf32, #tpu.memory_space<vmem>>, vector<16xf32>,
      %get3A_93 = arith.index_cast %while3A_58 : i32 to index
      %get3A_94 = arith.constant 48 : index
      %get3A_95 = tpu.vector_load %arg11[%get3A_93, %get3A_94] {strides = array<i32>} : memref<128x128xf32, #tpu.memory_space<vmem>>, vector<16xf32>,
      %add3A_96 = arith.addf %get3A_92, %get3A_95 : vector<16xf32>
      %swap3A_97 = arith.index_cast %squeeze3A : i32 to index
      %swap3A_98 = arith.constant 48 : index
      %swap3A_99 = tpu.vector_load %arg12[%swap3A_97, %swap3A_98] {strides = array<i32>} : memref<208x128xf32, #tpu.memory_space<vmem>>, vector<16xf32>,
      tpu.vector_store %arg12[%swap3A_97, %swap3A_98], %add3A_96 {strides = array<i32>} : memref<208x128xf32, #tpu.memory_space<vmem>>, vector<16xf32>,
      %get3A_100 = arith.index_cast %squeeze3A : i32 to index
      %get3A_101 = arith.constant 64 : index
      %get3A_102 = tpu.vector_load %arg12[%get3A_100, %get3A_101] {strides = array<i32>} : memref<208x128xf32, #tpu.memory_space<vmem>>, vector<16xf32>,
      %get3A_103 = arith.index_cast %while3A_58 : i32 to index
      %get3A_104 = arith.constant 64 : index
      %get3A_105 = tpu.vector_load %arg11[%get3A_103, %get3A_104] {strides = array<i32>} : memref<128x128xf32, #tpu.memory_space<vmem>>, vector<16xf32>,
      %add3A_106 = arith.addf %get3A_102, %get3A_105 : vector<16xf32>
      %swap3A_107 = arith.index_cast %squeeze3A : i32 to index
      %swap3A_108 = arith.constant 64 : index
      %swap3A_109 = tpu.vector_load %arg12[%swap3A_107, %swap3A_108] {strides = array<i32>} : memref<208x128xf32, #tpu.memory_space<vmem>>, vector<16xf32>,
      tpu.vector_store %arg12[%swap3A_107, %swap3A_108], %add3A_106 {strides = array<i32>} : memref<208x128xf32, #tpu.memory_space<vmem>>, vector<16xf32>,
      %get3A_110 = arith.index_cast %squeeze3A : i32 to index
      %get3A_111 = arith.constant 80 : index
      %get3A_112 = tpu.vector_load %arg12[%get3A_110, %get3A_111] {strides = array<i32>} : memref<208x128xf32, #tpu.memory_space<vmem>>, vector<16xf32>,
      %get3A_113 = arith.index_cast %while3A_58 : i32 to index
      %get3A_114 = arith.constant 80 : index
      %get3A_115 = tpu.vector_load %arg11[%get3A_113, %get3A_114] {strides = array<i32>} : memref<128x128xf32, #tpu.memory_space<vmem>>, vector<16xf32>,
      %add3A_116 = arith.addf %get3A_112, %get3A_115 : vector<16xf32>
      %swap3A_117 = arith.index_cast %squeeze3A : i32 to index
      %swap3A_118 = arith.constant 80 : index
      %swap3A_119 = tpu.vector_load %arg12[%swap3A_117, %swap3A_118] {strides = array<i32>} : memref<208x128xf32, #tpu.memory_space<vmem>>, vector<16xf32>,
      tpu.vector_store %arg12[%swap3A_117, %swap3A_118], %add3A_116 {strides = array<i32>} : memref<208x128xf32, #tpu.memory_space<vmem>>, vector<16xf32>,
      %get3A_120 = arith.index_cast %squeeze3A : i32 to index
      %get3A_121 = arith.constant 96 : index
      %get3A_122 = tpu.vector_load %arg12[%get3A_120, %get3A_121] {strides = array<i32>} : memref<208x128xf32, #tpu.memory_space<vmem>>, vector<16xf32>,
      %get3A_123 = arith.index_cast %while3A_58 : i32 to index
      %get3A_124 = arith.constant 96 : index
      %get3A_125 = tpu.vector_load %arg11[%get3A_123, %get3A_124] {strides = array<i32>} : memref<128x128xf32, #tpu.memory_space<vmem>>, vector<16xf32>,
      %add3A_126 = arith.addf %get3A_122, %get3A_125 : vector<16xf32>
      %swap3A_127 = arith.index_cast %squeeze3A : i32 to index
      %swap3A_128 = arith.constant 96 : index
      %swap3A_129 = tpu.vector_load %arg12[%swap3A_127, %swap3A_128] {strides = array<i32>} : memref<208x128xf32, #tpu.memory_space<vmem>>, vector<16xf32>,
      tpu.vector_store %arg12[%swap3A_127, %swap3A_128], %add3A_126 {strides = array<i32>} : memref<208x128xf32, #tpu.memory_space<vmem>>, vector<16xf32>,
      %get3A_130 = arith.index_cast %squeeze3A : i32 to index
      %get3A_131 = arith.constant 112 : index
      %get3A_132 = tpu.vector_load %arg12[%get3A_130, %get3A_131] {strides = array<i32>} : memref<208x128xf32, #tpu.memory_space<vmem>>, vector<16xf32>,
      %get3A_133 = arith.index_cast %while3A_58 : i32 to index
      %get3A_134 = arith.constant 112 : index
      %get3A_135 = tpu.vector_load %arg11[%get3A_133, %get3A_134] {strides = array<i32>} : memref<128x128xf32, #tpu.memory_space<vmem>>, vector<16xf32>,
      %add3A_136 = arith.addf %get3A_132, %get3A_135 : vector<16xf32>
      %swap3A_137 = arith.index_cast %squeeze3A : i32 to index
      %swap3A_138 = arith.constant 112 : index
      %swap3A_139 = tpu.vector_load %arg12[%swap3A_137, %swap3A_138] {strides = array<i32>} : memref<208x128xf32, #tpu.memory_space<vmem>>, vector<16xf32>,
      tpu.vector_store %arg12[%swap3A_137, %swap3A_138], %add3A_136 {strides = array<i32>} : memref<208x128xf32, #tpu.memory_space<vmem>>, vector<16xf32>,
    }
    "tpu.region"() ({
      %run_scoped3A = tpu.sem_alloc : memref<!tpu.dma_semaphore, #tpu.memory_space<semaphore_mem>>
      %dma_start3A_58 = arith.constant 0 : i32
      %dma_start3A_59 = tpu.memref_slice %arg6[%mul3A_2, %dma_start3A_58] : memref<6656x128xf32, #tpu.memory_space<hbm>> -> memref<208x128xf32, #tpu.memory_space<hbm>>
      %dma_start3A_60 = arith.constant 0 : i32
      %dma_start3A_61 = tpu.memref_slice %arg6[%mul3A_2, %dma_start3A_60] : memref<6656x128xf32, #tpu.memory_space<hbm>> -> memref<208x128xf32, #tpu.memory_space<hbm>>
      tpu.enqueue_dma source(%arg12 : memref<208x128xf32, #tpu.memory_space<vmem>>) target(%dma_start3A_61 : memref<208x128xf32, #tpu.memory_space<hbm>>) target_semaphore(%run_scoped3A : memref<!tpu.dma_semaphore, #tpu.memory_space<semaphore_mem>>)
      %dma_wait3A_62 = arith.constant 0 : i32
      %dma_wait3A_63 = tpu.memref_slice %arg6[%mul3A_2, %dma_wait3A_62] : memref<6656x128xf32, #tpu.memory_space<hbm>> -> memref<208x128xf32, #tpu.memory_space<hbm>>
      %dma_wait3A_64 = arith.constant 0 : i32
      %dma_wait3A_65 = tpu.memref_slice %arg6[%mul3A_2, %dma_wait3A_64] : memref<6656x128xf32, #tpu.memory_space<hbm>> -> memref<208x128xf32, #tpu.memory_space<hbm>>
      tpu.wait_dma2 semaphore(%run_scoped3A : memref<!tpu.dma_semaphore, #tpu.memory_space<semaphore_mem>>) src(%arg12 : memref<208x128xf32, #tpu.memory_space<vmem>>) dst(%dma_wait3A_65 : memref<208x128xf32, #tpu.memory_space<hbm>>)
      tpu.yield
    }) : () -> ()
    return
  }
}

#map = affine_map<(d0, d1) -> (0, 0)>
#map1 = affine_map<(d0, d1) -> (0)>
module attributes {stable_mosaic.version = 14 : i64} {
  func.func @k(%arg0: i32, %arg1: i32, %arg2: memref<6656x128xf32, #tpu.memory_space<hbm>>, %arg3: memref<6656xi32, #tpu.memory_space<hbm>>, %arg4: memref<16x128xf32, #tpu.memory_space<hbm>>, %arg5: memref<16xi32, #tpu.memory_space<vmem>>, %arg6: memref<16xi32, #tpu.memory_space<vmem>>, %arg7: memref<16x128xf32, #tpu.memory_space<vmem>>, %arg8: memref<!tpu.dma_semaphore, #tpu.memory_space<semaphore_mem>>) attributes {dimension_semantics = [#tpu.dimension_semantics<core_parallel>, #tpu.dimension_semantics<subcore_parallel>], iteration_bounds = array<i64: 2, 16>, scalar_prefetch = 0 : i64, scratch_operands = 4 : i64, tpu.core_type = #tpu.core_type<sc_vector_subcore>, window_params = [{transform_indices = #map}, {transform_indices = #map1}, {transform_indices = #map}]} {
    %mul3A = arith.constant 2 : i32
    %mul3A_0 = arith.muli %arg1, %mul3A : i32
    %add3A = arith.addi %mul3A_0, %arg0 : i32
    %mul3A_1 = arith.constant 208 : i32
    %mul3A_2 = arith.muli %add3A, %mul3A_1 : i32
    %scan3A = arith.constant 0 : i32
    %scan3A_3 = arith.constant 0 : i32
    %scan3A_4 = arith.constant 13 : i32
    %scan3A_5 = arith.addi %scan3A_3, %scan3A_4 : i32
    %scan3A_6 = arith.constant 1 : i32
    scf.for %scan3A_8 = %scan3A_3 to %scan3A_5 step %scan3A_6  : i32 {
      %mul3A_9 = arith.constant 16 : i32
      %mul3A_10 = arith.muli %scan3A_8, %mul3A_9 : i32
      %add3A_11 = arith.addi %mul3A_2, %mul3A_10 : i32
      "tpu.region"() ({
        %run_scoped3A = tpu.sem_alloc : memref<!tpu.dma_semaphore, #tpu.memory_space<semaphore_mem>>
        %dma_start3A_20 = tpu.memref_slice %arg3[%add3A_11] : memref<6656xi32, #tpu.memory_space<hbm>> -> memref<16xi32, #tpu.memory_space<hbm>>
        %dma_start3A_21 = tpu.memref_slice %arg3[%add3A_11] : memref<6656xi32, #tpu.memory_space<hbm>> -> memref<16xi32, #tpu.memory_space<hbm>>
        tpu.enqueue_dma source(%dma_start3A_21 : memref<16xi32, #tpu.memory_space<hbm>>) target(%arg5 : memref<16xi32, #tpu.memory_space<vmem>>) target_semaphore(%run_scoped3A : memref<!tpu.dma_semaphore, #tpu.memory_space<semaphore_mem>>)
        %dma_wait3A_22 = tpu.memref_slice %arg3[%add3A_11] : memref<6656xi32, #tpu.memory_space<hbm>> -> memref<16xi32, #tpu.memory_space<hbm>>
        %dma_wait3A_23 = tpu.memref_slice %arg3[%add3A_11] : memref<6656xi32, #tpu.memory_space<hbm>> -> memref<16xi32, #tpu.memory_space<hbm>>
        tpu.wait_dma2 semaphore(%run_scoped3A : memref<!tpu.dma_semaphore, #tpu.memory_space<semaphore_mem>>) src(%dma_wait3A_23 : memref<16xi32, #tpu.memory_space<hbm>>) dst(%arg5 : memref<16xi32, #tpu.memory_space<vmem>>)
        tpu.yield
      }) : () -> ()
      %get3A = arith.constant 0 : index
      %get3A_12 = tpu.vector_load %arg5[%get3A] {strides = array<i32>} : memref<16xi32, #tpu.memory_space<vmem>>, vector<16xi32>,
      %min3A = arith.constant 15 : i32
      %min3A_13 = vector.broadcast %min3A : i32 to vector<16xi32>
      %min3A_14 = arith.minsi %get3A_12, %min3A_13 : vector<16xi32>
      %swap3A = arith.constant 0 : index
      %swap3A_15 = tpu.vector_load %arg6[%swap3A] {strides = array<i32>} : memref<16xi32, #tpu.memory_space<vmem>>, vector<16xi32>,
      tpu.vector_store %arg6[%swap3A], %min3A_14 {strides = array<i32>} : memref<16xi32, #tpu.memory_space<vmem>>, vector<16xi32>,
      "tpu.region"() ({
        %run_scoped3A = tpu.sem_alloc : memref<!tpu.dma_semaphore, #tpu.memory_space<semaphore_mem>>
        %dma_start3A_20 = arith.constant 0 : i32
        %dma_start3A_21 = tpu.memref_slice %arg2[%add3A_11, %dma_start3A_20] : memref<6656x128xf32, #tpu.memory_space<hbm>> -> memref<16x128xf32, #tpu.memory_space<hbm>>
        %dma_start3A_22 = arith.constant 0 : i32
        %dma_start3A_23 = tpu.memref_slice %arg2[%add3A_11, %dma_start3A_22] : memref<6656x128xf32, #tpu.memory_space<hbm>> -> memref<16x128xf32, #tpu.memory_space<hbm>>
        tpu.enqueue_dma source(%dma_start3A_23 : memref<16x128xf32, #tpu.memory_space<hbm>>) target(%arg7 : memref<16x128xf32, #tpu.memory_space<vmem>>) target_semaphore(%run_scoped3A : memref<!tpu.dma_semaphore, #tpu.memory_space<semaphore_mem>>)
        %dma_wait3A_24 = arith.constant 0 : i32
        %dma_wait3A_25 = tpu.memref_slice %arg2[%add3A_11, %dma_wait3A_24] : memref<6656x128xf32, #tpu.memory_space<hbm>> -> memref<16x128xf32, #tpu.memory_space<hbm>>
        %dma_wait3A_26 = arith.constant 0 : i32
        %dma_wait3A_27 = tpu.memref_slice %arg2[%add3A_11, %dma_wait3A_26] : memref<6656x128xf32, #tpu.memory_space<hbm>> -> memref<16x128xf32, #tpu.memory_space<hbm>>
        tpu.wait_dma2 semaphore(%run_scoped3A : memref<!tpu.dma_semaphore, #tpu.memory_space<semaphore_mem>>) src(%dma_wait3A_27 : memref<16x128xf32, #tpu.memory_space<hbm>>) dst(%arg7 : memref<16x128xf32, #tpu.memory_space<vmem>>)
        tpu.yield
      }) : () -> ()
      %dma_start3A = arith.constant 0 : i32
      %dma_start3A_16 = arith.constant 0 : i32
      %dma_start3A_17 = tpu.memref_slice %arg4[%dma_start3A, %dma_start3A_16] : memref<16x128xf32, #tpu.memory_space<hbm>> -> memref<16x128xf32, #tpu.memory_space<hbm>>
      tpu.enqueue_indirect_dma source(%arg7 : memref<16x128xf32, #tpu.memory_space<vmem>>) target(%dma_start3A_17 : memref<16x128xf32, #tpu.memory_space<hbm>>) offsets(%arg6 : memref<16xi32, #tpu.memory_space<vmem>>) semaphore(%arg8 : memref<!tpu.dma_semaphore, #tpu.memory_space<semaphore_mem>>)
      %dma_wait3A = arith.constant 0 : i32
      %dma_wait3A_18 = arith.constant 0 : i32
      %dma_wait3A_19 = tpu.memref_slice %arg4[%dma_wait3A, %dma_wait3A_18] : memref<16x128xf32, #tpu.memory_space<hbm>> -> memref<16x128xf32, #tpu.memory_space<hbm>>
      tpu.wait_indirect_dma semaphore(%arg8 : memref<!tpu.dma_semaphore, #tpu.memory_space<semaphore_mem>>) src(%arg7 : memref<16x128xf32, #tpu.memory_space<vmem>>) dst(%dma_wait3A_19 : memref<16x128xf32, #tpu.memory_space<hbm>>)
    }
    %scan3A_7 = arith.constant 13 : i32
    return
  }
}

module attributes {stable_mosaic.version = 14 : i64} {
  func.func @_combine1_body(%arg0: i32, %arg1: memref<1024x256xf32, #tpu.memory_space<vmem>>, %arg2: memref<1024x256xf32, #tpu.memory_space<vmem>>, %arg3: memref<128x256xf32, #tpu.memory_space<vmem>>, %arg4: memref<128x256xf32, #tpu.memory_space<vmem>>, %arg5: memref<1x128xf32, #tpu.memory_space<vmem>>, %arg6: memref<1x128xf32, #tpu.memory_space<vmem>>, %arg7: memref<128x1xf32, #tpu.memory_space<vmem>>, %arg8: memref<1024x128xf32, #tpu.memory_space<vmem>>, %arg9: memref<1024x1xi32, #tpu.memory_space<vmem>>) attributes {dimension_semantics = [#tpu.dimension_semantics<arbitrary>], iteration_bounds = array<i64: 10>, scalar_prefetch = 0 : i64, scratch_operands = 0 : i64, tpu.core_type = #tpu.core_type<tc>, window_params = [{transform_indices = @transform_0, window_bounds = array<i64: 1024, 256>}, {transform_indices = @transform_1, window_bounds = array<i64: 1024, 256>}, {pipeline_mode = #tpu.pipeline_mode<synchronous>, transform_indices = @transform_2, window_bounds = array<i64: 128, 256>}, {pipeline_mode = #tpu.pipeline_mode<synchronous>, transform_indices = @transform_3, window_bounds = array<i64: 128, 256>}, {pipeline_mode = #tpu.pipeline_mode<synchronous>, transform_indices = @transform_4, window_bounds = array<i64: 1, 128>}, {pipeline_mode = #tpu.pipeline_mode<synchronous>, transform_indices = @transform_5, window_bounds = array<i64: 1, 128>}, {pipeline_mode = #tpu.pipeline_mode<synchronous>, transform_indices = @transform_6, window_bounds = array<i64: 128, 1>}, {transform_indices = @transform_7, window_bounds = array<i64: 1024, 128>}, {transform_indices = @transform_8, window_bounds = array<i64: 1024, 1>}]} {
    %get3A = arith.constant 0 : index
    %get3A_0 = arith.constant 0 : index
    %get3A_1 = vector.load %arg1[%get3A, %get3A_0] : memref<1024x256xf32, #tpu.memory_space<vmem>>, vector<1024x256xf32>
    %get3A_2 = arith.constant 0 : index
    %get3A_3 = arith.constant 0 : index
    %get3A_4 = vector.load %arg3[%get3A_2, %get3A_3] : memref<128x256xf32, #tpu.memory_space<vmem>>, vector<128x256xf32>
    %dot_general3A = arith.constant dense<0.000000e+00> : vector<1024x128xf32>
    %dot_general3A_5 = tpu.matmul %get3A_1, %get3A_4, %dot_general3A {dimension_numbers = #tpu.dot_dimension_numbers<[1], [1], [0], [0], [0, 0, 1, 0], [], []>, transpose_lhs_hint = false} : vector<1024x256xf32>, vector<128x256xf32>, vector<1024x128xf32> -> vector<1024x128xf32>
    %get3A_6 = arith.constant 0 : index
    %get3A_7 = arith.constant 0 : index
    %get3A_8 = vector.load %arg2[%get3A_6, %get3A_7] : memref<1024x256xf32, #tpu.memory_space<vmem>>, vector<1024x256xf32>
    %get3A_9 = arith.constant 0 : index
    %get3A_10 = arith.constant 0 : index
    %get3A_11 = vector.load %arg4[%get3A_9, %get3A_10] : memref<128x256xf32, #tpu.memory_space<vmem>>, vector<128x256xf32>
    %dot_general3A_12 = arith.constant dense<0.000000e+00> : vector<1024x128xf32>
    %dot_general3A_13 = tpu.matmul %get3A_8, %get3A_11, %dot_general3A_12 {dimension_numbers = #tpu.dot_dimension_numbers<[1], [1], [0], [0], [0, 0, 1, 0], [], []>, transpose_lhs_hint = false} : vector<1024x256xf32>, vector<128x256xf32>, vector<1024x128xf32> -> vector<1024x128xf32>
    %get3A_14 = arith.constant 0 : index
    %get3A_15 = arith.constant 0 : index
    %get3A_16 = vector.load %arg5[%get3A_14, %get3A_15] : memref<1x128xf32, #tpu.memory_space<vmem>>, vector<1x128xf32>
    %add3A = vector.broadcast %get3A_16 : vector<1x128xf32> to vector<1024x128xf32>
    %add3A_17 = arith.addf %dot_general3A_5, %add3A : vector<1024x128xf32>
    %get3A_18 = arith.constant 0 : index
    %get3A_19 = arith.constant 0 : index
    %get3A_20 = vector.load %arg6[%get3A_18, %get3A_19] : memref<1x128xf32, #tpu.memory_space<vmem>>, vector<1x128xf32>
    %add3A_21 = vector.broadcast %get3A_20 : vector<1x128xf32> to vector<1024x128xf32>
    %add3A_22 = arith.addf %dot_general3A_13, %add3A_21 : vector<1024x128xf32>
    %add3A_23 = arith.addf %add3A_17, %add3A_22 : vector<1024x128xf32>
    %max3A = arith.constant 0.000000e+00 : f32
    %max3A_24 = vector.broadcast %max3A : f32 to vector<1024x128xf32>
    %max3A_25 = arith.maximumf %add3A_23, %max3A_24 : vector<1024x128xf32>
    %get3A_26 = arith.constant 0 : index
    %get3A_27 = arith.constant 0 : index
    %get3A_28 = vector.load %arg7[%get3A_26, %get3A_27] : memref<128x1xf32, #tpu.memory_space<vmem>>, vector<128x1xf32>
    %mul3A = arith.mulf %get3A_28, %get3A_28 : vector<128x1xf32>
    %reduce_sum3A = vector.shape_cast %mul3A : vector<128x1xf32> to vector<1x128x1xf32>
    %reduce_sum3A_29 = arith.constant dense<0.000000e+00> : vector<1xf32>
    %reduce_sum3A_30 = vector.multi_reduction <add>, %reduce_sum3A, %reduce_sum3A_29 [1, 2] : vector<1x128x1xf32> to vector<1xf32>
    %reduce_sum3A_31 = vector.shape_cast %reduce_sum3A_30 : vector<1xf32> to vector<1x1x1xf32>
    %reduce_sum3A_32 = vector.extract %reduce_sum3A_31[0, 0, 0] : f32 from vector<1x1x1xf32>
    %sqrt3A = math.sqrt %reduce_sum3A_32 : f32
    %dot_general3A_33 = arith.constant dense<0.000000e+00> : vector<1024x1xf32>
    %dot_general3A_34 = tpu.matmul %max3A_25, %get3A_28, %dot_general3A_33 {dimension_numbers = #tpu.dot_dimension_numbers<[1], [0], [0], [1], [0, 0, 1, 1], [], []>, transpose_lhs_hint = false} : vector<1024x128xf32>, vector<128x1xf32>, vector<1024x1xf32> -> vector<1024x1xf32>
    %div3A = vector.broadcast %sqrt3A : f32 to vector<1024x1xf32>
    %div3A_35 = arith.divf %dot_general3A_34, %div3A : vector<1024x1xf32>
    %tanh3A = math.tanh %div3A_35 : vector<1024x1xf32>
    %mul3A_36 = vector.broadcast %tanh3A : vector<1024x1xf32> to vector<1024x128xf32>
    %mul3A_37 = arith.mulf %max3A_25, %mul3A_36 : vector<1024x128xf32>
    %swap3A = arith.constant 0 : index
    %swap3A_38 = arith.constant 0 : index
    %swap3A_39 = vector.load %arg8[%swap3A, %swap3A_38] : memref<1024x128xf32, #tpu.memory_space<vmem>>, vector<1024x128xf32>
    tpu.vector_store %arg8[%swap3A, %swap3A_38], %mul3A_37 {strides = array<i32>} : memref<1024x128xf32, #tpu.memory_space<vmem>>, vector<1024x128xf32>,
    %mul3A_40 = arith.constant 1024 : i32
    %mul3A_41 = arith.muli %arg0, %mul3A_40 : i32
    %iota3A = tpu.iota {dimensions = array<i32: 0>} : vector<1024x1xi32>
    %add3A_42 = vector.broadcast %mul3A_41 : i32 to vector<1024x1xi32>
    %add3A_43 = arith.addi %add3A_42, %iota3A : vector<1024x1xi32>
    %bitcast_convert_type3A = tpu.bitcast %tanh3A : vector<1024x1xf32> -> vector<1024x1xi32>
    %eq3A = arith.constant -2147483648 : i32
    %eq3A_44 = vector.broadcast %eq3A : i32 to vector<1024x1xi32>
    %eq3A_45 = arith.cmpi eq, %bitcast_convert_type3A, %eq3A_44 : vector<1024x1xi32>
    %jit3A = arith.constant 0 : i32
    %broadcast_in_dim3A = vector.broadcast %jit3A : i32 to vector<1024x1xi32>
    %select_n3A = arith.select %eq3A_45, %broadcast_in_dim3A, %bitcast_convert_type3A : vector<1024x1xi1>, vector<1024x1xi32>
    %lt3A = arith.constant 0 : i32
    %lt3A_46 = vector.broadcast %lt3A : i32 to vector<1024x1xi32>
    %lt3A_47 = arith.cmpi slt, %select_n3A, %lt3A_46 : vector<1024x1xi32>
    %xor3A = arith.constant 2147483647 : i32
    %xor3A_48 = vector.broadcast %xor3A : i32 to vector<1024x1xi32>
    %xor3A_49 = arith.xori %select_n3A, %xor3A_48 : vector<1024x1xi32>
    %select_n3A_50 = arith.select %lt3A_47, %xor3A_49, %select_n3A : vector<1024x1xi1>, vector<1024x1xi32>
    %lt3A_51 = arith.constant 10000 : i32
    %lt3A_52 = vector.broadcast %lt3A_51 : i32 to vector<1024x1xi32>
    %lt3A_53 = arith.cmpi slt, %add3A_43, %lt3A_52 : vector<1024x1xi32>
    %jit3A_54 = arith.constant -2147483648 : i32
    %broadcast_in_dim3A_55 = vector.broadcast %jit3A_54 : i32 to vector<1024x1xi32>
    %select_n3A_56 = arith.select %lt3A_53, %select_n3A_50, %broadcast_in_dim3A_55 : vector<1024x1xi1>, vector<1024x1xi32>
    %swap3A_57 = arith.constant 0 : index
    %swap3A_58 = arith.constant 0 : index
    %swap3A_59 = vector.load %arg9[%swap3A_57, %swap3A_58] : memref<1024x1xi32, #tpu.memory_space<vmem>>, vector<1024x1xi32>
    tpu.vector_store %arg9[%swap3A_57, %swap3A_58], %select_n3A_56 {strides = array<i32>} : memref<1024x1xi32, #tpu.memory_space<vmem>>, vector<1024x1xi32>,
    return
  }
  func.func @transform_0(%arg0: i32) -> (i32, i32) {
    %c0_i32 = arith.constant 0 : i32
    %c0_i32_0 = arith.constant 0 : i32
    return %arg0, %c0_i32 : i32, i32
  }
  func.func @transform_1(%arg0: i32) -> (i32, i32) {
    %c0_i32 = arith.constant 0 : i32
    %c0_i32_0 = arith.constant 0 : i32
    return %arg0, %c0_i32 : i32, i32
  }
  func.func @transform_2(%arg0: i32) -> (i32, i32) {
    %c0_i32 = arith.constant 0 : i32
    %c0_i32_0 = arith.constant 0 : i32
    %c0_i32_1 = arith.constant 0 : i32
    return %c0_i32, %c0_i32_0 : i32, i32
  }
  func.func @transform_3(%arg0: i32) -> (i32, i32) {
    %c0_i32 = arith.constant 0 : i32
    %c0_i32_0 = arith.constant 0 : i32
    %c0_i32_1 = arith.constant 0 : i32
    return %c0_i32, %c0_i32_0 : i32, i32
  }
  func.func @transform_4(%arg0: i32) -> (i32, i32) {
    %c0_i32 = arith.constant 0 : i32
    %c0_i32_0 = arith.constant 0 : i32
    %c0_i32_1 = arith.constant 0 : i32
    return %c0_i32, %c0_i32_0 : i32, i32
  }
  func.func @transform_5(%arg0: i32) -> (i32, i32) {
    %c0_i32 = arith.constant 0 : i32
    %c0_i32_0 = arith.constant 0 : i32
    %c0_i32_1 = arith.constant 0 : i32
    return %c0_i32, %c0_i32_0 : i32, i32
  }
  func.func @transform_6(%arg0: i32) -> (i32, i32) {
    %c0_i32 = arith.constant 0 : i32
    %c0_i32_0 = arith.constant 0 : i32
    %c0_i32_1 = arith.constant 0 : i32
    return %c0_i32, %c0_i32_0 : i32, i32
  }
  func.func @transform_7(%arg0: i32) -> (i32, i32) {
    %c0_i32 = arith.constant 0 : i32
    %c0_i32_0 = arith.constant 0 : i32
    return %arg0, %c0_i32 : i32, i32
  }
  func.func @transform_8(%arg0: i32) -> (i32, i32) {
    %c0_i32 = arith.constant 0 : i32
    %c0_i32_0 = arith.constant 0 : i32
    return %arg0, %c0_i32 : i32, i32
  }
}

module attributes {stable_mosaic.version = 14 : i64} {
  func.func @_rank_body(%arg0: i32, %arg1: memref<1x1x128xi32, #tpu.memory_space<vmem>>, %arg2: memref<320x32x1xi32, #tpu.memory_space<vmem>>, %arg3: memref<1x1x128xi32, #tpu.memory_space<vmem>>) attributes {dimension_semantics = [#tpu.dimension_semantics<arbitrary>], iteration_bounds = array<i64: 80>, scalar_prefetch = 0 : i64, scratch_operands = 0 : i64, tpu.core_type = #tpu.core_type<tc>, window_params = [{transform_indices = @transform_0, window_bounds = array<i64: 1, 1, 128>}, {pipeline_mode = #tpu.pipeline_mode<synchronous>, transform_indices = @transform_1, window_bounds = array<i64: 320, 32, 1>}, {transform_indices = @transform_2, window_bounds = array<i64: 1, 1, 128>}]} {
    %get3A = arith.constant 0 : index
    %get3A_0 = arith.constant 0 : index
    %get3A_1 = arith.constant 0 : index
    %get3A_2 = vector.load %arg1[%get3A, %get3A_0, %get3A_1] : memref<1x1x128xi32, #tpu.memory_space<vmem>>, vector<1x1x128xi32>
    %get3A_3 = vector.shape_cast %get3A_2 : vector<1x1x128xi32> to vector<1x128xi32>
    %mul3A = arith.constant 128 : i32
    %mul3A_4 = arith.muli %arg0, %mul3A : i32
    %iota3A = tpu.iota {dimensions = array<i32: 1>} : vector<1x128xi32>
    %add3A = vector.broadcast %mul3A_4 : i32 to vector<1x128xi32>
    %add3A_5 = arith.addi %add3A, %iota3A : vector<1x128xi32>
    %broadcast_in_dim3A = arith.constant 0 : i32
    %broadcast_in_dim3A_6 = vector.broadcast %broadcast_in_dim3A : i32 to vector<32x128xi32>
    %scan3A = arith.constant 0 : i32
    %scan3A_7 = arith.constant 320 : i32
    %scan3A_8 = arith.addi %scan3A, %scan3A_7 : i32
    %scan3A_9 = arith.constant 1 : i32
    %scan3A_10 = scf.for %scan3A_19 = %scan3A to %scan3A_8 step %scan3A_9 iter_args(%scan3A_20 = %broadcast_in_dim3A_6) -> (vector<32x128xi32>)  : i32 {
      %get3A_21 = arith.index_cast %scan3A_19 : i32 to index
      %get3A_22 = arith.constant 0 : index
      %get3A_23 = arith.constant 0 : index
      %get3A_24 = vector.load %arg2[%get3A_21, %get3A_22, %get3A_23] : memref<320x32x1xi32, #tpu.memory_space<vmem>>, vector<1x32x1xi32>
      %get3A_25 = vector.shape_cast %get3A_24 : vector<1x32x1xi32> to vector<32x1xi32>
      %mul3A_26 = arith.constant 32 : i32
      %mul3A_27 = arith.muli %scan3A_19, %mul3A_26 : i32
      %iota3A_28 = tpu.iota {dimensions = array<i32: 0>} : vector<32x1xi32>
      %add3A_29 = vector.broadcast %mul3A_27 : i32 to vector<32x1xi32>
      %add3A_30 = arith.addi %add3A_29, %iota3A_28 : vector<32x1xi32>
      %lt3A = vector.broadcast %add3A_30 : vector<32x1xi32> to vector<32x128xi32>
      %lt3A_31 = vector.broadcast %add3A_5 : vector<1x128xi32> to vector<32x128xi32>
      %lt3A_32 = arith.cmpi slt, %lt3A, %lt3A_31 : vector<32x128xi32>
      %ge3A = vector.broadcast %get3A_25 : vector<32x1xi32> to vector<32x128xi32>
      %ge3A_33 = vector.broadcast %get3A_3 : vector<1x128xi32> to vector<32x128xi32>
      %ge3A_34 = arith.cmpi sge, %ge3A, %ge3A_33 : vector<32x128xi32>
      %jit3A = arith.constant 1 : i32
      %jit3A_35 = arith.constant 0 : i32
      %broadcast_in_dim3A_36 = vector.broadcast %jit3A : i32 to vector<32x128xi32>
      %broadcast_in_dim3A_37 = vector.broadcast %jit3A_35 : i32 to vector<32x128xi32>
      %select_n3A = arith.select %ge3A_34, %broadcast_in_dim3A_36, %broadcast_in_dim3A_37 : vector<32x128xi1>, vector<32x128xi32>
      %gt3A = vector.broadcast %get3A_25 : vector<32x1xi32> to vector<32x128xi32>
      %gt3A_38 = vector.broadcast %get3A_3 : vector<1x128xi32> to vector<32x128xi32>
      %gt3A_39 = arith.cmpi sgt, %gt3A, %gt3A_38 : vector<32x128xi32>
      %jit3A_40 = arith.constant 1 : i32
      %jit3A_41 = arith.constant 0 : i32
      %broadcast_in_dim3A_42 = vector.broadcast %jit3A_40 : i32 to vector<32x128xi32>
      %broadcast_in_dim3A_43 = vector.broadcast %jit3A_41 : i32 to vector<32x128xi32>
      %select_n3A_44 = arith.select %gt3A_39, %broadcast_in_dim3A_42, %broadcast_in_dim3A_43 : vector<32x128xi1>, vector<32x128xi32>
      %select_n3A_45 = arith.select %lt3A_32, %select_n3A, %select_n3A_44 : vector<32x128xi1>, vector<32x128xi32>
      %add3A_46 = arith.addi %scan3A_20, %select_n3A_45 : vector<32x128xi32>
      scf.yield %add3A_46 : vector<32x128xi32>
    }
    %scan3A_11 = arith.constant 320 : i32
    %reduce_sum3A = arith.constant dense<0> : vector<128xi32>
    %reduce_sum3A_12 = vector.multi_reduction <add>, %scan3A_10, %reduce_sum3A [0] : vector<32x128xi32> to vector<128xi32>
    %broadcast_in_dim3A_13 = vector.shape_cast %reduce_sum3A_12 : vector<128xi32> to vector<1x128xi32>
    %swap3A = arith.constant 0 : index
    %swap3A_14 = arith.constant 0 : index
    %swap3A_15 = arith.constant 0 : index
    %swap3A_16 = vector.load %arg3[%swap3A, %swap3A_14, %swap3A_15] : memref<1x1x128xi32, #tpu.memory_space<vmem>>, vector<1x1x128xi32>
    %swap3A_17 = vector.shape_cast %swap3A_16 : vector<1x1x128xi32> to vector<1x128xi32>
    %swap3A_18 = vector.shape_cast %broadcast_in_dim3A_13 : vector<1x128xi32> to vector<1x1x128xi32>
    tpu.vector_store %arg3[%swap3A, %swap3A_14, %swap3A_15], %swap3A_18 {strides = array<i32>} : memref<1x1x128xi32, #tpu.memory_space<vmem>>, vector<1x1x128xi32>,
    return
  }
  func.func @transform_0(%arg0: i32) -> (i32, i32, i32) {
    %c0_i32 = arith.constant 0 : i32
    %c0_i32_0 = arith.constant 0 : i32
    %c0_i32_1 = arith.constant 0 : i32
    return %arg0, %c0_i32, %c0_i32_0 : i32, i32, i32
  }
  func.func @transform_1(%arg0: i32) -> (i32, i32, i32) {
    %c0_i32 = arith.constant 0 : i32
    %c0_i32_0 = arith.constant 0 : i32
    %c0_i32_1 = arith.constant 0 : i32
    %c0_i32_2 = arith.constant 0 : i32
    return %c0_i32, %c0_i32_0, %c0_i32_1 : i32, i32, i32
  }
  func.func @transform_2(%arg0: i32) -> (i32, i32, i32) {
    %c0_i32 = arith.constant 0 : i32
    %c0_i32_0 = arith.constant 0 : i32
    %c0_i32_1 = arith.constant 0 : i32
    return %arg0, %c0_i32, %c0_i32_0 : i32, i32, i32
  }
}

module attributes {stable_mosaic.version = 14 : i64} {
  func.func @_combine23_body(%arg0: i32, %arg1: memref<1024x128xf32, #tpu.memory_space<vmem>>, %arg2: memref<1024x128xf32, #tpu.memory_space<vmem>>, %arg3: memref<128x128xf32, #tpu.memory_space<vmem>>, %arg4: memref<128x128xf32, #tpu.memory_space<vmem>>, %arg5: memref<1x128xf32, #tpu.memory_space<vmem>>, %arg6: memref<1x128xf32, #tpu.memory_space<vmem>>, %arg7: memref<128x1xf32, #tpu.memory_space<vmem>>, %arg8: memref<1024x128xf32, #tpu.memory_space<vmem>>, %arg9: memref<1024x1xi32, #tpu.memory_space<vmem>>) attributes {dimension_semantics = [#tpu.dimension_semantics<arbitrary>], iteration_bounds = array<i64: 8>, scalar_prefetch = 0 : i64, scratch_operands = 0 : i64, tpu.core_type = #tpu.core_type<tc>, window_params = [{transform_indices = @transform_0, window_bounds = array<i64: 1024, 128>}, {transform_indices = @transform_1, window_bounds = array<i64: 1024, 128>}, {pipeline_mode = #tpu.pipeline_mode<synchronous>, transform_indices = @transform_2, window_bounds = array<i64: 128, 128>}, {pipeline_mode = #tpu.pipeline_mode<synchronous>, transform_indices = @transform_3, window_bounds = array<i64: 128, 128>}, {pipeline_mode = #tpu.pipeline_mode<synchronous>, transform_indices = @transform_4, window_bounds = array<i64: 1, 128>}, {pipeline_mode = #tpu.pipeline_mode<synchronous>, transform_indices = @transform_5, window_bounds = array<i64: 1, 128>}, {pipeline_mode = #tpu.pipeline_mode<synchronous>, transform_indices = @transform_6, window_bounds = array<i64: 128, 1>}, {transform_indices = @transform_7, window_bounds = array<i64: 1024, 128>}, {transform_indices = @transform_8, window_bounds = array<i64: 1024, 1>}]} {
    %get3A = arith.constant 0 : index
    %get3A_0 = arith.constant 0 : index
    %get3A_1 = vector.load %arg1[%get3A, %get3A_0] : memref<1024x128xf32, #tpu.memory_space<vmem>>, vector<1024x128xf32>
    %get3A_2 = arith.constant 0 : index
    %get3A_3 = arith.constant 0 : index
    %get3A_4 = vector.load %arg3[%get3A_2, %get3A_3] : memref<128x128xf32, #tpu.memory_space<vmem>>, vector<128x128xf32>
    %dot_general3A = arith.constant dense<0.000000e+00> : vector<1024x128xf32>
    %dot_general3A_5 = tpu.matmul %get3A_1, %get3A_4, %dot_general3A {dimension_numbers = #tpu.dot_dimension_numbers<[1], [1], [0], [0], [0, 0, 1, 0], [], []>, transpose_lhs_hint = false} : vector<1024x128xf32>, vector<128x128xf32>, vector<1024x128xf32> -> vector<1024x128xf32>
    %get3A_6 = arith.constant 0 : index
    %get3A_7 = arith.constant 0 : index
    %get3A_8 = vector.load %arg2[%get3A_6, %get3A_7] : memref<1024x128xf32, #tpu.memory_space<vmem>>, vector<1024x128xf32>
    %get3A_9 = arith.constant 0 : index
    %get3A_10 = arith.constant 0 : index
    %get3A_11 = vector.load %arg4[%get3A_9, %get3A_10] : memref<128x128xf32, #tpu.memory_space<vmem>>, vector<128x128xf32>
    %dot_general3A_12 = arith.constant dense<0.000000e+00> : vector<1024x128xf32>
    %dot_general3A_13 = tpu.matmul %get3A_8, %get3A_11, %dot_general3A_12 {dimension_numbers = #tpu.dot_dimension_numbers<[1], [1], [0], [0], [0, 0, 1, 0], [], []>, transpose_lhs_hint = false} : vector<1024x128xf32>, vector<128x128xf32>, vector<1024x128xf32> -> vector<1024x128xf32>
    %get3A_14 = arith.constant 0 : index
    %get3A_15 = arith.constant 0 : index
    %get3A_16 = vector.load %arg5[%get3A_14, %get3A_15] : memref<1x128xf32, #tpu.memory_space<vmem>>, vector<1x128xf32>
    %add3A = vector.broadcast %get3A_16 : vector<1x128xf32> to vector<1024x128xf32>
    %add3A_17 = arith.addf %dot_general3A_5, %add3A : vector<1024x128xf32>
    %get3A_18 = arith.constant 0 : index
    %get3A_19 = arith.constant 0 : index
    %get3A_20 = vector.load %arg6[%get3A_18, %get3A_19] : memref<1x128xf32, #tpu.memory_space<vmem>>, vector<1x128xf32>
    %add3A_21 = vector.broadcast %get3A_20 : vector<1x128xf32> to vector<1024x128xf32>
    %add3A_22 = arith.addf %dot_general3A_13, %add3A_21 : vector<1024x128xf32>
    %add3A_23 = arith.addf %add3A_17, %add3A_22 : vector<1024x128xf32>
    %max3A = arith.constant 0.000000e+00 : f32
    %max3A_24 = vector.broadcast %max3A : f32 to vector<1024x128xf32>
    %max3A_25 = arith.maximumf %add3A_23, %max3A_24 : vector<1024x128xf32>
    %get3A_26 = arith.constant 0 : index
    %get3A_27 = arith.constant 0 : index
    %get3A_28 = vector.load %arg7[%get3A_26, %get3A_27] : memref<128x1xf32, #tpu.memory_space<vmem>>, vector<128x1xf32>
    %mul3A = arith.mulf %get3A_28, %get3A_28 : vector<128x1xf32>
    %reduce_sum3A = vector.shape_cast %mul3A : vector<128x1xf32> to vector<1x128x1xf32>
    %reduce_sum3A_29 = arith.constant dense<0.000000e+00> : vector<1xf32>
    %reduce_sum3A_30 = vector.multi_reduction <add>, %reduce_sum3A, %reduce_sum3A_29 [1, 2] : vector<1x128x1xf32> to vector<1xf32>
    %reduce_sum3A_31 = vector.shape_cast %reduce_sum3A_30 : vector<1xf32> to vector<1x1x1xf32>
    %reduce_sum3A_32 = vector.extract %reduce_sum3A_31[0, 0, 0] : f32 from vector<1x1x1xf32>
    %sqrt3A = math.sqrt %reduce_sum3A_32 : f32
    %dot_general3A_33 = arith.constant dense<0.000000e+00> : vector<1024x1xf32>
    %dot_general3A_34 = tpu.matmul %max3A_25, %get3A_28, %dot_general3A_33 {dimension_numbers = #tpu.dot_dimension_numbers<[1], [0], [0], [1], [0, 0, 1, 1], [], []>, transpose_lhs_hint = false} : vector<1024x128xf32>, vector<128x1xf32>, vector<1024x1xf32> -> vector<1024x1xf32>
    %div3A = vector.broadcast %sqrt3A : f32 to vector<1024x1xf32>
    %div3A_35 = arith.divf %dot_general3A_34, %div3A : vector<1024x1xf32>
    %tanh3A = math.tanh %div3A_35 : vector<1024x1xf32>
    %mul3A_36 = vector.broadcast %tanh3A : vector<1024x1xf32> to vector<1024x128xf32>
    %mul3A_37 = arith.mulf %max3A_25, %mul3A_36 : vector<1024x128xf32>
    %swap3A = arith.constant 0 : index
    %swap3A_38 = arith.constant 0 : index
    %swap3A_39 = vector.load %arg8[%swap3A, %swap3A_38] : memref<1024x128xf32, #tpu.memory_space<vmem>>, vector<1024x128xf32>
    tpu.vector_store %arg8[%swap3A, %swap3A_38], %mul3A_37 {strides = array<i32>} : memref<1024x128xf32, #tpu.memory_space<vmem>>, vector<1024x128xf32>,
    %mul3A_40 = arith.constant 1024 : i32
    %mul3A_41 = arith.muli %arg0, %mul3A_40 : i32
    %iota3A = tpu.iota {dimensions = array<i32: 0>} : vector<1024x1xi32>
    %add3A_42 = vector.broadcast %mul3A_41 : i32 to vector<1024x1xi32>
    %add3A_43 = arith.addi %add3A_42, %iota3A : vector<1024x1xi32>
    %bitcast_convert_type3A = tpu.bitcast %tanh3A : vector<1024x1xf32> -> vector<1024x1xi32>
    %eq3A = arith.constant -2147483648 : i32
    %eq3A_44 = vector.broadcast %eq3A : i32 to vector<1024x1xi32>
    %eq3A_45 = arith.cmpi eq, %bitcast_convert_type3A, %eq3A_44 : vector<1024x1xi32>
    %jit3A = arith.constant 0 : i32
    %broadcast_in_dim3A = vector.broadcast %jit3A : i32 to vector<1024x1xi32>
    %select_n3A = arith.select %eq3A_45, %broadcast_in_dim3A, %bitcast_convert_type3A : vector<1024x1xi1>, vector<1024x1xi32>
    %lt3A = arith.constant 0 : i32
    %lt3A_46 = vector.broadcast %lt3A : i32 to vector<1024x1xi32>
    %lt3A_47 = arith.cmpi slt, %select_n3A, %lt3A_46 : vector<1024x1xi32>
    %xor3A = arith.constant 2147483647 : i32
    %xor3A_48 = vector.broadcast %xor3A : i32 to vector<1024x1xi32>
    %xor3A_49 = arith.xori %select_n3A, %xor3A_48 : vector<1024x1xi32>
    %select_n3A_50 = arith.select %lt3A_47, %xor3A_49, %select_n3A : vector<1024x1xi1>, vector<1024x1xi32>
    %lt3A_51 = arith.constant 8000 : i32
    %lt3A_52 = vector.broadcast %lt3A_51 : i32 to vector<1024x1xi32>
    %lt3A_53 = arith.cmpi slt, %add3A_43, %lt3A_52 : vector<1024x1xi32>
    %jit3A_54 = arith.constant -2147483648 : i32
    %broadcast_in_dim3A_55 = vector.broadcast %jit3A_54 : i32 to vector<1024x1xi32>
    %select_n3A_56 = arith.select %lt3A_53, %select_n3A_50, %broadcast_in_dim3A_55 : vector<1024x1xi1>, vector<1024x1xi32>
    %swap3A_57 = arith.constant 0 : index
    %swap3A_58 = arith.constant 0 : index
    %swap3A_59 = vector.load %arg9[%swap3A_57, %swap3A_58] : memref<1024x1xi32, #tpu.memory_space<vmem>>, vector<1024x1xi32>
    tpu.vector_store %arg9[%swap3A_57, %swap3A_58], %select_n3A_56 {strides = array<i32>} : memref<1024x1xi32, #tpu.memory_space<vmem>>, vector<1024x1xi32>,
    return
  }
  func.func @transform_0(%arg0: i32) -> (i32, i32) {
    %c0_i32 = arith.constant 0 : i32
    %c0_i32_0 = arith.constant 0 : i32
    return %arg0, %c0_i32 : i32, i32
  }
  func.func @transform_1(%arg0: i32) -> (i32, i32) {
    %c0_i32 = arith.constant 0 : i32
    %c0_i32_0 = arith.constant 0 : i32
    return %arg0, %c0_i32 : i32, i32
  }
  func.func @transform_2(%arg0: i32) -> (i32, i32) {
    %c0_i32 = arith.constant 0 : i32
    %c0_i32_0 = arith.constant 0 : i32
    %c0_i32_1 = arith.constant 0 : i32
    return %c0_i32, %c0_i32_0 : i32, i32
  }
  func.func @transform_3(%arg0: i32) -> (i32, i32) {
    %c0_i32 = arith.constant 0 : i32
    %c0_i32_0 = arith.constant 0 : i32
    %c0_i32_1 = arith.constant 0 : i32
    return %c0_i32, %c0_i32_0 : i32, i32
  }
  func.func @transform_4(%arg0: i32) -> (i32, i32) {
    %c0_i32 = arith.constant 0 : i32
    %c0_i32_0 = arith.constant 0 : i32
    %c0_i32_1 = arith.constant 0 : i32
    return %c0_i32, %c0_i32_0 : i32, i32
  }
  func.func @transform_5(%arg0: i32) -> (i32, i32) {
    %c0_i32 = arith.constant 0 : i32
    %c0_i32_0 = arith.constant 0 : i32
    %c0_i32_1 = arith.constant 0 : i32
    return %c0_i32, %c0_i32_0 : i32, i32
  }
  func.func @transform_6(%arg0: i32) -> (i32, i32) {
    %c0_i32 = arith.constant 0 : i32
    %c0_i32_0 = arith.constant 0 : i32
    %c0_i32_1 = arith.constant 0 : i32
    return %c0_i32, %c0_i32_0 : i32, i32
  }
  func.func @transform_7(%arg0: i32) -> (i32, i32) {
    %c0_i32 = arith.constant 0 : i32
    %c0_i32_0 = arith.constant 0 : i32
    return %arg0, %c0_i32 : i32, i32
  }
  func.func @transform_8(%arg0: i32) -> (i32, i32) {
    %c0_i32 = arith.constant 0 : i32
    %c0_i32_0 = arith.constant 0 : i32
    return %arg0, %c0_i32 : i32, i32
  }
}

module attributes {stable_mosaic.version = 14 : i64} {
  func.func @_rank_body(%arg0: i32, %arg1: memref<1x1x128xi32, #tpu.memory_space<vmem>>, %arg2: memref<256x32x1xi32, #tpu.memory_space<vmem>>, %arg3: memref<1x1x128xi32, #tpu.memory_space<vmem>>) attributes {dimension_semantics = [#tpu.dimension_semantics<arbitrary>], iteration_bounds = array<i64: 64>, scalar_prefetch = 0 : i64, scratch_operands = 0 : i64, tpu.core_type = #tpu.core_type<tc>, window_params = [{transform_indices = @transform_0, window_bounds = array<i64: 1, 1, 128>}, {pipeline_mode = #tpu.pipeline_mode<synchronous>, transform_indices = @transform_1, window_bounds = array<i64: 256, 32, 1>}, {transform_indices = @transform_2, window_bounds = array<i64: 1, 1, 128>}]} {
    %get3A = arith.constant 0 : index
    %get3A_0 = arith.constant 0 : index
    %get3A_1 = arith.constant 0 : index
    %get3A_2 = vector.load %arg1[%get3A, %get3A_0, %get3A_1] : memref<1x1x128xi32, #tpu.memory_space<vmem>>, vector<1x1x128xi32>
    %get3A_3 = vector.shape_cast %get3A_2 : vector<1x1x128xi32> to vector<1x128xi32>
    %mul3A = arith.constant 128 : i32
    %mul3A_4 = arith.muli %arg0, %mul3A : i32
    %iota3A = tpu.iota {dimensions = array<i32: 1>} : vector<1x128xi32>
    %add3A = vector.broadcast %mul3A_4 : i32 to vector<1x128xi32>
    %add3A_5 = arith.addi %add3A, %iota3A : vector<1x128xi32>
    %broadcast_in_dim3A = arith.constant 0 : i32
    %broadcast_in_dim3A_6 = vector.broadcast %broadcast_in_dim3A : i32 to vector<32x128xi32>
    %scan3A = arith.constant 0 : i32
    %scan3A_7 = arith.constant 256 : i32
    %scan3A_8 = arith.addi %scan3A, %scan3A_7 : i32
    %scan3A_9 = arith.constant 1 : i32
    %scan3A_10 = scf.for %scan3A_19 = %scan3A to %scan3A_8 step %scan3A_9 iter_args(%scan3A_20 = %broadcast_in_dim3A_6) -> (vector<32x128xi32>)  : i32 {
      %get3A_21 = arith.index_cast %scan3A_19 : i32 to index
      %get3A_22 = arith.constant 0 : index
      %get3A_23 = arith.constant 0 : index
      %get3A_24 = vector.load %arg2[%get3A_21, %get3A_22, %get3A_23] : memref<256x32x1xi32, #tpu.memory_space<vmem>>, vector<1x32x1xi32>
      %get3A_25 = vector.shape_cast %get3A_24 : vector<1x32x1xi32> to vector<32x1xi32>
      %mul3A_26 = arith.constant 32 : i32
      %mul3A_27 = arith.muli %scan3A_19, %mul3A_26 : i32
      %iota3A_28 = tpu.iota {dimensions = array<i32: 0>} : vector<32x1xi32>
      %add3A_29 = vector.broadcast %mul3A_27 : i32 to vector<32x1xi32>
      %add3A_30 = arith.addi %add3A_29, %iota3A_28 : vector<32x1xi32>
      %lt3A = vector.broadcast %add3A_30 : vector<32x1xi32> to vector<32x128xi32>
      %lt3A_31 = vector.broadcast %add3A_5 : vector<1x128xi32> to vector<32x128xi32>
      %lt3A_32 = arith.cmpi slt, %lt3A, %lt3A_31 : vector<32x128xi32>
      %ge3A = vector.broadcast %get3A_25 : vector<32x1xi32> to vector<32x128xi32>
      %ge3A_33 = vector.broadcast %get3A_3 : vector<1x128xi32> to vector<32x128xi32>
      %ge3A_34 = arith.cmpi sge, %ge3A, %ge3A_33 : vector<32x128xi32>
      %jit3A = arith.constant 1 : i32
      %jit3A_35 = arith.constant 0 : i32
      %broadcast_in_dim3A_36 = vector.broadcast %jit3A : i32 to vector<32x128xi32>
      %broadcast_in_dim3A_37 = vector.broadcast %jit3A_35 : i32 to vector<32x128xi32>
      %select_n3A = arith.select %ge3A_34, %broadcast_in_dim3A_36, %broadcast_in_dim3A_37 : vector<32x128xi1>, vector<32x128xi32>
      %gt3A = vector.broadcast %get3A_25 : vector<32x1xi32> to vector<32x128xi32>
      %gt3A_38 = vector.broadcast %get3A_3 : vector<1x128xi32> to vector<32x128xi32>
      %gt3A_39 = arith.cmpi sgt, %gt3A, %gt3A_38 : vector<32x128xi32>
      %jit3A_40 = arith.constant 1 : i32
      %jit3A_41 = arith.constant 0 : i32
      %broadcast_in_dim3A_42 = vector.broadcast %jit3A_40 : i32 to vector<32x128xi32>
      %broadcast_in_dim3A_43 = vector.broadcast %jit3A_41 : i32 to vector<32x128xi32>
      %select_n3A_44 = arith.select %gt3A_39, %broadcast_in_dim3A_42, %broadcast_in_dim3A_43 : vector<32x128xi1>, vector<32x128xi32>
      %select_n3A_45 = arith.select %lt3A_32, %select_n3A, %select_n3A_44 : vector<32x128xi1>, vector<32x128xi32>
      %add3A_46 = arith.addi %scan3A_20, %select_n3A_45 : vector<32x128xi32>
      scf.yield %add3A_46 : vector<32x128xi32>
    }
    %scan3A_11 = arith.constant 256 : i32
    %reduce_sum3A = arith.constant dense<0> : vector<128xi32>
    %reduce_sum3A_12 = vector.multi_reduction <add>, %scan3A_10, %reduce_sum3A [0] : vector<32x128xi32> to vector<128xi32>
    %broadcast_in_dim3A_13 = vector.shape_cast %reduce_sum3A_12 : vector<128xi32> to vector<1x128xi32>
    %swap3A = arith.constant 0 : index
    %swap3A_14 = arith.constant 0 : index
    %swap3A_15 = arith.constant 0 : index
    %swap3A_16 = vector.load %arg3[%swap3A, %swap3A_14, %swap3A_15] : memref<1x1x128xi32, #tpu.memory_space<vmem>>, vector<1x1x128xi32>
    %swap3A_17 = vector.shape_cast %swap3A_16 : vector<1x1x128xi32> to vector<1x128xi32>
    %swap3A_18 = vector.shape_cast %broadcast_in_dim3A_13 : vector<1x128xi32> to vector<1x1x128xi32>
    tpu.vector_store %arg3[%swap3A, %swap3A_14, %swap3A_15], %swap3A_18 {strides = array<i32>} : memref<1x1x128xi32, #tpu.memory_space<vmem>>, vector<1x1x128xi32>,
    return
  }
  func.func @transform_0(%arg0: i32) -> (i32, i32, i32) {
    %c0_i32 = arith.constant 0 : i32
    %c0_i32_0 = arith.constant 0 : i32
    %c0_i32_1 = arith.constant 0 : i32
    return %arg0, %c0_i32, %c0_i32_0 : i32, i32, i32
  }
  func.func @transform_1(%arg0: i32) -> (i32, i32, i32) {
    %c0_i32 = arith.constant 0 : i32
    %c0_i32_0 = arith.constant 0 : i32
    %c0_i32_1 = arith.constant 0 : i32
    %c0_i32_2 = arith.constant 0 : i32
    return %c0_i32, %c0_i32_0, %c0_i32_1 : i32, i32, i32
  }
  func.func @transform_2(%arg0: i32) -> (i32, i32, i32) {
    %c0_i32 = arith.constant 0 : i32
    %c0_i32_0 = arith.constant 0 : i32
    %c0_i32_1 = arith.constant 0 : i32
    return %arg0, %c0_i32, %c0_i32_0 : i32, i32, i32
  }
}

module attributes {stable_mosaic.version = 14 : i64} {
  func.func @_combine23_body(%arg0: i32, %arg1: memref<832x128xf32, #tpu.memory_space<vmem>>, %arg2: memref<832x128xf32, #tpu.memory_space<vmem>>, %arg3: memref<128x128xf32, #tpu.memory_space<vmem>>, %arg4: memref<128x128xf32, #tpu.memory_space<vmem>>, %arg5: memref<1x128xf32, #tpu.memory_space<vmem>>, %arg6: memref<1x128xf32, #tpu.memory_space<vmem>>, %arg7: memref<128x1xf32, #tpu.memory_space<vmem>>, %arg8: memref<832x128xf32, #tpu.memory_space<vmem>>, %arg9: memref<832x1xi32, #tpu.memory_space<vmem>>) attributes {dimension_semantics = [#tpu.dimension_semantics<arbitrary>], iteration_bounds = array<i64: 8>, scalar_prefetch = 0 : i64, scratch_operands = 0 : i64, tpu.core_type = #tpu.core_type<tc>, window_params = [{transform_indices = @transform_0, window_bounds = array<i64: 832, 128>}, {transform_indices = @transform_1, window_bounds = array<i64: 832, 128>}, {pipeline_mode = #tpu.pipeline_mode<synchronous>, transform_indices = @transform_2, window_bounds = array<i64: 128, 128>}, {pipeline_mode = #tpu.pipeline_mode<synchronous>, transform_indices = @transform_3, window_bounds = array<i64: 128, 128>}, {pipeline_mode = #tpu.pipeline_mode<synchronous>, transform_indices = @transform_4, window_bounds = array<i64: 1, 128>}, {pipeline_mode = #tpu.pipeline_mode<synchronous>, transform_indices = @transform_5, window_bounds = array<i64: 1, 128>}, {pipeline_mode = #tpu.pipeline_mode<synchronous>, transform_indices = @transform_6, window_bounds = array<i64: 128, 1>}, {transform_indices = @transform_7, window_bounds = array<i64: 832, 128>}, {transform_indices = @transform_8, window_bounds = array<i64: 832, 1>}]} {
    %get3A = arith.constant 0 : index
    %get3A_0 = arith.constant 0 : index
    %get3A_1 = vector.load %arg1[%get3A, %get3A_0] : memref<832x128xf32, #tpu.memory_space<vmem>>, vector<832x128xf32>
    %get3A_2 = arith.constant 0 : index
    %get3A_3 = arith.constant 0 : index
    %get3A_4 = vector.load %arg3[%get3A_2, %get3A_3] : memref<128x128xf32, #tpu.memory_space<vmem>>, vector<128x128xf32>
    %dot_general3A = arith.constant dense<0.000000e+00> : vector<832x128xf32>
    %dot_general3A_5 = tpu.matmul %get3A_1, %get3A_4, %dot_general3A {dimension_numbers = #tpu.dot_dimension_numbers<[1], [1], [0], [0], [0, 0, 1, 0], [], []>, transpose_lhs_hint = false} : vector<832x128xf32>, vector<128x128xf32>, vector<832x128xf32> -> vector<832x128xf32>
    %get3A_6 = arith.constant 0 : index
    %get3A_7 = arith.constant 0 : index
    %get3A_8 = vector.load %arg2[%get3A_6, %get3A_7] : memref<832x128xf32, #tpu.memory_space<vmem>>, vector<832x128xf32>
    %get3A_9 = arith.constant 0 : index
    %get3A_10 = arith.constant 0 : index
    %get3A_11 = vector.load %arg4[%get3A_9, %get3A_10] : memref<128x128xf32, #tpu.memory_space<vmem>>, vector<128x128xf32>
    %dot_general3A_12 = arith.constant dense<0.000000e+00> : vector<832x128xf32>
    %dot_general3A_13 = tpu.matmul %get3A_8, %get3A_11, %dot_general3A_12 {dimension_numbers = #tpu.dot_dimension_numbers<[1], [1], [0], [0], [0, 0, 1, 0], [], []>, transpose_lhs_hint = false} : vector<832x128xf32>, vector<128x128xf32>, vector<832x128xf32> -> vector<832x128xf32>
    %get3A_14 = arith.constant 0 : index
    %get3A_15 = arith.constant 0 : index
    %get3A_16 = vector.load %arg5[%get3A_14, %get3A_15] : memref<1x128xf32, #tpu.memory_space<vmem>>, vector<1x128xf32>
    %add3A = vector.broadcast %get3A_16 : vector<1x128xf32> to vector<832x128xf32>
    %add3A_17 = arith.addf %dot_general3A_5, %add3A : vector<832x128xf32>
    %get3A_18 = arith.constant 0 : index
    %get3A_19 = arith.constant 0 : index
    %get3A_20 = vector.load %arg6[%get3A_18, %get3A_19] : memref<1x128xf32, #tpu.memory_space<vmem>>, vector<1x128xf32>
    %add3A_21 = vector.broadcast %get3A_20 : vector<1x128xf32> to vector<832x128xf32>
    %add3A_22 = arith.addf %dot_general3A_13, %add3A_21 : vector<832x128xf32>
    %add3A_23 = arith.addf %add3A_17, %add3A_22 : vector<832x128xf32>
    %max3A = arith.constant 0.000000e+00 : f32
    %max3A_24 = vector.broadcast %max3A : f32 to vector<832x128xf32>
    %max3A_25 = arith.maximumf %add3A_23, %max3A_24 : vector<832x128xf32>
    %get3A_26 = arith.constant 0 : index
    %get3A_27 = arith.constant 0 : index
    %get3A_28 = vector.load %arg7[%get3A_26, %get3A_27] : memref<128x1xf32, #tpu.memory_space<vmem>>, vector<128x1xf32>
    %mul3A = arith.mulf %get3A_28, %get3A_28 : vector<128x1xf32>
    %reduce_sum3A = vector.shape_cast %mul3A : vector<128x1xf32> to vector<1x128x1xf32>
    %reduce_sum3A_29 = arith.constant dense<0.000000e+00> : vector<1xf32>
    %reduce_sum3A_30 = vector.multi_reduction <add>, %reduce_sum3A, %reduce_sum3A_29 [1, 2] : vector<1x128x1xf32> to vector<1xf32>
    %reduce_sum3A_31 = vector.shape_cast %reduce_sum3A_30 : vector<1xf32> to vector<1x1x1xf32>
    %reduce_sum3A_32 = vector.extract %reduce_sum3A_31[0, 0, 0] : f32 from vector<1x1x1xf32>
    %sqrt3A = math.sqrt %reduce_sum3A_32 : f32
    %dot_general3A_33 = arith.constant dense<0.000000e+00> : vector<832x1xf32>
    %dot_general3A_34 = tpu.matmul %max3A_25, %get3A_28, %dot_general3A_33 {dimension_numbers = #tpu.dot_dimension_numbers<[1], [0], [0], [1], [0, 0, 1, 1], [], []>, transpose_lhs_hint = false} : vector<832x128xf32>, vector<128x1xf32>, vector<832x1xf32> -> vector<832x1xf32>
    %div3A = vector.broadcast %sqrt3A : f32 to vector<832x1xf32>
    %div3A_35 = arith.divf %dot_general3A_34, %div3A : vector<832x1xf32>
    %tanh3A = math.tanh %div3A_35 : vector<832x1xf32>
    %mul3A_36 = vector.broadcast %tanh3A : vector<832x1xf32> to vector<832x128xf32>
    %mul3A_37 = arith.mulf %max3A_25, %mul3A_36 : vector<832x128xf32>
    %swap3A = arith.constant 0 : index
    %swap3A_38 = arith.constant 0 : index
    %swap3A_39 = vector.load %arg8[%swap3A, %swap3A_38] : memref<832x128xf32, #tpu.memory_space<vmem>>, vector<832x128xf32>
    tpu.vector_store %arg8[%swap3A, %swap3A_38], %mul3A_37 {strides = array<i32>} : memref<832x128xf32, #tpu.memory_space<vmem>>, vector<832x128xf32>,
    %mul3A_40 = arith.constant 832 : i32
    %mul3A_41 = arith.muli %arg0, %mul3A_40 : i32
    %iota3A = tpu.iota {dimensions = array<i32: 0>} : vector<832x1xi32>
    %add3A_42 = vector.broadcast %mul3A_41 : i32 to vector<832x1xi32>
    %add3A_43 = arith.addi %add3A_42, %iota3A : vector<832x1xi32>
    %bitcast_convert_type3A = tpu.bitcast %tanh3A : vector<832x1xf32> -> vector<832x1xi32>
    %eq3A = arith.constant -2147483648 : i32
    %eq3A_44 = vector.broadcast %eq3A : i32 to vector<832x1xi32>
    %eq3A_45 = arith.cmpi eq, %bitcast_convert_type3A, %eq3A_44 : vector<832x1xi32>
    %jit3A = arith.constant 0 : i32
    %broadcast_in_dim3A = vector.broadcast %jit3A : i32 to vector<832x1xi32>
    %select_n3A = arith.select %eq3A_45, %broadcast_in_dim3A, %bitcast_convert_type3A : vector<832x1xi1>, vector<832x1xi32>
    %lt3A = arith.constant 0 : i32
    %lt3A_46 = vector.broadcast %lt3A : i32 to vector<832x1xi32>
    %lt3A_47 = arith.cmpi slt, %select_n3A, %lt3A_46 : vector<832x1xi32>
    %xor3A = arith.constant 2147483647 : i32
    %xor3A_48 = vector.broadcast %xor3A : i32 to vector<832x1xi32>
    %xor3A_49 = arith.xori %select_n3A, %xor3A_48 : vector<832x1xi32>
    %select_n3A_50 = arith.select %lt3A_47, %xor3A_49, %select_n3A : vector<832x1xi1>, vector<832x1xi32>
    %lt3A_51 = arith.constant 6400 : i32
    %lt3A_52 = vector.broadcast %lt3A_51 : i32 to vector<832x1xi32>
    %lt3A_53 = arith.cmpi slt, %add3A_43, %lt3A_52 : vector<832x1xi32>
    %jit3A_54 = arith.constant -2147483648 : i32
    %broadcast_in_dim3A_55 = vector.broadcast %jit3A_54 : i32 to vector<832x1xi32>
    %select_n3A_56 = arith.select %lt3A_53, %select_n3A_50, %broadcast_in_dim3A_55 : vector<832x1xi1>, vector<832x1xi32>
    %swap3A_57 = arith.constant 0 : index
    %swap3A_58 = arith.constant 0 : index
    %swap3A_59 = vector.load %arg9[%swap3A_57, %swap3A_58] : memref<832x1xi32, #tpu.memory_space<vmem>>, vector<832x1xi32>
    tpu.vector_store %arg9[%swap3A_57, %swap3A_58], %select_n3A_56 {strides = array<i32>} : memref<832x1xi32, #tpu.memory_space<vmem>>, vector<832x1xi32>,
    return
  }
  func.func @transform_0(%arg0: i32) -> (i32, i32) {
    %c0_i32 = arith.constant 0 : i32
    %c0_i32_0 = arith.constant 0 : i32
    return %arg0, %c0_i32 : i32, i32
  }
  func.func @transform_1(%arg0: i32) -> (i32, i32) {
    %c0_i32 = arith.constant 0 : i32
    %c0_i32_0 = arith.constant 0 : i32
    return %arg0, %c0_i32 : i32, i32
  }
  func.func @transform_2(%arg0: i32) -> (i32, i32) {
    %c0_i32 = arith.constant 0 : i32
    %c0_i32_0 = arith.constant 0 : i32
    %c0_i32_1 = arith.constant 0 : i32
    return %c0_i32, %c0_i32_0 : i32, i32
  }
  func.func @transform_3(%arg0: i32) -> (i32, i32) {
    %c0_i32 = arith.constant 0 : i32
    %c0_i32_0 = arith.constant 0 : i32
    %c0_i32_1 = arith.constant 0 : i32
    return %c0_i32, %c0_i32_0 : i32, i32
  }
  func.func @transform_4(%arg0: i32) -> (i32, i32) {
    %c0_i32 = arith.constant 0 : i32
    %c0_i32_0 = arith.constant 0 : i32
    %c0_i32_1 = arith.constant 0 : i32
    return %c0_i32, %c0_i32_0 : i32, i32
  }
  func.func @transform_5(%arg0: i32) -> (i32, i32) {
    %c0_i32 = arith.constant 0 : i32
    %c0_i32_0 = arith.constant 0 : i32
    %c0_i32_1 = arith.constant 0 : i32
    return %c0_i32, %c0_i32_0 : i32, i32
  }
  func.func @transform_6(%arg0: i32) -> (i32, i32) {
    %c0_i32 = arith.constant 0 : i32
    %c0_i32_0 = arith.constant 0 : i32
    %c0_i32_1 = arith.constant 0 : i32
    return %c0_i32, %c0_i32_0 : i32, i32
  }
  func.func @transform_7(%arg0: i32) -> (i32, i32) {
    %c0_i32 = arith.constant 0 : i32
    %c0_i32_0 = arith.constant 0 : i32
    return %arg0, %c0_i32 : i32, i32
  }
  func.func @transform_8(%arg0: i32) -> (i32, i32) {
    %c0_i32 = arith.constant 0 : i32
    %c0_i32_0 = arith.constant 0 : i32
    return %arg0, %c0_i32 : i32, i32
  }
}

module attributes {stable_mosaic.version = 14 : i64} {
  func.func @_rank_body(%arg0: i32, %arg1: memref<1x1x128xi32, #tpu.memory_space<vmem>>, %arg2: memref<208x32x1xi32, #tpu.memory_space<vmem>>, %arg3: memref<1x1x128xi32, #tpu.memory_space<vmem>>) attributes {dimension_semantics = [#tpu.dimension_semantics<arbitrary>], iteration_bounds = array<i64: 52>, scalar_prefetch = 0 : i64, scratch_operands = 0 : i64, tpu.core_type = #tpu.core_type<tc>, window_params = [{transform_indices = @transform_0, window_bounds = array<i64: 1, 1, 128>}, {pipeline_mode = #tpu.pipeline_mode<synchronous>, transform_indices = @transform_1, window_bounds = array<i64: 208, 32, 1>}, {transform_indices = @transform_2, window_bounds = array<i64: 1, 1, 128>}]} {
    %get3A = arith.constant 0 : index
    %get3A_0 = arith.constant 0 : index
    %get3A_1 = arith.constant 0 : index
    %get3A_2 = vector.load %arg1[%get3A, %get3A_0, %get3A_1] : memref<1x1x128xi32, #tpu.memory_space<vmem>>, vector<1x1x128xi32>
    %get3A_3 = vector.shape_cast %get3A_2 : vector<1x1x128xi32> to vector<1x128xi32>
    %mul3A = arith.constant 128 : i32
    %mul3A_4 = arith.muli %arg0, %mul3A : i32
    %iota3A = tpu.iota {dimensions = array<i32: 1>} : vector<1x128xi32>
    %add3A = vector.broadcast %mul3A_4 : i32 to vector<1x128xi32>
    %add3A_5 = arith.addi %add3A, %iota3A : vector<1x128xi32>
    %broadcast_in_dim3A = arith.constant 0 : i32
    %broadcast_in_dim3A_6 = vector.broadcast %broadcast_in_dim3A : i32 to vector<32x128xi32>
    %scan3A = arith.constant 0 : i32
    %scan3A_7 = arith.constant 208 : i32
    %scan3A_8 = arith.addi %scan3A, %scan3A_7 : i32
    %scan3A_9 = arith.constant 1 : i32
    %scan3A_10 = scf.for %scan3A_19 = %scan3A to %scan3A_8 step %scan3A_9 iter_args(%scan3A_20 = %broadcast_in_dim3A_6) -> (vector<32x128xi32>)  : i32 {
      %get3A_21 = arith.index_cast %scan3A_19 : i32 to index
      %get3A_22 = arith.constant 0 : index
      %get3A_23 = arith.constant 0 : index
      %get3A_24 = vector.load %arg2[%get3A_21, %get3A_22, %get3A_23] : memref<208x32x1xi32, #tpu.memory_space<vmem>>, vector<1x32x1xi32>
      %get3A_25 = vector.shape_cast %get3A_24 : vector<1x32x1xi32> to vector<32x1xi32>
      %mul3A_26 = arith.constant 32 : i32
      %mul3A_27 = arith.muli %scan3A_19, %mul3A_26 : i32
      %iota3A_28 = tpu.iota {dimensions = array<i32: 0>} : vector<32x1xi32>
      %add3A_29 = vector.broadcast %mul3A_27 : i32 to vector<32x1xi32>
      %add3A_30 = arith.addi %add3A_29, %iota3A_28 : vector<32x1xi32>
      %lt3A = vector.broadcast %add3A_30 : vector<32x1xi32> to vector<32x128xi32>
      %lt3A_31 = vector.broadcast %add3A_5 : vector<1x128xi32> to vector<32x128xi32>
      %lt3A_32 = arith.cmpi slt, %lt3A, %lt3A_31 : vector<32x128xi32>
      %ge3A = vector.broadcast %get3A_25 : vector<32x1xi32> to vector<32x128xi32>
      %ge3A_33 = vector.broadcast %get3A_3 : vector<1x128xi32> to vector<32x128xi32>
      %ge3A_34 = arith.cmpi sge, %ge3A, %ge3A_33 : vector<32x128xi32>
      %jit3A = arith.constant 1 : i32
      %jit3A_35 = arith.constant 0 : i32
      %broadcast_in_dim3A_36 = vector.broadcast %jit3A : i32 to vector<32x128xi32>
      %broadcast_in_dim3A_37 = vector.broadcast %jit3A_35 : i32 to vector<32x128xi32>
      %select_n3A = arith.select %ge3A_34, %broadcast_in_dim3A_36, %broadcast_in_dim3A_37 : vector<32x128xi1>, vector<32x128xi32>
      %gt3A = vector.broadcast %get3A_25 : vector<32x1xi32> to vector<32x128xi32>
      %gt3A_38 = vector.broadcast %get3A_3 : vector<1x128xi32> to vector<32x128xi32>
      %gt3A_39 = arith.cmpi sgt, %gt3A, %gt3A_38 : vector<32x128xi32>
      %jit3A_40 = arith.constant 1 : i32
      %jit3A_41 = arith.constant 0 : i32
      %broadcast_in_dim3A_42 = vector.broadcast %jit3A_40 : i32 to vector<32x128xi32>
      %broadcast_in_dim3A_43 = vector.broadcast %jit3A_41 : i32 to vector<32x128xi32>
      %select_n3A_44 = arith.select %gt3A_39, %broadcast_in_dim3A_42, %broadcast_in_dim3A_43 : vector<32x128xi1>, vector<32x128xi32>
      %select_n3A_45 = arith.select %lt3A_32, %select_n3A, %select_n3A_44 : vector<32x128xi1>, vector<32x128xi32>
      %add3A_46 = arith.addi %scan3A_20, %select_n3A_45 : vector<32x128xi32>
      scf.yield %add3A_46 : vector<32x128xi32>
    }
    %scan3A_11 = arith.constant 208 : i32
    %reduce_sum3A = arith.constant dense<0> : vector<128xi32>
    %reduce_sum3A_12 = vector.multi_reduction <add>, %scan3A_10, %reduce_sum3A [0] : vector<32x128xi32> to vector<128xi32>
    %broadcast_in_dim3A_13 = vector.shape_cast %reduce_sum3A_12 : vector<128xi32> to vector<1x128xi32>
    %swap3A = arith.constant 0 : index
    %swap3A_14 = arith.constant 0 : index
    %swap3A_15 = arith.constant 0 : index
    %swap3A_16 = vector.load %arg3[%swap3A, %swap3A_14, %swap3A_15] : memref<1x1x128xi32, #tpu.memory_space<vmem>>, vector<1x1x128xi32>
    %swap3A_17 = vector.shape_cast %swap3A_16 : vector<1x1x128xi32> to vector<1x128xi32>
    %swap3A_18 = vector.shape_cast %broadcast_in_dim3A_13 : vector<1x128xi32> to vector<1x1x128xi32>
    tpu.vector_store %arg3[%swap3A, %swap3A_14, %swap3A_15], %swap3A_18 {strides = array<i32>} : memref<1x1x128xi32, #tpu.memory_space<vmem>>, vector<1x1x128xi32>,
    return
  }
  func.func @transform_0(%arg0: i32) -> (i32, i32, i32) {
    %c0_i32 = arith.constant 0 : i32
    %c0_i32_0 = arith.constant 0 : i32
    %c0_i32_1 = arith.constant 0 : i32
    return %arg0, %c0_i32, %c0_i32_0 : i32, i32, i32
  }
  func.func @transform_1(%arg0: i32) -> (i32, i32, i32) {
    %c0_i32 = arith.constant 0 : i32
    %c0_i32_0 = arith.constant 0 : i32
    %c0_i32_1 = arith.constant 0 : i32
    %c0_i32_2 = arith.constant 0 : i32
    return %c0_i32, %c0_i32_0, %c0_i32_1 : i32, i32, i32
  }
  func.func @transform_2(%arg0: i32) -> (i32, i32, i32) {
    %c0_i32 = arith.constant 0 : i32
    %c0_i32_0 = arith.constant 0 : i32
    %c0_i32_1 = arith.constant 0 : i32
    return %arg0, %c0_i32, %c0_i32_0 : i32, i32, i32
  }
}

module attributes {stable_mosaic.version = 14 : i64} {
  func.func @_lsm_body(%arg0: memref<16x128xf32, #tpu.memory_space<vmem>>, %arg1: memref<10x128xf32, #tpu.memory_space<vmem>>) attributes {dimension_semantics = [], scalar_prefetch = 0 : i64, scratch_operands = 0 : i64, tpu.core_type = #tpu.core_type<tc>} {
    %get3A = arith.constant 0 : index
    %get3A_0 = arith.constant 0 : index
    %get3A_1 = vector.load %arg0[%get3A, %get3A_0] : memref<16x128xf32, #tpu.memory_space<vmem>>, vector<16x128xf32>
    %slice3A = vector.extract_strided_slice %get3A_1 {offsets = [0, 0], sizes = [10, 128], strides = [1, 1]} : vector<16x128xf32> to vector<10x128xf32>
    %reduce_max3A = arith.constant dense<0xFF800000> : vector<10xf32>
    %reduce_max3A_2 = vector.multi_reduction <maximumf>, %slice3A, %reduce_max3A [1] : vector<10x128xf32> to vector<10xf32>
    %broadcast_in_dim3A = vector.shape_cast %reduce_max3A_2 : vector<10xf32> to vector<10x1xf32>
    %sub3A = vector.broadcast %broadcast_in_dim3A : vector<10x1xf32> to vector<10x128xf32>
    %sub3A_3 = arith.subf %slice3A, %sub3A : vector<10x128xf32>
    %exp3A = math.exp %sub3A_3 : vector<10x128xf32>
    %reduce_sum3A = arith.constant dense<0.000000e+00> : vector<10xf32>
    %reduce_sum3A_4 = vector.multi_reduction <add>, %exp3A, %reduce_sum3A [1] : vector<10x128xf32> to vector<10xf32>
    %broadcast_in_dim3A_5 = vector.shape_cast %reduce_sum3A_4 : vector<10xf32> to vector<10x1xf32>
    %log3A = math.log %broadcast_in_dim3A_5 : vector<10x1xf32>
    %add3A = arith.addf %log3A, %broadcast_in_dim3A : vector<10x1xf32>
    %sub3A_6 = vector.broadcast %add3A : vector<10x1xf32> to vector<10x128xf32>
    %sub3A_7 = arith.subf %slice3A, %sub3A_6 : vector<10x128xf32>
    %swap3A = arith.constant 0 : index
    %swap3A_8 = arith.constant 0 : index
    %swap3A_9 = vector.load %arg1[%swap3A, %swap3A_8] : memref<10x128xf32, #tpu.memory_space<vmem>>, vector<10x128xf32>
    tpu.vector_store %arg1[%swap3A, %swap3A_8], %sub3A_7 {strides = array<i32>} : memref<10x128xf32, #tpu.memory_space<vmem>>, vector<10x128xf32>,
    return
  }
}

</mosaic_0001>

<sc_bundles>
// kernel: kernel.17.cloned.1.call-start
scs
__scs_entry_jumppad:
0x0: {  	(pc) =	sbr.rel $0x88, $3  }
0x1: {  	(tag) =	ssettag $0x0;
	lr =	simm.s32 $0x1  }
0x2: {  	[smem:$0x3F90] =	sst lr;
	_ =	strace $0xD0000000  }
0x3: {  	_ = 	snop  }
0x4: {  	_ = 	snop  }
0x5: {  	_ = 	snop  }
0x6: {  	_ = 	snop  }
0x7: {  	_ = 	snop  }
__scs_overlays_trampoline_lowered:
0x8: {  	[smem:$0x3F9F] =	sst s0  }
0x9: {  	[smem:$0x3FA0] =	sst s1  }
0xa: {  	[smem:$0x3FA1] =	sst s2  }
0xb: {  	[smem:$0x3FA2] =	sst s3  }
0xc: {  	[smem:$0x3FA3] =	sst s4  }
0xd: {  	[smem:$0x3FA4] =	sst s5  }
0xe: {  	[smem:$0x3FA5] =	sst s6  }
0xf: {  	[smem:$0x3FA6] =	sst s7  }
0x10: {  	[smem:$0x3FA7] =	sst s8  }
0x11: {  	[smem:$0x3FA8] =	sst s9;
	s0 =	simm.s32 @!p0 $0x0  }
0x12: {  	s1 =	sld [smem:$0x3F8E];
	s0 =	simm.s32 @p0 $0x1  }
0x13: {  	[smem:$0x3FA9] =	sst s0;
	s0 =	simm.s32 @!p1 $0x0  }
0x14: {  	s2 =	sld [smem:$0x3F8D];
	s0 =	simm.s32 @p1 $0x1  }
0x15: {  	[smem:$0x3FAA] =	sst s0;
	s0 =	simm.s32 @!p2 $0x0  }
0x16: {  	s3 =	sld [smem:$0x3FDB];
	s0 =	simm.s32 @p2 $0x1  }
0x17: {  	s4 =	simm.s32 $0x1BF5;
	[smem:$0x3FAC] =	sst s0  }
0x18: {  	s0 =	sld [smem:$0x3F8F];
	_ =	swait.ge [sflag:s4], $0x0  }
0x19: {  	s7 =	sld [smem:$0x3F90]  }
0x1a: {  	s8 =	sadd.s32 $0xFFFFE003, lr  }
0x1b: {  	s9 =	sadd.s32 $0xFFFFFEF7, lr;
	s5 =	simm.s32 $0xFFFFFFFF;
	p2 =	slt.u32 s8, $0xFFFFF086  }
0x1c: {  	p1 =	slt.u32 s9, $0xF7A;
	s5 =	simm.s32 @!p2 $0x0  }
0x1d: {  	s5 =	simm.s32 @p1 $0x1;
	p0 =	seq.s32 s7, s2  }
0x1e: {  	s7 =	smul.u32 @!p0 $0xF7A, s2;
	p2 =	seq.s32 @!p0 s5, $0x0  }
0x1f: {  	s9 =	smul.u32 $0xF7A, s1;
	s8 =	simm.s32 @!p0 $0x1BF5;
	p2 =	por !p2, p0  }
0x20: {  	[sflag:s8] =	ssyncset.s32 @!p0 $0xFFFFF086;
	s6 =	sadd.s32 @!p0 s3, s7;
	s7 =	simm.s32 @!p0 $0x108  }
0x21: {  	s3 =	sadd.s32 s3, s9;
	s6 =	sadd.s32 @!p0 $0x88, s6;
	s7 =	simm.s32 @p2 $0x1082  }
0x22: {  	[simem:s7], [sflag:s8] =	dma.local @!p0 [hbm:s6], $0xF7A  }
0x23: {  	s9 =	sor.u32 $0xD0000000, s2;
	s6 =	simm.s32 $0x108;
	_ =	swait.ge @!p0 [sflag:s8], $0x0  }
0x24: {  	s3 =	sadd.s32 $0x88, s3;
	s6 =	simm.s32 @!p1 $0x1082;
	[sflag:s4] =	ssyncset.s32 $0xFFFFF086  }
0x25: {  	[simem:s6], [sflag:s4] =	dma.local [hbm:s3], $0xF7A  }
0x26: {  	[smem:$0x3F90] =	sst s1;
	(tag) =	ssettag s2;
	_ =	strace s9  }
0x27: {  	s1 =	sld [smem:$0x3FA0]  }
0x28: {  	s2 =	sld [smem:$0x3FA1]  }
0x29: {  	s4 =	sld [smem:$0x3FA3]  }
0x2a: {  	p0 =	seq.s32 s5, $0x0;
	s5 =	sld [smem:$0x3FA4]  }
0x2b: {  	s6 =	sld [smem:$0x3FA5]  }
0x2c: {  	s7 =	sld [smem:$0x3FA6]  }
0x2d: {  	s3 =	simm.s32 $0x108;
	s8 =	sld [smem:$0x3FA7]  }
0x2e: {  	s3 =	simm.s32 @!p0 $0x1082;
	s9 =	sld [smem:$0x3FA8]  }
0x2f: {  	lr =	sadd.s32 s0, s3;
	s0 =	sld [smem:$0x3F9F]  }
0x30: {  	s3 =	sld [smem:$0x3FA2]  }
0x31: {  	[smem:$0x3FAB] =	sst s10  }
0x32: {  	s10 =	sld [smem:$0x3FA9];
	_ =	sdelay $0x3  }
0x33: {  	p0 =	seq.s32 s10, $0x1;
	s10 =	sld [smem:$0x3FAB];
	_ =	sdelay $0x3  }
0x34: {  	[smem:$0x3FAB] =	sst s10  }
0x35: {  	s10 =	sld [smem:$0x3FAA];
	_ =	sdelay $0x3  }
0x36: {  	p1 =	seq.s32 s10, $0x1;
	s10 =	sld [smem:$0x3FAB];
	_ =	sdelay $0x3  }
0x37: {  	[smem:$0x3FAB] =	sst s10  }
0x38: {  	s10 =	sld [smem:$0x3FAC]  }
0x39: {  	_ = 	snop;
	(pc) =	sbr.ind lr, $3  }
0x3a: {  	_ = 	snop  }
0x3b: {  	_ = 	snop  }
0x3c: {  	p2 =	seq.s32 s10, $0x1;
	s10 =	sld [smem:$0x3FAB]  }
0x3d: {  	_ =	shalt  }
0x3e: {  	_ =	shalt  }
0x3f: {  	_ =	shalt  }
0x40: {  	_ =	shalt  }
0x41: {  	_ =	shalt  }
0x42: {  	_ =	shalt  }
0x43: {  	_ =	shalt  }
0x44: {  	_ =	shalt  }
0x45: {  	_ =	shalt  }
0x46: {  	_ =	shalt  }
0x47: {  	_ =	shalt  }
0x48: {  	_ =	shalt  }
0x49: {  	_ =	shalt  }
0x4a: {  	_ =	shalt  }
0x4b: {  	_ =	shalt  }
0x4c: {  	_ =	shalt  }
0x4d: {  	_ =	shalt  }
0x4e: {  	_ =	shalt  }
0x4f: {  	_ =	shalt  }
0x50: {  	_ =	shalt  }
0x51: {  	_ =	shalt  }
0x52: {  	_ =	shalt  }
0x53: {  	_ =	shalt  }
0x54: {  	_ =	shalt  }
0x55: {  	_ =	shalt  }
0x56: {  	_ =	shalt  }
0x57: {  	_ =	shalt  }
0x58: {  	_ =	shalt  }
0x59: {  	_ =	shalt  }
0x5a: {  	_ =	shalt  }
0x5b: {  	_ =	shalt  }
0x5c: {  	_ =	shalt  }
0x5d: {  	_ =	shalt  }
0x5e: {  	_ =	shalt  }
0x5f: {  	_ =	shalt  }
0x60: {  	_ =	shalt  }
0x61: {  	_ =	shalt  }
0x62: {  	_ =	shalt  }
0x63: {  	_ =	shalt  }
0x64: {  	_ =	shalt  }
0x65: {  	_ =	shalt  }
0x66: {  	_ =	shalt  }
0x67: {  	_ =	shalt  }
0x68: {  	_ =	shalt  }
0x69: {  	_ =	shalt  }
0x6a: {  	_ =	shalt  }
0x6b: {  	_ =	shalt  }
0x6c: {  	_ =	shalt  }
0x6d: {  	_ =	shalt  }
0x6e: {  	_ =	shalt  }
0x6f: {  	_ =	shalt  }
0x70: {  	_ =	shalt  }
0x71: {  	_ =	shalt  }
0x72: {  	_ =	shalt  }
0x73: {  	_ =	shalt  }
0x74: {  	_ =	shalt  }
0x75: {  	_ =	shalt  }
0x76: {  	_ =	shalt  }
0x77: {  	_ =	shalt  }
0x78: {  	_ =	shalt  }
0x79: {  	_ =	shalt  }
0x7a: {  	_ =	shalt  }
0x7b: {  	_ =	shalt  }
0x7c: {  	_ =	shalt  }
0x7d: {  	_ =	shalt  }
0x7e: {  	_ =	shalt  }
0x7f: {  	_ =	shalt  }
0x80: {  	_ =	shalt  }
0x81: {  	_ =	shalt  }
0x82: {  	_ =	shalt  }
0x83: {  	_ =	shalt  }
0x84: {  	_ =	shalt  }
0x85: {  	_ =	shalt  }
0x86: {  	_ =	shalt  }
0x87: {  	_ =	shalt  }
.Lfunc_end0:
.L_simem_size_0:
called_computation_lowered:
.L_overlay_start_0:
0x88: {  	s2 =	sld [smem:$0x3FD9]  }
0x89: {  	s3 =	sld [smem:$0x3FFE];
	_ =	sdelay $0x1  }
0x8a: {  	s1 =	srdreg.scid  }
0x8b: {  	s0 =	sand.u32 $0x1, s1  }
0x8c: {  	s16 =	sshll.u32 s0, $0xA;
	s2 =	sadd.s32 s3, s2  }
0x8d: {  	s2 =	sadd.s32 s2, s16  }
0x8e: {  	[smem:$0x3FB7] =	sst s2  }
0x8f: {  	_ = 	snop  }
0x90: {  	(tm) =	ssettm $0x1  }
0x91: {  	s17 =	sld [smem:$0x3FFB];
	_ =	sdelay $0x3  }
0x92: {  	_ =	strace s17  }
0x93: {  	s2 =	sld [smem:$0x3FFC];
	_ =	sdelay $0x3  }
0x94: {  	_ =	strace s2  }
0x95: {  	s2 =	sld [smem:$0x3FFD];
	_ =	sdelay $0x3  }
0x96: {  	_ =	strace s2  }
0x97: {  	_ =	strace $0x8FFFFFFF  }
0x98: {  	s18 =	sld [smem:$0x3FDB];
	_ =	sdelay $0x1  }
0x99: {  	s19 =	simm.s32 $_scs_section_size  }
0x9a: {  	s4 =	simm.s32 $_size__tile_overlayer_lowered;
	s5 =	simm.s32 $_tile_overlayer_lowered  }
0x9b: {  	s22 =	simm.s32 $0x1BFF;
	s21 =	sshll.u32 s5, $0x1;
	s2 =	sadd.s32 s19, s18  }
0x9c: {  	s6 =	simm.s32 $0x0;
	s20 =	sshll.u32 s4, $0x1;
	s4 =	sadd.s32 s21, s2  }
0x9d: {  	[timem:s6], [sflag:s22] =	dma.local [hbm:s4], s20  }
0x9e: {  	_ =	swait.ge [sflag:s22], s20  }
0x9f: {  	s3 =	ssub.s32 $0x0, s20;
	[sflag:s22] =	ssyncset.done $0x0  }
0xa0: {  	[sflag:s22] =	ssyncadd.s32 s3;
	_ =	sdelay $0x1  }
0xa1: {  	s23 =	simm.s32 $0x1B8B  }
0xa2: {  	_ =	swait.ge [sflag:s23], $0x1  }
0xa3: {  	[sflag:s23] =	ssyncset.done $0x0  }
0xa4: {  	s25 =	simm.s32 $0x1B8E;
	s24 =	sld [smem:$0x3FFE];
	[sflag:s23] =	ssyncadd.s32 $0xFFFFFFFF  }
0xa5: {  	s26 =	simm.s32 $execute0_lowered;
	[smem:$0x3FD2] =	sst s25  }
0xa6: {  	s4 =	sshll.u32 s26, $0x1;
	_ =	strace $0x80000046;
	[dreg:$0x1] =	wrdreg $0xFFFFFFFF  }
0xa7: {  	s28 =	simm.s32 $_size_execute0_lowered;
	s2 =	sadd.s32 s2, s4;
	[dreg:$0x0] =	wrdreg $0x0  }
0xa8: {  	s4 =	sshll.u32 s28, $0x1;
	[dreg:$0x2] =	wrdreg s2  }
0xa9: {  	[dreg:$0x3] =	wrdreg s4  }
0xaa: {  	[dreg:$0x4] =	wrdreg $0xC0  }
0xab: {  	_ =	task [dreg:s6], $0x5FFFF  }
0xac: {  	[dreg:$0x1] =	wrdreg $0xFFFFFFFF  }
0xad: {  	[dreg:$0x0] =	wrdreg $0x60  }
0xae: {  	[dreg:$0x2] =	wrdreg s24  }
0xaf: {  	[dreg:$0x3] =	wrdreg $0x9  }
0xb0: {  	_ =	task.clear_ibuf [dreg:s6], $0x4FFFF;
	_ =	strace $0x90000046  }
0xb1: {  	s29 =	simm.s32 $0x9;
	_ =	strace $0x80000048  }
0xb2: {  	_ =	swait.ge [sflag:s29], $0x1  }
0xb3: {  	[sflag:s29] =	ssyncadd.s32 $0xFFFFFFFF  }
0xb4: {  	_ =	strace $0x90000048  }
0xb5: {  	_ =	sfence  }
0xb6: {  	s30 =	sld [smem:$0x0];
	_ =	sdelay $0x2  }
0xb7: {  	s31 =	sshll.u32 s1, $0xD;
	s1 =	sshrl.u32 s1, $0x2  }
0xb8: {  	s3 =	sand.u32 $0x4000, s31;
	s1 =	sadd.s32 s1, s30  }
0xb9: {  	s0 =	sor.u32 s3, s0;
	s1 =	sshll.u32 s1, $0x11  }
0xba: {  	s0 =	sor.u32 s1, s0  }
0xbb: {  	s0 =	sadd.s32 $0x8F2B, s0  }
0xbc: {  	[sflag:s0] =	ssyncadd.remote.s32 $0x1  }
0xbd: {  	_ =	sfence.sel $0xFFFF  }
0xbe: {  	[dreg:$0x0] =	wrdreg $0xFFFFFFFF;
	(pc) =	sbr.abs _section_cstart, $3  }
0xbf: {  	[dreg:$0x1] =	wrdreg $0xFFFFFFFF  }
0xc0: {  	_ =	task.clear_ibuf [dreg:s6], $0x2FFFF;
	_ =	strace $0x9FFFFFFF  }
0xc1: {  	(tm) =	ssettm $0x7FFFFFFF  }
tec
execute0_lowered:
.L_overlay_start_1:
0x0: {  	(tag) =	ssettag $0x1  }
0x1: {  	s8 =	rddreg [dreg:$0x0]  }
0x2: {  	s0 =	rddreg [dreg:$0x1];
	s2 =	simm.s32 $0x0;
	s3 =	srdreg.scid  }
0x3: {  	s1 =	stileid.u32;
	s12 =	simm.s32 $0x1000;
	s13 =	simm.s32 $0x40  }
0x4: {  	s14 =	simm.s32 $0x2000;
	s15 =	simm.s32 $0x2200;
	s18 =	simm.s32 $0x0  }
0x5: {  	[smem:$0x7FF] =	sst s2;
	s6 =	sand.u32 $0x1, s3;
	s5 =	sshll.u32 s1, $0x1  }
0x6: {  	s3 =	sadd.s32 $0x2D000, s8;
	s4 =	sadd.s32 $0x5000, s8;
	s7 =	sor.u32 s6, s5  }
0x7: {  	_ =	strace $0x80000047;
	s5 =	sadd.s32 $0x55000, s8;
	s9 =	smul.u32 $0x2800, s7  }
.Ltmp0:
0x8: {  	s10 =	ssub.s32 $0x2, s6;
	s6 =	sadd.s32 $0x5A000, s8;
	(pc) =	sbr.rel .LBB2_1-.Ltmp0, $4  }
0x9: {  	s11 =	sshrl.u32 s10, $0x1;
	s16 =	smul.u32 $0x140, s7;
	s7 =	sadd.s32 $0x5F000, s8  }
0xa: {  	s31 =	ssub.s32 s10, s11;
	s10 =	simm.s32 $0x6200;
	s11 =	simm.s32 $0x2  }
0xb: {  	s8 =	sadd.s32 s9, s8;
	s17 =	sadd.s32 $0x140, s16;
	s9 =	smax.u32 s31, $0x1  }
0xc: {  	v2 =	vimm.s32 $0x0;
	v0 =	vmov s16;
	s16 =	simm.s32 $0x1;
	s8 =	sadd.s32 $0x61800, s8;
	v1 =	vmov s17;
	s17 =	simm.s32 $0x4200  }
.LBB2_13:
0xd: {  	[tilespmem:s22+$0x6670] =	vst v3  }
.LBB2_14:
0xe: {  	s18 =	sadd.s32 $0x1, s18  }
0xf: {  	p0 =	sne.s32 s18, s9  }
.Ltmp1:
0x10: {  	_ = 	snop;
	(pc) =	sbr.rel @!p0 .LBB2_15-.Ltmp1, $4  }
0x11: {  	[hbm4b:s8+s2] =	stream.linear.scatter [tilespmem:s10], [sflag:$0x2], $0x14000, $0x38;
	[tilespmem:$0x1A200] =	vst v63  }
0x12: {  	_ =	swait.ge [sflag:s11], $0x14000  }
0x13: {  	[sflag:s11] =	ssyncset.done $0x0  }
0x14: {  	[sflag:s11] =	ssyncadd.s32 $0xFFFEC000  }
.LBB2_1:
0x15: {  	[tilespmem:s10], [sflag:$0x2] =	stream.linear.gather [hbm4b:s7+s2], $0x14000, $0x38;
	[tilespmem:$0x1A200] =	vst v63  }
0x16: {  	_ =	swait.ge [sflag:s11], $0x14000  }
0x17: {  	[sflag:s11] =	ssyncset.done $0x0  }
0x18: {  	[sflag:s11] =	ssyncadd.s32 $0xFFFEC000  }
0x19: {  	[tilespmem:$0x2000] =	vst v2  }
0x1a: {  	[tilespmem:$0x2010] =	vst v2  }
0x1b: {  	[tilespmem:$0x2020] =	vst v2  }
0x1c: {  	[tilespmem:$0x2030] =	vst v2  }
0x1d: {  	[tilespmem:$0x2040] =	vst v2  }
0x1e: {  	[tilespmem:$0x2050] =	vst v2  }
0x1f: {  	[tilespmem:$0x2060] =	vst v2  }
0x20: {  	[tilespmem:$0x2070] =	vst v2  }
0x21: {  	[tilespmem:$0x2080] =	vst v2  }
0x22: {  	[tilespmem:$0x2090] =	vst v2  }
0x23: {  	[tilespmem:$0x20A0] =	vst v2  }
.Ltmp2:
0x24: {  	[tilespmem:$0x20B0] =	vst v2;
	(pc) =	sbr.rel .LBB2_2-.Ltmp2, $4  }
0x25: {  	[tilespmem:$0x20C0] =	vst v2  }
0x26: {  	[tilespmem:$0x20D0] =	vst v2  }
0x27: {  	[tilespmem:$0x20E0] =	vst v2  }
0x28: {  	s23 =	simm.s32 $0x0;
	s19 =	simm.s32 $0x0;
	[tilespmem:$0x20F0] =	vst v2  }
.LBB2_9:
0x29: {  	s19 =	sadd.s32 $0x1, s19  }
0x2a: {  	p0 =	sne.s32 s19, $0x28  }
.Ltmp3:
0x2b: {  	_ = 	snop;
	(pc) =	sbr.rel @!p0 .LBB2_10-.Ltmp3, $1  }
0x2c: {  	_ =	sdelay $0x3  }
.LBB2_2:
0x2d: {  	s21 =	sshll.u32 s19, $0x9  }
0x2e: {  	s20 =	simm.s32 $0x0;
	s22 =	sadd.s32 s5, s21  }
0x2f: {  	[tilespmem:s20], [sflag:$0x2] =	stream.linear.gather [hbm4b:s22+s20], $0x1000, $0x38;
	[tilespmem:$0x1A200] =	vst v63  }
0x30: {  	_ =	swait.ge [sflag:s11], $0x1000  }
0x31: {  	[sflag:s11] =	ssyncset.done $0x0  }
.Ltmp4:
0x32: {  	s21 =	sadd.s32 s6, s21;
	[sflag:s11] =	ssyncadd.s32 $0xFFFFF000;
	(pc) =	sbr.rel .LBB2_3-.Ltmp4, $4  }
0x33: {  	[tilespmem:s12], [sflag:$0x2] =	stream.linear.gather [hbm4b:s21+s20], $0x1000, $0x38;
	[tilespmem:$0x1A200] =	vst v63  }
0x34: {  	_ =	swait.ge [sflag:s11], $0x1000  }
0x35: {  	[sflag:s11] =	ssyncset.done $0x0  }
0x36: {  	[sflag:s11] =	ssyncadd.s32 $0xFFFFF000  }
.LBB2_4:
0x37: {  	s21 =	smov.u32 @p0 s23  }
0x38: {  	s23 =	smov.u32 s21  }
.LBB2_8:
0x39: {  	s20 =	sadd.s32 $0x1, s20  }
0x3a: {  	p0 =	sne.s32 s20, $0x100  }
.Ltmp5:
0x3b: {  	_ = 	snop;
	(pc) =	sbr.rel @!p0 .LBB2_9-.Ltmp5, $1  }
0x3c: {  	_ =	sdelay $0x3  }
.LBB2_3:
0x3d: {  	s21 =	sshll.u32 s20, $0x4  }
0x3e: {  	v3 =	vld [tilespmem:s21+$0x1000];
	_ =	sdelay $0x4  }
0x3f: {  	vm0 =	vge.s32 v3, v0;
	vm1 =	vlt.s32 v3, v1  }
0x40: {  	vm15 =	vne.s32 v3, $0x27FF;
	vm0 =	vmand vm0, vm1  }
0x41: {  	vm0 =	vmand vm15, vm0  }
0x42: {  	v4 =	vmpcnt.ones.xlane vm0;
	_ =	sdelay $0x1  }
0x43: {  	(v2sf) =	vpush v4, $0x0;
	_ =	sdelay $0xe  }
0x44: {  	s22 =	spop (v2sf)  }
0x45: {  	p0 =	slt.s32 s22, $0x1  }
0x46: {  	v4 =	vimm.s32 @!p0 $0x0  }
0x47: {  	v4 =	vsel @!p0 vm0, $0x1, v4  }
0x48: {  	(xrf0) =	vadd.scan.msk.s32 @!p0 $0xffff, v4;
	_ =	sdelay $0x2  }
0x49: {  	v4 =	vmov @!p0 s23  }
0x4a: {  	v4 =	vadd.s32 @!p0 $0xFFFFFFFF, v4  }
0x4b: {  	v4 =	vbroadcast @!p0 v4, $0x0  }
0x4c: {  	v5, _, _ =	vpop @!p0 (xrf0)  }
0x4d: {  	v4 =	vadd.s32 @!p0 v5, v4;
	v5 =	vld @!p0 [tilespmem:s21+$0x0];
	s21 =	sadd.s32 @!p0 s23, s22  }
0x4e: {  	p1 =	slt.s32 @!p0 s21, $0x40  }
0x4f: {  	p1 =	por p0, p1  }
.Ltmp6:
0x50: {  	_ = 	snop;
	(pc) =	sbr.rel @p1 .LBB2_4-.Ltmp6, $4  }
0x51: {  	_ = 	snop  }
0x52: {  	s22 =	simm.s32 @!p0 $0x2000  }
0x53: {  	v3 =	vsub.s32 @!p0 v3, v0;
	[tilespmem:v4+s22+$0x0] =	vst.idx.msk @!p0 vm0, v5;
	s22 =	simm.s32 @!p0 $0x2100  }
0x54: {  	[tilespmem:v4+s22+$0x0] =	vst.idx.msk @!p0 vm0, v3  }
0x55: {  	[tilespmem:s15], [sflag:$0x1] =	stream.indirect.gather [hbm4b:s3+s13], $0x80, s14, s13, $0xb8;
	[tilespmem:$0x1A200] =	vst v63  }
0x56: {  	_ =	swait.ge [sflag:s16], $0x2000  }
0x57: {  	[sflag:s16] =	ssyncset.done $0x0  }
0x58: {  	[sflag:s16] =	ssyncadd.s32 $0xFFFFE000  }
0x59: {  	[tilespmem:s17], [sflag:$0x1] =	stream.indirect.gather [hbm4b:s4+s13], $0x80, s14, s13, $0xb8;
	[tilespmem:$0x1A200] =	vst v63  }
0x5a: {  	_ =	swait.ge [sflag:s16], $0x2000  }
0x5b: {  	[sflag:s16] =	ssyncset.done $0x0  }
0x5c: {  	s22 =	simm.s32 $0x2100;
	[sflag:s16] =	ssyncadd.s32 $0xFFFFE000  }
0x5d: {  	v3 =	vld [tilespmem:s22+$0x0];
	_ =	sdelay $0x4  }
0x5e: {  	(v2sf) =	vpush v3, $0x0;
	_ =	sdelay $0xe  }
0x5f: {  	s23 =	spop (v2sf)  }
0x60: {  	s24 =	sshll.u32 s23, $0x8;
	s23 =	sshll.u32 s23, $0x7  }
0x61: {  	s31 =	simm.s32 $0x0;
	s25 =	sand.u32 $0xFFFFF800, s24;
	s23 =	sand.u32 $0x380, s23  }
0x62: {  	v3 =	vld [tilespmem:s31+$0x2200];
	s23 =	sor.u32 s23, s25  }
0x63: {  	v4 =	vld [tilespmem:s23+$0x6200];
	_ =	sdelay $0x4  }
0x64: {  	v3 =	vadd.f32 v3, v4;
	_ =	sdelay $0x1  }
0x65: {  	[tilespmem:s23+$0x6200] =	vst v3;
	v3 =	vld [tilespmem:s23+$0x6600]  }
0x66: {  	v4 =	vld [tilespmem:s31+$0x4200];
	_ =	sdelay $0x4  }
0x67: {  	v3 =	vadd.f32 v4, v3;
	_ =	sdelay $0x1  }
0x68: {  	[tilespmem:s23+$0x6600] =	vst v3;
	v3 =	vld [tilespmem:s23+$0x6210]  }
0x69: {  	v4 =	vld [tilespmem:s31+$0x2210];
	_ =	sdelay $0x4  }
0x6a: {  	v3 =	vadd.f32 v4, v3;
	_ =	sdelay $0x1  }
0x6b: {  	[tilespmem:s23+$0x6210] =	vst v3;
	v3 =	vld [tilespmem:s23+$0x6610]  }
0x6c: {  	v4 =	vld [tilespmem:s31+$0x4210];
	_ =	sdelay $0x4  }
0x6d: {  	v3 =	vadd.f32 v4, v3;
	_ =	sdelay $0x1  }
0x6e: {  	[tilespmem:s23+$0x6610] =	vst v3;
	v3 =	vld [tilespmem:s23+$0x6220]  }
0x6f: {  	v4 =	vld [tilespmem:s31+$0x2220];
	_ =	sdelay $0x4  }
0x70: {  	v3 =	vadd.f32 v4, v3;
	_ =	sdelay $0x1  }
0x71: {  	[tilespmem:s23+$0x6220] =	vst v3;
	v3 =	vld [tilespmem:s23+$0x6620]  }
0x72: {  	v4 =	vld [tilespmem:s31+$0x4220];
	_ =	sdelay $0x4  }
0x73: {  	v3 =	vadd.f32 v4, v3;
	_ =	sdelay $0x1  }
0x74: {  	[tilespmem:s23+$0x6620] =	vst v3;
	v3 =	vld [tilespmem:s23+$0x6230]  }
0x75: {  	v4 =	vld [tilespmem:s31+$0x2230];
	_ =	sdelay $0x4  }
0x76: {  	v3 =	vadd.f32 v4, v3;
	_ =	sdelay $0x1  }
0x77: {  	[tilespmem:s23+$0x6230] =	vst v3;
	v3 =	vld [tilespmem:s23+$0x6630]  }
0x78: {  	v4 =	vld [tilespmem:s31+$0x4230];
	_ =	sdelay $0x4  }
0x79: {  	v3 =	vadd.f32 v4, v3;
	_ =	sdelay $0x1  }
0x7a: {  	[tilespmem:s23+$0x6630] =	vst v3;
	v3 =	vld [tilespmem:s23+$0x6240]  }
0x7b: {  	v4 =	vld [tilespmem:s31+$0x2240];
	_ =	sdelay $0x4  }
0x7c: {  	v3 =	vadd.f32 v4, v3;
	_ =	sdelay $0x1  }
0x7d: {  	[tilespmem:s23+$0x6240] =	vst v3;
	v3 =	vld [tilespmem:s23+$0x6640]  }
0x7e: {  	v4 =	vld [tilespmem:s31+$0x4240];
	_ =	sdelay $0x4  }
0x7f: {  	v3 =	vadd.f32 v4, v3;
	_ =	sdelay $0x1  }
0x80: {  	[tilespmem:s23+$0x6640] =	vst v3;
	v3 =	vld [tilespmem:s23+$0x6250]  }
0x81: {  	v4 =	vld [tilespmem:s31+$0x2250];
	_ =	sdelay $0x4  }
0x82: {  	v3 =	vadd.f32 v4, v3;
	_ =	sdelay $0x1  }
0x83: {  	[tilespmem:s23+$0x6250] =	vst v3;
	v3 =	vld [tilespmem:s23+$0x6650]  }
0x84: {  	v4 =	vld [tilespmem:s31+$0x4250];
	_ =	sdelay $0x4  }
0x85: {  	v3 =	vadd.f32 v4, v3;
	_ =	sdelay $0x1  }
0x86: {  	[tilespmem:s23+$0x6650] =	vst v3;
	v3 =	vld [tilespmem:s23+$0x6260]  }
0x87: {  	v4 =	vld [tilespmem:s31+$0x2260];
	_ =	sdelay $0x4  }
0x88: {  	v3 =	vadd.f32 v4, v3;
	_ =	sdelay $0x1  }
0x89: {  	[tilespmem:s23+$0x6260] =	vst v3;
	v3 =	vld [tilespmem:s23+$0x6660]  }
0x8a: {  	v4 =	vld [tilespmem:s31+$0x4260];
	_ =	sdelay $0x4  }
0x8b: {  	v3 =	vadd.f32 v4, v3;
	_ =	sdelay $0x1  }
0x8c: {  	[tilespmem:s23+$0x6660] =	vst v3;
	v3 =	vld [tilespmem:s23+$0x6270]  }
0x8d: {  	v4 =	vld [tilespmem:s31+$0x2270];
	_ =	sdelay $0x4  }
0x8e: {  	v3 =	vadd.f32 v4, v3;
	_ =	sdelay $0x1  }
0x8f: {  	[tilespmem:s23+$0x6270] =	vst v3;
	v3 =	vld [tilespmem:s23+$0x6670]  }
0x90: {  	v4 =	vld [tilespmem:s31+$0x4270];
	_ =	sdelay $0x4  }
0x91: {  	s24 =	simm.s32 $0x200;
	v3 =	vadd.f32 v4, v3  }
.LBB2_6:
0x92: {  	p0 =	sne.s32 s24, $0x7E00  }
0x93: {  	s22 =	sadd.s32 $0x1, s22;
	s25 =	smov.u32 s24;
	s24 =	sadd.s32 $0x200, s24  }
0x94: {  	[tilespmem:s23+$0x6670] =	vst v3  }
0x95: {  	v3 =	vld [tilespmem:s22+$0x0];
	_ =	sdelay $0x4  }
0x96: {  	(v2sf) =	vpush v3, $0x0;
	_ =	sdelay $0xe  }
0x97: {  	s23 =	spop (v2sf)  }
0x98: {  	s26 =	sshll.u32 s23, $0x8;
	s23 =	sshll.u32 s23, $0x7  }
0x99: {  	s25 =	sshra.s32 s25, $0x2;
	s26 =	sand.u32 $0xFFFFF800, s26;
	s23 =	sand.u32 $0x380, s23  }
0x9a: {  	s23 =	sor.u32 s23, s26;
	v3 =	vld [tilespmem:s25+$0x2200]  }
0x9b: {  	v4 =	vld [tilespmem:s23+$0x6200];
	_ =	sdelay $0x4  }
0x9c: {  	v3 =	vadd.f32 v3, v4;
	_ =	sdelay $0x1  }
0x9d: {  	[tilespmem:s23+$0x6200] =	vst v3;
	v3 =	vld [tilespmem:s23+$0x6600]  }
0x9e: {  	v4 =	vld [tilespmem:s25+$0x4200];
	_ =	sdelay $0x4  }
0x9f: {  	v3 =	vadd.f32 v4, v3;
	_ =	sdelay $0x1  }
0xa0: {  	[tilespmem:s23+$0x6600] =	vst v3;
	v3 =	vld [tilespmem:s23+$0x6210]  }
0xa1: {  	v4 =	vld [tilespmem:s25+$0x2210];
	_ =	sdelay $0x4  }
0xa2: {  	v3 =	vadd.f32 v4, v3;
	_ =	sdelay $0x1  }
0xa3: {  	[tilespmem:s23+$0x6210] =	vst v3;
	v3 =	vld [tilespmem:s23+$0x6610]  }
0xa4: {  	v4 =	vld [tilespmem:s25+$0x4210];
	_ =	sdelay $0x4  }
0xa5: {  	v3 =	vadd.f32 v4, v3;
	_ =	sdelay $0x1  }
0xa6: {  	[tilespmem:s23+$0x6610] =	vst v3;
	v3 =	vld [tilespmem:s23+$0x6220]  }
0xa7: {  	v4 =	vld [tilespmem:s25+$0x2220];
	_ =	sdelay $0x4  }
0xa8: {  	v3 =	vadd.f32 v4, v3;
	_ =	sdelay $0x1  }
0xa9: {  	[tilespmem:s23+$0x6220] =	vst v3;
	v3 =	vld [tilespmem:s23+$0x6620]  }
0xaa: {  	v4 =	vld [tilespmem:s25+$0x4220];
	_ =	sdelay $0x4  }
0xab: {  	v3 =	vadd.f32 v4, v3;
	_ =	sdelay $0x1  }
0xac: {  	[tilespmem:s23+$0x6620] =	vst v3;
	v3 =	vld [tilespmem:s23+$0x6230]  }
0xad: {  	v4 =	vld [tilespmem:s25+$0x2230];
	_ =	sdelay $0x4  }
0xae: {  	v3 =	vadd.f32 v4, v3;
	_ =	sdelay $0x1  }
0xaf: {  	[tilespmem:s23+$0x6230] =	vst v3;
	v3 =	vld [tilespmem:s23+$0x6630]  }
0xb0: {  	v4 =	vld [tilespmem:s25+$0x4230];
	_ =	sdelay $0x4  }
0xb1: {  	v3 =	vadd.f32 v4, v3;
	_ =	sdelay $0x1  }
0xb2: {  	[tilespmem:s23+$0x6630] =	vst v3;
	v3 =	vld [tilespmem:s23+$0x6240]  }
0xb3: {  	v4 =	vld [tilespmem:s25+$0x2240];
	_ =	sdelay $0x4  }
0xb4: {  	v3 =	vadd.f32 v4, v3;
	_ =	sdelay $0x1  }
0xb5: {  	[tilespmem:s23+$0x6240] =	vst v3;
	v3 =	vld [tilespmem:s23+$0x6640]  }
0xb6: {  	v4 =	vld [tilespmem:s25+$0x4240];
	_ =	sdelay $0x4  }
0xb7: {  	v3 =	vadd.f32 v4, v3;
	_ =	sdelay $0x1  }
0xb8: {  	[tilespmem:s23+$0x6640] =	vst v3;
	v3 =	vld [tilespmem:s23+$0x6250]  }
0xb9: {  	v4 =	vld [tilespmem:s25+$0x2250];
	_ =	sdelay $0x4  }
0xba: {  	v3 =	vadd.f32 v4, v3;
	_ =	sdelay $0x1  }
0xbb: {  	[tilespmem:s23+$0x6250] =	vst v3;
	v3 =	vld [tilespmem:s23+$0x6650]  }
0xbc: {  	v4 =	vld [tilespmem:s25+$0x4250];
	_ =	sdelay $0x4  }
0xbd: {  	v3 =	vadd.f32 v4, v3;
	_ =	sdelay $0x1  }
0xbe: {  	[tilespmem:s23+$0x6650] =	vst v3;
	v3 =	vld [tilespmem:s23+$0x6260]  }
0xbf: {  	v4 =	vld [tilespmem:s25+$0x2260];
	_ =	sdelay $0x4  }
0xc0: {  	v3 =	vadd.f32 v4, v3;
	_ =	sdelay $0x1  }
0xc1: {  	[tilespmem:s23+$0x6260] =	vst v3;
	v3 =	vld [tilespmem:s23+$0x6660]  }
0xc2: {  	v4 =	vld [tilespmem:s25+$0x4260];
	_ =	sdelay $0x4  }
0xc3: {  	v3 =	vadd.f32 v4, v3;
	_ =	sdelay $0x1  }
0xc4: {  	[tilespmem:s23+$0x6660] =	vst v3;
	v3 =	vld [tilespmem:s23+$0x6270]  }
0xc5: {  	v4 =	vld [tilespmem:s25+$0x2270];
	_ =	sdelay $0x4  }
0xc6: {  	v3 =	vadd.f32 v4, v3;
	_ =	sdelay $0x1  }
0xc7: {  	[tilespmem:s23+$0x6270] =	vst v3;
	v3 =	vld [tilespmem:s23+$0x6670]  }
0xc8: {  	v4 =	vld [tilespmem:s25+$0x4270]  }
.Ltmp7:
0xc9: {  	(pc) =	sbr.rel @p0 .LBB2_6-.Ltmp7, $2  }
0xca: {  	_ =	sdelay $0x2  }
0xcb: {  	v3 =	vadd.f32 v4, v3  }
0xcc: {  	_ = 	snop  }
0xcd: {  	[tilespmem:s23+$0x6670] =	vst v3  }
0xce: {  	v3 =	vld [tilespmem:$0x2040]  }
0xcf: {  	v4 =	vld [tilespmem:$0x2140]  }
0xd0: {  	v5 =	vld [tilespmem:$0x2050]  }
0xd1: {  	v6 =	vld [tilespmem:$0x2150]  }
0xd2: {  	v7 =	vld [tilespmem:$0x2060]  }
0xd3: {  	v49 =	vld [tilespmem:$0x2070];
	[tilespmem:$0x2000] =	vst v3  }
0xd4: {  	v50 =	vld [tilespmem:$0x2170];
	[tilespmem:$0x2100] =	vst v4  }
0xd5: {  	v51 =	vld [tilespmem:$0x2080];
	[tilespmem:$0x2010] =	vst v5  }
0xd6: {  	v3 =	vld [tilespmem:$0x2160];
	[tilespmem:$0x2110] =	vst v6  }
0xd7: {  	v52 =	vld [tilespmem:$0x2180];
	[tilespmem:$0x2020] =	vst v7  }
0xd8: {  	v53 =	vld [tilespmem:$0x2190];
	[tilespmem:$0x2030] =	vst v49  }
0xd9: {  	v54 =	vld [tilespmem:$0x20A0];
	[tilespmem:$0x2130] =	vst v50  }
0xda: {  	v55 =	vld [tilespmem:$0x21A0];
	[tilespmem:$0x2040] =	vst v51  }
0xdb: {  	[tilespmem:$0x2120] =	vst v3;
	v3 =	vld [tilespmem:$0x2090]  }
0xdc: {  	v56 =	vld [tilespmem:$0x20B0];
	[tilespmem:$0x2140] =	vst v52  }
0xdd: {  	v57 =	vld [tilespmem:$0x20C0];
	[tilespmem:$0x2150] =	vst v53  }
0xde: {  	v58 =	vld [tilespmem:$0x21C0];
	[tilespmem:$0x2060] =	vst v54  }
0xdf: {  	v60 =	vld [tilespmem:$0x21D0];
	[tilespmem:$0x2160] =	vst v55  }
0xe0: {  	[tilespmem:$0x2050] =	vst v3;
	v3 =	vld [tilespmem:$0x21B0]  }
0xe1: {  	v61 =	vld [tilespmem:$0x21E0];
	[tilespmem:$0x2070] =	vst v56  }
0xe2: {  	v62 =	vld [tilespmem:$0x20F0];
	[tilespmem:$0x2080] =	vst v57  }
0xe3: {  	v59 =	vld [tilespmem:$0x20D0];
	[tilespmem:$0x2180] =	vst v58  }
0xe4: {  	v63 =	vld [tilespmem:$0x21F0];
	[tilespmem:$0x2190] =	vst v60  }
0xe5: {  	[tilespmem:$0x2170] =	vst v3;
	v3 =	vld [tilespmem:$0x20E0]  }
.Ltmp8:
0xe6: {  	[tilespmem:$0x21A0] =	vst v61;
	(pc) =	sbr.rel .LBB2_8-.Ltmp8, $4  }
0xe7: {  	[tilespmem:$0x20B0] =	vst v62  }
0xe8: {  	[tilespmem:$0x2090] =	vst v59  }
0xe9: {  	[tilespmem:$0x21B0] =	vst v63  }
0xea: {  	s23 =	sadd.s32 $0xFFFFFFC0, s21;
	[tilespmem:$0x20A0] =	vst v3  }
.LBB2_10:
0xeb: {  	[tilespmem:s15], [sflag:$0x1] =	stream.indirect.gather [hbm4b:s3+s13], $0x80, s14, s13, $0xb8;
	[tilespmem:$0x1A200] =	vst v63  }
0xec: {  	_ =	swait.ge [sflag:s16], $0x2000  }
0xed: {  	p0 =	slt.s32 s23, $0x1;
	[sflag:s16] =	ssyncset.done $0x0  }
.Ltmp9:
0xee: {  	[sflag:s16] =	ssyncadd.s32 $0xFFFFE000;
	(pc) =	sbr.rel @p0 .LBB2_14-.Ltmp9, $4  }
0xef: {  	[tilespmem:s17], [sflag:$0x1] =	stream.indirect.gather [hbm4b:s4+s13], $0x80, s14, s13, $0xb8;
	[tilespmem:$0x1A200] =	vst v63  }
0xf0: {  	_ =	swait.ge [sflag:s16], $0x2000  }
0xf1: {  	[sflag:s16] =	ssyncset.done $0x0  }
0xf2: {  	[sflag:s16] =	ssyncadd.s32 $0xFFFFE000  }
0xf3: {  	s19 =	simm.s32 $0x2100  }
0xf4: {  	v3 =	vld [tilespmem:s19+$0x0];
	_ =	sdelay $0x4  }
0xf5: {  	(v2sf) =	vpush v3, $0x0;
	_ =	sdelay $0xe  }
0xf6: {  	s20 =	spop (v2sf)  }
0xf7: {  	s21 =	sshll.u32 s20, $0x8;
	s22 =	sshll.u32 s20, $0x7  }
0xf8: {  	s20 =	simm.s32 $0x2240;
	s21 =	sand.u32 $0xFFFFF800, s21;
	s22 =	sand.u32 $0x380, s22  }
0xf9: {  	v3 =	vld [tilespmem:s20+$0xFFFFFFC0];
	s22 =	sor.u32 s22, s21  }
0xfa: {  	v4 =	vld [tilespmem:s22+$0x6200];
	_ =	sdelay $0x4  }
0xfb: {  	v3 =	vadd.f32 v3, v4;
	_ =	sdelay $0x1  }
0xfc: {  	s21 =	simm.s32 $0x4240;
	[tilespmem:s22+$0x6200] =	vst v3;
	v3 =	vld [tilespmem:s22+$0x6600]  }
0xfd: {  	v4 =	vld [tilespmem:s21+$0xFFFFFFC0];
	_ =	sdelay $0x4  }
0xfe: {  	v3 =	vadd.f32 v4, v3;
	_ =	sdelay $0x1  }
0xff: {  	[tilespmem:s22+$0x6600] =	vst v3;
	v3 =	vld [tilespmem:s22+$0x6210]  }
0x100: {  	v4 =	vld [tilespmem:s20+$0xFFFFFFD0];
	_ =	sdelay $0x4  }
0x101: {  	v3 =	vadd.f32 v4, v3;
	_ =	sdelay $0x1  }
0x102: {  	[tilespmem:s22+$0x6210] =	vst v3;
	v3 =	vld [tilespmem:s22+$0x6610]  }
0x103: {  	v4 =	vld [tilespmem:s21+$0xFFFFFFD0];
	_ =	sdelay $0x4  }
0x104: {  	v3 =	vadd.f32 v4, v3;
	_ =	sdelay $0x1  }
0x105: {  	[tilespmem:s22+$0x6610] =	vst v3;
	v3 =	vld [tilespmem:s22+$0x6220]  }
0x106: {  	v4 =	vld [tilespmem:s20+$0xFFFFFFE0];
	_ =	sdelay $0x4  }
0x107: {  	v3 =	vadd.f32 v4, v3;
	_ =	sdelay $0x1  }
0x108: {  	[tilespmem:s22+$0x6220] =	vst v3;
	v3 =	vld [tilespmem:s22+$0x6620]  }
0x109: {  	v4 =	vld [tilespmem:s21+$0xFFFFFFE0];
	_ =	sdelay $0x4  }
0x10a: {  	v3 =	vadd.f32 v4, v3;
	_ =	sdelay $0x1  }
0x10b: {  	[tilespmem:s22+$0x6620] =	vst v3;
	v3 =	vld [tilespmem:s22+$0x6230]  }
0x10c: {  	v4 =	vld [tilespmem:s20+$0xFFFFFFF0];
	_ =	sdelay $0x4  }
0x10d: {  	v3 =	vadd.f32 v4, v3;
	_ =	sdelay $0x1  }
0x10e: {  	[tilespmem:s22+$0x6230] =	vst v3;
	v3 =	vld [tilespmem:s22+$0x6630]  }
0x10f: {  	v4 =	vld [tilespmem:s21+$0xFFFFFFF0];
	_ =	sdelay $0x4  }
0x110: {  	v3 =	vadd.f32 v4, v3;
	_ =	sdelay $0x1  }
0x111: {  	[tilespmem:s22+$0x6630] =	vst v3;
	v3 =	vld [tilespmem:s22+$0x6240]  }
0x112: {  	v4 =	vld [tilespmem:s20+$0x0];
	_ =	sdelay $0x4  }
0x113: {  	v3 =	vadd.f32 v4, v3;
	_ =	sdelay $0x1  }
0x114: {  	[tilespmem:s22+$0x6240] =	vst v3;
	v3 =	vld [tilespmem:s22+$0x6640]  }
0x115: {  	v4 =	vld [tilespmem:s21+$0x0];
	_ =	sdelay $0x4  }
0x116: {  	v3 =	vadd.f32 v4, v3;
	_ =	sdelay $0x1  }
0x117: {  	[tilespmem:s22+$0x6640] =	vst v3;
	v3 =	vld [tilespmem:s22+$0x6250]  }
0x118: {  	v4 =	vld [tilespmem:s20+$0x10];
	_ =	sdelay $0x4  }
0x119: {  	v3 =	vadd.f32 v4, v3;
	_ =	sdelay $0x1  }
0x11a: {  	[tilespmem:s22+$0x6250] =	vst v3;
	v3 =	vld [tilespmem:s22+$0x6650]  }
0x11b: {  	v4 =	vld [tilespmem:s21+$0x10];
	_ =	sdelay $0x4  }
0x11c: {  	v3 =	vadd.f32 v4, v3;
	_ =	sdelay $0x1  }
0x11d: {  	[tilespmem:s22+$0x6650] =	vst v3;
	v3 =	vld [tilespmem:s22+$0x6260]  }
0x11e: {  	v4 =	vld [tilespmem:s20+$0x20];
	_ =	sdelay $0x4  }
0x11f: {  	v3 =	vadd.f32 v4, v3;
	_ =	sdelay $0x1  }
0x120: {  	[tilespmem:s22+$0x6260] =	vst v3;
	v3 =	vld [tilespmem:s22+$0x6660]  }
0x121: {  	v4 =	vld [tilespmem:s21+$0x20];
	_ =	sdelay $0x4  }
0x122: {  	v3 =	vadd.f32 v4, v3;
	_ =	sdelay $0x1  }
0x123: {  	[tilespmem:s22+$0x6660] =	vst v3;
	v3 =	vld [tilespmem:s22+$0x6270]  }
0x124: {  	v4 =	vld [tilespmem:s20+$0x30];
	_ =	sdelay $0x4  }
0x125: {  	v3 =	vadd.f32 v4, v3;
	_ =	sdelay $0x1  }
0x126: {  	[tilespmem:s22+$0x6270] =	vst v3;
	v3 =	vld [tilespmem:s22+$0x6670]  }
0x127: {  	v4 =	vld [tilespmem:s21+$0x30]  }
0x128: {  	p0 =	sne.s32 s23, $0x1  }
.Ltmp10:
0x129: {  	_ = 	snop;
	(pc) =	sbr.rel @!p0 .LBB2_13-.Ltmp10, $3  }
0x12a: {  	_ =	sdelay $0x1  }
0x12b: {  	v3 =	vadd.f32 v4, v3  }
0x12c: {  	s23 =	sadd.s32 $0xFFFFFFFF, s23  }
.LBB2_12:
0x12d: {  	[tilespmem:s22+$0x6670] =	vst v3;
	s19 =	sadd.s32 $0x1, s19;
	s21 =	sadd.s32 $0x80, s21;
	s20 =	sadd.s32 $0x80, s20  }
0x12e: {  	p0 =	sne.s32 s23, $0x1;
	s23 =	sadd.s32 $0xFFFFFFFF, s23;
	v3 =	vld [tilespmem:s19+$0x0];
	_ =	sdelay $0x4  }
0x12f: {  	(v2sf) =	vpush v3, $0x0;
	_ =	sdelay $0xe  }
0x130: {  	s22 =	spop (v2sf)  }
0x131: {  	s24 =	sshll.u32 s22, $0x8;
	s22 =	sshll.u32 s22, $0x7  }
0x132: {  	s24 =	sand.u32 $0xFFFFF800, s24;
	s22 =	sand.u32 $0x380, s22  }
0x133: {  	s22 =	sor.u32 s22, s24;
	v3 =	vld [tilespmem:s20+$0xFFFFFFC0]  }
0x134: {  	v4 =	vld [tilespmem:s22+$0x6200];
	_ =	sdelay $0x4  }
0x135: {  	v3 =	vadd.f32 v3, v4;
	_ =	sdelay $0x1  }
0x136: {  	[tilespmem:s22+$0x6200] =	vst v3;
	v3 =	vld [tilespmem:s22+$0x6600]  }
0x137: {  	v4 =	vld [tilespmem:s21+$0xFFFFFFC0];
	_ =	sdelay $0x4  }
0x138: {  	v3 =	vadd.f32 v4, v3;
	_ =	sdelay $0x1  }
0x139: {  	[tilespmem:s22+$0x6600] =	vst v3;
	v3 =	vld [tilespmem:s22+$0x6210]  }
0x13a: {  	v4 =	vld [tilespmem:s20+$0xFFFFFFD0];
	_ =	sdelay $0x4  }
0x13b: {  	v3 =	vadd.f32 v4, v3;
	_ =	sdelay $0x1  }
0x13c: {  	[tilespmem:s22+$0x6210] =	vst v3;
	v3 =	vld [tilespmem:s22+$0x6610]  }
0x13d: {  	v4 =	vld [tilespmem:s21+$0xFFFFFFD0];
	_ =	sdelay $0x4  }
0x13e: {  	v3 =	vadd.f32 v4, v3;
	_ =	sdelay $0x1  }
0x13f: {  	[tilespmem:s22+$0x6610] =	vst v3;
	v3 =	vld [tilespmem:s22+$0x6220]  }
0x140: {  	v4 =	vld [tilespmem:s20+$0xFFFFFFE0];
	_ =	sdelay $0x4  }
0x141: {  	v3 =	vadd.f32 v4, v3;
	_ =	sdelay $0x1  }
0x142: {  	[tilespmem:s22+$0x6220] =	vst v3;
	v3 =	vld [tilespmem:s22+$0x6620]  }
0x143: {  	v4 =	vld [tilespmem:s21+$0xFFFFFFE0];
	_ =	sdelay $0x4  }
0x144: {  	v3 =	vadd.f32 v4, v3;
	_ =	sdelay $0x1  }
0x145: {  	[tilespmem:s22+$0x6620] =	vst v3;
	v3 =	vld [tilespmem:s22+$0x6230]  }
0x146: {  	v4 =	vld [tilespmem:s20+$0xFFFFFFF0];
	_ =	sdelay $0x4  }
0x147: {  	v3 =	vadd.f32 v4, v3;
	_ =	sdelay $0x1  }
0x148: {  	[tilespmem:s22+$0x6230] =	vst v3;
	v3 =	vld [tilespmem:s22+$0x6630]  }
0x149: {  	v4 =	vld [tilespmem:s21+$0xFFFFFFF0];
	_ =	sdelay $0x4  }
0x14a: {  	v3 =	vadd.f32 v4, v3;
	_ =	sdelay $0x1  }
0x14b: {  	[tilespmem:s22+$0x6630] =	vst v3;
	v3 =	vld [tilespmem:s22+$0x6240]  }
0x14c: {  	v4 =	vld [tilespmem:s20+$0x0];
	_ =	sdelay $0x4  }
0x14d: {  	v3 =	vadd.f32 v4, v3;
	_ =	sdelay $0x1  }
0x14e: {  	[tilespmem:s22+$0x6240] =	vst v3;
	v3 =	vld [tilespmem:s22+$0x6640]  }
0x14f: {  	v4 =	vld [tilespmem:s21+$0x0];
	_ =	sdelay $0x4  }
0x150: {  	v3 =	vadd.f32 v4, v3;
	_ =	sdelay $0x1  }
0x151: {  	[tilespmem:s22+$0x6640] =	vst v3;
	v3 =	vld [tilespmem:s22+$0x6250]  }
0x152: {  	v4 =	vld [tilespmem:s20+$0x10];
	_ =	sdelay $0x4  }
0x153: {  	v3 =	vadd.f32 v4, v3;
	_ =	sdelay $0x1  }
0x154: {  	[tilespmem:s22+$0x6250] =	vst v3;
	v3 =	vld [tilespmem:s22+$0x6650]  }
0x155: {  	v4 =	vld [tilespmem:s21+$0x10];
	_ =	sdelay $0x4  }
0x156: {  	v3 =	vadd.f32 v4, v3;
	_ =	sdelay $0x1  }
0x157: {  	[tilespmem:s22+$0x6650] =	vst v3;
	v3 =	vld [tilespmem:s22+$0x6260]  }
0x158: {  	v4 =	vld [tilespmem:s20+$0x20];
	_ =	sdelay $0x4  }
0x159: {  	v3 =	vadd.f32 v4, v3;
	_ =	sdelay $0x1  }
0x15a: {  	[tilespmem:s22+$0x6260] =	vst v3;
	v3 =	vld [tilespmem:s22+$0x6660]  }
0x15b: {  	v4 =	vld [tilespmem:s21+$0x20];
	_ =	sdelay $0x4  }
0x15c: {  	v3 =	vadd.f32 v4, v3;
	_ =	sdelay $0x1  }
0x15d: {  	[tilespmem:s22+$0x6660] =	vst v3;
	v3 =	vld [tilespmem:s22+$0x6270]  }
0x15e: {  	v4 =	vld [tilespmem:s20+$0x30];
	_ =	sdelay $0x4  }
0x15f: {  	v3 =	vadd.f32 v4, v3;
	_ =	sdelay $0x1  }
0x160: {  	[tilespmem:s22+$0x6270] =	vst v3;
	v3 =	vld [tilespmem:s22+$0x6670]  }
0x161: {  	v4 =	vld [tilespmem:s21+$0x30]  }
.Ltmp11:
0x162: {  	(pc) =	sbr.rel @p0 .LBB2_12-.Ltmp11, $2  }
0x163: {  	_ =	sdelay $0x2  }
0x164: {  	v3 =	vadd.f32 v4, v3  }
.Ltmp12:
0x165: {  	_ = 	snop;
	(pc) =	sbr.rel .LBB2_13-.Ltmp12, $1  }
0x166: {  	_ =	sdelay $0x3  }
.LBB2_15:
0x167: {  	_ =	sfence.sel $0x180000  }
0x168: {  	[bflag:$0x0] =	sbarrier.arrive $0xFFFF  }
0x169: {  	p0 =	sne.s32 s1, $0x0;
	_ =	strace $0x90000047  }
0x16a: {  	s0 =	sadd.s32 @!p0 $0x100000, s0;
	[bflag:$0x2] =	sbarrier.arrive $0xFFFF  }
0x16b: {  	[sflag:s0] =	ssyncadd.tile.s32 @!p0 $0x1;
	_ =	shalt  }
.Lfunc_end2:
_tile_overlayer_lowered:
.L_overlay_start_2:
0x16c: {  	(tag) =	ssettag $0x2  }
0x16d: {  	s0 =	rddreg [dreg:$0x0];
	s2 =	stileid.u32  }
0x16e: {  	s1 =	rddreg [dreg:$0x1];
	p0 =	sne.s32 s2, $0x0  }
0x16f: {  	s3 =	rddreg [dreg:$0x2];
	[bflag:$0x3] =	sbarrier.arrive $0xFFFF;
	s2 =	simm.s32 @!p0 $0x1C02  }
0x170: {  	[timem:s3], [sflag:s2] =	dma.local @!p0 [hbm:s0], s1  }
0x171: {  	s0 =	simm.s32 @!p0 $0x2  }
0x172: {  	_ =	swait.ge @!p0 [sflag:s0], s1  }
0x173: {  	s1 =	ssub.s32 @!p0 $0x0, s1;
	[sflag:s0] =	ssyncset.done @!p0 $0x0  }
0x174: {  	[sflag:s0] =	ssyncadd.s32 @!p0 s1  }
0x175: {  	[bflag:$0x3] =	sbarrier.arrive $0xFFFF  }
0x176: {  	_ =	shalt  }

// kernel: kernel.20.cloned.1.call-start
scs
__scs_entry_jumppad:
0x0: {  	(pc) =	sbr.rel $0x88, $3  }
0x1: {  	(tag) =	ssettag $0x0;
	lr =	simm.s32 $0x1  }
0x2: {  	[smem:$0x3F90] =	sst lr;
	_ =	strace $0xD0000000  }
0x3: {  	_ = 	snop  }
0x4: {  	_ = 	snop  }
0x5: {  	_ = 	snop  }
0x6: {  	_ = 	snop  }
0x7: {  	_ = 	snop  }
__scs_overlays_trampoline_lowered:
0x8: {  	[smem:$0x3F9F] =	sst s0  }
0x9: {  	[smem:$0x3FA0] =	sst s1  }
0xa: {  	[smem:$0x3FA1] =	sst s2  }
0xb: {  	[smem:$0x3FA2] =	sst s3  }
0xc: {  	[smem:$0x3FA3] =	sst s4  }
0xd: {  	[smem:$0x3FA4] =	sst s5  }
0xe: {  	[smem:$0x3FA5] =	sst s6  }
0xf: {  	[smem:$0x3FA6] =	sst s7  }
0x10: {  	[smem:$0x3FA7] =	sst s8  }
0x11: {  	[smem:$0x3FA8] =	sst s9;
	s0 =	simm.s32 @!p0 $0x0  }
0x12: {  	s1 =	sld [smem:$0x3F8E];
	s0 =	simm.s32 @p0 $0x1  }
0x13: {  	[smem:$0x3FA9] =	sst s0;
	s0 =	simm.s32 @!p1 $0x0  }
0x14: {  	s2 =	sld [smem:$0x3F8D];
	s0 =	simm.s32 @p1 $0x1  }
0x15: {  	[smem:$0x3FAA] =	sst s0;
	s0 =	simm.s32 @!p2 $0x0  }
0x16: {  	s3 =	sld [smem:$0x3FDB];
	s0 =	simm.s32 @p2 $0x1  }
0x17: {  	s4 =	simm.s32 $0x1BF5;
	[smem:$0x3FAC] =	sst s0  }
0x18: {  	s0 =	sld [smem:$0x3F8F];
	_ =	swait.ge [sflag:s4], $0x0  }
0x19: {  	s7 =	sld [smem:$0x3F90]  }
0x1a: {  	s8 =	sadd.s32 $0xFFFFE003, lr  }
0x1b: {  	s9 =	sadd.s32 $0xFFFFFEF7, lr;
	s5 =	simm.s32 $0xFFFFFFFF;
	p2 =	slt.u32 s8, $0xFFFFF086  }
0x1c: {  	p1 =	slt.u32 s9, $0xF7A;
	s5 =	simm.s32 @!p2 $0x0  }
0x1d: {  	s5 =	simm.s32 @p1 $0x1;
	p0 =	seq.s32 s7, s2  }
0x1e: {  	s7 =	smul.u32 @!p0 $0xF7A, s2;
	p2 =	seq.s32 @!p0 s5, $0x0  }
0x1f: {  	s9 =	smul.u32 $0xF7A, s1;
	s8 =	simm.s32 @!p0 $0x1BF5;
	p2 =	por !p2, p0  }
0x20: {  	[sflag:s8] =	ssyncset.s32 @!p0 $0xFFFFF086;
	s6 =	sadd.s32 @!p0 s3, s7;
	s7 =	simm.s32 @!p0 $0x108  }
0x21: {  	s3 =	sadd.s32 s3, s9;
	s6 =	sadd.s32 @!p0 $0x88, s6;
	s7 =	simm.s32 @p2 $0x1082  }
0x22: {  	[simem:s7], [sflag:s8] =	dma.local @!p0 [hbm:s6], $0xF7A  }
0x23: {  	s9 =	sor.u32 $0xD0000000, s2;
	s6 =	simm.s32 $0x108;
	_ =	swait.ge @!p0 [sflag:s8], $0x0  }
0x24: {  	s3 =	sadd.s32 $0x88, s3;
	s6 =	simm.s32 @!p1 $0x1082;
	[sflag:s4] =	ssyncset.s32 $0xFFFFF086  }
0x25: {  	[simem:s6], [sflag:s4] =	dma.local [hbm:s3], $0xF7A  }
0x26: {  	[smem:$0x3F90] =	sst s1;
	(tag) =	ssettag s2;
	_ =	strace s9  }
0x27: {  	s1 =	sld [smem:$0x3FA0]  }
0x28: {  	s2 =	sld [smem:$0x3FA1]  }
0x29: {  	s4 =	sld [smem:$0x3FA3]  }
0x2a: {  	p0 =	seq.s32 s5, $0x0;
	s5 =	sld [smem:$0x3FA4]  }
0x2b: {  	s6 =	sld [smem:$0x3FA5]  }
0x2c: {  	s7 =	sld [smem:$0x3FA6]  }
0x2d: {  	s3 =	simm.s32 $0x108;
	s8 =	sld [smem:$0x3FA7]  }
0x2e: {  	s3 =	simm.s32 @!p0 $0x1082;
	s9 =	sld [smem:$0x3FA8]  }
0x2f: {  	lr =	sadd.s32 s0, s3;
	s0 =	sld [smem:$0x3F9F]  }
0x30: {  	s3 =	sld [smem:$0x3FA2]  }
0x31: {  	[smem:$0x3FAB] =	sst s10  }
0x32: {  	s10 =	sld [smem:$0x3FA9];
	_ =	sdelay $0x3  }
0x33: {  	p0 =	seq.s32 s10, $0x1;
	s10 =	sld [smem:$0x3FAB];
	_ =	sdelay $0x3  }
0x34: {  	[smem:$0x3FAB] =	sst s10  }
0x35: {  	s10 =	sld [smem:$0x3FAA];
	_ =	sdelay $0x3  }
0x36: {  	p1 =	seq.s32 s10, $0x1;
	s10 =	sld [smem:$0x3FAB];
	_ =	sdelay $0x3  }
0x37: {  	[smem:$0x3FAB] =	sst s10  }
0x38: {  	s10 =	sld [smem:$0x3FAC]  }
0x39: {  	_ = 	snop;
	(pc) =	sbr.ind lr, $3  }
0x3a: {  	_ = 	snop  }
0x3b: {  	_ = 	snop  }
0x3c: {  	p2 =	seq.s32 s10, $0x1;
	s10 =	sld [smem:$0x3FAB]  }
0x3d: {  	_ =	shalt  }
0x3e: {  	_ =	shalt  }
0x3f: {  	_ =	shalt  }
0x40: {  	_ =	shalt  }
0x41: {  	_ =	shalt  }
0x42: {  	_ =	shalt  }
0x43: {  	_ =	shalt  }
0x44: {  	_ =	shalt  }
0x45: {  	_ =	shalt  }
0x46: {  	_ =	shalt  }
0x47: {  	_ =	shalt  }
0x48: {  	_ =	shalt  }
0x49: {  	_ =	shalt  }
0x4a: {  	_ =	shalt  }
0x4b: {  	_ =	shalt  }
0x4c: {  	_ =	shalt  }
0x4d: {  	_ =	shalt  }
0x4e: {  	_ =	shalt  }
0x4f: {  	_ =	shalt  }
0x50: {  	_ =	shalt  }
0x51: {  	_ =	shalt  }
0x52: {  	_ =	shalt  }
0x53: {  	_ =	shalt  }
0x54: {  	_ =	shalt  }
0x55: {  	_ =	shalt  }
0x56: {  	_ =	shalt  }
0x57: {  	_ =	shalt  }
0x58: {  	_ =	shalt  }
0x59: {  	_ =	shalt  }
0x5a: {  	_ =	shalt  }
0x5b: {  	_ =	shalt  }
0x5c: {  	_ =	shalt  }
0x5d: {  	_ =	shalt  }
0x5e: {  	_ =	shalt  }
0x5f: {  	_ =	shalt  }
0x60: {  	_ =	shalt  }
0x61: {  	_ =	shalt  }
0x62: {  	_ =	shalt  }
0x63: {  	_ =	shalt  }
0x64: {  	_ =	shalt  }
0x65: {  	_ =	shalt  }
0x66: {  	_ =	shalt  }
0x67: {  	_ =	shalt  }
0x68: {  	_ =	shalt  }
0x69: {  	_ =	shalt  }
0x6a: {  	_ =	shalt  }
0x6b: {  	_ =	shalt  }
0x6c: {  	_ =	shalt  }
0x6d: {  	_ =	shalt  }
0x6e: {  	_ =	shalt  }
0x6f: {  	_ =	shalt  }
0x70: {  	_ =	shalt  }
0x71: {  	_ =	shalt  }
0x72: {  	_ =	shalt  }
0x73: {  	_ =	shalt  }
0x74: {  	_ =	shalt  }
0x75: {  	_ =	shalt  }
0x76: {  	_ =	shalt  }
0x77: {  	_ =	shalt  }
0x78: {  	_ =	shalt  }
0x79: {  	_ =	shalt  }
0x7a: {  	_ =	shalt  }
0x7b: {  	_ =	shalt  }
0x7c: {  	_ =	shalt  }
0x7d: {  	_ =	shalt  }
0x7e: {  	_ =	shalt  }
0x7f: {  	_ =	shalt  }
0x80: {  	_ =	shalt  }
0x81: {  	_ =	shalt  }
0x82: {  	_ =	shalt  }
0x83: {  	_ =	shalt  }
0x84: {  	_ =	shalt  }
0x85: {  	_ =	shalt  }
0x86: {  	_ =	shalt  }
0x87: {  	_ =	shalt  }
.Lfunc_end0:
.L_simem_size_0:
called_computation.1_lowered:
.L_overlay_start_0:
0x88: {  	s2 =	sld [smem:$0x3FD9]  }
0x89: {  	s3 =	sld [smem:$0x3FFE];
	_ =	sdelay $0x1  }
0x8a: {  	s1 =	srdreg.scid  }
0x8b: {  	s0 =	sand.u32 $0x1, s1  }
0x8c: {  	s16 =	sshll.u32 s0, $0xA;
	s2 =	sadd.s32 s3, s2  }
0x8d: {  	s2 =	sadd.s32 s2, s16  }
0x8e: {  	[smem:$0x3FB7] =	sst s2  }
0x8f: {  	_ = 	snop  }
0x90: {  	(tm) =	ssettm $0x1  }
0x91: {  	s17 =	sld [smem:$0x3FFB];
	_ =	sdelay $0x3  }
0x92: {  	_ =	strace s17  }
0x93: {  	s2 =	sld [smem:$0x3FFC];
	_ =	sdelay $0x3  }
0x94: {  	_ =	strace s2  }
0x95: {  	s2 =	sld [smem:$0x3FFD];
	_ =	sdelay $0x3  }
0x96: {  	_ =	strace s2  }
0x97: {  	_ =	strace $0x8FFFFFFF  }
0x98: {  	s18 =	sld [smem:$0x3FDB];
	_ =	sdelay $0x1  }
0x99: {  	s19 =	simm.s32 $_scs_section_size  }
0x9a: {  	s4 =	simm.s32 $_size__tile_overlayer_lowered;
	s5 =	simm.s32 $_tile_overlayer_lowered  }
0x9b: {  	s22 =	simm.s32 $0x1BFF;
	s21 =	sshll.u32 s5, $0x1;
	s2 =	sadd.s32 s19, s18  }
0x9c: {  	s6 =	simm.s32 $0x0;
	s20 =	sshll.u32 s4, $0x1;
	s4 =	sadd.s32 s21, s2  }
0x9d: {  	[timem:s6], [sflag:s22] =	dma.local [hbm:s4], s20  }
0x9e: {  	_ =	swait.ge [sflag:s22], s20  }
0x9f: {  	s3 =	ssub.s32 $0x0, s20;
	[sflag:s22] =	ssyncset.done $0x0  }
0xa0: {  	[sflag:s22] =	ssyncadd.s32 s3;
	_ =	sdelay $0x1  }
0xa1: {  	s23 =	simm.s32 $0x1B8B  }
0xa2: {  	_ =	swait.ge [sflag:s23], $0x1  }
0xa3: {  	[sflag:s23] =	ssyncset.done $0x0  }
0xa4: {  	s25 =	simm.s32 $0x1B8E;
	s24 =	sld [smem:$0x3FFE];
	[sflag:s23] =	ssyncadd.s32 $0xFFFFFFFF  }
0xa5: {  	s26 =	simm.s32 $execute0_lowered;
	[smem:$0x3FD2] =	sst s25  }
0xa6: {  	s4 =	sshll.u32 s26, $0x1;
	_ =	strace $0x80000049;
	[dreg:$0x1] =	wrdreg $0xFFFFFFFF  }
0xa7: {  	s28 =	simm.s32 $_size_execute0_lowered;
	s2 =	sadd.s32 s2, s4;
	[dreg:$0x0] =	wrdreg $0x0  }
0xa8: {  	s4 =	sshll.u32 s28, $0x1;
	[dreg:$0x2] =	wrdreg s2  }
0xa9: {  	[dreg:$0x3] =	wrdreg s4  }
0xaa: {  	[dreg:$0x4] =	wrdreg $0xC0  }
0xab: {  	_ =	task [dreg:s6], $0x5FFFF  }
0xac: {  	[dreg:$0x1] =	wrdreg $0xFFFFFFFF  }
0xad: {  	[dreg:$0x0] =	wrdreg $0x60  }
0xae: {  	[dreg:$0x2] =	wrdreg s24  }
0xaf: {  	[dreg:$0x3] =	wrdreg $0x9  }
0xb0: {  	_ =	task.clear_ibuf [dreg:s6], $0x4FFFF;
	_ =	strace $0x90000049  }
0xb1: {  	s29 =	simm.s32 $0x9;
	_ =	strace $0x8000004B  }
0xb2: {  	_ =	swait.ge [sflag:s29], $0x1  }
0xb3: {  	[sflag:s29] =	ssyncadd.s32 $0xFFFFFFFF  }
0xb4: {  	_ =	strace $0x9000004B  }
0xb5: {  	_ =	sfence  }
0xb6: {  	s30 =	sld [smem:$0x0];
	_ =	sdelay $0x2  }
0xb7: {  	s31 =	sshll.u32 s1, $0xD;
	s1 =	sshrl.u32 s1, $0x2  }
0xb8: {  	s3 =	sand.u32 $0x4000, s31;
	s1 =	sadd.s32 s1, s30  }
0xb9: {  	s0 =	sor.u32 s3, s0;
	s1 =	sshll.u32 s1, $0x11  }
0xba: {  	s0 =	sor.u32 s1, s0  }
0xbb: {  	s0 =	sadd.s32 $0x8F2B, s0  }
0xbc: {  	[sflag:s0] =	ssyncadd.remote.s32 $0x1  }
0xbd: {  	_ =	sfence.sel $0xFFFF  }
0xbe: {  	[dreg:$0x0] =	wrdreg $0xFFFFFFFF;
	(pc) =	sbr.abs _section_cstart, $3  }
0xbf: {  	[dreg:$0x1] =	wrdreg $0xFFFFFFFF  }
0xc0: {  	_ =	task.clear_ibuf [dreg:s6], $0x2FFFF;
	_ =	strace $0x9FFFFFFF  }
0xc1: {  	(tm) =	ssettm $0x7FFFFFFF  }
tec
execute0_lowered:
.L_overlay_start_1:
0x0: {  	(tag) =	ssettag $0x1  }
0x1: {  	s0 =	stileid.u32  }
0x2: {  	s1 =	srdreg.scid;
	s3 =	rddreg [dreg:$0x0]  }
0x3: {  	s2 =	simm.s32 $0x0;
	s9 =	simm.s32 $0x40;
	s10 =	simm.s32 $0x80  }
0x4: {  	s11 =	simm.s32 $0x1;
	s4 =	sand.u32 $0x1, s1;
	s5 =	smul.u32 $0x280, s0  }
0x5: {  	s12 =	simm.s32 $0x0;
	[smem:$0x7FF] =	sst s2;
	s6 =	smul.u32 $0x140, s4  }
0x6: {  	s1 =	rddreg [dreg:$0x1];
	s7 =	smul.u32 $0x2800, s0;
	_ =	strace $0x8000004A  }
0x7: {  	s29 =	ssub.s32 $0x2, s4;
	s4 =	smul.u32 $0x1400, s4;
	s5 =	sadd.s32 s6, s5  }
0x8: {  	s7 =	sadd.s32 s7, s3;
	s30 =	sshrl.u32 s29, $0x1;
	s5 =	sshrl.u32 s5, $0x3  }
0x9: {  	s31 =	sadd.s32 s4, s7;
	s8 =	sadd.s32 s5, s3;
	s5 =	ssub.s32 s29, s30  }
0xa: {  	s7 =	simm.s32 $0x2;
	s3 =	sadd.s32 $0x2D600, s3;
	s4 =	smax.u32 s5, $0x1  }
0xb: {  	s5 =	sadd.s32 $0x5000, s31;
	s6 =	sadd.s32 $0x2D000, s8;
	s8 =	simm.s32 $0x100  }
.LBB2_1:
0xc: {  	s13 =	sadd.s32 $0x0, s6  }
0xd: {  	[tilespmem:s2], [sflag:$0x2] =	stream.linear.gather [hbm4b:s13+s2], $0x40, $0x38;
	[tilespmem:$0x2100] =	vst v63  }
0xe: {  	_ =	swait.ge [sflag:s7], $0x40  }
0xf: {  	[sflag:s7] =	ssyncset.done $0x0  }
0x10: {  	[sflag:s7] =	ssyncadd.s32 $0xFFFFFFC0  }
0x11: {  	v0 =	vld [tilespmem:$0x30]  }
0x12: {  	v1 =	vld [tilespmem:$0x20]  }
0x13: {  	v2 =	vld [tilespmem:$0x0]  }
0x14: {  	v3 =	vld [tilespmem:$0x10];
	_ =	sdelay $0x1  }
0x15: {  	vm0 =	vlt.s32 v0, $0x1F40  }
0x16: {  	vm1 =	vlt.s32 v1, $0x1F40;
	v0 =	vnsel vm0, $0x1F40, v0  }
0x17: {  	vm14 =	vlt.s32 v2, $0x1F40;
	v1 =	vnsel vm1, $0x1F40, v1;
	[tilespmem:$0xB0] =	vst v0  }
0x18: {  	vm15 =	vlt.s32 v3, $0x1F40;
	v62 =	vnsel vm14, $0x1F40, v2;
	[tilespmem:$0xA0] =	vst v1  }
0x19: {  	v63 =	vnsel vm15, $0x1F40, v3;
	[tilespmem:$0x80] =	vst v62  }
0x1a: {  	[tilespmem:$0x90] =	vst v63  }
0x1b: {  	[tilespmem:s8], [sflag:$0x2] =	stream.linear.gather [hbm4b:s5+s2], $0x2000, $0x38;
	[tilespmem:$0x2100] =	vst v63  }
0x1c: {  	_ =	swait.ge [sflag:s7], $0x2000  }
0x1d: {  	[sflag:s7] =	ssyncset.done $0x0  }
0x1e: {  	s14 =	sadd.s32 $0x400, s5;
	s13 =	simm.s32 $0x8;
	[sflag:s7] =	ssyncadd.s32 $0xFFFFE000  }
.LBB2_2:
0x1f: {  	[hbm4b:s3+s9] =	stream.indirect.scatter [tilespmem:s8], [sflag:$0x1], $0x80, s10, s9, $0xb8;
	[tilespmem:$0x2100] =	vst v63  }
0x20: {  	s15 =	smov.u32 s13  }
0x21: {  	p0 =	sne.s32 s13, $0x20;
	s13 =	sadd.s32 $0x8, s13;
	_ =	swait.ge [sflag:s11], $0x2000  }
0x22: {  	[sflag:s11] =	ssyncset.done $0x0  }
0x23: {  	s15 =	sadd.s32 s15, s6;
	[sflag:s11] =	ssyncadd.s32 $0xFFFFE000  }
0x24: {  	[tilespmem:s2], [sflag:$0x2] =	stream.linear.gather [hbm4b:s15+s2], $0x40, $0x38;
	[tilespmem:$0x2100] =	vst v63  }
0x25: {  	_ =	swait.ge [sflag:s7], $0x40  }
0x26: {  	[sflag:s7] =	ssyncset.done $0x0  }
0x27: {  	[sflag:s7] =	ssyncadd.s32 $0xFFFFFFC0  }
0x28: {  	v0 =	vld [tilespmem:$0x30]  }
0x29: {  	v1 =	vld [tilespmem:$0x20]  }
0x2a: {  	v2 =	vld [tilespmem:$0x0]  }
0x2b: {  	v3 =	vld [tilespmem:$0x10];
	_ =	sdelay $0x1  }
0x2c: {  	vm0 =	vlt.s32 v0, $0x1F40  }
0x2d: {  	vm1 =	vlt.s32 v1, $0x1F40;
	v0 =	vnsel vm0, $0x1F40, v0  }
0x2e: {  	vm0 =	vlt.s32 v2, $0x1F40;
	v1 =	vnsel vm1, $0x1F40, v1;
	[tilespmem:$0xB0] =	vst v0  }
0x2f: {  	v0 =	vnsel vm0, $0x1F40, v2;
	vm0 =	vlt.s32 v3, $0x1F40;
	[tilespmem:$0xA0] =	vst v1  }
0x30: {  	[tilespmem:$0x80] =	vst v0;
	v0 =	vnsel vm0, $0x1F40, v3  }
.Ltmp0:
0x31: {  	[tilespmem:$0x90] =	vst v0;
	(pc) =	sbr.rel @p0 .LBB2_2-.Ltmp0, $4  }
0x32: {  	[tilespmem:s8], [sflag:$0x2] =	stream.linear.gather [hbm4b:s14+s2], $0x2000, $0x38;
	[tilespmem:$0x2100] =	vst v63  }
0x33: {  	_ =	swait.ge [sflag:s7], $0x2000  }
0x34: {  	[sflag:s7] =	ssyncset.done $0x0  }
0x35: {  	s14 =	sadd.s32 $0x400, s14;
	[sflag:s7] =	ssyncadd.s32 $0xFFFFE000  }
0x36: {  	s12 =	sadd.s32 $0x1, s12  }
0x37: {  	p0 =	sne.s32 s12, s4  }
.Ltmp1:
0x38: {  	_ = 	snop;
	(pc) =	sbr.rel @p0 .LBB2_1-.Ltmp1, $4  }
0x39: {  	[hbm4b:s3+s9] =	stream.indirect.scatter [tilespmem:s8], [sflag:$0x1], $0x80, s10, s9, $0xb8;
	[tilespmem:$0x2100] =	vst v63  }
0x3a: {  	_ =	swait.ge [sflag:s11], $0x2000  }
0x3b: {  	[sflag:s11] =	ssyncset.done $0x0  }
0x3c: {  	[sflag:s11] =	ssyncadd.s32 $0xFFFFE000  }
0x3d: {  	_ =	sfence.sel $0x180000  }
0x3e: {  	[bflag:$0x0] =	sbarrier.arrive $0xFFFF  }
0x3f: {  	p0 =	sne.s32 s0, $0x0;
	_ =	strace $0x9000004A  }
0x40: {  	s0 =	sadd.s32 @!p0 $0x100000, s1;
	[bflag:$0x2] =	sbarrier.arrive $0xFFFF  }
0x41: {  	[sflag:s0] =	ssyncadd.tile.s32 @!p0 $0x1;
	_ =	shalt  }
.Lfunc_end2:
_tile_overlayer_lowered:
.L_overlay_start_2:
0x42: {  	(tag) =	ssettag $0x2  }
0x43: {  	s0 =	rddreg [dreg:$0x0];
	s2 =	stileid.u32  }
0x44: {  	s1 =	rddreg [dreg:$0x1];
	p0 =	sne.s32 s2, $0x0  }
0x45: {  	s3 =	rddreg [dreg:$0x2];
	[bflag:$0x3] =	sbarrier.arrive $0xFFFF;
	s2 =	simm.s32 @!p0 $0x1C02  }
0x46: {  	[timem:s3], [sflag:s2] =	dma.local @!p0 [hbm:s0], s1  }
0x47: {  	s0 =	simm.s32 @!p0 $0x2  }
0x48: {  	_ =	swait.ge @!p0 [sflag:s0], s1  }
0x49: {  	s1 =	ssub.s32 @!p0 $0x0, s1;
	[sflag:s0] =	ssyncset.done @!p0 $0x0  }
0x4a: {  	[sflag:s0] =	ssyncadd.s32 @!p0 s1  }
0x4b: {  	[bflag:$0x3] =	sbarrier.arrive $0xFFFF  }
0x4c: {  	_ =	shalt  }

// kernel: kernel.23.cloned.1.call-start
scs
__scs_entry_jumppad:
0x0: {  	(pc) =	sbr.rel $0x88, $3  }
0x1: {  	(tag) =	ssettag $0x0;
	lr =	simm.s32 $0x1  }
0x2: {  	[smem:$0x3F90] =	sst lr;
	_ =	strace $0xD0000000  }
0x3: {  	_ = 	snop  }
0x4: {  	_ = 	snop  }
0x5: {  	_ = 	snop  }
0x6: {  	_ = 	snop  }
0x7: {  	_ = 	snop  }
__scs_overlays_trampoline_lowered:
0x8: {  	[smem:$0x3F9F] =	sst s0  }
0x9: {  	[smem:$0x3FA0] =	sst s1  }
0xa: {  	[smem:$0x3FA1] =	sst s2  }
0xb: {  	[smem:$0x3FA2] =	sst s3  }
0xc: {  	[smem:$0x3FA3] =	sst s4  }
0xd: {  	[smem:$0x3FA4] =	sst s5  }
0xe: {  	[smem:$0x3FA5] =	sst s6  }
0xf: {  	[smem:$0x3FA6] =	sst s7  }
0x10: {  	[smem:$0x3FA7] =	sst s8  }
0x11: {  	[smem:$0x3FA8] =	sst s9;
	s0 =	simm.s32 @!p0 $0x0  }
0x12: {  	s1 =	sld [smem:$0x3F8E];
	s0 =	simm.s32 @p0 $0x1  }
0x13: {  	[smem:$0x3FA9] =	sst s0;
	s0 =	simm.s32 @!p1 $0x0  }
0x14: {  	s2 =	sld [smem:$0x3F8D];
	s0 =	simm.s32 @p1 $0x1  }
0x15: {  	[smem:$0x3FAA] =	sst s0;
	s0 =	simm.s32 @!p2 $0x0  }
0x16: {  	s3 =	sld [smem:$0x3FDB];
	s0 =	simm.s32 @p2 $0x1  }
0x17: {  	s4 =	simm.s32 $0x1BF5;
	[smem:$0x3FAC] =	sst s0  }
0x18: {  	s0 =	sld [smem:$0x3F8F];
	_ =	swait.ge [sflag:s4], $0x0  }
0x19: {  	s7 =	sld [smem:$0x3F90]  }
0x1a: {  	s8 =	sadd.s32 $0xFFFFE003, lr  }
0x1b: {  	s9 =	sadd.s32 $0xFFFFFEF7, lr;
	s5 =	simm.s32 $0xFFFFFFFF;
	p2 =	slt.u32 s8, $0xFFFFF086  }
0x1c: {  	p1 =	slt.u32 s9, $0xF7A;
	s5 =	simm.s32 @!p2 $0x0  }
0x1d: {  	s5 =	simm.s32 @p1 $0x1;
	p0 =	seq.s32 s7, s2  }
0x1e: {  	s7 =	smul.u32 @!p0 $0xF7A, s2;
	p2 =	seq.s32 @!p0 s5, $0x0  }
0x1f: {  	s9 =	smul.u32 $0xF7A, s1;
	s8 =	simm.s32 @!p0 $0x1BF5;
	p2 =	por !p2, p0  }
0x20: {  	[sflag:s8] =	ssyncset.s32 @!p0 $0xFFFFF086;
	s6 =	sadd.s32 @!p0 s3, s7;
	s7 =	simm.s32 @!p0 $0x108  }
0x21: {  	s3 =	sadd.s32 s3, s9;
	s6 =	sadd.s32 @!p0 $0x88, s6;
	s7 =	simm.s32 @p2 $0x1082  }
0x22: {  	[simem:s7], [sflag:s8] =	dma.local @!p0 [hbm:s6], $0xF7A  }
0x23: {  	s9 =	sor.u32 $0xD0000000, s2;
	s6 =	simm.s32 $0x108;
	_ =	swait.ge @!p0 [sflag:s8], $0x0  }
0x24: {  	s3 =	sadd.s32 $0x88, s3;
	s6 =	simm.s32 @!p1 $0x1082;
	[sflag:s4] =	ssyncset.s32 $0xFFFFF086  }
0x25: {  	[simem:s6], [sflag:s4] =	dma.local [hbm:s3], $0xF7A  }
0x26: {  	[smem:$0x3F90] =	sst s1;
	(tag) =	ssettag s2;
	_ =	strace s9  }
0x27: {  	s1 =	sld [smem:$0x3FA0]  }
0x28: {  	s2 =	sld [smem:$0x3FA1]  }
0x29: {  	s4 =	sld [smem:$0x3FA3]  }
0x2a: {  	p0 =	seq.s32 s5, $0x0;
	s5 =	sld [smem:$0x3FA4]  }
0x2b: {  	s6 =	sld [smem:$0x3FA5]  }
0x2c: {  	s7 =	sld [smem:$0x3FA6]  }
0x2d: {  	s3 =	simm.s32 $0x108;
	s8 =	sld [smem:$0x3FA7]  }
0x2e: {  	s3 =	simm.s32 @!p0 $0x1082;
	s9 =	sld [smem:$0x3FA8]  }
0x2f: {  	lr =	sadd.s32 s0, s3;
	s0 =	sld [smem:$0x3F9F]  }
0x30: {  	s3 =	sld [smem:$0x3FA2]  }
0x31: {  	[smem:$0x3FAB] =	sst s10  }
0x32: {  	s10 =	sld [smem:$0x3FA9];
	_ =	sdelay $0x3  }
0x33: {  	p0 =	seq.s32 s10, $0x1;
	s10 =	sld [smem:$0x3FAB];
	_ =	sdelay $0x3  }
0x34: {  	[smem:$0x3FAB] =	sst s10  }
0x35: {  	s10 =	sld [smem:$0x3FAA];
	_ =	sdelay $0x3  }
0x36: {  	p1 =	seq.s32 s10, $0x1;
	s10 =	sld [smem:$0x3FAB];
	_ =	sdelay $0x3  }
0x37: {  	[smem:$0x3FAB] =	sst s10  }
0x38: {  	s10 =	sld [smem:$0x3FAC]  }
0x39: {  	_ = 	snop;
	(pc) =	sbr.ind lr, $3  }
0x3a: {  	_ = 	snop  }
0x3b: {  	_ = 	snop  }
0x3c: {  	p2 =	seq.s32 s10, $0x1;
	s10 =	sld [smem:$0x3FAB]  }
0x3d: {  	_ =	shalt  }
0x3e: {  	_ =	shalt  }
0x3f: {  	_ =	shalt  }
0x40: {  	_ =	shalt  }
0x41: {  	_ =	shalt  }
0x42: {  	_ =	shalt  }
0x43: {  	_ =	shalt  }
0x44: {  	_ =	shalt  }
0x45: {  	_ =	shalt  }
0x46: {  	_ =	shalt  }
0x47: {  	_ =	shalt  }
0x48: {  	_ =	shalt  }
0x49: {  	_ =	shalt  }
0x4a: {  	_ =	shalt  }
0x4b: {  	_ =	shalt  }
0x4c: {  	_ =	shalt  }
0x4d: {  	_ =	shalt  }
0x4e: {  	_ =	shalt  }
0x4f: {  	_ =	shalt  }
0x50: {  	_ =	shalt  }
0x51: {  	_ =	shalt  }
0x52: {  	_ =	shalt  }
0x53: {  	_ =	shalt  }
0x54: {  	_ =	shalt  }
0x55: {  	_ =	shalt  }
0x56: {  	_ =	shalt  }
0x57: {  	_ =	shalt  }
0x58: {  	_ =	shalt  }
0x59: {  	_ =	shalt  }
0x5a: {  	_ =	shalt  }
0x5b: {  	_ =	shalt  }
0x5c: {  	_ =	shalt  }
0x5d: {  	_ =	shalt  }
0x5e: {  	_ =	shalt  }
0x5f: {  	_ =	shalt  }
0x60: {  	_ =	shalt  }
0x61: {  	_ =	shalt  }
0x62: {  	_ =	shalt  }
0x63: {  	_ =	shalt  }
0x64: {  	_ =	shalt  }
0x65: {  	_ =	shalt  }
0x66: {  	_ =	shalt  }
0x67: {  	_ =	shalt  }
0x68: {  	_ =	shalt  }
0x69: {  	_ =	shalt  }
0x6a: {  	_ =	shalt  }
0x6b: {  	_ =	shalt  }
0x6c: {  	_ =	shalt  }
0x6d: {  	_ =	shalt  }
0x6e: {  	_ =	shalt  }
0x6f: {  	_ =	shalt  }
0x70: {  	_ =	shalt  }
0x71: {  	_ =	shalt  }
0x72: {  	_ =	shalt  }
0x73: {  	_ =	shalt  }
0x74: {  	_ =	shalt  }
0x75: {  	_ =	shalt  }
0x76: {  	_ =	shalt  }
0x77: {  	_ =	shalt  }
0x78: {  	_ =	shalt  }
0x79: {  	_ =	shalt  }
0x7a: {  	_ =	shalt  }
0x7b: {  	_ =	shalt  }
0x7c: {  	_ =	shalt  }
0x7d: {  	_ =	shalt  }
0x7e: {  	_ =	shalt  }
0x7f: {  	_ =	shalt  }
0x80: {  	_ =	shalt  }
0x81: {  	_ =	shalt  }
0x82: {  	_ =	shalt  }
0x83: {  	_ =	shalt  }
0x84: {  	_ =	shalt  }
0x85: {  	_ =	shalt  }
0x86: {  	_ =	shalt  }
0x87: {  	_ =	shalt  }
.Lfunc_end0:
.L_simem_size_0:
called_computation.2_lowered:
.L_overlay_start_0:
0x88: {  	s2 =	sld [smem:$0x3FD9]  }
0x89: {  	s3 =	sld [smem:$0x3FFE];
	_ =	sdelay $0x1  }
0x8a: {  	s1 =	srdreg.scid  }
0x8b: {  	s0 =	sand.u32 $0x1, s1  }
0x8c: {  	s17 =	sshll.u32 s0, $0xA;
	s2 =	sadd.s32 s3, s2  }
0x8d: {  	s2 =	sadd.s32 s2, s17  }
0x8e: {  	[smem:$0x3FB7] =	sst s2  }
0x8f: {  	_ = 	snop  }
0x90: {  	(tm) =	ssettm $0x1  }
0x91: {  	s18 =	sld [smem:$0x3FFB];
	_ =	sdelay $0x3  }
0x92: {  	_ =	strace s18  }
0x93: {  	s2 =	sld [smem:$0x3FFC];
	_ =	sdelay $0x3  }
0x94: {  	_ =	strace s2  }
0x95: {  	s2 =	sld [smem:$0x3FFD];
	_ =	sdelay $0x3  }
0x96: {  	_ =	strace s2  }
0x97: {  	_ =	strace $0x8FFFFFFF  }
0x98: {  	s19 =	sld [smem:$0x3FDB];
	_ =	sdelay $0x1  }
0x99: {  	s20 =	simm.s32 $_scs_section_size  }
0x9a: {  	s4 =	simm.s32 $_size__tile_overlayer_lowered;
	s5 =	simm.s32 $_tile_overlayer_lowered  }
0x9b: {  	s6 =	simm.s32 $0x1BFF;
	s21 =	sshll.u32 s5, $0x1;
	s3 =	sadd.s32 s20, s19  }
0x9c: {  	s22 =	simm.s32 $0x0;
	s4 =	sshll.u32 s4, $0x1;
	s5 =	sadd.s32 s21, s3  }
0x9d: {  	[timem:s22], [sflag:s6] =	dma.local [hbm:s5], s4  }
0x9e: {  	_ =	swait.ge [sflag:s6], s4  }
0x9f: {  	s4 =	ssub.s32 $0x0, s4;
	[sflag:s6] =	ssyncset.done $0x0  }
0xa0: {  	[sflag:s6] =	ssyncadd.s32 s4;
	_ =	sdelay $0x1  }
0xa1: {  	s23 =	simm.s32 $0x1B8B  }
0xa2: {  	_ =	swait.ge [sflag:s23], $0x1  }
0xa3: {  	[sflag:s23] =	ssyncset.done $0x0  }
0xa4: {  	[sflag:s23] =	ssyncadd.s32 $0xFFFFFFFF  }
0xa5: {  	s4 =	sld [smem:$0x0]  }
0xa6: {  	s5 =	sand.u32 $0xFFFFFFFE, s1  }
0xa7: {  	p0 =	sne.s32 s1, s5  }
0xa8: {  	s5 =	sshll.u32 @p0 s5, $0xE  }
0xa9: {  	s5 =	sadd.s32 @p0 $0x11B8D, s5;
	s6 =	sshll.u32 @p0 s4, $0x11  }
0xaa: {  	s5 =	sor.u32 @p0 s6, s5  }
0xab: {  	[sflag:s5] =	ssyncadd.remote.s32 @p0 $0x1;
	_ =	sdelay $0x1  }
0xac: {  	s5 =	simm.s32 @p0 $0x1B8D  }
0xad: {  	_ =	swait.eq @p0 [sflag:s5], $0x1  }
0xae: {  	[sflag:s5] =	ssyncadd.s32 @p0 $0xFFFFFFFF  }
0xaf: {  	s6 =	sshll.u32 @!p0 s1, $0xE  }
0xb0: {  	s6 =	sor.u32 @!p0 $0x4000, s6;
	s5 =	simm.s32 @!p0 $0x1B8D  }
0xb1: {  	s4 =	sshll.u32 @!p0 s4, $0x11;
	s6 =	sadd.s32 @!p0 $0x11B8D, s6;
	_ =	swait.eq @!p0 [sflag:s5], $0x1  }
0xb2: {  	s4 =	sor.u32 @!p0 s4, s6;
	[sflag:s5] =	ssyncadd.s32 @!p0 $0xFFFFFFFF  }
0xb3: {  	s25 =	simm.s32 $0x1B8E;
	s24 =	sld [smem:$0x3FFE];
	[sflag:s4] =	ssyncadd.remote.s32 @!p0 $0x1  }
0xb4: {  	s26 =	simm.s32 $execute0_lowered;
	[smem:$0x3FD2] =	sst s25  }
0xb5: {  	s5 =	sshll.u32 s26, $0x1;
	_ =	strace $0x8000004C;
	[dreg:$0x1] =	wrdreg $0xFFFFFFFF  }
0xb6: {  	s28 =	simm.s32 $_size_execute0_lowered;
	s3 =	sadd.s32 s3, s5;
	[dreg:$0x0] =	wrdreg $0x0  }
0xb7: {  	s5 =	sshll.u32 s28, $0x1;
	[dreg:$0x2] =	wrdreg s3  }
0xb8: {  	[dreg:$0x3] =	wrdreg s5  }
0xb9: {  	[dreg:$0x4] =	wrdreg $0xC0  }
0xba: {  	_ =	task [dreg:s22], $0x5FFFF  }
0xbb: {  	[dreg:$0x1] =	wrdreg $0xFFFFFFFF  }
0xbc: {  	[dreg:$0x0] =	wrdreg $0x60  }
0xbd: {  	[dreg:$0x2] =	wrdreg s24  }
0xbe: {  	[dreg:$0x3] =	wrdreg $0xA  }
0xbf: {  	_ =	task.clear_ibuf [dreg:s22], $0x4FFFF;
	_ =	strace $0x9000004C  }
0xc0: {  	s29 =	simm.s32 $0xA;
	_ =	strace $0x8000004E  }
0xc1: {  	_ =	swait.ge [sflag:s29], $0x1  }
0xc2: {  	[sflag:s29] =	ssyncadd.s32 $0xFFFFFFFF  }
0xc3: {  	_ =	strace $0x9000004E  }
0xc4: {  	_ =	sfence  }
0xc5: {  	s30 =	sld [smem:$0x0];
	_ =	sdelay $0x2  }
0xc6: {  	s31 =	sshll.u32 s1, $0xD;
	s1 =	sshrl.u32 s1, $0x2  }
0xc7: {  	s4 =	sand.u32 $0x4000, s31;
	s1 =	sadd.s32 s1, s30  }
0xc8: {  	s0 =	sor.u32 s4, s0;
	s1 =	sshll.u32 s1, $0x11  }
0xc9: {  	s0 =	sor.u32 s1, s0  }
0xca: {  	s0 =	sadd.s32 $0x8F2B, s0  }
0xcb: {  	[sflag:s0] =	ssyncadd.remote.s32 $0x1  }
0xcc: {  	_ =	sfence.sel $0xFFFF  }
0xcd: {  	[dreg:$0x0] =	wrdreg $0xFFFFFFFF;
	(pc) =	sbr.abs _section_cstart, $3  }
0xce: {  	[dreg:$0x1] =	wrdreg $0xFFFFFFFF  }
0xcf: {  	_ =	task.clear_ibuf [dreg:s22], $0x2FFFF;
	_ =	strace $0x9FFFFFFF  }
0xd0: {  	(tm) =	ssettm $0x7FFFFFFF  }
0xd1: {  	_ =	shalt  }
tec
execute0_lowered:
.L_overlay_start_1:
0x0: {  	(tag) =	ssettag $0x1  }
0x1: {  	s1 =	srdreg.scid  }
0x2: {  	s0 =	stileid.u32;
	s4 =	rddreg [dreg:$0x0]  }
0x3: {  	s2 =	simm.s32 $0x0;
	s9 =	simm.s32 $0x1;
	s10 =	simm.s32 $0x2800  }
0x4: {  	s11 =	simm.s32 $0x3C00;
	s3 =	sand.u32 $0x1, s1;
	s5 =	sshll.u32 s0, $0x1  }
0x5: {  	s12 =	simm.s32 $0x5000;
	s13 =	simm.s32 $0x6400;
	s5 =	sor.u32 s3, s5  }
0x6: {  	s1 =	rddreg [dreg:$0x1];
	s6 =	ssub.s32 $0x2, s3;
	s5 =	smul.u32 $0x280, s5  }
0x7: {  	s14 =	simm.s32 $0x0;
	[smem:$0x7FF] =	sst s2;
	s31 =	sshrl.u32 s6, $0x1  }
0x8: {  	_ =	strace $0x8000004D;
	s8 =	ssub.s32 s6, s31;
	s7 =	sadd.s32 s5, s4  }
0x9: {  	s3 =	sadd.s32 $0x2D000, s4;
	s8 =	smax.u32 s8, $0x1;
	s4 =	sadd.s32 $0x55000, s7  }
0xa: {  	s5 =	sadd.s32 $0x5A000, s7;
	s6 =	sadd.s32 $0x4D600, s7;
	s7 =	sadd.s32 $0x5F000, s7  }
.LBB2_1:
0xb: {  	[tilespmem:s2], [sflag:$0x1] =	stream.linear.gather [hbm4b:s3+s2], $0x2800, $0x38;
	[tilespmem:$0x7800] =	vst v63  }
0xc: {  	_ =	swait.ge [sflag:s9], $0x2800  }
0xd: {  	[sflag:s9] =	ssyncset.done $0x0  }
0xe: {  	[sflag:s9] =	ssyncadd.s32 $0xFFFFD800  }
0xf: {  	[tilespmem:s10], [sflag:$0x1] =	stream.linear.gather [hbm4b:s4+s2], $0x1400, $0x38;
	[tilespmem:$0x7800] =	vst v63  }
0x10: {  	_ =	swait.ge [sflag:s9], $0x1400  }
0x11: {  	[sflag:s9] =	ssyncset.done $0x0  }
0x12: {  	[sflag:s9] =	ssyncadd.s32 $0xFFFFEC00  }
0x13: {  	[tilespmem:s11], [sflag:$0x1] =	stream.linear.gather [hbm4b:s5+s2], $0x1400, $0x38;
	[tilespmem:$0x7800] =	vst v63  }
0x14: {  	_ =	swait.ge [sflag:s9], $0x1400  }
0x15: {  	[sflag:s9] =	ssyncset.done $0x0  }
0x16: {  	s15 =	simm.s32 $0x0;
	[sflag:s9] =	ssyncadd.s32 $0xFFFFEC00  }
0x17: {  	v0 =	vld [tilespmem:s15+$0x2800]  }
0x18: {  	v2 =	vld [tilespmem:s15+$0x3C00];
	_ =	sdelay $0x6  }
0x19: {  	v1 =	vld.idx.msk [tilespmem:v0+s2+$0x0], $0xffff  }
0x1a: {  	v2 =	vld.idx.msk [tilespmem:v2+s2+$0x0], $0xffff  }
0x1b: {  	s16 =	simm.s32 $0x10  }
0x1c: {  	s17 =	simm.s32 $0x80;
	v0 =	vld [tilespmem:s16+$0x2800]  }
.LBB2_2:
0x1d: {  	p0 =	sne.s32 s17, $0x4FC0;
	v3 =	vld [tilespmem:s16+$0x3C00];
	_ =	sdelay $0x1  }
0x1e: {  	vm0 =	vlt.s32 v1, $0x1F40;
	vm1 =	vlt.s32 v2, $0x1F40  }
0x1f: {  	vm0 =	vmand vm0, vm1  }
0x20: {  	v1 =	vnsel vm0, $0x0, v1;
	v2 =	vnsel vm0, $0x1F40, v2  }
0x21: {  	[tilespmem:s15+$0x5000] =	vst v1  }
0x22: {  	[tilespmem:s15+$0x6400] =	vst v2;
	s15 =	smov.u32 s16  }
.Ltmp0:
0x23: {  	v1 =	vld.idx.msk [tilespmem:v0+s2+$0x0], $0xffff;
	(pc) =	sbr.rel @p0 .LBB2_2-.Ltmp0, $3  }
0x24: {  	v2 =	vld.idx.msk [tilespmem:v3+s2+$0x0], $0xffff;
	_ =	sdelay $0x1  }
0x25: {  	s16 =	sshra.s32 s17, $0x2  }
0x26: {  	s17 =	sadd.s32 $0x40, s17;
	v0 =	vld [tilespmem:s16+$0x2800]  }
0x27: {  	_ = 	snop  }
0x28: {  	v3 =	vld [tilespmem:s16+$0x3C00];
	_ =	sdelay $0x1  }
0x29: {  	vm0 =	vlt.s32 v1, $0x1F40;
	vm1 =	vlt.s32 v2, $0x1F40  }
0x2a: {  	vm0 =	vmand vm0, vm1  }
0x2b: {  	v62 =	vnsel vm0, $0x0, v1  }
0x2c: {  	v63 =	vnsel vm0, $0x1F40, v2;
	[tilespmem:s15+$0x5000] =	vst v62  }
0x2d: {  	[tilespmem:s15+$0x6400] =	vst v63  }
0x2e: {  	v0 =	vld.idx.msk [tilespmem:v0+s2+$0x0], $0xffff  }
0x2f: {  	v1 =	vld.idx.msk [tilespmem:v3+s2+$0x0], $0xffff;
	_ =	sdelay $0x4  }
0x30: {  	vm14 =	vlt.s32 v0, $0x1F40;
	vm15 =	vlt.s32 v1, $0x1F40  }
0x31: {  	vm0 =	vmand vm14, vm15  }
0x32: {  	v0 =	vnsel vm0, $0x0, v0  }
0x33: {  	v1 =	vnsel vm0, $0x1F40, v1;
	[tilespmem:s16+$0x5000] =	vst v0  }
0x34: {  	[tilespmem:s16+$0x6400] =	vst v1  }
0x35: {  	[hbm4b:s6+s2] =	stream.linear.scatter [tilespmem:s12], [sflag:$0x1], $0x1400, $0x38;
	[tilespmem:$0x7800] =	vst v63  }
0x36: {  	s14 =	sadd.s32 $0x1, s14;
	_ =	swait.ge [sflag:s9], $0x1400  }
0x37: {  	p0 =	sne.s32 s14, s8;
	[sflag:s9] =	ssyncset.done $0x0  }
.Ltmp1:
0x38: {  	[sflag:s9] =	ssyncadd.s32 $0xFFFFEC00;
	(pc) =	sbr.rel @p0 .LBB2_1-.Ltmp1, $4  }
0x39: {  	[hbm4b:s7+s2] =	stream.linear.scatter [tilespmem:s13], [sflag:$0x1], $0x1400, $0x38;
	[tilespmem:$0x7800] =	vst v63  }
0x3a: {  	_ =	swait.ge [sflag:s9], $0x1400  }
0x3b: {  	[sflag:s9] =	ssyncset.done $0x0  }
0x3c: {  	[sflag:s9] =	ssyncadd.s32 $0xFFFFEC00  }
0x3d: {  	_ =	sfence.sel $0x180000  }
0x3e: {  	[bflag:$0x0] =	sbarrier.arrive $0xFFFF  }
0x3f: {  	p0 =	sne.s32 s0, $0x0;
	_ =	strace $0x9000004D  }
0x40: {  	s0 =	sadd.s32 @!p0 $0x100000, s1;
	[bflag:$0x2] =	sbarrier.arrive $0xFFFF  }
0x41: {  	[sflag:s0] =	ssyncadd.tile.s32 @!p0 $0x1;
	_ =	shalt  }
.Lfunc_end2:
_tile_overlayer_lowered:
.L_overlay_start_2:
0x42: {  	(tag) =	ssettag $0x2  }
0x43: {  	s0 =	rddreg [dreg:$0x0];
	s2 =	stileid.u32  }
0x44: {  	s1 =	rddreg [dreg:$0x1];
	p0 =	sne.s32 s2, $0x0  }
0x45: {  	s3 =	rddreg [dreg:$0x2];
	[bflag:$0x3] =	sbarrier.arrive $0xFFFF;
	s2 =	simm.s32 @!p0 $0x1C01  }
0x46: {  	[timem:s3], [sflag:s2] =	dma.local @!p0 [hbm:s0], s1  }
0x47: {  	s0 =	simm.s32 @!p0 $0x1  }
0x48: {  	_ =	swait.ge @!p0 [sflag:s0], s1  }
0x49: {  	s1 =	ssub.s32 @!p0 $0x0, s1;
	[sflag:s0] =	ssyncset.done @!p0 $0x0  }
0x4a: {  	[sflag:s0] =	ssyncadd.s32 @!p0 s1  }
0x4b: {  	[bflag:$0x3] =	sbarrier.arrive $0xFFFF  }
0x4c: {  	_ =	shalt  }

// kernel: kernel.26.cloned.1.call-start
scs
__scs_entry_jumppad:
0x0: {  	(pc) =	sbr.rel $0x88, $3  }
0x1: {  	(tag) =	ssettag $0x0;
	lr =	simm.s32 $0x1  }
0x2: {  	[smem:$0x3F90] =	sst lr;
	_ =	strace $0xD0000000  }
0x3: {  	_ = 	snop  }
0x4: {  	_ = 	snop  }
0x5: {  	_ = 	snop  }
0x6: {  	_ = 	snop  }
0x7: {  	_ = 	snop  }
__scs_overlays_trampoline_lowered:
0x8: {  	[smem:$0x3F9F] =	sst s0  }
0x9: {  	[smem:$0x3FA0] =	sst s1  }
0xa: {  	[smem:$0x3FA1] =	sst s2  }
0xb: {  	[smem:$0x3FA2] =	sst s3  }
0xc: {  	[smem:$0x3FA3] =	sst s4  }
0xd: {  	[smem:$0x3FA4] =	sst s5  }
0xe: {  	[smem:$0x3FA5] =	sst s6  }
0xf: {  	[smem:$0x3FA6] =	sst s7  }
0x10: {  	[smem:$0x3FA7] =	sst s8  }
0x11: {  	[smem:$0x3FA8] =	sst s9;
	s0 =	simm.s32 @!p0 $0x0  }
0x12: {  	s1 =	sld [smem:$0x3F8E];
	s0 =	simm.s32 @p0 $0x1  }
0x13: {  	[smem:$0x3FA9] =	sst s0;
	s0 =	simm.s32 @!p1 $0x0  }
0x14: {  	s2 =	sld [smem:$0x3F8D];
	s0 =	simm.s32 @p1 $0x1  }
0x15: {  	[smem:$0x3FAA] =	sst s0;
	s0 =	simm.s32 @!p2 $0x0  }
0x16: {  	s3 =	sld [smem:$0x3FDB];
	s0 =	simm.s32 @p2 $0x1  }
0x17: {  	s4 =	simm.s32 $0x1BF5;
	[smem:$0x3FAC] =	sst s0  }
0x18: {  	s0 =	sld [smem:$0x3F8F];
	_ =	swait.ge [sflag:s4], $0x0  }
0x19: {  	s7 =	sld [smem:$0x3F90]  }
0x1a: {  	s8 =	sadd.s32 $0xFFFFE003, lr  }
0x1b: {  	s9 =	sadd.s32 $0xFFFFFEF7, lr;
	s5 =	simm.s32 $0xFFFFFFFF;
	p2 =	slt.u32 s8, $0xFFFFF086  }
0x1c: {  	p1 =	slt.u32 s9, $0xF7A;
	s5 =	simm.s32 @!p2 $0x0  }
0x1d: {  	s5 =	simm.s32 @p1 $0x1;
	p0 =	seq.s32 s7, s2  }
0x1e: {  	s7 =	smul.u32 @!p0 $0xF7A, s2;
	p2 =	seq.s32 @!p0 s5, $0x0  }
0x1f: {  	s9 =	smul.u32 $0xF7A, s1;
	s8 =	simm.s32 @!p0 $0x1BF5;
	p2 =	por !p2, p0  }
0x20: {  	[sflag:s8] =	ssyncset.s32 @!p0 $0xFFFFF086;
	s6 =	sadd.s32 @!p0 s3, s7;
	s7 =	simm.s32 @!p0 $0x108  }
0x21: {  	s3 =	sadd.s32 s3, s9;
	s6 =	sadd.s32 @!p0 $0x88, s6;
	s7 =	simm.s32 @p2 $0x1082  }
0x22: {  	[simem:s7], [sflag:s8] =	dma.local @!p0 [hbm:s6], $0xF7A  }
0x23: {  	s9 =	sor.u32 $0xD0000000, s2;
	s6 =	simm.s32 $0x108;
	_ =	swait.ge @!p0 [sflag:s8], $0x0  }
0x24: {  	s3 =	sadd.s32 $0x88, s3;
	s6 =	simm.s32 @!p1 $0x1082;
	[sflag:s4] =	ssyncset.s32 $0xFFFFF086  }
0x25: {  	[simem:s6], [sflag:s4] =	dma.local [hbm:s3], $0xF7A  }
0x26: {  	[smem:$0x3F90] =	sst s1;
	(tag) =	ssettag s2;
	_ =	strace s9  }
0x27: {  	s1 =	sld [smem:$0x3FA0]  }
0x28: {  	s2 =	sld [smem:$0x3FA1]  }
0x29: {  	s4 =	sld [smem:$0x3FA3]  }
0x2a: {  	p0 =	seq.s32 s5, $0x0;
	s5 =	sld [smem:$0x3FA4]  }
0x2b: {  	s6 =	sld [smem:$0x3FA5]  }
0x2c: {  	s7 =	sld [smem:$0x3FA6]  }
0x2d: {  	s3 =	simm.s32 $0x108;
	s8 =	sld [smem:$0x3FA7]  }
0x2e: {  	s3 =	simm.s32 @!p0 $0x1082;
	s9 =	sld [smem:$0x3FA8]  }
0x2f: {  	lr =	sadd.s32 s0, s3;
	s0 =	sld [smem:$0x3F9F]  }
0x30: {  	s3 =	sld [smem:$0x3FA2]  }
0x31: {  	[smem:$0x3FAB] =	sst s10  }
0x32: {  	s10 =	sld [smem:$0x3FA9];
	_ =	sdelay $0x3  }
0x33: {  	p0 =	seq.s32 s10, $0x1;
	s10 =	sld [smem:$0x3FAB];
	_ =	sdelay $0x3  }
0x34: {  	[smem:$0x3FAB] =	sst s10  }
0x35: {  	s10 =	sld [smem:$0x3FAA];
	_ =	sdelay $0x3  }
0x36: {  	p1 =	seq.s32 s10, $0x1;
	s10 =	sld [smem:$0x3FAB];
	_ =	sdelay $0x3  }
0x37: {  	[smem:$0x3FAB] =	sst s10  }
0x38: {  	s10 =	sld [smem:$0x3FAC]  }
0x39: {  	_ = 	snop;
	(pc) =	sbr.ind lr, $3  }
0x3a: {  	_ = 	snop  }
0x3b: {  	_ = 	snop  }
0x3c: {  	p2 =	seq.s32 s10, $0x1;
	s10 =	sld [smem:$0x3FAB]  }
0x3d: {  	_ =	shalt  }
0x3e: {  	_ =	shalt  }
0x3f: {  	_ =	shalt  }
0x40: {  	_ =	shalt  }
0x41: {  	_ =	shalt  }
0x42: {  	_ =	shalt  }
0x43: {  	_ =	shalt  }
0x44: {  	_ =	shalt  }
0x45: {  	_ =	shalt  }
0x46: {  	_ =	shalt  }
0x47: {  	_ =	shalt  }
0x48: {  	_ =	shalt  }
0x49: {  	_ =	shalt  }
0x4a: {  	_ =	shalt  }
0x4b: {  	_ =	shalt  }
0x4c: {  	_ =	shalt  }
0x4d: {  	_ =	shalt  }
0x4e: {  	_ =	shalt  }
0x4f: {  	_ =	shalt  }
0x50: {  	_ =	shalt  }
0x51: {  	_ =	shalt  }
0x52: {  	_ =	shalt  }
0x53: {  	_ =	shalt  }
0x54: {  	_ =	shalt  }
0x55: {  	_ =	shalt  }
0x56: {  	_ =	shalt  }
0x57: {  	_ =	shalt  }
0x58: {  	_ =	shalt  }
0x59: {  	_ =	shalt  }
0x5a: {  	_ =	shalt  }
0x5b: {  	_ =	shalt  }
0x5c: {  	_ =	shalt  }
0x5d: {  	_ =	shalt  }
0x5e: {  	_ =	shalt  }
0x5f: {  	_ =	shalt  }
0x60: {  	_ =	shalt  }
0x61: {  	_ =	shalt  }
0x62: {  	_ =	shalt  }
0x63: {  	_ =	shalt  }
0x64: {  	_ =	shalt  }
0x65: {  	_ =	shalt  }
0x66: {  	_ =	shalt  }
0x67: {  	_ =	shalt  }
0x68: {  	_ =	shalt  }
0x69: {  	_ =	shalt  }
0x6a: {  	_ =	shalt  }
0x6b: {  	_ =	shalt  }
0x6c: {  	_ =	shalt  }
0x6d: {  	_ =	shalt  }
0x6e: {  	_ =	shalt  }
0x6f: {  	_ =	shalt  }
0x70: {  	_ =	shalt  }
0x71: {  	_ =	shalt  }
0x72: {  	_ =	shalt  }
0x73: {  	_ =	shalt  }
0x74: {  	_ =	shalt  }
0x75: {  	_ =	shalt  }
0x76: {  	_ =	shalt  }
0x77: {  	_ =	shalt  }
0x78: {  	_ =	shalt  }
0x79: {  	_ =	shalt  }
0x7a: {  	_ =	shalt  }
0x7b: {  	_ =	shalt  }
0x7c: {  	_ =	shalt  }
0x7d: {  	_ =	shalt  }
0x7e: {  	_ =	shalt  }
0x7f: {  	_ =	shalt  }
0x80: {  	_ =	shalt  }
0x81: {  	_ =	shalt  }
0x82: {  	_ =	shalt  }
0x83: {  	_ =	shalt  }
0x84: {  	_ =	shalt  }
0x85: {  	_ =	shalt  }
0x86: {  	_ =	shalt  }
0x87: {  	_ =	shalt  }
.Lfunc_end0:
.L_simem_size_0:
called_computation.3_lowered:
.L_overlay_start_0:
0x88: {  	s2 =	sld [smem:$0x3FD9]  }
0x89: {  	s3 =	sld [smem:$0x3FFE];
	_ =	sdelay $0x1  }
0x8a: {  	s1 =	srdreg.scid  }
0x8b: {  	s0 =	sand.u32 $0x1, s1  }
0x8c: {  	s16 =	sshll.u32 s0, $0xA;
	s2 =	sadd.s32 s3, s2  }
0x8d: {  	s2 =	sadd.s32 s2, s16  }
0x8e: {  	[smem:$0x3FB7] =	sst s2  }
0x8f: {  	_ = 	snop  }
0x90: {  	(tm) =	ssettm $0x1  }
0x91: {  	s17 =	sld [smem:$0x3FFB];
	_ =	sdelay $0x3  }
0x92: {  	_ =	strace s17  }
0x93: {  	s2 =	sld [smem:$0x3FFC];
	_ =	sdelay $0x3  }
0x94: {  	_ =	strace s2  }
0x95: {  	s2 =	sld [smem:$0x3FFD];
	_ =	sdelay $0x3  }
0x96: {  	_ =	strace s2  }
0x97: {  	_ =	strace $0x8FFFFFFF  }
0x98: {  	s18 =	sld [smem:$0x3FDB];
	_ =	sdelay $0x1  }
0x99: {  	s19 =	simm.s32 $_scs_section_size  }
0x9a: {  	s4 =	simm.s32 $_size__tile_overlayer_lowered;
	s5 =	simm.s32 $_tile_overlayer_lowered  }
0x9b: {  	s22 =	simm.s32 $0x1BFF;
	s21 =	sshll.u32 s5, $0x1;
	s2 =	sadd.s32 s19, s18  }
0x9c: {  	s6 =	simm.s32 $0x0;
	s20 =	sshll.u32 s4, $0x1;
	s4 =	sadd.s32 s21, s2  }
0x9d: {  	[timem:s6], [sflag:s22] =	dma.local [hbm:s4], s20  }
0x9e: {  	_ =	swait.ge [sflag:s22], s20  }
0x9f: {  	s3 =	ssub.s32 $0x0, s20;
	[sflag:s22] =	ssyncset.done $0x0  }
0xa0: {  	[sflag:s22] =	ssyncadd.s32 s3;
	_ =	sdelay $0x1  }
0xa1: {  	s23 =	simm.s32 $0x1B8B  }
0xa2: {  	_ =	swait.ge [sflag:s23], $0x1  }
0xa3: {  	[sflag:s23] =	ssyncset.done $0x0  }
0xa4: {  	s25 =	simm.s32 $0x1B8E;
	s24 =	sld [smem:$0x3FFE];
	[sflag:s23] =	ssyncadd.s32 $0xFFFFFFFF  }
0xa5: {  	s26 =	simm.s32 $execute0_lowered;
	[smem:$0x3FD2] =	sst s25  }
0xa6: {  	s4 =	sshll.u32 s26, $0x1;
	_ =	strace $0x8000004F;
	[dreg:$0x1] =	wrdreg $0xFFFFFFFF  }
0xa7: {  	s28 =	simm.s32 $_size_execute0_lowered;
	s2 =	sadd.s32 s2, s4;
	[dreg:$0x0] =	wrdreg $0x0  }
0xa8: {  	s4 =	sshll.u32 s28, $0x1;
	[dreg:$0x2] =	wrdreg s2  }
0xa9: {  	[dreg:$0x3] =	wrdreg s4  }
0xaa: {  	[dreg:$0x4] =	wrdreg $0xC0  }
0xab: {  	_ =	task [dreg:s6], $0x5FFFF  }
0xac: {  	[dreg:$0x1] =	wrdreg $0xFFFFFFFF  }
0xad: {  	[dreg:$0x0] =	wrdreg $0x60  }
0xae: {  	[dreg:$0x2] =	wrdreg s24  }
0xaf: {  	[dreg:$0x3] =	wrdreg $0x9  }
0xb0: {  	_ =	task.clear_ibuf [dreg:s6], $0x4FFFF;
	_ =	strace $0x9000004F  }
0xb1: {  	s29 =	simm.s32 $0x9;
	_ =	strace $0x80000051  }
0xb2: {  	_ =	swait.ge [sflag:s29], $0x1  }
0xb3: {  	[sflag:s29] =	ssyncadd.s32 $0xFFFFFFFF  }
0xb4: {  	_ =	strace $0x90000051  }
0xb5: {  	_ =	sfence  }
0xb6: {  	s30 =	sld [smem:$0x0];
	_ =	sdelay $0x2  }
0xb7: {  	s31 =	sshll.u32 s1, $0xD;
	s1 =	sshrl.u32 s1, $0x2  }
0xb8: {  	s3 =	sand.u32 $0x4000, s31;
	s1 =	sadd.s32 s1, s30  }
0xb9: {  	s0 =	sor.u32 s3, s0;
	s1 =	sshll.u32 s1, $0x11  }
0xba: {  	s0 =	sor.u32 s1, s0  }
0xbb: {  	s0 =	sadd.s32 $0x8F2B, s0  }
0xbc: {  	[sflag:s0] =	ssyncadd.remote.s32 $0x1  }
0xbd: {  	_ =	sfence.sel $0xFFFF  }
0xbe: {  	[dreg:$0x0] =	wrdreg $0xFFFFFFFF;
	(pc) =	sbr.abs _section_cstart, $3  }
0xbf: {  	[dreg:$0x1] =	wrdreg $0xFFFFFFFF  }
0xc0: {  	_ =	task.clear_ibuf [dreg:s6], $0x2FFFF;
	_ =	strace $0x9FFFFFFF  }
0xc1: {  	(tm) =	ssettm $0x7FFFFFFF  }
tec
execute0_lowered:
.L_overlay_start_1:
0x0: {  	(tag) =	ssettag $0x1  }
0x1: {  	s7 =	rddreg [dreg:$0x0]  }
0x2: {  	s0 =	rddreg [dreg:$0x1]  }
0x3: {  	s2 =	simm.s32 $0x0;
	s3 =	srdreg.scid;
	s1 =	stileid.u32  }
0x4: {  	s10 =	simm.s32 $0x2;
	s11 =	simm.s32 $0x1000;
	s12 =	simm.s32 $0x80  }
0x5: {  	s13 =	simm.s32 $0x2000;
	s16 =	simm.s32 $0x0;
	[smem:$0x7FF] =	sst s2  }
0x6: {  	s6 =	sand.u32 $0x1, s3;
	s5 =	sshll.u32 s1, $0x9;
	s3 =	sadd.s32 $0x2D600, s7  }
0x7: {  	s4 =	sadd.s32 $0x4D600, s7;
	_ =	strace $0x80000050;
	s8 =	sshll.u32 s6, $0x8  }
.Ltmp0:
0x8: {  	s9 =	ssub.s32 $0x2, s6;
	s6 =	sadd.s32 $0x52600, s7;
	(pc) =	sbr.rel .LBB2_1-.Ltmp0, $4  }
0x9: {  	s14 =	sor.u32 s8, s5;
	s5 =	sadd.s32 $0x5F000, s7;
	s31 =	sshrl.u32 s9, $0x1  }
0xa: {  	s8 =	sshll.u32 s14, $0x4;
	s15 =	sadd.s32 $0x100, s14;
	v0 =	vmov s14;
	s14 =	simm.s32 $0x2200  }
0xb: {  	s7 =	sadd.s32 s8, s7;
	s8 =	ssub.s32 s9, s31;
	s9 =	simm.s32 $0x6200  }
0xc: {  	v2 =	vimm.s32 $0x0;
	v1 =	vmov s15;
	s15 =	simm.s32 $0x1;
	s7 =	sadd.s32 $0x5000, s7;
	s8 =	smax.u32 s8, $0x1  }
.LBB2_13:
0xd: {  	[tilespmem:s19+$0x6270] =	vst v3  }
.LBB2_14:
0xe: {  	s16 =	sadd.s32 $0x1, s16  }
0xf: {  	p0 =	sne.s32 s16, s8  }
.Ltmp1:
0x10: {  	_ = 	snop;
	(pc) =	sbr.rel @!p0 .LBB2_15-.Ltmp1, $4  }
0x11: {  	[hbm4b:s7+s2] =	stream.linear.scatter [tilespmem:s9], [sflag:$0x2], $0x8000, $0x38;
	[tilespmem:$0xE200] =	vst v63  }
0x12: {  	_ =	swait.ge [sflag:s10], $0x8000  }
0x13: {  	[sflag:s10] =	ssyncset.done $0x0  }
0x14: {  	[sflag:s10] =	ssyncadd.s32 $0xFFFF8000  }
.LBB2_1:
0x15: {  	[tilespmem:s9], [sflag:$0x2] =	stream.linear.gather [hbm4b:s6+s2], $0x8000, $0x38;
	[tilespmem:$0xE200] =	vst v63  }
0x16: {  	_ =	swait.ge [sflag:s10], $0x8000  }
0x17: {  	[sflag:s10] =	ssyncset.done $0x0  }
0x18: {  	[sflag:s10] =	ssyncadd.s32 $0xFFFF8000  }
0x19: {  	[tilespmem:$0x2000] =	vst v2  }
0x1a: {  	[tilespmem:$0x2010] =	vst v2  }
0x1b: {  	[tilespmem:$0x2020] =	vst v2  }
0x1c: {  	[tilespmem:$0x2030] =	vst v2  }
0x1d: {  	[tilespmem:$0x2040] =	vst v2  }
0x1e: {  	[tilespmem:$0x2050] =	vst v2  }
0x1f: {  	[tilespmem:$0x2060] =	vst v2  }
0x20: {  	[tilespmem:$0x2070] =	vst v2  }
0x21: {  	[tilespmem:$0x2080] =	vst v2  }
0x22: {  	[tilespmem:$0x2090] =	vst v2  }
0x23: {  	[tilespmem:$0x20A0] =	vst v2  }
.Ltmp2:
0x24: {  	[tilespmem:$0x20B0] =	vst v2;
	(pc) =	sbr.rel .LBB2_2-.Ltmp2, $4  }
0x25: {  	[tilespmem:$0x20C0] =	vst v2  }
0x26: {  	[tilespmem:$0x20D0] =	vst v2  }
0x27: {  	[tilespmem:$0x20E0] =	vst v2  }
0x28: {  	s20 =	simm.s32 $0x0;
	s17 =	simm.s32 $0x0;
	[tilespmem:$0x20F0] =	vst v2  }
.LBB2_9:
0x29: {  	s17 =	sadd.s32 $0x1, s17  }
0x2a: {  	p0 =	sne.s32 s17, $0x28  }
.Ltmp3:
0x2b: {  	_ = 	snop;
	(pc) =	sbr.rel @!p0 .LBB2_10-.Ltmp3, $1  }
0x2c: {  	_ =	sdelay $0x3  }
.LBB2_2:
0x2d: {  	s19 =	sshll.u32 s17, $0x9  }
0x2e: {  	s18 =	simm.s32 $0x0;
	s21 =	sadd.s32 s4, s19  }
0x2f: {  	[tilespmem:s18], [sflag:$0x2] =	stream.linear.gather [hbm4b:s21+s18], $0x1000, $0x38;
	[tilespmem:$0xE200] =	vst v63  }
0x30: {  	_ =	swait.ge [sflag:s10], $0x1000  }
0x31: {  	[sflag:s10] =	ssyncset.done $0x0  }
.Ltmp4:
0x32: {  	s19 =	sadd.s32 s5, s19;
	[sflag:s10] =	ssyncadd.s32 $0xFFFFF000;
	(pc) =	sbr.rel .LBB2_3-.Ltmp4, $4  }
0x33: {  	[tilespmem:s11], [sflag:$0x2] =	stream.linear.gather [hbm4b:s19+s18], $0x1000, $0x38;
	[tilespmem:$0xE200] =	vst v63  }
0x34: {  	_ =	swait.ge [sflag:s10], $0x1000  }
0x35: {  	[sflag:s10] =	ssyncset.done $0x0  }
0x36: {  	[sflag:s10] =	ssyncadd.s32 $0xFFFFF000  }
.LBB2_4:
0x37: {  	s19 =	smov.u32 @p0 s20  }
0x38: {  	s20 =	smov.u32 s19  }
.LBB2_8:
0x39: {  	s18 =	sadd.s32 $0x1, s18  }
0x3a: {  	p0 =	sne.s32 s18, $0x100  }
.Ltmp5:
0x3b: {  	_ = 	snop;
	(pc) =	sbr.rel @!p0 .LBB2_9-.Ltmp5, $1  }
0x3c: {  	_ =	sdelay $0x3  }
.LBB2_3:
0x3d: {  	s19 =	sshll.u32 s18, $0x4  }
0x3e: {  	v3 =	vld [tilespmem:s19+$0x1000];
	_ =	sdelay $0x4  }
0x3f: {  	vm0 =	vge.s32 v3, v0;
	vm1 =	vlt.s32 v3, v1  }
0x40: {  	vm15 =	vne.s32 v3, $0x1F40;
	vm0 =	vmand vm0, vm1  }
0x41: {  	vm0 =	vmand vm15, vm0  }
0x42: {  	v4 =	vmpcnt.ones.xlane vm0;
	_ =	sdelay $0x1  }
0x43: {  	(v2sf) =	vpush v4, $0x0;
	_ =	sdelay $0xe  }
0x44: {  	s21 =	spop (v2sf)  }
0x45: {  	p0 =	slt.s32 s21, $0x1  }
0x46: {  	v4 =	vimm.s32 @!p0 $0x0  }
0x47: {  	v4 =	vsel @!p0 vm0, $0x1, v4  }
0x48: {  	(xrf0) =	vadd.scan.msk.s32 @!p0 $0xffff, v4;
	_ =	sdelay $0x2  }
0x49: {  	v4 =	vmov @!p0 s20  }
0x4a: {  	v4 =	vadd.s32 @!p0 $0xFFFFFFFF, v4  }
0x4b: {  	v4 =	vbroadcast @!p0 v4, $0x0  }
0x4c: {  	v5, _, _ =	vpop @!p0 (xrf0)  }
0x4d: {  	v4 =	vadd.s32 @!p0 v5, v4;
	v5 =	vld @!p0 [tilespmem:s19+$0x0];
	s19 =	sadd.s32 @!p0 s20, s21  }
0x4e: {  	p1 =	slt.s32 @!p0 s19, $0x80  }
0x4f: {  	p1 =	por p0, p1  }
.Ltmp6:
0x50: {  	_ = 	snop;
	(pc) =	sbr.rel @p1 .LBB2_4-.Ltmp6, $4  }
0x51: {  	_ = 	snop  }
0x52: {  	s21 =	simm.s32 @!p0 $0x2000  }
0x53: {  	v3 =	vsub.s32 @!p0 v3, v0;
	[tilespmem:v4+s21+$0x0] =	vst.idx.msk @!p0 vm0, v5;
	s21 =	simm.s32 @!p0 $0x2100  }
0x54: {  	[tilespmem:v4+s21+$0x0] =	vst.idx.msk @!p0 vm0, v3  }
0x55: {  	[tilespmem:s14], [sflag:$0x1] =	stream.indirect.gather [hbm4b:s3+s12], $0x80, s13, s12, $0xb8;
	[tilespmem:$0xE200] =	vst v63  }
0x56: {  	_ =	swait.ge [sflag:s15], $0x4000  }
0x57: {  	[sflag:s15] =	ssyncset.done $0x0  }
0x58: {  	s20 =	simm.s32 $0x0;
	[sflag:s15] =	ssyncadd.s32 $0xFFFFC000  }
0x59: {  	v3 =	vld [tilespmem:s20+$0x2100];
	_ =	sdelay $0x4  }
0x5a: {  	(v2sf) =	vpush v3, $0x0;
	_ =	sdelay $0xe  }
0x5b: {  	s21 =	spop (v2sf)  }
0x5c: {  	s20 =	simm.s32 $0x2240;
	s21 =	sshll.u32 s21, $0x9  }
0x5d: {  	v3 =	vld [tilespmem:s20+$0xFFFFFFC0];
	s21 =	sshra.s32 s21, $0x2  }
0x5e: {  	v4 =	vld [tilespmem:s21+$0x6200];
	_ =	sdelay $0x4  }
0x5f: {  	v3 =	vadd.f32 v3, v4;
	_ =	sdelay $0x1  }
0x60: {  	[tilespmem:s21+$0x6200] =	vst v3;
	v3 =	vld [tilespmem:s21+$0x6210]  }
0x61: {  	v4 =	vld [tilespmem:s20+$0xFFFFFFD0];
	_ =	sdelay $0x4  }
0x62: {  	v3 =	vadd.f32 v4, v3;
	_ =	sdelay $0x1  }
0x63: {  	[tilespmem:s21+$0x6210] =	vst v3;
	v3 =	vld [tilespmem:s21+$0x6220]  }
0x64: {  	v4 =	vld [tilespmem:s20+$0xFFFFFFE0];
	_ =	sdelay $0x4  }
0x65: {  	v3 =	vadd.f32 v4, v3;
	_ =	sdelay $0x1  }
0x66: {  	[tilespmem:s21+$0x6220] =	vst v3;
	v3 =	vld [tilespmem:s21+$0x6230]  }
0x67: {  	v4 =	vld [tilespmem:s20+$0xFFFFFFF0];
	_ =	sdelay $0x4  }
0x68: {  	v3 =	vadd.f32 v4, v3;
	_ =	sdelay $0x1  }
0x69: {  	[tilespmem:s21+$0x6230] =	vst v3;
	v3 =	vld [tilespmem:s21+$0x6240]  }
0x6a: {  	v4 =	vld [tilespmem:s20+$0x0];
	_ =	sdelay $0x4  }
0x6b: {  	v3 =	vadd.f32 v4, v3;
	_ =	sdelay $0x1  }
0x6c: {  	[tilespmem:s21+$0x6240] =	vst v3;
	v3 =	vld [tilespmem:s21+$0x6250]  }
0x6d: {  	v4 =	vld [tilespmem:s20+$0x10];
	_ =	sdelay $0x4  }
0x6e: {  	v3 =	vadd.f32 v4, v3;
	_ =	sdelay $0x1  }
0x6f: {  	[tilespmem:s21+$0x6250] =	vst v3;
	v3 =	vld [tilespmem:s21+$0x6260]  }
0x70: {  	v4 =	vld [tilespmem:s20+$0x20];
	_ =	sdelay $0x4  }
0x71: {  	v3 =	vadd.f32 v4, v3;
	_ =	sdelay $0x1  }
0x72: {  	[tilespmem:s21+$0x6260] =	vst v3;
	v3 =	vld [tilespmem:s21+$0x6270]  }
0x73: {  	v4 =	vld [tilespmem:s20+$0x30];
	_ =	sdelay $0x4  }
0x74: {  	s22 =	simm.s32 $0x4;
	s24 =	simm.s32 $0x8;
	v3 =	vadd.f32 v4, v3  }
.LBB2_6:
0x75: {  	s25 =	sshra.s32 s22, $0x2  }
0x76: {  	s20 =	sadd.s32 $0x80, s20;
	s22 =	smov.u32 s24;
	s23 =	sadd.s32 $0x4, s24;
	[tilespmem:s21+$0x6270] =	vst v3  }
0x77: {  	p0 =	sne.s32 s24, $0x1FC;
	v3 =	vld [tilespmem:s25+$0x2100];
	_ =	sdelay $0x4  }
0x78: {  	(v2sf) =	vpush v3, $0x0;
	_ =	sdelay $0xe  }
0x79: {  	s21 =	spop (v2sf)  }
0x7a: {  	s21 =	sshll.u32 s21, $0x9  }
0x7b: {  	s21 =	sshra.s32 s21, $0x2;
	v3 =	vld [tilespmem:s20+$0xFFFFFFC0]  }
0x7c: {  	v4 =	vld [tilespmem:s21+$0x6200];
	_ =	sdelay $0x4  }
0x7d: {  	v3 =	vadd.f32 v3, v4;
	_ =	sdelay $0x1  }
0x7e: {  	[tilespmem:s21+$0x6200] =	vst v3;
	v3 =	vld [tilespmem:s21+$0x6210]  }
0x7f: {  	v4 =	vld [tilespmem:s20+$0xFFFFFFD0];
	_ =	sdelay $0x4  }
0x80: {  	v3 =	vadd.f32 v4, v3;
	_ =	sdelay $0x1  }
0x81: {  	[tilespmem:s21+$0x6210] =	vst v3;
	v3 =	vld [tilespmem:s21+$0x6220]  }
0x82: {  	v4 =	vld [tilespmem:s20+$0xFFFFFFE0];
	_ =	sdelay $0x4  }
0x83: {  	v3 =	vadd.f32 v4, v3;
	_ =	sdelay $0x1  }
0x84: {  	[tilespmem:s21+$0x6220] =	vst v3;
	v3 =	vld [tilespmem:s21+$0x6230]  }
0x85: {  	v4 =	vld [tilespmem:s20+$0xFFFFFFF0];
	_ =	sdelay $0x4  }
0x86: {  	v3 =	vadd.f32 v4, v3;
	_ =	sdelay $0x1  }
0x87: {  	[tilespmem:s21+$0x6230] =	vst v3;
	v3 =	vld [tilespmem:s21+$0x6240]  }
0x88: {  	v4 =	vld [tilespmem:s20+$0x0];
	_ =	sdelay $0x4  }
0x89: {  	v3 =	vadd.f32 v4, v3;
	_ =	sdelay $0x1  }
0x8a: {  	[tilespmem:s21+$0x6240] =	vst v3;
	v3 =	vld [tilespmem:s21+$0x6250]  }
0x8b: {  	v4 =	vld [tilespmem:s20+$0x10];
	_ =	sdelay $0x4  }
0x8c: {  	v3 =	vadd.f32 v4, v3;
	_ =	sdelay $0x1  }
0x8d: {  	[tilespmem:s21+$0x6250] =	vst v3;
	v3 =	vld [tilespmem:s21+$0x6260]  }
0x8e: {  	v4 =	vld [tilespmem:s20+$0x20];
	_ =	sdelay $0x4  }
0x8f: {  	v3 =	vadd.f32 v4, v3;
	_ =	sdelay $0x1  }
0x90: {  	[tilespmem:s21+$0x6260] =	vst v3;
	v3 =	vld [tilespmem:s21+$0x6270]  }
0x91: {  	v4 =	vld [tilespmem:s20+$0x30]  }
.Ltmp7:
0x92: {  	(pc) =	sbr.rel @p0 .LBB2_6-.Ltmp7, $2  }
0x93: {  	_ =	sdelay $0x2  }
0x94: {  	s24 =	smov.u32 s23;
	v3 =	vadd.f32 v4, v3  }
0x95: {  	_ = 	snop  }
0x96: {  	s22 =	sshra.s32 s22, $0x2;
	[tilespmem:s21+$0x6270] =	vst v3  }
0x97: {  	v3 =	vld [tilespmem:s22+$0x2100];
	_ =	sdelay $0x4  }
0x98: {  	(v2sf) =	vpush v3, $0x0;
	_ =	sdelay $0xe  }
0x99: {  	s31 =	spop (v2sf)  }
0x9a: {  	s20 =	sadd.s32 $0x80, s20;
	s21 =	sshll.u32 s31, $0x9  }
0x9b: {  	v3 =	vld [tilespmem:s20+$0xFFFFFFC0];
	s21 =	sshra.s32 s21, $0x2  }
0x9c: {  	v4 =	vld [tilespmem:s21+$0x6200];
	_ =	sdelay $0x4  }
0x9d: {  	v3 =	vadd.f32 v3, v4;
	_ =	sdelay $0x1  }
0x9e: {  	[tilespmem:s21+$0x6200] =	vst v3;
	v3 =	vld [tilespmem:s21+$0x6210]  }
0x9f: {  	v48 =	vld [tilespmem:s20+$0xFFFFFFD0];
	_ =	sdelay $0x4  }
0xa0: {  	v3 =	vadd.f32 v48, v3;
	_ =	sdelay $0x1  }
0xa1: {  	[tilespmem:s21+$0x6210] =	vst v3;
	v3 =	vld [tilespmem:s21+$0x6220]  }
0xa2: {  	v49 =	vld [tilespmem:s20+$0xFFFFFFE0];
	_ =	sdelay $0x4  }
0xa3: {  	v3 =	vadd.f32 v49, v3;
	_ =	sdelay $0x1  }
0xa4: {  	[tilespmem:s21+$0x6220] =	vst v3;
	v3 =	vld [tilespmem:s21+$0x6230]  }
0xa5: {  	v50 =	vld [tilespmem:s20+$0xFFFFFFF0];
	_ =	sdelay $0x4  }
0xa6: {  	v3 =	vadd.f32 v50, v3;
	_ =	sdelay $0x1  }
0xa7: {  	[tilespmem:s21+$0x6230] =	vst v3;
	v3 =	vld [tilespmem:s21+$0x6240]  }
0xa8: {  	v51 =	vld [tilespmem:s20+$0x0];
	_ =	sdelay $0x4  }
0xa9: {  	v3 =	vadd.f32 v51, v3;
	_ =	sdelay $0x1  }
0xaa: {  	[tilespmem:s21+$0x6240] =	vst v3;
	v3 =	vld [tilespmem:s21+$0x6250]  }
0xab: {  	v52 =	vld [tilespmem:s20+$0x10];
	_ =	sdelay $0x4  }
0xac: {  	v3 =	vadd.f32 v52, v3;
	_ =	sdelay $0x1  }
0xad: {  	[tilespmem:s21+$0x6250] =	vst v3;
	v3 =	vld [tilespmem:s21+$0x6260]  }
0xae: {  	v53 =	vld [tilespmem:s20+$0x20];
	_ =	sdelay $0x4  }
0xaf: {  	v3 =	vadd.f32 v53, v3;
	_ =	sdelay $0x1  }
0xb0: {  	[tilespmem:s21+$0x6260] =	vst v3;
	v3 =	vld [tilespmem:s21+$0x6270]  }
0xb1: {  	v54 =	vld [tilespmem:s20+$0x30];
	_ =	sdelay $0x4  }
0xb2: {  	v3 =	vadd.f32 v54, v3;
	_ =	sdelay $0x1  }
0xb3: {  	[tilespmem:s21+$0x6270] =	vst v3  }
0xb4: {  	v3 =	vld [tilespmem:$0x2080]  }
0xb5: {  	v55 =	vld [tilespmem:$0x2180]  }
0xb6: {  	v5 =	vld [tilespmem:$0x2090]  }
0xb7: {  	v6 =	vld [tilespmem:$0x2190]  }
0xb8: {  	v7 =	vld [tilespmem:$0x20A0]  }
0xb9: {  	[tilespmem:$0x2000] =	vst v3;
	v3 =	vld [tilespmem:$0x21A0]  }
0xba: {  	v56 =	vld [tilespmem:$0x20B0];
	[tilespmem:$0x2100] =	vst v55  }
0xbb: {  	v57 =	vld [tilespmem:$0x21B0];
	[tilespmem:$0x2010] =	vst v5  }
0xbc: {  	v58 =	vld [tilespmem:$0x20C0];
	[tilespmem:$0x2110] =	vst v6  }
0xbd: {  	v59 =	vld [tilespmem:$0x21C0];
	[tilespmem:$0x2020] =	vst v7  }
0xbe: {  	[tilespmem:$0x2120] =	vst v3;
	v3 =	vld [tilespmem:$0x20D0]  }
0xbf: {  	v60 =	vld [tilespmem:$0x21D0];
	[tilespmem:$0x2030] =	vst v56  }
0xc0: {  	v61 =	vld [tilespmem:$0x20E0];
	[tilespmem:$0x2130] =	vst v57  }
0xc1: {  	v62 =	vld [tilespmem:$0x21E0];
	[tilespmem:$0x2040] =	vst v58  }
0xc2: {  	v63 =	vld [tilespmem:$0x20F0];
	[tilespmem:$0x2140] =	vst v59  }
0xc3: {  	[tilespmem:$0x2050] =	vst v3;
	v3 =	vld [tilespmem:$0x21F0]  }
.Ltmp8:
0xc4: {  	[tilespmem:$0x2150] =	vst v60;
	(pc) =	sbr.rel .LBB2_8-.Ltmp8, $4  }
0xc5: {  	[tilespmem:$0x2060] =	vst v61  }
0xc6: {  	[tilespmem:$0x2160] =	vst v62  }
0xc7: {  	[tilespmem:$0x2070] =	vst v63  }
0xc8: {  	s20 =	sadd.s32 $0xFFFFFF80, s19;
	[tilespmem:$0x2170] =	vst v3  }
.LBB2_10:
0xc9: {  	p0 =	slt.s32 s20, $0x1  }
.Ltmp9:
0xca: {  	_ = 	snop;
	(pc) =	sbr.rel @p0 .LBB2_14-.Ltmp9, $4  }
0xcb: {  	[tilespmem:s14], [sflag:$0x1] =	stream.indirect.gather [hbm4b:s3+s12], $0x80, s13, s12, $0xb8;
	[tilespmem:$0xE200] =	vst v63  }
0xcc: {  	_ =	swait.ge [sflag:s15], $0x4000  }
0xcd: {  	[sflag:s15] =	ssyncset.done $0x0  }
0xce: {  	[sflag:s15] =	ssyncadd.s32 $0xFFFFC000  }
0xcf: {  	s17 =	simm.s32 $0x2100  }
0xd0: {  	v3 =	vld [tilespmem:s17+$0x0];
	_ =	sdelay $0x4  }
0xd1: {  	(v2sf) =	vpush v3, $0x0;
	_ =	sdelay $0xe  }
0xd2: {  	s19 =	spop (v2sf)  }
0xd3: {  	s18 =	simm.s32 $0x2240;
	s19 =	sshll.u32 s19, $0x9  }
0xd4: {  	v3 =	vld [tilespmem:s18+$0xFFFFFFC0];
	s19 =	sshra.s32 s19, $0x2  }
0xd5: {  	v4 =	vld [tilespmem:s19+$0x6200];
	_ =	sdelay $0x4  }
0xd6: {  	v3 =	vadd.f32 v3, v4;
	_ =	sdelay $0x1  }
0xd7: {  	[tilespmem:s19+$0x6200] =	vst v3;
	v3 =	vld [tilespmem:s19+$0x6210]  }
0xd8: {  	v4 =	vld [tilespmem:s18+$0xFFFFFFD0];
	_ =	sdelay $0x4  }
0xd9: {  	v3 =	vadd.f32 v4, v3;
	_ =	sdelay $0x1  }
0xda: {  	[tilespmem:s19+$0x6210] =	vst v3;
	v3 =	vld [tilespmem:s19+$0x6220]  }
0xdb: {  	v4 =	vld [tilespmem:s18+$0xFFFFFFE0];
	_ =	sdelay $0x4  }
0xdc: {  	v3 =	vadd.f32 v4, v3;
	_ =	sdelay $0x1  }
0xdd: {  	[tilespmem:s19+$0x6220] =	vst v3;
	v3 =	vld [tilespmem:s19+$0x6230]  }
0xde: {  	v4 =	vld [tilespmem:s18+$0xFFFFFFF0];
	_ =	sdelay $0x4  }
0xdf: {  	v3 =	vadd.f32 v4, v3;
	_ =	sdelay $0x1  }
0xe0: {  	[tilespmem:s19+$0x6230] =	vst v3;
	v3 =	vld [tilespmem:s19+$0x6240]  }
0xe1: {  	v4 =	vld [tilespmem:s18+$0x0];
	_ =	sdelay $0x4  }
0xe2: {  	v3 =	vadd.f32 v4, v3;
	_ =	sdelay $0x1  }
0xe3: {  	[tilespmem:s19+$0x6240] =	vst v3;
	v3 =	vld [tilespmem:s19+$0x6250]  }
0xe4: {  	v4 =	vld [tilespmem:s18+$0x10];
	_ =	sdelay $0x4  }
0xe5: {  	v3 =	vadd.f32 v4, v3;
	_ =	sdelay $0x1  }
0xe6: {  	[tilespmem:s19+$0x6250] =	vst v3;
	v3 =	vld [tilespmem:s19+$0x6260]  }
0xe7: {  	v4 =	vld [tilespmem:s18+$0x20];
	_ =	sdelay $0x4  }
0xe8: {  	v3 =	vadd.f32 v4, v3;
	_ =	sdelay $0x1  }
0xe9: {  	[tilespmem:s19+$0x6260] =	vst v3;
	v3 =	vld [tilespmem:s19+$0x6270]  }
0xea: {  	v4 =	vld [tilespmem:s18+$0x30]  }
0xeb: {  	p0 =	sne.s32 s20, $0x1  }
.Ltmp10:
0xec: {  	_ = 	snop;
	(pc) =	sbr.rel @!p0 .LBB2_13-.Ltmp10, $3  }
0xed: {  	_ =	sdelay $0x1  }
0xee: {  	v3 =	vadd.f32 v4, v3  }
0xef: {  	s20 =	sadd.s32 $0xFFFFFFFF, s20  }
.LBB2_12:
0xf0: {  	p0 =	sne.s32 s20, $0x1;
	[tilespmem:s19+$0x6270] =	vst v3;
	s17 =	sadd.s32 $0x1, s17;
	s18 =	sadd.s32 $0x80, s18  }
0xf1: {  	s20 =	sadd.s32 $0xFFFFFFFF, s20;
	v3 =	vld [tilespmem:s17+$0x0];
	_ =	sdelay $0x4  }
0xf2: {  	(v2sf) =	vpush v3, $0x0;
	_ =	sdelay $0xe  }
0xf3: {  	s19 =	spop (v2sf)  }
0xf4: {  	s19 =	sshll.u32 s19, $0x9  }
0xf5: {  	s19 =	sshra.s32 s19, $0x2;
	v3 =	vld [tilespmem:s18+$0xFFFFFFC0]  }
0xf6: {  	v4 =	vld [tilespmem:s19+$0x6200];
	_ =	sdelay $0x4  }
0xf7: {  	v3 =	vadd.f32 v3, v4;
	_ =	sdelay $0x1  }
0xf8: {  	[tilespmem:s19+$0x6200] =	vst v3;
	v3 =	vld [tilespmem:s19+$0x6210]  }
0xf9: {  	v4 =	vld [tilespmem:s18+$0xFFFFFFD0];
	_ =	sdelay $0x4  }
0xfa: {  	v3 =	vadd.f32 v4, v3;
	_ =	sdelay $0x1  }
0xfb: {  	[tilespmem:s19+$0x6210] =	vst v3;
	v3 =	vld [tilespmem:s19+$0x6220]  }
0xfc: {  	v4 =	vld [tilespmem:s18+$0xFFFFFFE0];
	_ =	sdelay $0x4  }
0xfd: {  	v3 =	vadd.f32 v4, v3;
	_ =	sdelay $0x1  }
0xfe: {  	[tilespmem:s19+$0x6220] =	vst v3;
	v3 =	vld [tilespmem:s19+$0x6230]  }
0xff: {  	v4 =	vld [tilespmem:s18+$0xFFFFFFF0];
	_ =	sdelay $0x4  }
0x100: {  	v3 =	vadd.f32 v4, v3;
	_ =	sdelay $0x1  }
0x101: {  	[tilespmem:s19+$0x6230] =	vst v3;
	v3 =	vld [tilespmem:s19+$0x6240]  }
0x102: {  	v4 =	vld [tilespmem:s18+$0x0];
	_ =	sdelay $0x4  }
0x103: {  	v3 =	vadd.f32 v4, v3;
	_ =	sdelay $0x1  }
0x104: {  	[tilespmem:s19+$0x6240] =	vst v3;
	v3 =	vld [tilespmem:s19+$0x6250]  }
0x105: {  	v4 =	vld [tilespmem:s18+$0x10];
	_ =	sdelay $0x4  }
0x106: {  	v3 =	vadd.f32 v4, v3;
	_ =	sdelay $0x1  }
0x107: {  	[tilespmem:s19+$0x6250] =	vst v3;
	v3 =	vld [tilespmem:s19+$0x6260]  }
0x108: {  	v4 =	vld [tilespmem:s18+$0x20];
	_ =	sdelay $0x4  }
0x109: {  	v3 =	vadd.f32 v4, v3;
	_ =	sdelay $0x1  }
0x10a: {  	[tilespmem:s19+$0x6260] =	vst v3;
	v3 =	vld [tilespmem:s19+$0x6270]  }
0x10b: {  	v4 =	vld [tilespmem:s18+$0x30]  }
.Ltmp11:
0x10c: {  	(pc) =	sbr.rel @p0 .LBB2_12-.Ltmp11, $2  }
0x10d: {  	_ =	sdelay $0x2  }
0x10e: {  	v3 =	vadd.f32 v4, v3  }
.Ltmp12:
0x10f: {  	_ = 	snop;
	(pc) =	sbr.rel .LBB2_13-.Ltmp12, $1  }
0x110: {  	_ =	sdelay $0x3  }
.LBB2_15:
0x111: {  	_ =	sfence.sel $0x180000  }
0x112: {  	[bflag:$0x0] =	sbarrier.arrive $0xFFFF  }
0x113: {  	p0 =	sne.s32 s1, $0x0;
	_ =	strace $0x90000050  }
0x114: {  	s0 =	sadd.s32 @!p0 $0x100000, s0;
	[bflag:$0x2] =	sbarrier.arrive $0xFFFF  }
0x115: {  	[sflag:s0] =	ssyncadd.tile.s32 @!p0 $0x1;
	_ =	shalt  }
.Lfunc_end2:
_tile_overlayer_lowered:
.L_overlay_start_2:
0x116: {  	(tag) =	ssettag $0x2  }
0x117: {  	s0 =	rddreg [dreg:$0x0];
	s2 =	stileid.u32  }
0x118: {  	s1 =	rddreg [dreg:$0x1];
	p0 =	sne.s32 s2, $0x0  }
0x119: {  	s3 =	rddreg [dreg:$0x2];
	[bflag:$0x3] =	sbarrier.arrive $0xFFFF;
	s2 =	simm.s32 @!p0 $0x1C02  }
0x11a: {  	[timem:s3], [sflag:s2] =	dma.local @!p0 [hbm:s0], s1  }
0x11b: {  	s0 =	simm.s32 @!p0 $0x2  }
0x11c: {  	_ =	swait.ge @!p0 [sflag:s0], s1  }
0x11d: {  	s1 =	ssub.s32 @!p0 $0x0, s1;
	[sflag:s0] =	ssyncset.done @!p0 $0x0  }
0x11e: {  	[sflag:s0] =	ssyncadd.s32 @!p0 s1  }
0x11f: {  	[bflag:$0x3] =	sbarrier.arrive $0xFFFF  }
0x120: {  	_ =	shalt  }

// kernel: kernel.29.cloned.1.call-start
scs
__scs_entry_jumppad:
0x0: {  	(pc) =	sbr.rel $0x88, $3  }
0x1: {  	(tag) =	ssettag $0x0;
	lr =	simm.s32 $0x1  }
0x2: {  	[smem:$0x3F90] =	sst lr;
	_ =	strace $0xD0000000  }
0x3: {  	_ = 	snop  }
0x4: {  	_ = 	snop  }
0x5: {  	_ = 	snop  }
0x6: {  	_ = 	snop  }
0x7: {  	_ = 	snop  }
__scs_overlays_trampoline_lowered:
0x8: {  	[smem:$0x3F9F] =	sst s0  }
0x9: {  	[smem:$0x3FA0] =	sst s1  }
0xa: {  	[smem:$0x3FA1] =	sst s2  }
0xb: {  	[smem:$0x3FA2] =	sst s3  }
0xc: {  	[smem:$0x3FA3] =	sst s4  }
0xd: {  	[smem:$0x3FA4] =	sst s5  }
0xe: {  	[smem:$0x3FA5] =	sst s6  }
0xf: {  	[smem:$0x3FA6] =	sst s7  }
0x10: {  	[smem:$0x3FA7] =	sst s8  }
0x11: {  	[smem:$0x3FA8] =	sst s9;
	s0 =	simm.s32 @!p0 $0x0  }
0x12: {  	s1 =	sld [smem:$0x3F8E];
	s0 =	simm.s32 @p0 $0x1  }
0x13: {  	[smem:$0x3FA9] =	sst s0;
	s0 =	simm.s32 @!p1 $0x0  }
0x14: {  	s2 =	sld [smem:$0x3F8D];
	s0 =	simm.s32 @p1 $0x1  }
0x15: {  	[smem:$0x3FAA] =	sst s0;
	s0 =	simm.s32 @!p2 $0x0  }
0x16: {  	s3 =	sld [smem:$0x3FDB];
	s0 =	simm.s32 @p2 $0x1  }
0x17: {  	s4 =	simm.s32 $0x1BF5;
	[smem:$0x3FAC] =	sst s0  }
0x18: {  	s0 =	sld [smem:$0x3F8F];
	_ =	swait.ge [sflag:s4], $0x0  }
0x19: {  	s7 =	sld [smem:$0x3F90]  }
0x1a: {  	s8 =	sadd.s32 $0xFFFFE003, lr  }
0x1b: {  	s9 =	sadd.s32 $0xFFFFFEF7, lr;
	s5 =	simm.s32 $0xFFFFFFFF;
	p2 =	slt.u32 s8, $0xFFFFF086  }
0x1c: {  	p1 =	slt.u32 s9, $0xF7A;
	s5 =	simm.s32 @!p2 $0x0  }
0x1d: {  	s5 =	simm.s32 @p1 $0x1;
	p0 =	seq.s32 s7, s2  }
0x1e: {  	s7 =	smul.u32 @!p0 $0xF7A, s2;
	p2 =	seq.s32 @!p0 s5, $0x0  }
0x1f: {  	s9 =	smul.u32 $0xF7A, s1;
	s8 =	simm.s32 @!p0 $0x1BF5;
	p2 =	por !p2, p0  }
0x20: {  	[sflag:s8] =	ssyncset.s32 @!p0 $0xFFFFF086;
	s6 =	sadd.s32 @!p0 s3, s7;
	s7 =	simm.s32 @!p0 $0x108  }
0x21: {  	s3 =	sadd.s32 s3, s9;
	s6 =	sadd.s32 @!p0 $0x88, s6;
	s7 =	simm.s32 @p2 $0x1082  }
0x22: {  	[simem:s7], [sflag:s8] =	dma.local @!p0 [hbm:s6], $0xF7A  }
0x23: {  	s9 =	sor.u32 $0xD0000000, s2;
	s6 =	simm.s32 $0x108;
	_ =	swait.ge @!p0 [sflag:s8], $0x0  }
0x24: {  	s3 =	sadd.s32 $0x88, s3;
	s6 =	simm.s32 @!p1 $0x1082;
	[sflag:s4] =	ssyncset.s32 $0xFFFFF086  }
0x25: {  	[simem:s6], [sflag:s4] =	dma.local [hbm:s3], $0xF7A  }
0x26: {  	[smem:$0x3F90] =	sst s1;
	(tag) =	ssettag s2;
	_ =	strace s9  }
0x27: {  	s1 =	sld [smem:$0x3FA0]  }
0x28: {  	s2 =	sld [smem:$0x3FA1]  }
0x29: {  	s4 =	sld [smem:$0x3FA3]  }
0x2a: {  	p0 =	seq.s32 s5, $0x0;
	s5 =	sld [smem:$0x3FA4]  }
0x2b: {  	s6 =	sld [smem:$0x3FA5]  }
0x2c: {  	s7 =	sld [smem:$0x3FA6]  }
0x2d: {  	s3 =	simm.s32 $0x108;
	s8 =	sld [smem:$0x3FA7]  }
0x2e: {  	s3 =	simm.s32 @!p0 $0x1082;
	s9 =	sld [smem:$0x3FA8]  }
0x2f: {  	lr =	sadd.s32 s0, s3;
	s0 =	sld [smem:$0x3F9F]  }
0x30: {  	s3 =	sld [smem:$0x3FA2]  }
0x31: {  	[smem:$0x3FAB] =	sst s10  }
0x32: {  	s10 =	sld [smem:$0x3FA9];
	_ =	sdelay $0x3  }
0x33: {  	p0 =	seq.s32 s10, $0x1;
	s10 =	sld [smem:$0x3FAB];
	_ =	sdelay $0x3  }
0x34: {  	[smem:$0x3FAB] =	sst s10  }
0x35: {  	s10 =	sld [smem:$0x3FAA];
	_ =	sdelay $0x3  }
0x36: {  	p1 =	seq.s32 s10, $0x1;
	s10 =	sld [smem:$0x3FAB];
	_ =	sdelay $0x3  }
0x37: {  	[smem:$0x3FAB] =	sst s10  }
0x38: {  	s10 =	sld [smem:$0x3FAC]  }
0x39: {  	_ = 	snop;
	(pc) =	sbr.ind lr, $3  }
0x3a: {  	_ = 	snop  }
0x3b: {  	_ = 	snop  }
0x3c: {  	p2 =	seq.s32 s10, $0x1;
	s10 =	sld [smem:$0x3FAB]  }
0x3d: {  	_ =	shalt  }
0x3e: {  	_ =	shalt  }
0x3f: {  	_ =	shalt  }
0x40: {  	_ =	shalt  }
0x41: {  	_ =	shalt  }
0x42: {  	_ =	shalt  }
0x43: {  	_ =	shalt  }
0x44: {  	_ =	shalt  }
0x45: {  	_ =	shalt  }
0x46: {  	_ =	shalt  }
0x47: {  	_ =	shalt  }
0x48: {  	_ =	shalt  }
0x49: {  	_ =	shalt  }
0x4a: {  	_ =	shalt  }
0x4b: {  	_ =	shalt  }
0x4c: {  	_ =	shalt  }
0x4d: {  	_ =	shalt  }
0x4e: {  	_ =	shalt  }
0x4f: {  	_ =	shalt  }
0x50: {  	_ =	shalt  }
0x51: {  	_ =	shalt  }
0x52: {  	_ =	shalt  }
0x53: {  	_ =	shalt  }
0x54: {  	_ =	shalt  }
0x55: {  	_ =	shalt  }
0x56: {  	_ =	shalt  }
0x57: {  	_ =	shalt  }
0x58: {  	_ =	shalt  }
0x59: {  	_ =	shalt  }
0x5a: {  	_ =	shalt  }
0x5b: {  	_ =	shalt  }
0x5c: {  	_ =	shalt  }
0x5d: {  	_ =	shalt  }
0x5e: {  	_ =	shalt  }
0x5f: {  	_ =	shalt  }
0x60: {  	_ =	shalt  }
0x61: {  	_ =	shalt  }
0x62: {  	_ =	shalt  }
0x63: {  	_ =	shalt  }
0x64: {  	_ =	shalt  }
0x65: {  	_ =	shalt  }
0x66: {  	_ =	shalt  }
0x67: {  	_ =	shalt  }
0x68: {  	_ =	shalt  }
0x69: {  	_ =	shalt  }
0x6a: {  	_ =	shalt  }
0x6b: {  	_ =	shalt  }
0x6c: {  	_ =	shalt  }
0x6d: {  	_ =	shalt  }
0x6e: {  	_ =	shalt  }
0x6f: {  	_ =	shalt  }
0x70: {  	_ =	shalt  }
0x71: {  	_ =	shalt  }
0x72: {  	_ =	shalt  }
0x73: {  	_ =	shalt  }
0x74: {  	_ =	shalt  }
0x75: {  	_ =	shalt  }
0x76: {  	_ =	shalt  }
0x77: {  	_ =	shalt  }
0x78: {  	_ =	shalt  }
0x79: {  	_ =	shalt  }
0x7a: {  	_ =	shalt  }
0x7b: {  	_ =	shalt  }
0x7c: {  	_ =	shalt  }
0x7d: {  	_ =	shalt  }
0x7e: {  	_ =	shalt  }
0x7f: {  	_ =	shalt  }
0x80: {  	_ =	shalt  }
0x81: {  	_ =	shalt  }
0x82: {  	_ =	shalt  }
0x83: {  	_ =	shalt  }
0x84: {  	_ =	shalt  }
0x85: {  	_ =	shalt  }
0x86: {  	_ =	shalt  }
0x87: {  	_ =	shalt  }
.Lfunc_end0:
.L_simem_size_0:
called_computation.4_lowered:
.L_overlay_start_0:
0x88: {  	s2 =	sld [smem:$0x3FD9]  }
0x89: {  	s3 =	sld [smem:$0x3FFE];
	_ =	sdelay $0x1  }
0x8a: {  	s1 =	srdreg.scid  }
0x8b: {  	s0 =	sand.u32 $0x1, s1  }
0x8c: {  	s17 =	sshll.u32 s0, $0xA;
	s2 =	sadd.s32 s3, s2  }
0x8d: {  	s2 =	sadd.s32 s2, s17  }
0x8e: {  	[smem:$0x3FB7] =	sst s2  }
0x8f: {  	_ = 	snop  }
0x90: {  	(tm) =	ssettm $0x1  }
0x91: {  	s18 =	sld [smem:$0x3FFB];
	_ =	sdelay $0x3  }
0x92: {  	_ =	strace s18  }
0x93: {  	s2 =	sld [smem:$0x3FFC];
	_ =	sdelay $0x3  }
0x94: {  	_ =	strace s2  }
0x95: {  	s2 =	sld [smem:$0x3FFD];
	_ =	sdelay $0x3  }
0x96: {  	_ =	strace s2  }
0x97: {  	_ =	strace $0x8FFFFFFF  }
0x98: {  	s19 =	sld [smem:$0x3FDB];
	_ =	sdelay $0x1  }
0x99: {  	s20 =	simm.s32 $_scs_section_size  }
0x9a: {  	s4 =	simm.s32 $_size__tile_overlayer_lowered;
	s5 =	simm.s32 $_tile_overlayer_lowered  }
0x9b: {  	s6 =	simm.s32 $0x1BFF;
	s21 =	sshll.u32 s5, $0x1;
	s3 =	sadd.s32 s20, s19  }
0x9c: {  	s22 =	simm.s32 $0x0;
	s4 =	sshll.u32 s4, $0x1;
	s5 =	sadd.s32 s21, s3  }
0x9d: {  	[timem:s22], [sflag:s6] =	dma.local [hbm:s5], s4  }
0x9e: {  	_ =	swait.ge [sflag:s6], s4  }
0x9f: {  	s4 =	ssub.s32 $0x0, s4;
	[sflag:s6] =	ssyncset.done $0x0  }
0xa0: {  	[sflag:s6] =	ssyncadd.s32 s4;
	_ =	sdelay $0x1  }
0xa1: {  	s23 =	simm.s32 $0x1B8B  }
0xa2: {  	_ =	swait.ge [sflag:s23], $0x1  }
0xa3: {  	[sflag:s23] =	ssyncset.done $0x0  }
0xa4: {  	[sflag:s23] =	ssyncadd.s32 $0xFFFFFFFF  }
0xa5: {  	s4 =	sld [smem:$0x0]  }
0xa6: {  	s5 =	sand.u32 $0xFFFFFFFE, s1  }
0xa7: {  	p0 =	sne.s32 s1, s5  }
0xa8: {  	s5 =	sshll.u32 @p0 s5, $0xE  }
0xa9: {  	s5 =	sadd.s32 @p0 $0x11B8D, s5;
	s6 =	sshll.u32 @p0 s4, $0x11  }
0xaa: {  	s5 =	sor.u32 @p0 s6, s5  }
0xab: {  	[sflag:s5] =	ssyncadd.remote.s32 @p0 $0x1;
	_ =	sdelay $0x1  }
0xac: {  	s5 =	simm.s32 @p0 $0x1B8D  }
0xad: {  	_ =	swait.eq @p0 [sflag:s5], $0x1  }
0xae: {  	[sflag:s5] =	ssyncadd.s32 @p0 $0xFFFFFFFF  }
0xaf: {  	s6 =	sshll.u32 @!p0 s1, $0xE  }
0xb0: {  	s6 =	sor.u32 @!p0 $0x4000, s6;
	s5 =	simm.s32 @!p0 $0x1B8D  }
0xb1: {  	s4 =	sshll.u32 @!p0 s4, $0x11;
	s6 =	sadd.s32 @!p0 $0x11B8D, s6;
	_ =	swait.eq @!p0 [sflag:s5], $0x1  }
0xb2: {  	s4 =	sor.u32 @!p0 s4, s6;
	[sflag:s5] =	ssyncadd.s32 @!p0 $0xFFFFFFFF  }
0xb3: {  	s25 =	simm.s32 $0x1B8E;
	s24 =	sld [smem:$0x3FFE];
	[sflag:s4] =	ssyncadd.remote.s32 @!p0 $0x1  }
0xb4: {  	s26 =	simm.s32 $execute0_lowered;
	[smem:$0x3FD2] =	sst s25  }
0xb5: {  	s5 =	sshll.u32 s26, $0x1;
	_ =	strace $0x80000055;
	[dreg:$0x1] =	wrdreg $0xFFFFFFFF  }
0xb6: {  	s28 =	simm.s32 $_size_execute0_lowered;
	s3 =	sadd.s32 s3, s5;
	[dreg:$0x0] =	wrdreg $0x0  }
0xb7: {  	s5 =	sshll.u32 s28, $0x1;
	[dreg:$0x2] =	wrdreg s3  }
0xb8: {  	[dreg:$0x3] =	wrdreg s5  }
0xb9: {  	[dreg:$0x4] =	wrdreg $0xC0  }
0xba: {  	_ =	task [dreg:s22], $0x5FFFF  }
0xbb: {  	[dreg:$0x1] =	wrdreg $0xFFFFFFFF  }
0xbc: {  	[dreg:$0x0] =	wrdreg $0x60  }
0xbd: {  	[dreg:$0x2] =	wrdreg s24  }
0xbe: {  	[dreg:$0x3] =	wrdreg $0x9  }
0xbf: {  	_ =	task.clear_ibuf [dreg:s22], $0x4FFFF;
	_ =	strace $0x90000055  }
0xc0: {  	s29 =	simm.s32 $0x9;
	_ =	strace $0x80000057  }
0xc1: {  	_ =	swait.ge [sflag:s29], $0x1  }
0xc2: {  	[sflag:s29] =	ssyncadd.s32 $0xFFFFFFFF  }
0xc3: {  	_ =	strace $0x90000057  }
0xc4: {  	_ =	sfence  }
0xc5: {  	s30 =	sld [smem:$0x0];
	_ =	sdelay $0x2  }
0xc6: {  	s31 =	sshll.u32 s1, $0xD;
	s1 =	sshrl.u32 s1, $0x2  }
0xc7: {  	s4 =	sand.u32 $0x4000, s31;
	s1 =	sadd.s32 s1, s30  }
0xc8: {  	s0 =	sor.u32 s4, s0;
	s1 =	sshll.u32 s1, $0x11  }
0xc9: {  	s0 =	sor.u32 s1, s0  }
0xca: {  	s0 =	sadd.s32 $0x8F2B, s0  }
0xcb: {  	[sflag:s0] =	ssyncadd.remote.s32 $0x1  }
0xcc: {  	_ =	sfence.sel $0xFFFF  }
0xcd: {  	[dreg:$0x0] =	wrdreg $0xFFFFFFFF;
	(pc) =	sbr.abs _section_cstart, $3  }
0xce: {  	[dreg:$0x1] =	wrdreg $0xFFFFFFFF  }
0xcf: {  	_ =	task.clear_ibuf [dreg:s22], $0x2FFFF;
	_ =	strace $0x9FFFFFFF  }
0xd0: {  	(tm) =	ssettm $0x7FFFFFFF  }
0xd1: {  	_ =	shalt  }
tec
execute0_lowered:
.L_overlay_start_1:
0x0: {  	(tag) =	ssettag $0x1  }
0x1: {  	s3 =	rddreg [dreg:$0x0];
	s4 =	srdreg.scid  }
0x2: {  	s0 =	rddreg [dreg:$0x1];
	s2 =	simm.s32 $0x0;
	s4 =	sand.u32 $0x1, s4  }
0x3: {  	s1 =	stileid.u32;
	s6 =	sshll.u32 s4, $0x8;
	s4 =	ssub.s32 $0x2, s4  }
0x4: {  	p0 =	por $0x0, $0x0;
	[smem:$0x7FF] =	sst s2;
	s8 =	sshrl.u32 s4, $0x1  }
0x5: {  	s5 =	sshll.u32 s1, $0x9;
	s7 =	sadd.s32 $0x5000, s3;
	s4 =	ssub.s32 s4, s8  }
0x6: {  	s29 =	sadd.s32 $0x52600, s3;
	s3 =	sadd.s32 $0x25000, s3;
	s12 =	smax.u32 s4, $0x1  }
0x7: {  	_ =	strace $0x80000056;
	s5 =	sor.u32 s6, s5;
	p1 =	sne.s32 s12, $0x1  }
.Ltmp0:
0x8: {  	s6 =	simm.s32 $0x1;
	s9 =	sshrl.u32 s5, $0x3;
	(pc) =	sbr.rel @!p1 .LBB2_3-.Ltmp0, $4  }
0x9: {  	s30 =	sshll.u32 s5, $0x4;
	s5 =	sor.u32 $0x80, s5;
	s11 =	sadd.s32 s29, s9  }
0xa: {  	s10 =	sadd.s32 s7, s30;
	s31 =	sshrl.u32 s5, $0x3;
	s5 =	sshll.u32 s5, $0x4  }
0xb: {  	s4 =	simm.s32 $0x2;
	s9 =	sadd.s32 s29, s31;
	s8 =	sadd.s32 s7, s5  }
0xc: {  	s5 =	simm.s32 $0x100;
	s7 =	simm.s32 $0x80;
	s12 =	sadd.s32 $0xFFFFFFFF, s12  }
0xd: {  	[tilespmem:s2], [sflag:$0x2] =	stream.linear.gather [hbm4b:s11+s2], $0x80, $0x38;
	[tilespmem:$0x4100] =	vst v63  }
0xe: {  	_ =	swait.ge [sflag:s4], $0x80  }
0xf: {  	[sflag:s4] =	ssyncset.done $0x0  }
0x10: {  	[sflag:s4] =	ssyncadd.s32 $0xFFFFFF80  }
0x11: {  	v0 =	vld [tilespmem:$0x70]  }
0x12: {  	v1 =	vld [tilespmem:$0x60]  }
0x13: {  	v2 =	vld [tilespmem:$0x40]  }
0x14: {  	v3 =	vld [tilespmem:$0x20]  }
0x15: {  	v4 =	vld [tilespmem:$0x50]  }
0x16: {  	v5 =	vld [tilespmem:$0x30];
	vm0 =	vlt.s32 v0, $0x1900  }
0x17: {  	v6 =	vld [tilespmem:$0x0];
	vm1 =	vlt.s32 v1, $0x1900;
	v0 =	vnsel vm0, $0x1900, v0  }
0x18: {  	v7 =	vld [tilespmem:$0x10];
	vm14 =	vlt.s32 v2, $0x1900;
	v1 =	vnsel vm1, $0x1900, v1;
	[tilespmem:$0xF0] =	vst v0  }
0x19: {  	vm15 =	vlt.s32 v3, $0x1900;
	v0 =	vnsel vm14, $0x1900, v2;
	[tilespmem:$0xE0] =	vst v1  }
0x1a: {  	vm4 =	vlt.s32 v4, $0x1900;
	v1 =	vnsel vm15, $0x1900, v3;
	[tilespmem:$0xC0] =	vst v0  }
0x1b: {  	vm5 =	vlt.s32 v5, $0x1900;
	[tilespmem:$0xA0] =	vst v1;
	v0 =	vnsel vm4, $0x1900, v4  }
0x1c: {  	vm6 =	vlt.s32 v6, $0x1900;
	v1 =	vnsel vm5, $0x1900, v5;
	[tilespmem:$0xD0] =	vst v0  }
0x1d: {  	vm7 =	vlt.s32 v7, $0x1900;
	v0 =	vnsel vm6, $0x1900, v6;
	[tilespmem:$0xB0] =	vst v1  }
0x1e: {  	[tilespmem:$0x80] =	vst v0;
	v0 =	vnsel vm7, $0x1900, v7  }
0x1f: {  	[tilespmem:$0x90] =	vst v0  }
0x20: {  	[tilespmem:s5], [sflag:$0x2] =	stream.linear.gather [hbm4b:s10+s2], $0x4000, $0x38;
	[tilespmem:$0x4100] =	vst v63  }
0x21: {  	_ =	swait.ge [sflag:s4], $0x4000  }
0x22: {  	[sflag:s4] =	ssyncset.done $0x0  }
0x23: {  	[sflag:s4] =	ssyncadd.s32 $0xFFFFC000  }
0x24: {  	[hbm4b:s3+s7] =	stream.indirect.scatter [tilespmem:s5], [sflag:$0x1], $0x80, s7, s7, $0xb8;
	[tilespmem:$0x4100] =	vst v63  }
0x25: {  	_ =	swait.ge [sflag:s6], $0x4000  }
0x26: {  	[sflag:s6] =	ssyncset.done $0x0  }
0x27: {  	[sflag:s6] =	ssyncadd.s32 $0xFFFFC000  }
0x28: {  	[tilespmem:s2], [sflag:$0x2] =	stream.linear.gather [hbm4b:s9+s2], $0x80, $0x38;
	[tilespmem:$0x4100] =	vst v63  }
0x29: {  	_ =	swait.ge [sflag:s4], $0x80  }
0x2a: {  	[sflag:s4] =	ssyncset.done $0x0  }
0x2b: {  	[sflag:s4] =	ssyncadd.s32 $0xFFFFFF80  }
0x2c: {  	v0 =	vld [tilespmem:$0x0]  }
0x2d: {  	v1 =	vld [tilespmem:$0x60]  }
0x2e: {  	v2 =	vld [tilespmem:$0x20];
	_ =	sdelay $0x1  }
0x2f: {  	v62 =	vld [tilespmem:$0x30]  }
0x30: {  	v3 =	vld [tilespmem:$0x40]  }
0x31: {  	v61 =	vld [tilespmem:$0x50];
	vm8 =	vlt.s32 v0, $0x1900  }
0x32: {  	v63 =	vld [tilespmem:$0x10];
	vm9 =	vlt.s32 v1, $0x1900;
	vm10 =	vlt.s32 v2, $0x1900;
	v0 =	vnsel vm8, $0x1900, v0  }
0x33: {  	v2 =	vnsel vm10, $0x1900, v2;
	[tilespmem:$0x80] =	vst v0;
	v0 =	vnsel vm9, $0x1900, v1;
	v1 =	vld [tilespmem:$0x70]  }
0x34: {  	p1 =	sne.s32 s12, $0x1;
	vm13 =	vlt.s32 v62, $0x1900;
	[tilespmem:$0xA0] =	vst v2  }
.Ltmp1:
0x35: {  	vm11 =	vlt.s32 v3, $0x1900;
	v2 =	vnsel vm13, $0x1900, v62;
	[tilespmem:$0xE0] =	vst v0;
	(pc) =	sbr.rel @!p1 .LBB2_3-.Ltmp1, $4  }
0x36: {  	vm12 =	vlt.s32 v61, $0x1900;
	v0 =	vnsel vm11, $0x1900, v3;
	[tilespmem:$0xB0] =	vst v2  }
0x37: {  	vm14 =	vlt.s32 v63, $0x1900;
	[tilespmem:$0xC0] =	vst v0;
	v0 =	vnsel vm12, $0x1900, v61  }
0x38: {  	[tilespmem:$0xD0] =	vst v0;
	v0 =	vnsel vm14, $0x1900, v63;
	vm15 =	vlt.s32 v1, $0x1900  }
0x39: {  	s12 =	sadd.s32 $0xFFFFFFFF, s12;
	p0 =	por $0x1, $0x1;
	[tilespmem:$0x90] =	vst v0;
	v0 =	vnsel vm15, $0x1900, v1  }
.LBB2_2:
0x3a: {  	p1 =	sne.s32 s12, $0x1;
	s12 =	sadd.s32 $0xFFFFFFFF, s12;
	[tilespmem:$0xF0] =	vst v0  }
0x3b: {  	[tilespmem:s5], [sflag:$0x2] =	stream.linear.gather [hbm4b:s8+s2], $0x4000, $0x38;
	[tilespmem:$0x4100] =	vst v63  }
0x3c: {  	_ =	swait.ge [sflag:s4], $0x4000  }
0x3d: {  	[sflag:s4] =	ssyncset.done $0x0  }
0x3e: {  	[sflag:s4] =	ssyncadd.s32 $0xFFFFC000  }
0x3f: {  	[hbm4b:s3+s7] =	stream.indirect.scatter [tilespmem:s5], [sflag:$0x1], $0x80, s7, s7, $0xb8;
	[tilespmem:$0x4100] =	vst v63  }
0x40: {  	_ =	swait.ge [sflag:s6], $0x4000  }
0x41: {  	[sflag:s6] =	ssyncset.done $0x0  }
0x42: {  	[sflag:s6] =	ssyncadd.s32 $0xFFFFC000  }
0x43: {  	[tilespmem:s2], [sflag:$0x2] =	stream.linear.gather [hbm4b:s11+s2], $0x80, $0x38;
	[tilespmem:$0x4100] =	vst v63  }
0x44: {  	_ =	swait.ge [sflag:s4], $0x80  }
0x45: {  	[sflag:s4] =	ssyncset.done $0x0  }
0x46: {  	[sflag:s4] =	ssyncadd.s32 $0xFFFFFF80  }
0x47: {  	v0 =	vld [tilespmem:$0x70]  }
0x48: {  	v1 =	vld [tilespmem:$0x60]  }
0x49: {  	v2 =	vld [tilespmem:$0x40]  }
0x4a: {  	v3 =	vld [tilespmem:$0x20]  }
0x4b: {  	v4 =	vld [tilespmem:$0x50]  }
0x4c: {  	v5 =	vld [tilespmem:$0x30];
	vm0 =	vlt.s32 v0, $0x1900  }
0x4d: {  	v6 =	vld [tilespmem:$0x0];
	vm1 =	vlt.s32 v1, $0x1900;
	v0 =	vnsel vm0, $0x1900, v0  }
0x4e: {  	v7 =	vld [tilespmem:$0x10];
	vm0 =	vlt.s32 v2, $0x1900;
	v1 =	vnsel vm1, $0x1900, v1;
	[tilespmem:$0xF0] =	vst v0  }
0x4f: {  	vm1 =	vlt.s32 v3, $0x1900;
	v0 =	vnsel vm0, $0x1900, v2;
	[tilespmem:$0xE0] =	vst v1  }
0x50: {  	v1 =	vnsel vm1, $0x1900, v3;
	[tilespmem:$0xC0] =	vst v0;
	vm0 =	vlt.s32 v4, $0x1900  }
0x51: {  	[tilespmem:$0xA0] =	vst v1;
	vm1 =	vlt.s32 v5, $0x1900;
	v0 =	vnsel vm0, $0x1900, v4  }
0x52: {  	vm0 =	vlt.s32 v6, $0x1900;
	v1 =	vnsel vm1, $0x1900, v5;
	[tilespmem:$0xD0] =	vst v0  }
0x53: {  	v0 =	vnsel vm0, $0x1900, v6;
	vm0 =	vlt.s32 v7, $0x1900;
	[tilespmem:$0xB0] =	vst v1  }
0x54: {  	[tilespmem:$0x80] =	vst v0;
	v0 =	vnsel vm0, $0x1900, v7  }
0x55: {  	[tilespmem:$0x90] =	vst v0  }
0x56: {  	[tilespmem:s5], [sflag:$0x2] =	stream.linear.gather [hbm4b:s10+s2], $0x4000, $0x38;
	[tilespmem:$0x4100] =	vst v63  }
0x57: {  	_ =	swait.ge [sflag:s4], $0x4000  }
0x58: {  	[sflag:s4] =	ssyncset.done $0x0  }
0x59: {  	[sflag:s4] =	ssyncadd.s32 $0xFFFFC000  }
0x5a: {  	[hbm4b:s3+s7] =	stream.indirect.scatter [tilespmem:s5], [sflag:$0x1], $0x80, s7, s7, $0xb8;
	[tilespmem:$0x4100] =	vst v63  }
0x5b: {  	_ =	swait.ge [sflag:s6], $0x4000  }
0x5c: {  	[sflag:s6] =	ssyncset.done $0x0  }
0x5d: {  	[sflag:s6] =	ssyncadd.s32 $0xFFFFC000  }
0x5e: {  	[tilespmem:s2], [sflag:$0x2] =	stream.linear.gather [hbm4b:s9+s2], $0x80, $0x38;
	[tilespmem:$0x4100] =	vst v63  }
0x5f: {  	_ =	swait.ge [sflag:s4], $0x80  }
0x60: {  	[sflag:s4] =	ssyncset.done $0x0  }
0x61: {  	[sflag:s4] =	ssyncadd.s32 $0xFFFFFF80  }
0x62: {  	v0 =	vld [tilespmem:$0x0]  }
0x63: {  	v1 =	vld [tilespmem:$0x60]  }
0x64: {  	v2 =	vld [tilespmem:$0x20]  }
0x65: {  	v3 =	vld [tilespmem:$0x40]  }
0x66: {  	v4 =	vld [tilespmem:$0x50]  }
0x67: {  	vm0 =	vlt.s32 v0, $0x1900;
	v5 =	vld [tilespmem:$0x30]  }
0x68: {  	v0 =	vnsel vm0, $0x1900, v0;
	v6 =	vld [tilespmem:$0x10];
	vm0 =	vlt.s32 v1, $0x1900  }
0x69: {  	[tilespmem:$0x80] =	vst v0;
	vm1 =	vlt.s32 v2, $0x1900;
	v0 =	vnsel vm0, $0x1900, v1;
	v1 =	vld [tilespmem:$0x70]  }
0x6a: {  	v2 =	vnsel vm1, $0x1900, v2;
	vm0 =	vlt.s32 v3, $0x1900;
	[tilespmem:$0xE0] =	vst v0  }
.Ltmp2:
0x6b: {  	[tilespmem:$0xA0] =	vst v2;
	v0 =	vnsel vm0, $0x1900, v3;
	vm0 =	vlt.s32 v4, $0x1900;
	(pc) =	sbr.rel @p1 .LBB2_2-.Ltmp2, $4  }
0x6c: {  	vm1 =	vlt.s32 v5, $0x1900;
	[tilespmem:$0xC0] =	vst v0;
	v0 =	vnsel vm0, $0x1900, v4  }
0x6d: {  	vm0 =	vlt.s32 v6, $0x1900;
	v2 =	vnsel vm1, $0x1900, v5;
	[tilespmem:$0xD0] =	vst v0  }
0x6e: {  	v0 =	vnsel vm0, $0x1900, v6;
	[tilespmem:$0xB0] =	vst v2;
	vm0 =	vlt.s32 v1, $0x1900  }
0x6f: {  	[tilespmem:$0x90] =	vst v0;
	v0 =	vnsel vm0, $0x1900, v1  }
.LBB2_3:
0x70: {  	[tilespmem:$0xF0] =	vst @p0 v0  }
0x71: {  	[tilespmem:s5], [sflag:$0x2] =	stream.linear.gather @p0 [hbm4b:s8+s2], $0x4000, $0x38;
	[tilespmem:$0x4100] =	vst v63  }
0x72: {  	_ =	swait.ge @p0 [sflag:s4], $0x4000  }
0x73: {  	[sflag:s4] =	ssyncset.done @p0 $0x0  }
0x74: {  	[sflag:s4] =	ssyncadd.s32 @p0 $0xFFFFC000  }
0x75: {  	[hbm4b:s3+s7] =	stream.indirect.scatter @p0 [tilespmem:s5], [sflag:$0x1], $0x80, s7, s7, $0xb8;
	[tilespmem:$0x4100] =	vst v63  }
0x76: {  	_ =	swait.ge @p0 [sflag:s6], $0x4000  }
0x77: {  	[sflag:s6] =	ssyncset.done @p0 $0x0  }
0x78: {  	[sflag:s6] =	ssyncadd.s32 @p0 $0xFFFFC000  }
0x79: {  	[tilespmem:s2], [sflag:$0x2] =	stream.linear.gather [hbm4b:s11+s2], $0x80, $0x38;
	[tilespmem:$0x4100] =	vst v63  }
0x7a: {  	_ =	swait.ge [sflag:s4], $0x80  }
0x7b: {  	[sflag:s4] =	ssyncset.done $0x0  }
0x7c: {  	[sflag:s4] =	ssyncadd.s32 $0xFFFFFF80  }
0x7d: {  	v43 =	vld [tilespmem:$0x70]  }
0x7e: {  	v1 =	vld [tilespmem:$0x60]  }
0x7f: {  	v2 =	vld [tilespmem:$0x40]  }
0x80: {  	v3 =	vld [tilespmem:$0x20]  }
0x81: {  	v4 =	vld [tilespmem:$0x50]  }
0x82: {  	v5 =	vld [tilespmem:$0x30];
	vm0 =	vlt.s32 v43, $0x1900  }
0x83: {  	v6 =	vld [tilespmem:$0x0];
	vm1 =	vlt.s32 v1, $0x1900;
	v0 =	vnsel vm0, $0x1900, v43  }
0x84: {  	v7 =	vld [tilespmem:$0x10];
	vm14 =	vlt.s32 v2, $0x1900;
	v1 =	vnsel vm1, $0x1900, v1;
	[tilespmem:$0xF0] =	vst v0  }
0x85: {  	vm15 =	vlt.s32 v3, $0x1900;
	v44 =	vnsel vm14, $0x1900, v2;
	[tilespmem:$0xE0] =	vst v1  }
0x86: {  	vm4 =	vlt.s32 v4, $0x1900;
	v45 =	vnsel vm15, $0x1900, v3;
	[tilespmem:$0xC0] =	vst v44  }
0x87: {  	vm5 =	vlt.s32 v5, $0x1900;
	v46 =	vnsel vm4, $0x1900, v4;
	[tilespmem:$0xA0] =	vst v45  }
0x88: {  	vm6 =	vlt.s32 v6, $0x1900;
	v47 =	vnsel vm5, $0x1900, v5;
	[tilespmem:$0xD0] =	vst v46  }
0x89: {  	vm7 =	vlt.s32 v7, $0x1900;
	v48 =	vnsel vm6, $0x1900, v6;
	[tilespmem:$0xB0] =	vst v47  }
0x8a: {  	v49 =	vnsel vm7, $0x1900, v7;
	[tilespmem:$0x80] =	vst v48  }
0x8b: {  	[tilespmem:$0x90] =	vst v49  }
0x8c: {  	[tilespmem:s5], [sflag:$0x2] =	stream.linear.gather [hbm4b:s10+s2], $0x4000, $0x38;
	[tilespmem:$0x4100] =	vst v63  }
0x8d: {  	_ =	swait.ge [sflag:s4], $0x4000  }
0x8e: {  	[sflag:s4] =	ssyncset.done $0x0  }
0x8f: {  	[sflag:s4] =	ssyncadd.s32 $0xFFFFC000  }
0x90: {  	[hbm4b:s3+s7] =	stream.indirect.scatter [tilespmem:s5], [sflag:$0x1], $0x80, s7, s7, $0xb8;
	[tilespmem:$0x4100] =	vst v63  }
0x91: {  	_ =	swait.ge [sflag:s6], $0x4000  }
0x92: {  	[sflag:s6] =	ssyncset.done $0x0  }
0x93: {  	[sflag:s6] =	ssyncadd.s32 $0xFFFFC000  }
0x94: {  	[tilespmem:s2], [sflag:$0x2] =	stream.linear.gather [hbm4b:s9+s2], $0x80, $0x38;
	[tilespmem:$0x4100] =	vst v63  }
0x95: {  	_ =	swait.ge [sflag:s4], $0x80  }
0x96: {  	[sflag:s4] =	ssyncset.done $0x0  }
0x97: {  	[sflag:s4] =	ssyncadd.s32 $0xFFFFFF80  }
0x98: {  	v50 =	vld [tilespmem:$0x0]  }
0x99: {  	v51 =	vld [tilespmem:$0x60]  }
0x9a: {  	v52 =	vld [tilespmem:$0x20]  }
0x9b: {  	v53 =	vld [tilespmem:$0x40]  }
0x9c: {  	v54 =	vld [tilespmem:$0x50]  }
0x9d: {  	v55 =	vld [tilespmem:$0x30];
	vm8 =	vlt.s32 v50, $0x1900  }
0x9e: {  	v56 =	vld [tilespmem:$0x10];
	vm9 =	vlt.s32 v51, $0x1900;
	v0 =	vnsel vm8, $0x1900, v50  }
0x9f: {  	v58 =	vld [tilespmem:$0x70];
	vm10 =	vlt.s32 v52, $0x1900;
	v57 =	vnsel vm9, $0x1900, v51;
	[tilespmem:$0x80] =	vst v0  }
0xa0: {  	vm11 =	vlt.s32 v53, $0x1900;
	v2 =	vnsel vm10, $0x1900, v52;
	[tilespmem:$0xE0] =	vst v57  }
0xa1: {  	vm12 =	vlt.s32 v54, $0x1900;
	v59 =	vnsel vm11, $0x1900, v53;
	[tilespmem:$0xA0] =	vst v2  }
0xa2: {  	vm13 =	vlt.s32 v55, $0x1900;
	v60 =	vnsel vm12, $0x1900, v54;
	[tilespmem:$0xC0] =	vst v59  }
0xa3: {  	vm14 =	vlt.s32 v56, $0x1900;
	v61 =	vnsel vm13, $0x1900, v55;
	[tilespmem:$0xD0] =	vst v60  }
0xa4: {  	vm15 =	vlt.s32 v58, $0x1900;
	v62 =	vnsel vm14, $0x1900, v56;
	[tilespmem:$0xB0] =	vst v61  }
0xa5: {  	v63 =	vnsel vm15, $0x1900, v58;
	[tilespmem:$0x90] =	vst v62  }
0xa6: {  	[tilespmem:$0xF0] =	vst v63  }
0xa7: {  	[tilespmem:s5], [sflag:$0x2] =	stream.linear.gather [hbm4b:s8+s2], $0x4000, $0x38;
	[tilespmem:$0x4100] =	vst v63  }
0xa8: {  	_ =	swait.ge [sflag:s4], $0x4000  }
0xa9: {  	[sflag:s4] =	ssyncset.done $0x0  }
0xaa: {  	[sflag:s4] =	ssyncadd.s32 $0xFFFFC000  }
0xab: {  	[hbm4b:s3+s7] =	stream.indirect.scatter [tilespmem:s5], [sflag:$0x1], $0x80, s7, s7, $0xb8;
	[tilespmem:$0x4100] =	vst v63  }
0xac: {  	_ =	swait.ge [sflag:s6], $0x4000  }
0xad: {  	[sflag:s6] =	ssyncset.done $0x0  }
0xae: {  	[sflag:s6] =	ssyncadd.s32 $0xFFFFC000  }
0xaf: {  	_ =	sfence.sel $0x180000  }
0xb0: {  	[bflag:$0x0] =	sbarrier.arrive $0xFFFF  }
0xb1: {  	p0 =	sne.s32 s1, $0x0;
	_ =	strace $0x90000056  }
0xb2: {  	s0 =	sadd.s32 @!p0 $0x100000, s0;
	[bflag:$0x2] =	sbarrier.arrive $0xFFFF  }
0xb3: {  	[sflag:s0] =	ssyncadd.tile.s32 @!p0 $0x1;
	_ =	shalt  }
.Lfunc_end2:
_tile_overlayer_lowered:
.L_overlay_start_2:
0xb4: {  	(tag) =	ssettag $0x2  }
0xb5: {  	s0 =	rddreg [dreg:$0x0];
	s2 =	stileid.u32  }
0xb6: {  	s1 =	rddreg [dreg:$0x1];
	p0 =	sne.s32 s2, $0x0  }
0xb7: {  	s3 =	rddreg [dreg:$0x2];
	[bflag:$0x3] =	sbarrier.arrive $0xFFFF;
	s2 =	simm.s32 @!p0 $0x1C02  }
0xb8: {  	[timem:s3], [sflag:s2] =	dma.local @!p0 [hbm:s0], s1  }
0xb9: {  	s0 =	simm.s32 @!p0 $0x2  }
0xba: {  	_ =	swait.ge @!p0 [sflag:s0], s1  }
0xbb: {  	s1 =	ssub.s32 @!p0 $0x0, s1;
	[sflag:s0] =	ssyncset.done @!p0 $0x0  }
0xbc: {  	[sflag:s0] =	ssyncadd.s32 @!p0 s1  }
0xbd: {  	[bflag:$0x3] =	sbarrier.arrive $0xFFFF  }
0xbe: {  	_ =	shalt  }

// kernel: kernel.32.cloned.1.call-start
scs
__scs_entry_jumppad:
0x0: {  	(pc) =	sbr.rel $0x88, $3  }
0x1: {  	(tag) =	ssettag $0x0;
	lr =	simm.s32 $0x1  }
0x2: {  	[smem:$0x3F90] =	sst lr;
	_ =	strace $0xD0000000  }
0x3: {  	_ = 	snop  }
0x4: {  	_ = 	snop  }
0x5: {  	_ = 	snop  }
0x6: {  	_ = 	snop  }
0x7: {  	_ = 	snop  }
__scs_overlays_trampoline_lowered:
0x8: {  	[smem:$0x3F9F] =	sst s0  }
0x9: {  	[smem:$0x3FA0] =	sst s1  }
0xa: {  	[smem:$0x3FA1] =	sst s2  }
0xb: {  	[smem:$0x3FA2] =	sst s3  }
0xc: {  	[smem:$0x3FA3] =	sst s4  }
0xd: {  	[smem:$0x3FA4] =	sst s5  }
0xe: {  	[smem:$0x3FA5] =	sst s6  }
0xf: {  	[smem:$0x3FA6] =	sst s7  }
0x10: {  	[smem:$0x3FA7] =	sst s8  }
0x11: {  	[smem:$0x3FA8] =	sst s9;
	s0 =	simm.s32 @!p0 $0x0  }
0x12: {  	s1 =	sld [smem:$0x3F8E];
	s0 =	simm.s32 @p0 $0x1  }
0x13: {  	[smem:$0x3FA9] =	sst s0;
	s0 =	simm.s32 @!p1 $0x0  }
0x14: {  	s2 =	sld [smem:$0x3F8D];
	s0 =	simm.s32 @p1 $0x1  }
0x15: {  	[smem:$0x3FAA] =	sst s0;
	s0 =	simm.s32 @!p2 $0x0  }
0x16: {  	s3 =	sld [smem:$0x3FDB];
	s0 =	simm.s32 @p2 $0x1  }
0x17: {  	s4 =	simm.s32 $0x1BF5;
	[smem:$0x3FAC] =	sst s0  }
0x18: {  	s0 =	sld [smem:$0x3F8F];
	_ =	swait.ge [sflag:s4], $0x0  }
0x19: {  	s7 =	sld [smem:$0x3F90]  }
0x1a: {  	s8 =	sadd.s32 $0xFFFFE003, lr  }
0x1b: {  	s9 =	sadd.s32 $0xFFFFFEF7, lr;
	s5 =	simm.s32 $0xFFFFFFFF;
	p2 =	slt.u32 s8, $0xFFFFF086  }
0x1c: {  	p1 =	slt.u32 s9, $0xF7A;
	s5 =	simm.s32 @!p2 $0x0  }
0x1d: {  	s5 =	simm.s32 @p1 $0x1;
	p0 =	seq.s32 s7, s2  }
0x1e: {  	s7 =	smul.u32 @!p0 $0xF7A, s2;
	p2 =	seq.s32 @!p0 s5, $0x0  }
0x1f: {  	s9 =	smul.u32 $0xF7A, s1;
	s8 =	simm.s32 @!p0 $0x1BF5;
	p2 =	por !p2, p0  }
0x20: {  	[sflag:s8] =	ssyncset.s32 @!p0 $0xFFFFF086;
	s6 =	sadd.s32 @!p0 s3, s7;
	s7 =	simm.s32 @!p0 $0x108  }
0x21: {  	s3 =	sadd.s32 s3, s9;
	s6 =	sadd.s32 @!p0 $0x88, s6;
	s7 =	simm.s32 @p2 $0x1082  }
0x22: {  	[simem:s7], [sflag:s8] =	dma.local @!p0 [hbm:s6], $0xF7A  }
0x23: {  	s9 =	sor.u32 $0xD0000000, s2;
	s6 =	simm.s32 $0x108;
	_ =	swait.ge @!p0 [sflag:s8], $0x0  }
0x24: {  	s3 =	sadd.s32 $0x88, s3;
	s6 =	simm.s32 @!p1 $0x1082;
	[sflag:s4] =	ssyncset.s32 $0xFFFFF086  }
0x25: {  	[simem:s6], [sflag:s4] =	dma.local [hbm:s3], $0xF7A  }
0x26: {  	[smem:$0x3F90] =	sst s1;
	(tag) =	ssettag s2;
	_ =	strace s9  }
0x27: {  	s1 =	sld [smem:$0x3FA0]  }
0x28: {  	s2 =	sld [smem:$0x3FA1]  }
0x29: {  	s4 =	sld [smem:$0x3FA3]  }
0x2a: {  	p0 =	seq.s32 s5, $0x0;
	s5 =	sld [smem:$0x3FA4]  }
0x2b: {  	s6 =	sld [smem:$0x3FA5]  }
0x2c: {  	s7 =	sld [smem:$0x3FA6]  }
0x2d: {  	s3 =	simm.s32 $0x108;
	s8 =	sld [smem:$0x3FA7]  }
0x2e: {  	s3 =	simm.s32 @!p0 $0x1082;
	s9 =	sld [smem:$0x3FA8]  }
0x2f: {  	lr =	sadd.s32 s0, s3;
	s0 =	sld [smem:$0x3F9F]  }
0x30: {  	s3 =	sld [smem:$0x3FA2]  }
0x31: {  	[smem:$0x3FAB] =	sst s10  }
0x32: {  	s10 =	sld [smem:$0x3FA9];
	_ =	sdelay $0x3  }
0x33: {  	p0 =	seq.s32 s10, $0x1;
	s10 =	sld [smem:$0x3FAB];
	_ =	sdelay $0x3  }
0x34: {  	[smem:$0x3FAB] =	sst s10  }
0x35: {  	s10 =	sld [smem:$0x3FAA];
	_ =	sdelay $0x3  }
0x36: {  	p1 =	seq.s32 s10, $0x1;
	s10 =	sld [smem:$0x3FAB];
	_ =	sdelay $0x3  }
0x37: {  	[smem:$0x3FAB] =	sst s10  }
0x38: {  	s10 =	sld [smem:$0x3FAC]  }
0x39: {  	_ = 	snop;
	(pc) =	sbr.ind lr, $3  }
0x3a: {  	_ = 	snop  }
0x3b: {  	_ = 	snop  }
0x3c: {  	p2 =	seq.s32 s10, $0x1;
	s10 =	sld [smem:$0x3FAB]  }
0x3d: {  	_ =	shalt  }
0x3e: {  	_ =	shalt  }
0x3f: {  	_ =	shalt  }
0x40: {  	_ =	shalt  }
0x41: {  	_ =	shalt  }
0x42: {  	_ =	shalt  }
0x43: {  	_ =	shalt  }
0x44: {  	_ =	shalt  }
0x45: {  	_ =	shalt  }
0x46: {  	_ =	shalt  }
0x47: {  	_ =	shalt  }
0x48: {  	_ =	shalt  }
0x49: {  	_ =	shalt  }
0x4a: {  	_ =	shalt  }
0x4b: {  	_ =	shalt  }
0x4c: {  	_ =	shalt  }
0x4d: {  	_ =	shalt  }
0x4e: {  	_ =	shalt  }
0x4f: {  	_ =	shalt  }
0x50: {  	_ =	shalt  }
0x51: {  	_ =	shalt  }
0x52: {  	_ =	shalt  }
0x53: {  	_ =	shalt  }
0x54: {  	_ =	shalt  }
0x55: {  	_ =	shalt  }
0x56: {  	_ =	shalt  }
0x57: {  	_ =	shalt  }
0x58: {  	_ =	shalt  }
0x59: {  	_ =	shalt  }
0x5a: {  	_ =	shalt  }
0x5b: {  	_ =	shalt  }
0x5c: {  	_ =	shalt  }
0x5d: {  	_ =	shalt  }
0x5e: {  	_ =	shalt  }
0x5f: {  	_ =	shalt  }
0x60: {  	_ =	shalt  }
0x61: {  	_ =	shalt  }
0x62: {  	_ =	shalt  }
0x63: {  	_ =	shalt  }
0x64: {  	_ =	shalt  }
0x65: {  	_ =	shalt  }
0x66: {  	_ =	shalt  }
0x67: {  	_ =	shalt  }
0x68: {  	_ =	shalt  }
0x69: {  	_ =	shalt  }
0x6a: {  	_ =	shalt  }
0x6b: {  	_ =	shalt  }
0x6c: {  	_ =	shalt  }
0x6d: {  	_ =	shalt  }
0x6e: {  	_ =	shalt  }
0x6f: {  	_ =	shalt  }
0x70: {  	_ =	shalt  }
0x71: {  	_ =	shalt  }
0x72: {  	_ =	shalt  }
0x73: {  	_ =	shalt  }
0x74: {  	_ =	shalt  }
0x75: {  	_ =	shalt  }
0x76: {  	_ =	shalt  }
0x77: {  	_ =	shalt  }
0x78: {  	_ =	shalt  }
0x79: {  	_ =	shalt  }
0x7a: {  	_ =	shalt  }
0x7b: {  	_ =	shalt  }
0x7c: {  	_ =	shalt  }
0x7d: {  	_ =	shalt  }
0x7e: {  	_ =	shalt  }
0x7f: {  	_ =	shalt  }
0x80: {  	_ =	shalt  }
0x81: {  	_ =	shalt  }
0x82: {  	_ =	shalt  }
0x83: {  	_ =	shalt  }
0x84: {  	_ =	shalt  }
0x85: {  	_ =	shalt  }
0x86: {  	_ =	shalt  }
0x87: {  	_ =	shalt  }
.Lfunc_end0:
.L_simem_size_0:
called_computation.5_lowered:
.L_overlay_start_0:
0x88: {  	s2 =	sld [smem:$0x3FD9]  }
0x89: {  	s3 =	sld [smem:$0x3FFE];
	_ =	sdelay $0x1  }
0x8a: {  	s1 =	srdreg.scid  }
0x8b: {  	s0 =	sand.u32 $0x1, s1  }
0x8c: {  	s16 =	sshll.u32 s0, $0xA;
	s2 =	sadd.s32 s3, s2  }
0x8d: {  	s2 =	sadd.s32 s2, s16  }
0x8e: {  	[smem:$0x3FB7] =	sst s2  }
0x8f: {  	_ = 	snop  }
0x90: {  	(tm) =	ssettm $0x1  }
0x91: {  	s17 =	sld [smem:$0x3FFB];
	_ =	sdelay $0x3  }
0x92: {  	_ =	strace s17  }
0x93: {  	s2 =	sld [smem:$0x3FFC];
	_ =	sdelay $0x3  }
0x94: {  	_ =	strace s2  }
0x95: {  	s2 =	sld [smem:$0x3FFD];
	_ =	sdelay $0x3  }
0x96: {  	_ =	strace s2  }
0x97: {  	_ =	strace $0x8FFFFFFF  }
0x98: {  	s18 =	sld [smem:$0x3FDB];
	_ =	sdelay $0x1  }
0x99: {  	s19 =	simm.s32 $_scs_section_size  }
0x9a: {  	s4 =	simm.s32 $_size__tile_overlayer_lowered;
	s5 =	simm.s32 $_tile_overlayer_lowered  }
0x9b: {  	s22 =	simm.s32 $0x1BFF;
	s21 =	sshll.u32 s5, $0x1;
	s2 =	sadd.s32 s19, s18  }
0x9c: {  	s6 =	simm.s32 $0x0;
	s20 =	sshll.u32 s4, $0x1;
	s4 =	sadd.s32 s21, s2  }
0x9d: {  	[timem:s6], [sflag:s22] =	dma.local [hbm:s4], s20  }
0x9e: {  	_ =	swait.ge [sflag:s22], s20  }
0x9f: {  	s3 =	ssub.s32 $0x0, s20;
	[sflag:s22] =	ssyncset.done $0x0  }
0xa0: {  	[sflag:s22] =	ssyncadd.s32 s3;
	_ =	sdelay $0x1  }
0xa1: {  	s23 =	simm.s32 $0x1B8B  }
0xa2: {  	_ =	swait.ge [sflag:s23], $0x1  }
0xa3: {  	[sflag:s23] =	ssyncset.done $0x0  }
0xa4: {  	s25 =	simm.s32 $0x1B8E;
	s24 =	sld [smem:$0x3FFE];
	[sflag:s23] =	ssyncadd.s32 $0xFFFFFFFF  }
0xa5: {  	s26 =	simm.s32 $execute0_lowered;
	[smem:$0x3FD2] =	sst s25  }
0xa6: {  	s4 =	sshll.u32 s26, $0x1;
	_ =	strace $0x80000052;
	[dreg:$0x1] =	wrdreg $0xFFFFFFFF  }
0xa7: {  	s28 =	simm.s32 $_size_execute0_lowered;
	s2 =	sadd.s32 s2, s4;
	[dreg:$0x0] =	wrdreg $0x0  }
0xa8: {  	s4 =	sshll.u32 s28, $0x1;
	[dreg:$0x2] =	wrdreg s2  }
0xa9: {  	[dreg:$0x3] =	wrdreg s4  }
0xaa: {  	[dreg:$0x4] =	wrdreg $0xC0  }
0xab: {  	_ =	task [dreg:s6], $0x5FFFF  }
0xac: {  	[dreg:$0x1] =	wrdreg $0xFFFFFFFF  }
0xad: {  	[dreg:$0x0] =	wrdreg $0x60  }
0xae: {  	[dreg:$0x2] =	wrdreg s24  }
0xaf: {  	[dreg:$0x3] =	wrdreg $0xA  }
0xb0: {  	_ =	task.clear_ibuf [dreg:s6], $0x4FFFF;
	_ =	strace $0x90000052  }
0xb1: {  	s29 =	simm.s32 $0xA;
	_ =	strace $0x80000054  }
0xb2: {  	_ =	swait.ge [sflag:s29], $0x1  }
0xb3: {  	[sflag:s29] =	ssyncadd.s32 $0xFFFFFFFF  }
0xb4: {  	_ =	strace $0x90000054  }
0xb5: {  	_ =	sfence  }
0xb6: {  	s30 =	sld [smem:$0x0];
	_ =	sdelay $0x2  }
0xb7: {  	s31 =	sshll.u32 s1, $0xD;
	s1 =	sshrl.u32 s1, $0x2  }
0xb8: {  	s3 =	sand.u32 $0x4000, s31;
	s1 =	sadd.s32 s1, s30  }
0xb9: {  	s0 =	sor.u32 s3, s0;
	s1 =	sshll.u32 s1, $0x11  }
0xba: {  	s0 =	sor.u32 s1, s0  }
0xbb: {  	s0 =	sadd.s32 $0x8F2B, s0  }
0xbc: {  	[sflag:s0] =	ssyncadd.remote.s32 $0x1  }
0xbd: {  	_ =	sfence.sel $0xFFFF  }
0xbe: {  	[dreg:$0x0] =	wrdreg $0xFFFFFFFF;
	(pc) =	sbr.abs _section_cstart, $3  }
0xbf: {  	[dreg:$0x1] =	wrdreg $0xFFFFFFFF  }
0xc0: {  	_ =	task.clear_ibuf [dreg:s6], $0x2FFFF;
	_ =	strace $0x9FFFFFFF  }
0xc1: {  	(tm) =	ssettm $0x7FFFFFFF  }
tec
execute0_lowered:
.L_overlay_start_1:
0x0: {  	(tag) =	ssettag $0x1  }
0x1: {  	s1 =	srdreg.scid  }
0x2: {  	s0 =	stileid.u32;
	s4 =	rddreg [dreg:$0x0]  }
0x3: {  	s2 =	simm.s32 $0x0;
	s9 =	simm.s32 $0x1;
	s10 =	simm.s32 $0x2000  }
0x4: {  	s11 =	simm.s32 $0x3400;
	s3 =	sand.u32 $0x1, s1;
	s5 =	sshll.u32 s0, $0x1  }
0x5: {  	s12 =	simm.s32 $0x4800;
	s13 =	simm.s32 $0x5C00;
	s5 =	sor.u32 s3, s5  }
0x6: {  	s1 =	rddreg [dreg:$0x1];
	s6 =	ssub.s32 $0x2, s3;
	s5 =	smul.u32 $0x280, s5  }
0x7: {  	s14 =	simm.s32 $0x0;
	[smem:$0x7FF] =	sst s2;
	s31 =	sshrl.u32 s6, $0x1  }
0x8: {  	_ =	strace $0x80000053;
	s8 =	ssub.s32 s6, s31;
	s7 =	sadd.s32 s5, s4  }
0x9: {  	s3 =	sadd.s32 $0x52600, s4;
	s8 =	smax.u32 s8, $0x1;
	s4 =	sadd.s32 $0x4D600, s7  }
0xa: {  	s5 =	sadd.s32 $0x5F000, s7;
	s6 =	sadd.s32 $0x52A00, s7;
	s7 =	sadd.s32 $0x57A00, s7  }
.LBB2_1:
0xb: {  	[tilespmem:s2], [sflag:$0x1] =	stream.linear.gather [hbm4b:s3+s2], $0x2000, $0x38;
	[tilespmem:$0x7000] =	vst v63  }
0xc: {  	_ =	swait.ge [sflag:s9], $0x2000  }
0xd: {  	[sflag:s9] =	ssyncset.done $0x0  }
0xe: {  	[sflag:s9] =	ssyncadd.s32 $0xFFFFE000  }
0xf: {  	[tilespmem:s10], [sflag:$0x1] =	stream.linear.gather [hbm4b:s4+s2], $0x1400, $0x38;
	[tilespmem:$0x7000] =	vst v63  }
0x10: {  	_ =	swait.ge [sflag:s9], $0x1400  }
0x11: {  	[sflag:s9] =	ssyncset.done $0x0  }
0x12: {  	[sflag:s9] =	ssyncadd.s32 $0xFFFFEC00  }
0x13: {  	[tilespmem:s11], [sflag:$0x1] =	stream.linear.gather [hbm4b:s5+s2], $0x1400, $0x38;
	[tilespmem:$0x7000] =	vst v63  }
0x14: {  	_ =	swait.ge [sflag:s9], $0x1400  }
0x15: {  	[sflag:s9] =	ssyncset.done $0x0  }
0x16: {  	s15 =	simm.s32 $0x0;
	[sflag:s9] =	ssyncadd.s32 $0xFFFFEC00  }
0x17: {  	v0 =	vld [tilespmem:s15+$0x2000]  }
0x18: {  	v2 =	vld [tilespmem:s15+$0x3400];
	_ =	sdelay $0x6  }
0x19: {  	v1 =	vld.idx.msk [tilespmem:v0+s2+$0x0], $0xffff  }
0x1a: {  	v2 =	vld.idx.msk [tilespmem:v2+s2+$0x0], $0xffff  }
0x1b: {  	s16 =	simm.s32 $0x10  }
0x1c: {  	s17 =	simm.s32 $0x80;
	v0 =	vld [tilespmem:s16+$0x2000]  }
.LBB2_2:
0x1d: {  	p0 =	sne.s32 s17, $0x4FC0;
	v3 =	vld [tilespmem:s16+$0x3400];
	_ =	sdelay $0x1  }
0x1e: {  	vm0 =	vlt.s32 v1, $0x1900;
	vm1 =	vlt.s32 v2, $0x1900  }
0x1f: {  	vm0 =	vmand vm0, vm1  }
0x20: {  	v1 =	vnsel vm0, $0x0, v1;
	v2 =	vnsel vm0, $0x1900, v2  }
0x21: {  	[tilespmem:s15+$0x4800] =	vst v1  }
0x22: {  	[tilespmem:s15+$0x5C00] =	vst v2;
	s15 =	smov.u32 s16  }
.Ltmp0:
0x23: {  	v1 =	vld.idx.msk [tilespmem:v0+s2+$0x0], $0xffff;
	(pc) =	sbr.rel @p0 .LBB2_2-.Ltmp0, $3  }
0x24: {  	v2 =	vld.idx.msk [tilespmem:v3+s2+$0x0], $0xffff;
	_ =	sdelay $0x1  }
0x25: {  	s16 =	sshra.s32 s17, $0x2  }
0x26: {  	s17 =	sadd.s32 $0x40, s17;
	v0 =	vld [tilespmem:s16+$0x2000]  }
0x27: {  	_ = 	snop  }
0x28: {  	v3 =	vld [tilespmem:s16+$0x3400];
	_ =	sdelay $0x1  }
0x29: {  	vm0 =	vlt.s32 v1, $0x1900;
	vm1 =	vlt.s32 v2, $0x1900  }
0x2a: {  	vm0 =	vmand vm0, vm1  }
0x2b: {  	v62 =	vnsel vm0, $0x0, v1  }
0x2c: {  	v63 =	vnsel vm0, $0x1900, v2;
	[tilespmem:s15+$0x4800] =	vst v62  }
0x2d: {  	[tilespmem:s15+$0x5C00] =	vst v63  }
0x2e: {  	v0 =	vld.idx.msk [tilespmem:v0+s2+$0x0], $0xffff  }
0x2f: {  	v1 =	vld.idx.msk [tilespmem:v3+s2+$0x0], $0xffff;
	_ =	sdelay $0x4  }
0x30: {  	vm14 =	vlt.s32 v0, $0x1900;
	vm15 =	vlt.s32 v1, $0x1900  }
0x31: {  	vm0 =	vmand vm14, vm15  }
0x32: {  	v0 =	vnsel vm0, $0x0, v0  }
0x33: {  	v1 =	vnsel vm0, $0x1900, v1;
	[tilespmem:s16+$0x4800] =	vst v0  }
0x34: {  	[tilespmem:s16+$0x5C00] =	vst v1  }
0x35: {  	[hbm4b:s6+s2] =	stream.linear.scatter [tilespmem:s12], [sflag:$0x1], $0x1400, $0x38;
	[tilespmem:$0x7000] =	vst v63  }
0x36: {  	s14 =	sadd.s32 $0x1, s14;
	_ =	swait.ge [sflag:s9], $0x1400  }
0x37: {  	p0 =	sne.s32 s14, s8;
	[sflag:s9] =	ssyncset.done $0x0  }
.Ltmp1:
0x38: {  	[sflag:s9] =	ssyncadd.s32 $0xFFFFEC00;
	(pc) =	sbr.rel @p0 .LBB2_1-.Ltmp1, $4  }
0x39: {  	[hbm4b:s7+s2] =	stream.linear.scatter [tilespmem:s13], [sflag:$0x1], $0x1400, $0x38;
	[tilespmem:$0x7000] =	vst v63  }
0x3a: {  	_ =	swait.ge [sflag:s9], $0x1400  }
0x3b: {  	[sflag:s9] =	ssyncset.done $0x0  }
0x3c: {  	[sflag:s9] =	ssyncadd.s32 $0xFFFFEC00  }
0x3d: {  	_ =	sfence.sel $0x180000  }
0x3e: {  	[bflag:$0x0] =	sbarrier.arrive $0xFFFF  }
0x3f: {  	p0 =	sne.s32 s0, $0x0;
	_ =	strace $0x90000053  }
0x40: {  	s0 =	sadd.s32 @!p0 $0x100000, s1;
	[bflag:$0x2] =	sbarrier.arrive $0xFFFF  }
0x41: {  	[sflag:s0] =	ssyncadd.tile.s32 @!p0 $0x1;
	_ =	shalt  }
.Lfunc_end2:
_tile_overlayer_lowered:
.L_overlay_start_2:
0x42: {  	(tag) =	ssettag $0x2  }
0x43: {  	s0 =	rddreg [dreg:$0x0];
	s2 =	stileid.u32  }
0x44: {  	s1 =	rddreg [dreg:$0x1];
	p0 =	sne.s32 s2, $0x0  }
0x45: {  	s3 =	rddreg [dreg:$0x2];
	[bflag:$0x3] =	sbarrier.arrive $0xFFFF;
	s2 =	simm.s32 @!p0 $0x1C01  }
0x46: {  	[timem:s3], [sflag:s2] =	dma.local @!p0 [hbm:s0], s1  }
0x47: {  	s0 =	simm.s32 @!p0 $0x1  }
0x48: {  	_ =	swait.ge @!p0 [sflag:s0], s1  }
0x49: {  	s1 =	ssub.s32 @!p0 $0x0, s1;
	[sflag:s0] =	ssyncset.done @!p0 $0x0  }
0x4a: {  	[sflag:s0] =	ssyncadd.s32 @!p0 s1  }
0x4b: {  	[bflag:$0x3] =	sbarrier.arrive $0xFFFF  }
0x4c: {  	_ =	shalt  }

// kernel: kernel.35.cloned.1.call-start
scs
__scs_entry_jumppad:
0x0: {  	(pc) =	sbr.rel $0x88, $3  }
0x1: {  	(tag) =	ssettag $0x0;
	lr =	simm.s32 $0x1  }
0x2: {  	[smem:$0x3F90] =	sst lr;
	_ =	strace $0xD0000000  }
0x3: {  	_ = 	snop  }
0x4: {  	_ = 	snop  }
0x5: {  	_ = 	snop  }
0x6: {  	_ = 	snop  }
0x7: {  	_ = 	snop  }
__scs_overlays_trampoline_lowered:
0x8: {  	[smem:$0x3F9F] =	sst s0  }
0x9: {  	[smem:$0x3FA0] =	sst s1  }
0xa: {  	[smem:$0x3FA1] =	sst s2  }
0xb: {  	[smem:$0x3FA2] =	sst s3  }
0xc: {  	[smem:$0x3FA3] =	sst s4  }
0xd: {  	[smem:$0x3FA4] =	sst s5  }
0xe: {  	[smem:$0x3FA5] =	sst s6  }
0xf: {  	[smem:$0x3FA6] =	sst s7  }
0x10: {  	[smem:$0x3FA7] =	sst s8  }
0x11: {  	[smem:$0x3FA8] =	sst s9;
	s0 =	simm.s32 @!p0 $0x0  }
0x12: {  	s1 =	sld [smem:$0x3F8E];
	s0 =	simm.s32 @p0 $0x1  }
0x13: {  	[smem:$0x3FA9] =	sst s0;
	s0 =	simm.s32 @!p1 $0x0  }
0x14: {  	s2 =	sld [smem:$0x3F8D];
	s0 =	simm.s32 @p1 $0x1  }
0x15: {  	[smem:$0x3FAA] =	sst s0;
	s0 =	simm.s32 @!p2 $0x0  }
0x16: {  	s3 =	sld [smem:$0x3FDB];
	s0 =	simm.s32 @p2 $0x1  }
0x17: {  	s4 =	simm.s32 $0x1BF5;
	[smem:$0x3FAC] =	sst s0  }
0x18: {  	s0 =	sld [smem:$0x3F8F];
	_ =	swait.ge [sflag:s4], $0x0  }
0x19: {  	s7 =	sld [smem:$0x3F90]  }
0x1a: {  	s8 =	sadd.s32 $0xFFFFE003, lr  }
0x1b: {  	s9 =	sadd.s32 $0xFFFFFEF7, lr;
	s5 =	simm.s32 $0xFFFFFFFF;
	p2 =	slt.u32 s8, $0xFFFFF086  }
0x1c: {  	p1 =	slt.u32 s9, $0xF7A;
	s5 =	simm.s32 @!p2 $0x0  }
0x1d: {  	s5 =	simm.s32 @p1 $0x1;
	p0 =	seq.s32 s7, s2  }
0x1e: {  	s7 =	smul.u32 @!p0 $0xF7A, s2;
	p2 =	seq.s32 @!p0 s5, $0x0  }
0x1f: {  	s9 =	smul.u32 $0xF7A, s1;
	s8 =	simm.s32 @!p0 $0x1BF5;
	p2 =	por !p2, p0  }
0x20: {  	[sflag:s8] =	ssyncset.s32 @!p0 $0xFFFFF086;
	s6 =	sadd.s32 @!p0 s3, s7;
	s7 =	simm.s32 @!p0 $0x108  }
0x21: {  	s3 =	sadd.s32 s3, s9;
	s6 =	sadd.s32 @!p0 $0x88, s6;
	s7 =	simm.s32 @p2 $0x1082  }
0x22: {  	[simem:s7], [sflag:s8] =	dma.local @!p0 [hbm:s6], $0xF7A  }
0x23: {  	s9 =	sor.u32 $0xD0000000, s2;
	s6 =	simm.s32 $0x108;
	_ =	swait.ge @!p0 [sflag:s8], $0x0  }
0x24: {  	s3 =	sadd.s32 $0x88, s3;
	s6 =	simm.s32 @!p1 $0x1082;
	[sflag:s4] =	ssyncset.s32 $0xFFFFF086  }
0x25: {  	[simem:s6], [sflag:s4] =	dma.local [hbm:s3], $0xF7A  }
0x26: {  	[smem:$0x3F90] =	sst s1;
	(tag) =	ssettag s2;
	_ =	strace s9  }
0x27: {  	s1 =	sld [smem:$0x3FA0]  }
0x28: {  	s2 =	sld [smem:$0x3FA1]  }
0x29: {  	s4 =	sld [smem:$0x3FA3]  }
0x2a: {  	p0 =	seq.s32 s5, $0x0;
	s5 =	sld [smem:$0x3FA4]  }
0x2b: {  	s6 =	sld [smem:$0x3FA5]  }
0x2c: {  	s7 =	sld [smem:$0x3FA6]  }
0x2d: {  	s3 =	simm.s32 $0x108;
	s8 =	sld [smem:$0x3FA7]  }
0x2e: {  	s3 =	simm.s32 @!p0 $0x1082;
	s9 =	sld [smem:$0x3FA8]  }
0x2f: {  	lr =	sadd.s32 s0, s3;
	s0 =	sld [smem:$0x3F9F]  }
0x30: {  	s3 =	sld [smem:$0x3FA2]  }
0x31: {  	[smem:$0x3FAB] =	sst s10  }
0x32: {  	s10 =	sld [smem:$0x3FA9];
	_ =	sdelay $0x3  }
0x33: {  	p0 =	seq.s32 s10, $0x1;
	s10 =	sld [smem:$0x3FAB];
	_ =	sdelay $0x3  }
0x34: {  	[smem:$0x3FAB] =	sst s10  }
0x35: {  	s10 =	sld [smem:$0x3FAA];
	_ =	sdelay $0x3  }
0x36: {  	p1 =	seq.s32 s10, $0x1;
	s10 =	sld [smem:$0x3FAB];
	_ =	sdelay $0x3  }
0x37: {  	[smem:$0x3FAB] =	sst s10  }
0x38: {  	s10 =	sld [smem:$0x3FAC]  }
0x39: {  	_ = 	snop;
	(pc) =	sbr.ind lr, $3  }
0x3a: {  	_ = 	snop  }
0x3b: {  	_ = 	snop  }
0x3c: {  	p2 =	seq.s32 s10, $0x1;
	s10 =	sld [smem:$0x3FAB]  }
0x3d: {  	_ =	shalt  }
0x3e: {  	_ =	shalt  }
0x3f: {  	_ =	shalt  }
0x40: {  	_ =	shalt  }
0x41: {  	_ =	shalt  }
0x42: {  	_ =	shalt  }
0x43: {  	_ =	shalt  }
0x44: {  	_ =	shalt  }
0x45: {  	_ =	shalt  }
0x46: {  	_ =	shalt  }
0x47: {  	_ =	shalt  }
0x48: {  	_ =	shalt  }
0x49: {  	_ =	shalt  }
0x4a: {  	_ =	shalt  }
0x4b: {  	_ =	shalt  }
0x4c: {  	_ =	shalt  }
0x4d: {  	_ =	shalt  }
0x4e: {  	_ =	shalt  }
0x4f: {  	_ =	shalt  }
0x50: {  	_ =	shalt  }
0x51: {  	_ =	shalt  }
0x52: {  	_ =	shalt  }
0x53: {  	_ =	shalt  }
0x54: {  	_ =	shalt  }
0x55: {  	_ =	shalt  }
0x56: {  	_ =	shalt  }
0x57: {  	_ =	shalt  }
0x58: {  	_ =	shalt  }
0x59: {  	_ =	shalt  }
0x5a: {  	_ =	shalt  }
0x5b: {  	_ =	shalt  }
0x5c: {  	_ =	shalt  }
0x5d: {  	_ =	shalt  }
0x5e: {  	_ =	shalt  }
0x5f: {  	_ =	shalt  }
0x60: {  	_ =	shalt  }
0x61: {  	_ =	shalt  }
0x62: {  	_ =	shalt  }
0x63: {  	_ =	shalt  }
0x64: {  	_ =	shalt  }
0x65: {  	_ =	shalt  }
0x66: {  	_ =	shalt  }
0x67: {  	_ =	shalt  }
0x68: {  	_ =	shalt  }
0x69: {  	_ =	shalt  }
0x6a: {  	_ =	shalt  }
0x6b: {  	_ =	shalt  }
0x6c: {  	_ =	shalt  }
0x6d: {  	_ =	shalt  }
0x6e: {  	_ =	shalt  }
0x6f: {  	_ =	shalt  }
0x70: {  	_ =	shalt  }
0x71: {  	_ =	shalt  }
0x72: {  	_ =	shalt  }
0x73: {  	_ =	shalt  }
0x74: {  	_ =	shalt  }
0x75: {  	_ =	shalt  }
0x76: {  	_ =	shalt  }
0x77: {  	_ =	shalt  }
0x78: {  	_ =	shalt  }
0x79: {  	_ =	shalt  }
0x7a: {  	_ =	shalt  }
0x7b: {  	_ =	shalt  }
0x7c: {  	_ =	shalt  }
0x7d: {  	_ =	shalt  }
0x7e: {  	_ =	shalt  }
0x7f: {  	_ =	shalt  }
0x80: {  	_ =	shalt  }
0x81: {  	_ =	shalt  }
0x82: {  	_ =	shalt  }
0x83: {  	_ =	shalt  }
0x84: {  	_ =	shalt  }
0x85: {  	_ =	shalt  }
0x86: {  	_ =	shalt  }
0x87: {  	_ =	shalt  }
.Lfunc_end0:
.L_simem_size_0:
called_computation.6_lowered:
.L_overlay_start_0:
0x88: {  	s2 =	sld [smem:$0x3FD9]  }
0x89: {  	s3 =	sld [smem:$0x3FFE];
	_ =	sdelay $0x1  }
0x8a: {  	s1 =	srdreg.scid  }
0x8b: {  	s0 =	sand.u32 $0x1, s1  }
0x8c: {  	s16 =	sshll.u32 s0, $0xA;
	s2 =	sadd.s32 s3, s2  }
0x8d: {  	s2 =	sadd.s32 s2, s16  }
0x8e: {  	[smem:$0x3FB7] =	sst s2  }
0x8f: {  	_ = 	snop  }
0x90: {  	(tm) =	ssettm $0x1  }
0x91: {  	s17 =	sld [smem:$0x3FFB];
	_ =	sdelay $0x3  }
0x92: {  	_ =	strace s17  }
0x93: {  	s2 =	sld [smem:$0x3FFC];
	_ =	sdelay $0x3  }
0x94: {  	_ =	strace s2  }
0x95: {  	s2 =	sld [smem:$0x3FFD];
	_ =	sdelay $0x3  }
0x96: {  	_ =	strace s2  }
0x97: {  	_ =	strace $0x8FFFFFFF  }
0x98: {  	s18 =	sld [smem:$0x3FDB];
	_ =	sdelay $0x1  }
0x99: {  	s19 =	simm.s32 $_scs_section_size  }
0x9a: {  	s4 =	simm.s32 $_size__tile_overlayer_lowered;
	s5 =	simm.s32 $_tile_overlayer_lowered  }
0x9b: {  	s22 =	simm.s32 $0x1BFF;
	s21 =	sshll.u32 s5, $0x1;
	s2 =	sadd.s32 s19, s18  }
0x9c: {  	s6 =	simm.s32 $0x0;
	s20 =	sshll.u32 s4, $0x1;
	s4 =	sadd.s32 s21, s2  }
0x9d: {  	[timem:s6], [sflag:s22] =	dma.local [hbm:s4], s20  }
0x9e: {  	_ =	swait.ge [sflag:s22], s20  }
0x9f: {  	s3 =	ssub.s32 $0x0, s20;
	[sflag:s22] =	ssyncset.done $0x0  }
0xa0: {  	[sflag:s22] =	ssyncadd.s32 s3;
	_ =	sdelay $0x1  }
0xa1: {  	s23 =	simm.s32 $0x1B8B  }
0xa2: {  	_ =	swait.ge [sflag:s23], $0x1  }
0xa3: {  	[sflag:s23] =	ssyncset.done $0x0  }
0xa4: {  	s25 =	simm.s32 $0x1B8E;
	s24 =	sld [smem:$0x3FFE];
	[sflag:s23] =	ssyncadd.s32 $0xFFFFFFFF  }
0xa5: {  	s26 =	simm.s32 $execute0_lowered;
	[smem:$0x3FD2] =	sst s25  }
0xa6: {  	s4 =	sshll.u32 s26, $0x1;
	_ =	strace $0x80000058;
	[dreg:$0x1] =	wrdreg $0xFFFFFFFF  }
0xa7: {  	s28 =	simm.s32 $_size_execute0_lowered;
	s2 =	sadd.s32 s2, s4;
	[dreg:$0x0] =	wrdreg $0x0  }
0xa8: {  	s4 =	sshll.u32 s28, $0x1;
	[dreg:$0x2] =	wrdreg s2  }
0xa9: {  	[dreg:$0x3] =	wrdreg s4  }
0xaa: {  	[dreg:$0x4] =	wrdreg $0xC0  }
0xab: {  	_ =	task [dreg:s6], $0x5FFFF  }
0xac: {  	[dreg:$0x1] =	wrdreg $0xFFFFFFFF  }
0xad: {  	[dreg:$0x0] =	wrdreg $0x60  }
0xae: {  	[dreg:$0x2] =	wrdreg s24  }
0xaf: {  	[dreg:$0x3] =	wrdreg $0x9  }
0xb0: {  	_ =	task.clear_ibuf [dreg:s6], $0x4FFFF;
	_ =	strace $0x90000058  }
0xb1: {  	s29 =	simm.s32 $0x9;
	_ =	strace $0x8000005A  }
0xb2: {  	_ =	swait.ge [sflag:s29], $0x1  }
0xb3: {  	[sflag:s29] =	ssyncadd.s32 $0xFFFFFFFF  }
0xb4: {  	_ =	strace $0x9000005A  }
0xb5: {  	_ =	sfence  }
0xb6: {  	s30 =	sld [smem:$0x0];
	_ =	sdelay $0x2  }
0xb7: {  	s31 =	sshll.u32 s1, $0xD;
	s1 =	sshrl.u32 s1, $0x2  }
0xb8: {  	s3 =	sand.u32 $0x4000, s31;
	s1 =	sadd.s32 s1, s30  }
0xb9: {  	s0 =	sor.u32 s3, s0;
	s1 =	sshll.u32 s1, $0x11  }
0xba: {  	s0 =	sor.u32 s1, s0  }
0xbb: {  	s0 =	sadd.s32 $0x8F2B, s0  }
0xbc: {  	[sflag:s0] =	ssyncadd.remote.s32 $0x1  }
0xbd: {  	_ =	sfence.sel $0xFFFF  }
0xbe: {  	[dreg:$0x0] =	wrdreg $0xFFFFFFFF;
	(pc) =	sbr.abs _section_cstart, $3  }
0xbf: {  	[dreg:$0x1] =	wrdreg $0xFFFFFFFF  }
0xc0: {  	_ =	task.clear_ibuf [dreg:s6], $0x2FFFF;
	_ =	strace $0x9FFFFFFF  }
0xc1: {  	(tm) =	ssettm $0x7FFFFFFF  }
tec
execute0_lowered:
.L_overlay_start_1:
0x0: {  	(tag) =	ssettag $0x1  }
0x1: {  	s7 =	rddreg [dreg:$0x0]  }
0x2: {  	s0 =	rddreg [dreg:$0x1]  }
0x3: {  	s2 =	simm.s32 $0x0;
	s3 =	srdreg.scid;
	s1 =	stileid.u32  }
0x4: {  	s11 =	simm.s32 $0x1000;
	s12 =	simm.s32 $0x80;
	s13 =	simm.s32 $0x2000  }
0x5: {  	s16 =	simm.s32 $0x0;
	s6 =	sand.u32 $0x1, s3;
	s30 =	sshll.u32 s1, $0x1  }
0x6: {  	[smem:$0x7FF] =	sst s2;
	s3 =	sadd.s32 $0x25000, s7;
	s8 =	sor.u32 s6, s30  }
0x7: {  	s4 =	sadd.s32 $0x52A00, s7;
	s5 =	sadd.s32 $0x57A00, s7;
	s9 =	smul.u32 $0xD00, s8  }
.Ltmp0:
0x8: {  	_ =	strace $0x80000059;
	s10 =	ssub.s32 $0x2, s6;
	(pc) =	sbr.rel .LBB2_1-.Ltmp0, $4  }
0x9: {  	s6 =	sadd.s32 $0x3F000, s7;
	s14 =	smul.u32 $0xD0, s8;
	s31 =	sshrl.u32 s10, $0x1  }
0xa: {  	s8 =	ssub.s32 s10, s31;
	s10 =	simm.s32 $0x2;
	s7 =	sadd.s32 s9, s7  }
0xb: {  	s15 =	sadd.s32 $0xD0, s14;
	s8 =	smax.u32 s8, $0x1;
	s9 =	simm.s32 $0x6200  }
0xc: {  	v2 =	vimm.s32 $0x0;
	v0 =	vmov s14;
	s14 =	simm.s32 $0x2200;
	s7 =	sadd.s32 $0x5000, s7;
	v1 =	vmov s15;
	s15 =	simm.s32 $0x1  }
.LBB2_13:
0xd: {  	[tilespmem:s19+$0x6270] =	vst v3  }
.LBB2_14:
0xe: {  	s16 =	sadd.s32 $0x1, s16  }
0xf: {  	p0 =	sne.s32 s16, s8  }
.Ltmp1:
0x10: {  	_ = 	snop;
	(pc) =	sbr.rel @!p0 .LBB2_15-.Ltmp1, $4  }
0x11: {  	[hbm4b:s7+s2] =	stream.linear.scatter [tilespmem:s9], [sflag:$0x2], $0x6800, $0x38;
	[tilespmem:$0xCA00] =	vst v63  }
0x12: {  	_ =	swait.ge [sflag:s10], $0x6800  }
0x13: {  	[sflag:s10] =	ssyncset.done $0x0  }
0x14: {  	[sflag:s10] =	ssyncadd.s32 $0xFFFF9800  }
.LBB2_1:
0x15: {  	[tilespmem:s9], [sflag:$0x2] =	stream.linear.gather [hbm4b:s6+s2], $0x6800, $0x38;
	[tilespmem:$0xCA00] =	vst v63  }
0x16: {  	_ =	swait.ge [sflag:s10], $0x6800  }
0x17: {  	[sflag:s10] =	ssyncset.done $0x0  }
0x18: {  	[sflag:s10] =	ssyncadd.s32 $0xFFFF9800  }
0x19: {  	[tilespmem:$0x2000] =	vst v2  }
0x1a: {  	[tilespmem:$0x2010] =	vst v2  }
0x1b: {  	[tilespmem:$0x2020] =	vst v2  }
0x1c: {  	[tilespmem:$0x2030] =	vst v2  }
0x1d: {  	[tilespmem:$0x2040] =	vst v2  }
0x1e: {  	[tilespmem:$0x2050] =	vst v2  }
0x1f: {  	[tilespmem:$0x2060] =	vst v2  }
0x20: {  	[tilespmem:$0x2070] =	vst v2  }
0x21: {  	[tilespmem:$0x2080] =	vst v2  }
0x22: {  	[tilespmem:$0x2090] =	vst v2  }
0x23: {  	[tilespmem:$0x20A0] =	vst v2  }
.Ltmp2:
0x24: {  	[tilespmem:$0x20B0] =	vst v2;
	(pc) =	sbr.rel .LBB2_2-.Ltmp2, $4  }
0x25: {  	[tilespmem:$0x20C0] =	vst v2  }
0x26: {  	[tilespmem:$0x20D0] =	vst v2  }
0x27: {  	[tilespmem:$0x20E0] =	vst v2  }
0x28: {  	s20 =	simm.s32 $0x0;
	s17 =	simm.s32 $0x0;
	[tilespmem:$0x20F0] =	vst v2  }
.LBB2_9:
0x29: {  	s17 =	sadd.s32 $0x1, s17  }
0x2a: {  	p0 =	sne.s32 s17, $0x28  }
.Ltmp3:
0x2b: {  	_ = 	snop;
	(pc) =	sbr.rel @!p0 .LBB2_10-.Ltmp3, $1  }
0x2c: {  	_ =	sdelay $0x3  }
.LBB2_2:
0x2d: {  	s19 =	sshll.u32 s17, $0x9  }
0x2e: {  	s18 =	simm.s32 $0x0;
	s21 =	sadd.s32 s4, s19  }
0x2f: {  	[tilespmem:s18], [sflag:$0x2] =	stream.linear.gather [hbm4b:s21+s18], $0x1000, $0x38;
	[tilespmem:$0xCA00] =	vst v63  }
0x30: {  	_ =	swait.ge [sflag:s10], $0x1000  }
0x31: {  	[sflag:s10] =	ssyncset.done $0x0  }
.Ltmp4:
0x32: {  	s19 =	sadd.s32 s5, s19;
	[sflag:s10] =	ssyncadd.s32 $0xFFFFF000;
	(pc) =	sbr.rel .LBB2_3-.Ltmp4, $4  }
0x33: {  	[tilespmem:s11], [sflag:$0x2] =	stream.linear.gather [hbm4b:s19+s18], $0x1000, $0x38;
	[tilespmem:$0xCA00] =	vst v63  }
0x34: {  	_ =	swait.ge [sflag:s10], $0x1000  }
0x35: {  	[sflag:s10] =	ssyncset.done $0x0  }
0x36: {  	[sflag:s10] =	ssyncadd.s32 $0xFFFFF000  }
.LBB2_4:
0x37: {  	s19 =	smov.u32 @p0 s20  }
0x38: {  	s20 =	smov.u32 s19  }
.LBB2_8:
0x39: {  	s18 =	sadd.s32 $0x1, s18  }
0x3a: {  	p0 =	sne.s32 s18, $0x100  }
.Ltmp5:
0x3b: {  	_ = 	snop;
	(pc) =	sbr.rel @!p0 .LBB2_9-.Ltmp5, $1  }
0x3c: {  	_ =	sdelay $0x3  }
.LBB2_3:
0x3d: {  	s19 =	sshll.u32 s18, $0x4  }
0x3e: {  	v3 =	vld [tilespmem:s19+$0x1000];
	_ =	sdelay $0x4  }
0x3f: {  	vm0 =	vge.s32 v3, v0;
	vm1 =	vlt.s32 v3, v1  }
0x40: {  	vm15 =	vne.s32 v3, $0x1900;
	vm0 =	vmand vm0, vm1  }
0x41: {  	vm0 =	vmand vm15, vm0  }
0x42: {  	v4 =	vmpcnt.ones.xlane vm0;
	_ =	sdelay $0x1  }
0x43: {  	(v2sf) =	vpush v4, $0x0;
	_ =	sdelay $0xe  }
0x44: {  	s21 =	spop (v2sf)  }
0x45: {  	p0 =	slt.s32 s21, $0x1  }
0x46: {  	v4 =	vimm.s32 @!p0 $0x0  }
0x47: {  	v4 =	vsel @!p0 vm0, $0x1, v4  }
0x48: {  	(xrf0) =	vadd.scan.msk.s32 @!p0 $0xffff, v4;
	_ =	sdelay $0x2  }
0x49: {  	v4 =	vmov @!p0 s20  }
0x4a: {  	v4 =	vadd.s32 @!p0 $0xFFFFFFFF, v4  }
0x4b: {  	v4 =	vbroadcast @!p0 v4, $0x0  }
0x4c: {  	v5, _, _ =	vpop @!p0 (xrf0)  }
0x4d: {  	v4 =	vadd.s32 @!p0 v5, v4;
	v5 =	vld @!p0 [tilespmem:s19+$0x0];
	s19 =	sadd.s32 @!p0 s20, s21  }
0x4e: {  	p1 =	slt.s32 @!p0 s19, $0x80  }
0x4f: {  	p1 =	por p0, p1  }
.Ltmp6:
0x50: {  	_ = 	snop;
	(pc) =	sbr.rel @p1 .LBB2_4-.Ltmp6, $4  }
0x51: {  	_ = 	snop  }
0x52: {  	s21 =	simm.s32 @!p0 $0x2000  }
0x53: {  	v3 =	vsub.s32 @!p0 v3, v0;
	[tilespmem:v4+s21+$0x0] =	vst.idx.msk @!p0 vm0, v5;
	s21 =	simm.s32 @!p0 $0x2100  }
0x54: {  	[tilespmem:v4+s21+$0x0] =	vst.idx.msk @!p0 vm0, v3  }
0x55: {  	[tilespmem:s14], [sflag:$0x1] =	stream.indirect.gather [hbm4b:s3+s12], $0x80, s13, s12, $0xb8;
	[tilespmem:$0xCA00] =	vst v63  }
0x56: {  	_ =	swait.ge [sflag:s15], $0x4000  }
0x57: {  	[sflag:s15] =	ssyncset.done $0x0  }
0x58: {  	s20 =	simm.s32 $0x0;
	[sflag:s15] =	ssyncadd.s32 $0xFFFFC000  }
0x59: {  	v3 =	vld [tilespmem:s20+$0x2100];
	_ =	sdelay $0x4  }
0x5a: {  	(v2sf) =	vpush v3, $0x0;
	_ =	sdelay $0xe  }
0x5b: {  	s21 =	spop (v2sf)  }
0x5c: {  	s20 =	simm.s32 $0x2240;
	s21 =	sshll.u32 s21, $0x9  }
0x5d: {  	v3 =	vld [tilespmem:s20+$0xFFFFFFC0];
	s21 =	sshra.s32 s21, $0x2  }
0x5e: {  	v4 =	vld [tilespmem:s21+$0x6200];
	_ =	sdelay $0x4  }
0x5f: {  	v3 =	vadd.f32 v3, v4;
	_ =	sdelay $0x1  }
0x60: {  	[tilespmem:s21+$0x6200] =	vst v3;
	v3 =	vld [tilespmem:s21+$0x6210]  }
0x61: {  	v4 =	vld [tilespmem:s20+$0xFFFFFFD0];
	_ =	sdelay $0x4  }
0x62: {  	v3 =	vadd.f32 v4, v3;
	_ =	sdelay $0x1  }
0x63: {  	[tilespmem:s21+$0x6210] =	vst v3;
	v3 =	vld [tilespmem:s21+$0x6220]  }
0x64: {  	v4 =	vld [tilespmem:s20+$0xFFFFFFE0];
	_ =	sdelay $0x4  }
0x65: {  	v3 =	vadd.f32 v4, v3;
	_ =	sdelay $0x1  }
0x66: {  	[tilespmem:s21+$0x6220] =	vst v3;
	v3 =	vld [tilespmem:s21+$0x6230]  }
0x67: {  	v4 =	vld [tilespmem:s20+$0xFFFFFFF0];
	_ =	sdelay $0x4  }
0x68: {  	v3 =	vadd.f32 v4, v3;
	_ =	sdelay $0x1  }
0x69: {  	[tilespmem:s21+$0x6230] =	vst v3;
	v3 =	vld [tilespmem:s21+$0x6240]  }
0x6a: {  	v4 =	vld [tilespmem:s20+$0x0];
	_ =	sdelay $0x4  }
0x6b: {  	v3 =	vadd.f32 v4, v3;
	_ =	sdelay $0x1  }
0x6c: {  	[tilespmem:s21+$0x6240] =	vst v3;
	v3 =	vld [tilespmem:s21+$0x6250]  }
0x6d: {  	v4 =	vld [tilespmem:s20+$0x10];
	_ =	sdelay $0x4  }
0x6e: {  	v3 =	vadd.f32 v4, v3;
	_ =	sdelay $0x1  }
0x6f: {  	[tilespmem:s21+$0x6250] =	vst v3;
	v3 =	vld [tilespmem:s21+$0x6260]  }
0x70: {  	v4 =	vld [tilespmem:s20+$0x20];
	_ =	sdelay $0x4  }
0x71: {  	v3 =	vadd.f32 v4, v3;
	_ =	sdelay $0x1  }
0x72: {  	[tilespmem:s21+$0x6260] =	vst v3;
	v3 =	vld [tilespmem:s21+$0x6270]  }
0x73: {  	v4 =	vld [tilespmem:s20+$0x30];
	_ =	sdelay $0x4  }
0x74: {  	s22 =	simm.s32 $0x4;
	s24 =	simm.s32 $0x8;
	v3 =	vadd.f32 v4, v3  }
.LBB2_6:
0x75: {  	s25 =	sshra.s32 s22, $0x2  }
0x76: {  	s20 =	sadd.s32 $0x80, s20;
	s22 =	smov.u32 s24;
	s23 =	sadd.s32 $0x4, s24;
	[tilespmem:s21+$0x6270] =	vst v3  }
0x77: {  	p0 =	sne.s32 s24, $0x1FC;
	v3 =	vld [tilespmem:s25+$0x2100];
	_ =	sdelay $0x4  }
0x78: {  	(v2sf) =	vpush v3, $0x0;
	_ =	sdelay $0xe  }
0x79: {  	s21 =	spop (v2sf)  }
0x7a: {  	s21 =	sshll.u32 s21, $0x9  }
0x7b: {  	s21 =	sshra.s32 s21, $0x2;
	v3 =	vld [tilespmem:s20+$0xFFFFFFC0]  }
0x7c: {  	v4 =	vld [tilespmem:s21+$0x6200];
	_ =	sdelay $0x4  }
0x7d: {  	v3 =	vadd.f32 v3, v4;
	_ =	sdelay $0x1  }
0x7e: {  	[tilespmem:s21+$0x6200] =	vst v3;
	v3 =	vld [tilespmem:s21+$0x6210]  }
0x7f: {  	v4 =	vld [tilespmem:s20+$0xFFFFFFD0];
	_ =	sdelay $0x4  }
0x80: {  	v3 =	vadd.f32 v4, v3;
	_ =	sdelay $0x1  }
0x81: {  	[tilespmem:s21+$0x6210] =	vst v3;
	v3 =	vld [tilespmem:s21+$0x6220]  }
0x82: {  	v4 =	vld [tilespmem:s20+$0xFFFFFFE0];
	_ =	sdelay $0x4  }
0x83: {  	v3 =	vadd.f32 v4, v3;
	_ =	sdelay $0x1  }
0x84: {  	[tilespmem:s21+$0x6220] =	vst v3;
	v3 =	vld [tilespmem:s21+$0x6230]  }
0x85: {  	v4 =	vld [tilespmem:s20+$0xFFFFFFF0];
	_ =	sdelay $0x4  }
0x86: {  	v3 =	vadd.f32 v4, v3;
	_ =	sdelay $0x1  }
0x87: {  	[tilespmem:s21+$0x6230] =	vst v3;
	v3 =	vld [tilespmem:s21+$0x6240]  }
0x88: {  	v4 =	vld [tilespmem:s20+$0x0];
	_ =	sdelay $0x4  }
0x89: {  	v3 =	vadd.f32 v4, v3;
	_ =	sdelay $0x1  }
0x8a: {  	[tilespmem:s21+$0x6240] =	vst v3;
	v3 =	vld [tilespmem:s21+$0x6250]  }
0x8b: {  	v4 =	vld [tilespmem:s20+$0x10];
	_ =	sdelay $0x4  }
0x8c: {  	v3 =	vadd.f32 v4, v3;
	_ =	sdelay $0x1  }
0x8d: {  	[tilespmem:s21+$0x6250] =	vst v3;
	v3 =	vld [tilespmem:s21+$0x6260]  }
0x8e: {  	v4 =	vld [tilespmem:s20+$0x20];
	_ =	sdelay $0x4  }
0x8f: {  	v3 =	vadd.f32 v4, v3;
	_ =	sdelay $0x1  }
0x90: {  	[tilespmem:s21+$0x6260] =	vst v3;
	v3 =	vld [tilespmem:s21+$0x6270]  }
0x91: {  	v4 =	vld [tilespmem:s20+$0x30]  }
.Ltmp7:
0x92: {  	(pc) =	sbr.rel @p0 .LBB2_6-.Ltmp7, $2  }
0x93: {  	_ =	sdelay $0x2  }
0x94: {  	s24 =	smov.u32 s23;
	v3 =	vadd.f32 v4, v3  }
0x95: {  	_ = 	snop  }
0x96: {  	s22 =	sshra.s32 s22, $0x2;
	[tilespmem:s21+$0x6270] =	vst v3  }
0x97: {  	v3 =	vld [tilespmem:s22+$0x2100];
	_ =	sdelay $0x4  }
0x98: {  	(v2sf) =	vpush v3, $0x0;
	_ =	sdelay $0xe  }
0x99: {  	s31 =	spop (v2sf)  }
0x9a: {  	s20 =	sadd.s32 $0x80, s20;
	s21 =	sshll.u32 s31, $0x9  }
0x9b: {  	v3 =	vld [tilespmem:s20+$0xFFFFFFC0];
	s21 =	sshra.s32 s21, $0x2  }
0x9c: {  	v4 =	vld [tilespmem:s21+$0x6200];
	_ =	sdelay $0x4  }
0x9d: {  	v3 =	vadd.f32 v3, v4;
	_ =	sdelay $0x1  }
0x9e: {  	[tilespmem:s21+$0x6200] =	vst v3;
	v3 =	vld [tilespmem:s21+$0x6210]  }
0x9f: {  	v48 =	vld [tilespmem:s20+$0xFFFFFFD0];
	_ =	sdelay $0x4  }
0xa0: {  	v3 =	vadd.f32 v48, v3;
	_ =	sdelay $0x1  }
0xa1: {  	[tilespmem:s21+$0x6210] =	vst v3;
	v3 =	vld [tilespmem:s21+$0x6220]  }
0xa2: {  	v49 =	vld [tilespmem:s20+$0xFFFFFFE0];
	_ =	sdelay $0x4  }
0xa3: {  	v3 =	vadd.f32 v49, v3;
	_ =	sdelay $0x1  }
0xa4: {  	[tilespmem:s21+$0x6220] =	vst v3;
	v3 =	vld [tilespmem:s21+$0x6230]  }
0xa5: {  	v50 =	vld [tilespmem:s20+$0xFFFFFFF0];
	_ =	sdelay $0x4  }
0xa6: {  	v3 =	vadd.f32 v50, v3;
	_ =	sdelay $0x1  }
0xa7: {  	[tilespmem:s21+$0x6230] =	vst v3;
	v3 =	vld [tilespmem:s21+$0x6240]  }
0xa8: {  	v51 =	vld [tilespmem:s20+$0x0];
	_ =	sdelay $0x4  }
0xa9: {  	v3 =	vadd.f32 v51, v3;
	_ =	sdelay $0x1  }
0xaa: {  	[tilespmem:s21+$0x6240] =	vst v3;
	v3 =	vld [tilespmem:s21+$0x6250]  }
0xab: {  	v52 =	vld [tilespmem:s20+$0x10];
	_ =	sdelay $0x4  }
0xac: {  	v3 =	vadd.f32 v52, v3;
	_ =	sdelay $0x1  }
0xad: {  	[tilespmem:s21+$0x6250] =	vst v3;
	v3 =	vld [tilespmem:s21+$0x6260]  }
0xae: {  	v53 =	vld [tilespmem:s20+$0x20];
	_ =	sdelay $0x4  }
0xaf: {  	v3 =	vadd.f32 v53, v3;
	_ =	sdelay $0x1  }
0xb0: {  	[tilespmem:s21+$0x6260] =	vst v3;
	v3 =	vld [tilespmem:s21+$0x6270]  }
0xb1: {  	v54 =	vld [tilespmem:s20+$0x30];
	_ =	sdelay $0x4  }
0xb2: {  	v3 =	vadd.f32 v54, v3;
	_ =	sdelay $0x1  }
0xb3: {  	[tilespmem:s21+$0x6270] =	vst v3  }
0xb4: {  	v3 =	vld [tilespmem:$0x2080]  }
0xb5: {  	v55 =	vld [tilespmem:$0x2180]  }
0xb6: {  	v5 =	vld [tilespmem:$0x2090]  }
0xb7: {  	v6 =	vld [tilespmem:$0x2190]  }
0xb8: {  	v7 =	vld [tilespmem:$0x20A0]  }
0xb9: {  	[tilespmem:$0x2000] =	vst v3;
	v3 =	vld [tilespmem:$0x21A0]  }
0xba: {  	v56 =	vld [tilespmem:$0x20B0];
	[tilespmem:$0x2100] =	vst v55  }
0xbb: {  	v57 =	vld [tilespmem:$0x21B0];
	[tilespmem:$0x2010] =	vst v5  }
0xbc: {  	v58 =	vld [tilespmem:$0x20C0];
	[tilespmem:$0x2110] =	vst v6  }
0xbd: {  	v59 =	vld [tilespmem:$0x21C0];
	[tilespmem:$0x2020] =	vst v7  }
0xbe: {  	[tilespmem:$0x2120] =	vst v3;
	v3 =	vld [tilespmem:$0x20D0]  }
0xbf: {  	v60 =	vld [tilespmem:$0x21D0];
	[tilespmem:$0x2030] =	vst v56  }
0xc0: {  	v61 =	vld [tilespmem:$0x20E0];
	[tilespmem:$0x2130] =	vst v57  }
0xc1: {  	v62 =	vld [tilespmem:$0x21E0];
	[tilespmem:$0x2040] =	vst v58  }
0xc2: {  	v63 =	vld [tilespmem:$0x20F0];
	[tilespmem:$0x2140] =	vst v59  }
0xc3: {  	[tilespmem:$0x2050] =	vst v3;
	v3 =	vld [tilespmem:$0x21F0]  }
.Ltmp8:
0xc4: {  	[tilespmem:$0x2150] =	vst v60;
	(pc) =	sbr.rel .LBB2_8-.Ltmp8, $4  }
0xc5: {  	[tilespmem:$0x2060] =	vst v61  }
0xc6: {  	[tilespmem:$0x2160] =	vst v62  }
0xc7: {  	[tilespmem:$0x2070] =	vst v63  }
0xc8: {  	s20 =	sadd.s32 $0xFFFFFF80, s19;
	[tilespmem:$0x2170] =	vst v3  }
.LBB2_10:
0xc9: {  	p0 =	slt.s32 s20, $0x1  }
.Ltmp9:
0xca: {  	_ = 	snop;
	(pc) =	sbr.rel @p0 .LBB2_14-.Ltmp9, $4  }
0xcb: {  	[tilespmem:s14], [sflag:$0x1] =	stream.indirect.gather [hbm4b:s3+s12], $0x80, s13, s12, $0xb8;
	[tilespmem:$0xCA00] =	vst v63  }
0xcc: {  	_ =	swait.ge [sflag:s15], $0x4000  }
0xcd: {  	[sflag:s15] =	ssyncset.done $0x0  }
0xce: {  	[sflag:s15] =	ssyncadd.s32 $0xFFFFC000  }
0xcf: {  	s17 =	simm.s32 $0x2100  }
0xd0: {  	v3 =	vld [tilespmem:s17+$0x0];
	_ =	sdelay $0x4  }
0xd1: {  	(v2sf) =	vpush v3, $0x0;
	_ =	sdelay $0xe  }
0xd2: {  	s19 =	spop (v2sf)  }
0xd3: {  	s18 =	simm.s32 $0x2240;
	s19 =	sshll.u32 s19, $0x9  }
0xd4: {  	v3 =	vld [tilespmem:s18+$0xFFFFFFC0];
	s19 =	sshra.s32 s19, $0x2  }
0xd5: {  	v4 =	vld [tilespmem:s19+$0x6200];
	_ =	sdelay $0x4  }
0xd6: {  	v3 =	vadd.f32 v3, v4;
	_ =	sdelay $0x1  }
0xd7: {  	[tilespmem:s19+$0x6200] =	vst v3;
	v3 =	vld [tilespmem:s19+$0x6210]  }
0xd8: {  	v4 =	vld [tilespmem:s18+$0xFFFFFFD0];
	_ =	sdelay $0x4  }
0xd9: {  	v3 =	vadd.f32 v4, v3;
	_ =	sdelay $0x1  }
0xda: {  	[tilespmem:s19+$0x6210] =	vst v3;
	v3 =	vld [tilespmem:s19+$0x6220]  }
0xdb: {  	v4 =	vld [tilespmem:s18+$0xFFFFFFE0];
	_ =	sdelay $0x4  }
0xdc: {  	v3 =	vadd.f32 v4, v3;
	_ =	sdelay $0x1  }
0xdd: {  	[tilespmem:s19+$0x6220] =	vst v3;
	v3 =	vld [tilespmem:s19+$0x6230]  }
0xde: {  	v4 =	vld [tilespmem:s18+$0xFFFFFFF0];
	_ =	sdelay $0x4  }
0xdf: {  	v3 =	vadd.f32 v4, v3;
	_ =	sdelay $0x1  }
0xe0: {  	[tilespmem:s19+$0x6230] =	vst v3;
	v3 =	vld [tilespmem:s19+$0x6240]  }
0xe1: {  	v4 =	vld [tilespmem:s18+$0x0];
	_ =	sdelay $0x4  }
0xe2: {  	v3 =	vadd.f32 v4, v3;
	_ =	sdelay $0x1  }
0xe3: {  	[tilespmem:s19+$0x6240] =	vst v3;
	v3 =	vld [tilespmem:s19+$0x6250]  }
0xe4: {  	v4 =	vld [tilespmem:s18+$0x10];
	_ =	sdelay $0x4  }
0xe5: {  	v3 =	vadd.f32 v4, v3;
	_ =	sdelay $0x1  }
0xe6: {  	[tilespmem:s19+$0x6250] =	vst v3;
	v3 =	vld [tilespmem:s19+$0x6260]  }
0xe7: {  	v4 =	vld [tilespmem:s18+$0x20];
	_ =	sdelay $0x4  }
0xe8: {  	v3 =	vadd.f32 v4, v3;
	_ =	sdelay $0x1  }
0xe9: {  	[tilespmem:s19+$0x6260] =	vst v3;
	v3 =	vld [tilespmem:s19+$0x6270]  }
0xea: {  	v4 =	vld [tilespmem:s18+$0x30]  }
0xeb: {  	p0 =	sne.s32 s20, $0x1  }
.Ltmp10:
0xec: {  	_ = 	snop;
	(pc) =	sbr.rel @!p0 .LBB2_13-.Ltmp10, $3  }
0xed: {  	_ =	sdelay $0x1  }
0xee: {  	v3 =	vadd.f32 v4, v3  }
0xef: {  	s20 =	sadd.s32 $0xFFFFFFFF, s20  }
.LBB2_12:
0xf0: {  	p0 =	sne.s32 s20, $0x1;
	[tilespmem:s19+$0x6270] =	vst v3;
	s17 =	sadd.s32 $0x1, s17;
	s18 =	sadd.s32 $0x80, s18  }
0xf1: {  	s20 =	sadd.s32 $0xFFFFFFFF, s20;
	v3 =	vld [tilespmem:s17+$0x0];
	_ =	sdelay $0x4  }
0xf2: {  	(v2sf) =	vpush v3, $0x0;
	_ =	sdelay $0xe  }
0xf3: {  	s19 =	spop (v2sf)  }
0xf4: {  	s19 =	sshll.u32 s19, $0x9  }
0xf5: {  	s19 =	sshra.s32 s19, $0x2;
	v3 =	vld [tilespmem:s18+$0xFFFFFFC0]  }
0xf6: {  	v4 =	vld [tilespmem:s19+$0x6200];
	_ =	sdelay $0x4  }
0xf7: {  	v3 =	vadd.f32 v3, v4;
	_ =	sdelay $0x1  }
0xf8: {  	[tilespmem:s19+$0x6200] =	vst v3;
	v3 =	vld [tilespmem:s19+$0x6210]  }
0xf9: {  	v4 =	vld [tilespmem:s18+$0xFFFFFFD0];
	_ =	sdelay $0x4  }
0xfa: {  	v3 =	vadd.f32 v4, v3;
	_ =	sdelay $0x1  }
0xfb: {  	[tilespmem:s19+$0x6210] =	vst v3;
	v3 =	vld [tilespmem:s19+$0x6220]  }
0xfc: {  	v4 =	vld [tilespmem:s18+$0xFFFFFFE0];
	_ =	sdelay $0x4  }
0xfd: {  	v3 =	vadd.f32 v4, v3;
	_ =	sdelay $0x1  }
0xfe: {  	[tilespmem:s19+$0x6220] =	vst v3;
	v3 =	vld [tilespmem:s19+$0x6230]  }
0xff: {  	v4 =	vld [tilespmem:s18+$0xFFFFFFF0];
	_ =	sdelay $0x4  }
0x100: {  	v3 =	vadd.f32 v4, v3;
	_ =	sdelay $0x1  }
0x101: {  	[tilespmem:s19+$0x6230] =	vst v3;
	v3 =	vld [tilespmem:s19+$0x6240]  }
0x102: {  	v4 =	vld [tilespmem:s18+$0x0];
	_ =	sdelay $0x4  }
0x103: {  	v3 =	vadd.f32 v4, v3;
	_ =	sdelay $0x1  }
0x104: {  	[tilespmem:s19+$0x6240] =	vst v3;
	v3 =	vld [tilespmem:s19+$0x6250]  }
0x105: {  	v4 =	vld [tilespmem:s18+$0x10];
	_ =	sdelay $0x4  }
0x106: {  	v3 =	vadd.f32 v4, v3;
	_ =	sdelay $0x1  }
0x107: {  	[tilespmem:s19+$0x6250] =	vst v3;
	v3 =	vld [tilespmem:s19+$0x6260]  }
0x108: {  	v4 =	vld [tilespmem:s18+$0x20];
	_ =	sdelay $0x4  }
0x109: {  	v3 =	vadd.f32 v4, v3;
	_ =	sdelay $0x1  }
0x10a: {  	[tilespmem:s19+$0x6260] =	vst v3;
	v3 =	vld [tilespmem:s19+$0x6270]  }
0x10b: {  	v4 =	vld [tilespmem:s18+$0x30]  }
.Ltmp11:
0x10c: {  	(pc) =	sbr.rel @p0 .LBB2_12-.Ltmp11, $2  }
0x10d: {  	_ =	sdelay $0x2  }
0x10e: {  	v3 =	vadd.f32 v4, v3  }
.Ltmp12:
0x10f: {  	_ = 	snop;
	(pc) =	sbr.rel .LBB2_13-.Ltmp12, $1  }
0x110: {  	_ =	sdelay $0x3  }
.LBB2_15:
0x111: {  	_ =	sfence.sel $0x180000  }
0x112: {  	[bflag:$0x0] =	sbarrier.arrive $0xFFFF  }
0x113: {  	p0 =	sne.s32 s1, $0x0;
	_ =	strace $0x90000059  }
0x114: {  	s0 =	sadd.s32 @!p0 $0x100000, s0;
	[bflag:$0x2] =	sbarrier.arrive $0xFFFF  }
0x115: {  	[sflag:s0] =	ssyncadd.tile.s32 @!p0 $0x1;
	_ =	shalt  }
.Lfunc_end2:
_tile_overlayer_lowered:
.L_overlay_start_2:
0x116: {  	(tag) =	ssettag $0x2  }
0x117: {  	s0 =	rddreg [dreg:$0x0];
	s2 =	stileid.u32  }
0x118: {  	s1 =	rddreg [dreg:$0x1];
	p0 =	sne.s32 s2, $0x0  }
0x119: {  	s3 =	rddreg [dreg:$0x2];
	[bflag:$0x3] =	sbarrier.arrive $0xFFFF;
	s2 =	simm.s32 @!p0 $0x1C02  }
0x11a: {  	[timem:s3], [sflag:s2] =	dma.local @!p0 [hbm:s0], s1  }
0x11b: {  	s0 =	simm.s32 @!p0 $0x2  }
0x11c: {  	_ =	swait.ge @!p0 [sflag:s0], s1  }
0x11d: {  	s1 =	ssub.s32 @!p0 $0x0, s1;
	[sflag:s0] =	ssyncset.done @!p0 $0x0  }
0x11e: {  	[sflag:s0] =	ssyncadd.s32 @!p0 s1  }
0x11f: {  	[bflag:$0x3] =	sbarrier.arrive $0xFFFF  }
0x120: {  	_ =	shalt  }

// kernel: kernel.38.cloned.1.call-start
scs
__scs_entry_jumppad:
0x0: {  	(pc) =	sbr.rel $0x88, $3  }
0x1: {  	(tag) =	ssettag $0x0;
	lr =	simm.s32 $0x1  }
0x2: {  	[smem:$0x3F90] =	sst lr;
	_ =	strace $0xD0000000  }
0x3: {  	_ = 	snop  }
0x4: {  	_ = 	snop  }
0x5: {  	_ = 	snop  }
0x6: {  	_ = 	snop  }
0x7: {  	_ = 	snop  }
__scs_overlays_trampoline_lowered:
0x8: {  	[smem:$0x3F9F] =	sst s0  }
0x9: {  	[smem:$0x3FA0] =	sst s1  }
0xa: {  	[smem:$0x3FA1] =	sst s2  }
0xb: {  	[smem:$0x3FA2] =	sst s3  }
0xc: {  	[smem:$0x3FA3] =	sst s4  }
0xd: {  	[smem:$0x3FA4] =	sst s5  }
0xe: {  	[smem:$0x3FA5] =	sst s6  }
0xf: {  	[smem:$0x3FA6] =	sst s7  }
0x10: {  	[smem:$0x3FA7] =	sst s8  }
0x11: {  	[smem:$0x3FA8] =	sst s9;
	s0 =	simm.s32 @!p0 $0x0  }
0x12: {  	s1 =	sld [smem:$0x3F8E];
	s0 =	simm.s32 @p0 $0x1  }
0x13: {  	[smem:$0x3FA9] =	sst s0;
	s0 =	simm.s32 @!p1 $0x0  }
0x14: {  	s2 =	sld [smem:$0x3F8D];
	s0 =	simm.s32 @p1 $0x1  }
0x15: {  	[smem:$0x3FAA] =	sst s0;
	s0 =	simm.s32 @!p2 $0x0  }
0x16: {  	s3 =	sld [smem:$0x3FDB];
	s0 =	simm.s32 @p2 $0x1  }
0x17: {  	s4 =	simm.s32 $0x1BF5;
	[smem:$0x3FAC] =	sst s0  }
0x18: {  	s0 =	sld [smem:$0x3F8F];
	_ =	swait.ge [sflag:s4], $0x0  }
0x19: {  	s7 =	sld [smem:$0x3F90]  }
0x1a: {  	s8 =	sadd.s32 $0xFFFFE003, lr  }
0x1b: {  	s9 =	sadd.s32 $0xFFFFFEF7, lr;
	s5 =	simm.s32 $0xFFFFFFFF;
	p2 =	slt.u32 s8, $0xFFFFF086  }
0x1c: {  	p1 =	slt.u32 s9, $0xF7A;
	s5 =	simm.s32 @!p2 $0x0  }
0x1d: {  	s5 =	simm.s32 @p1 $0x1;
	p0 =	seq.s32 s7, s2  }
0x1e: {  	s7 =	smul.u32 @!p0 $0xF7A, s2;
	p2 =	seq.s32 @!p0 s5, $0x0  }
0x1f: {  	s9 =	smul.u32 $0xF7A, s1;
	s8 =	simm.s32 @!p0 $0x1BF5;
	p2 =	por !p2, p0  }
0x20: {  	[sflag:s8] =	ssyncset.s32 @!p0 $0xFFFFF086;
	s6 =	sadd.s32 @!p0 s3, s7;
	s7 =	simm.s32 @!p0 $0x108  }
0x21: {  	s3 =	sadd.s32 s3, s9;
	s6 =	sadd.s32 @!p0 $0x88, s6;
	s7 =	simm.s32 @p2 $0x1082  }
0x22: {  	[simem:s7], [sflag:s8] =	dma.local @!p0 [hbm:s6], $0xF7A  }
0x23: {  	s9 =	sor.u32 $0xD0000000, s2;
	s6 =	simm.s32 $0x108;
	_ =	swait.ge @!p0 [sflag:s8], $0x0  }
0x24: {  	s3 =	sadd.s32 $0x88, s3;
	s6 =	simm.s32 @!p1 $0x1082;
	[sflag:s4] =	ssyncset.s32 $0xFFFFF086  }
0x25: {  	[simem:s6], [sflag:s4] =	dma.local [hbm:s3], $0xF7A  }
0x26: {  	[smem:$0x3F90] =	sst s1;
	(tag) =	ssettag s2;
	_ =	strace s9  }
0x27: {  	s1 =	sld [smem:$0x3FA0]  }
0x28: {  	s2 =	sld [smem:$0x3FA1]  }
0x29: {  	s4 =	sld [smem:$0x3FA3]  }
0x2a: {  	p0 =	seq.s32 s5, $0x0;
	s5 =	sld [smem:$0x3FA4]  }
0x2b: {  	s6 =	sld [smem:$0x3FA5]  }
0x2c: {  	s7 =	sld [smem:$0x3FA6]  }
0x2d: {  	s3 =	simm.s32 $0x108;
	s8 =	sld [smem:$0x3FA7]  }
0x2e: {  	s3 =	simm.s32 @!p0 $0x1082;
	s9 =	sld [smem:$0x3FA8]  }
0x2f: {  	lr =	sadd.s32 s0, s3;
	s0 =	sld [smem:$0x3F9F]  }
0x30: {  	s3 =	sld [smem:$0x3FA2]  }
0x31: {  	[smem:$0x3FAB] =	sst s10  }
0x32: {  	s10 =	sld [smem:$0x3FA9];
	_ =	sdelay $0x3  }
0x33: {  	p0 =	seq.s32 s10, $0x1;
	s10 =	sld [smem:$0x3FAB];
	_ =	sdelay $0x3  }
0x34: {  	[smem:$0x3FAB] =	sst s10  }
0x35: {  	s10 =	sld [smem:$0x3FAA];
	_ =	sdelay $0x3  }
0x36: {  	p1 =	seq.s32 s10, $0x1;
	s10 =	sld [smem:$0x3FAB];
	_ =	sdelay $0x3  }
0x37: {  	[smem:$0x3FAB] =	sst s10  }
0x38: {  	s10 =	sld [smem:$0x3FAC]  }
0x39: {  	_ = 	snop;
	(pc) =	sbr.ind lr, $3  }
0x3a: {  	_ = 	snop  }
0x3b: {  	_ = 	snop  }
0x3c: {  	p2 =	seq.s32 s10, $0x1;
	s10 =	sld [smem:$0x3FAB]  }
0x3d: {  	_ =	shalt  }
0x3e: {  	_ =	shalt  }
0x3f: {  	_ =	shalt  }
0x40: {  	_ =	shalt  }
0x41: {  	_ =	shalt  }
0x42: {  	_ =	shalt  }
0x43: {  	_ =	shalt  }
0x44: {  	_ =	shalt  }
0x45: {  	_ =	shalt  }
0x46: {  	_ =	shalt  }
0x47: {  	_ =	shalt  }
0x48: {  	_ =	shalt  }
0x49: {  	_ =	shalt  }
0x4a: {  	_ =	shalt  }
0x4b: {  	_ =	shalt  }
0x4c: {  	_ =	shalt  }
0x4d: {  	_ =	shalt  }
0x4e: {  	_ =	shalt  }
0x4f: {  	_ =	shalt  }
0x50: {  	_ =	shalt  }
0x51: {  	_ =	shalt  }
0x52: {  	_ =	shalt  }
0x53: {  	_ =	shalt  }
0x54: {  	_ =	shalt  }
0x55: {  	_ =	shalt  }
0x56: {  	_ =	shalt  }
0x57: {  	_ =	shalt  }
0x58: {  	_ =	shalt  }
0x59: {  	_ =	shalt  }
0x5a: {  	_ =	shalt  }
0x5b: {  	_ =	shalt  }
0x5c: {  	_ =	shalt  }
0x5d: {  	_ =	shalt  }
0x5e: {  	_ =	shalt  }
0x5f: {  	_ =	shalt  }
0x60: {  	_ =	shalt  }
0x61: {  	_ =	shalt  }
0x62: {  	_ =	shalt  }
0x63: {  	_ =	shalt  }
0x64: {  	_ =	shalt  }
0x65: {  	_ =	shalt  }
0x66: {  	_ =	shalt  }
0x67: {  	_ =	shalt  }
0x68: {  	_ =	shalt  }
0x69: {  	_ =	shalt  }
0x6a: {  	_ =	shalt  }
0x6b: {  	_ =	shalt  }
0x6c: {  	_ =	shalt  }
0x6d: {  	_ =	shalt  }
0x6e: {  	_ =	shalt  }
0x6f: {  	_ =	shalt  }
0x70: {  	_ =	shalt  }
0x71: {  	_ =	shalt  }
0x72: {  	_ =	shalt  }
0x73: {  	_ =	shalt  }
0x74: {  	_ =	shalt  }
0x75: {  	_ =	shalt  }
0x76: {  	_ =	shalt  }
0x77: {  	_ =	shalt  }
0x78: {  	_ =	shalt  }
0x79: {  	_ =	shalt  }
0x7a: {  	_ =	shalt  }
0x7b: {  	_ =	shalt  }
0x7c: {  	_ =	shalt  }
0x7d: {  	_ =	shalt  }
0x7e: {  	_ =	shalt  }
0x7f: {  	_ =	shalt  }
0x80: {  	_ =	shalt  }
0x81: {  	_ =	shalt  }
0x82: {  	_ =	shalt  }
0x83: {  	_ =	shalt  }
0x84: {  	_ =	shalt  }
0x85: {  	_ =	shalt  }
0x86: {  	_ =	shalt  }
0x87: {  	_ =	shalt  }
.Lfunc_end0:
.L_simem_size_0:
called_computation.7_lowered:
.L_overlay_start_0:
0x88: {  	s2 =	sld [smem:$0x3FD9]  }
0x89: {  	s3 =	sld [smem:$0x3FFE];
	_ =	sdelay $0x1  }
0x8a: {  	s1 =	srdreg.scid  }
0x8b: {  	s0 =	sand.u32 $0x1, s1  }
0x8c: {  	s17 =	sshll.u32 s0, $0xA;
	s2 =	sadd.s32 s3, s2  }
0x8d: {  	s2 =	sadd.s32 s2, s17  }
0x8e: {  	[smem:$0x3FB7] =	sst s2  }
0x8f: {  	_ = 	snop  }
0x90: {  	s2 =	sld [smem:$0x3FD0];
	(tm) =	ssettm $0x1  }
0x91: {  	s18 =	sld [smem:$0x3FFB];
	_ =	sdelay $0x3  }
0x92: {  	_ =	strace s18  }
0x93: {  	s3 =	sld [smem:$0x3FFC];
	_ =	sdelay $0x3  }
0x94: {  	_ =	strace s3  }
0x95: {  	s3 =	sld [smem:$0x3FFD];
	_ =	sdelay $0x3  }
0x96: {  	_ =	strace s3  }
0x97: {  	_ =	strace $0x8FFFFFFF  }
0x98: {  	s19 =	sld [smem:$0x3FDB];
	_ =	sdelay $0x1  }
0x99: {  	s4 =	simm.s32 $_scs_section_size  }
0x9a: {  	s5 =	simm.s32 $_size__tile_overlayer_lowered;
	s6 =	simm.s32 $_tile_overlayer_lowered  }
0x9b: {  	s22 =	simm.s32 $0x1BFF;
	s21 =	sshll.u32 s6, $0x1;
	s3 =	sadd.s32 s4, s19  }
0x9c: {  	s7 =	simm.s32 $0x0;
	s20 =	sshll.u32 s5, $0x1;
	s5 =	sadd.s32 s21, s3  }
0x9d: {  	[timem:s7], [sflag:s22] =	dma.local [hbm:s5], s20  }
0x9e: {  	_ =	swait.ge [sflag:s22], s20  }
0x9f: {  	s4 =	ssub.s32 $0x0, s20;
	[sflag:s22] =	ssyncset.done $0x0  }
0xa0: {  	[sflag:s22] =	ssyncadd.s32 s4;
	_ =	sdelay $0x1  }
0xa1: {  	s23 =	simm.s32 $0x1B8B  }
0xa2: {  	_ =	swait.ge [sflag:s23], $0x1  }
0xa3: {  	[sflag:s23] =	ssyncset.done $0x0  }
0xa4: {  	s25 =	simm.s32 $0x1B8E;
	s24 =	sld [smem:$0x3FFE];
	[sflag:s23] =	ssyncadd.s32 $0xFFFFFFFF  }
0xa5: {  	s26 =	simm.s32 $execute0_lowered;
	[smem:$0x3FD2] =	sst s25  }
0xa6: {  	s5 =	sshll.u32 s26, $0x1;
	_ =	strace $0x8000005B;
	[dreg:$0x1] =	wrdreg $0xFFFFFFFF  }
0xa7: {  	s28 =	simm.s32 $_size_execute0_lowered;
	s3 =	sadd.s32 s3, s5;
	[dreg:$0x0] =	wrdreg $0x0  }
0xa8: {  	s5 =	sshll.u32 s28, $0x1;
	[dreg:$0x2] =	wrdreg s3  }
0xa9: {  	[dreg:$0x3] =	wrdreg s5  }
0xaa: {  	[dreg:$0x4] =	wrdreg $0xC0  }
0xab: {  	_ =	task [dreg:s7], $0x5FFFF  }
0xac: {  	[dreg:$0x1] =	wrdreg $0xFFFFFFFF  }
0xad: {  	[dreg:$0x0] =	wrdreg $0x60  }
0xae: {  	[dreg:$0x2] =	wrdreg s24  }
0xaf: {  	[dreg:$0x3] =	wrdreg s2  }
0xb0: {  	[dreg:$0x4] =	wrdreg $0x9  }
0xb1: {  	_ =	task.clear_ibuf [dreg:s7], $0x5FFFF;
	_ =	strace $0x9000005B  }
0xb2: {  	s29 =	simm.s32 $0x9;
	_ =	strace $0x8000005D  }
0xb3: {  	_ =	swait.ge [sflag:s29], $0x1  }
0xb4: {  	[sflag:s29] =	ssyncadd.s32 $0xFFFFFFFF  }
0xb5: {  	_ =	strace $0x9000005D  }
0xb6: {  	_ =	sfence  }
0xb7: {  	s30 =	sld [smem:$0x0];
	_ =	sdelay $0x2  }
0xb8: {  	s31 =	sshll.u32 s1, $0xD;
	s1 =	sshrl.u32 s1, $0x2  }
0xb9: {  	s3 =	sand.u32 $0x4000, s31;
	s1 =	sadd.s32 s1, s30  }
0xba: {  	s0 =	sor.u32 s3, s0;
	s1 =	sshll.u32 s1, $0x11  }
0xbb: {  	s0 =	sor.u32 s1, s0  }
0xbc: {  	s0 =	sadd.s32 $0x8F2B, s0  }
0xbd: {  	[sflag:s0] =	ssyncadd.remote.s32 $0x1  }
0xbe: {  	_ =	sfence.sel $0xFFFF  }
0xbf: {  	[dreg:$0x0] =	wrdreg $0xFFFFFFFF;
	(pc) =	sbr.abs _section_cstart, $3  }
0xc0: {  	[dreg:$0x1] =	wrdreg $0xFFFFFFFF  }
0xc1: {  	_ =	task.clear_ibuf [dreg:s7], $0x2FFFF;
	_ =	strace $0x9FFFFFFF  }
0xc2: {  	(tm) =	ssettm $0x7FFFFFFF  }
0xc3: {  	_ =	shalt  }
tec
execute0_lowered:
.L_overlay_start_1:
0x0: {  	(tag) =	ssettag $0x1  }
0x1: {  	s4 =	rddreg [dreg:$0x0]  }
0x2: {  	s2 =	rddreg [dreg:$0x1]  }
0x3: {  	s0 =	rddreg [dreg:$0x2]  }
0x4: {  	s1 =	stileid.u32;
	s5 =	srdreg.scid;
	s3 =	simm.s32 $0x0  }
0x5: {  	s10 =	simm.s32 $0x80;
	s11 =	simm.s32 $0x1;
	s6 =	smul.u32 $0x1A0, s1  }
0x6: {  	s12 =	simm.s32 $0x0;
	s5 =	sand.u32 $0x1, s5;
	s8 =	smul.u32 $0x1A00, s1  }
0x7: {  	[smem:$0x7FF] =	sst s3;
	s7 =	smul.u32 $0xD0, s5;
	s30 =	ssub.s32 $0x2, s5  }
0x8: {  	_ =	strace $0x8000005C;
	s5 =	smul.u32 $0xD00, s5;
	s9 =	sshrl.u32 s30, $0x1  }
0x9: {  	s8 =	sadd.s32 s8, s4;
	s6 =	sadd.s32 s7, s6;
	s31 =	ssub.s32 s30, s9  }
0xa: {  	s5 =	sadd.s32 s5, s8;
	s7 =	simm.s32 $0x2;
	s6 =	sshrl.u32 s6, $0x3  }
0xb: {  	s8 =	simm.s32 $0x100;
	s9 =	simm.s32 $0x10;
	s6 =	sadd.s32 s6, s4  }
0xc: {  	s5 =	sadd.s32 $0x5000, s5;
	s4 =	smax.u32 s31, $0x1;
	s6 =	sadd.s32 $0x1F000, s6  }
.LBB2_1:
0xd: {  	s13 =	sadd.s32 $0x0, s6  }
0xe: {  	[tilespmem:s3], [sflag:$0x2] =	stream.linear.gather [hbm4b:s13+s3], $0x10, $0x38;
	[tilespmem:$0x900] =	vst v63  }
0xf: {  	_ =	swait.ge [sflag:s7], $0x10  }
0x10: {  	[sflag:s7] =	ssyncset.done $0x0  }
0x11: {  	[sflag:s7] =	ssyncadd.s32 $0xFFFFFFF0  }
0x12: {  	v0 =	vld [tilespmem:$0x0];
	_ =	sdelay $0x4  }
0x13: {  	vm0 =	vlt.s32 v0, $0xF  }
0x14: {  	v0 =	vnsel vm0, $0xF, v0  }
0x15: {  	[tilespmem:$0x80] =	vst v0  }
0x16: {  	[tilespmem:s8], [sflag:$0x2] =	stream.linear.gather [hbm4b:s5+s3], $0x800, $0x38;
	[tilespmem:$0x900] =	vst v63  }
0x17: {  	_ =	swait.ge [sflag:s7], $0x800  }
0x18: {  	[sflag:s7] =	ssyncset.done $0x0  }
0x19: {  	[sflag:s7] =	ssyncadd.s32 $0xFFFFF800  }
0x1a: {  	[hbm4b:s2+s9] =	stream.indirect.scatter [tilespmem:s8], [sflag:$0x1], $0x80, s10, s9, $0xb8;
	[tilespmem:$0x900] =	vst v63  }
0x1b: {  	s14 =	simm.s32 $0x2;
	_ =	swait.ge [sflag:s11], $0x800  }
0x1c: {  	s15 =	simm.s32 $0x4;
	s13 =	sadd.s32 $0x100, s5;
	[sflag:s11] =	ssyncset.done $0x0  }
.LBB2_2:
0x1d: {  	s16 =	sadd.s32 s14, s6  }
0x1e: {  	[sflag:s11] =	ssyncadd.s32 $0xFFFFF800;
	s14 =	smov.u32 s15;
	s17 =	sadd.s32 $0x2, s15  }
0x1f: {  	[tilespmem:s3], [sflag:$0x2] =	stream.linear.gather [hbm4b:s16+s3], $0x10, $0x38;
	[tilespmem:$0x900] =	vst v63  }
0x20: {  	p0 =	sne.s32 s15, $0x18;
	_ =	swait.ge [sflag:s7], $0x10  }
0x21: {  	[sflag:s7] =	ssyncset.done $0x0  }
0x22: {  	[sflag:s7] =	ssyncadd.s32 $0xFFFFFFF0  }
0x23: {  	v0 =	vld [tilespmem:$0x0];
	_ =	sdelay $0x4  }
0x24: {  	vm0 =	vlt.s32 v0, $0xF  }
0x25: {  	v0 =	vnsel vm0, $0xF, v0  }
0x26: {  	[tilespmem:$0x80] =	vst v0  }
0x27: {  	[tilespmem:s8], [sflag:$0x2] =	stream.linear.gather [hbm4b:s13+s3], $0x800, $0x38;
	[tilespmem:$0x900] =	vst v63  }
0x28: {  	_ =	swait.ge [sflag:s7], $0x800  }
.Ltmp0:
0x29: {  	[sflag:s7] =	ssyncset.done $0x0;
	(pc) =	sbr.rel @p0 .LBB2_2-.Ltmp0, $4  }
0x2a: {  	[sflag:s7] =	ssyncadd.s32 $0xFFFFF800  }
0x2b: {  	[hbm4b:s2+s9] =	stream.indirect.scatter [tilespmem:s8], [sflag:$0x1], $0x80, s10, s9, $0xb8;
	[tilespmem:$0x900] =	vst v63  }
0x2c: {  	_ =	swait.ge [sflag:s11], $0x800  }
0x2d: {  	s15 =	smov.u32 s17;
	s13 =	sadd.s32 $0x100, s13;
	[sflag:s11] =	ssyncset.done $0x0  }
0x2e: {  	s14 =	sadd.s32 s14, s6;
	[sflag:s11] =	ssyncadd.s32 $0xFFFFF800  }
0x2f: {  	[tilespmem:s3], [sflag:$0x2] =	stream.linear.gather [hbm4b:s14+s3], $0x10, $0x38;
	[tilespmem:$0x900] =	vst v63  }
0x30: {  	_ =	swait.ge [sflag:s7], $0x10  }
0x31: {  	[sflag:s7] =	ssyncset.done $0x0  }
0x32: {  	[sflag:s7] =	ssyncadd.s32 $0xFFFFFFF0  }
0x33: {  	v0 =	vld [tilespmem:$0x0];
	_ =	sdelay $0x4  }
0x34: {  	vm0 =	vlt.s32 v0, $0xF  }
0x35: {  	v0 =	vnsel vm0, $0xF, v0  }
0x36: {  	[tilespmem:$0x80] =	vst v0  }
0x37: {  	[tilespmem:s8], [sflag:$0x2] =	stream.linear.gather [hbm4b:s13+s3], $0x800, $0x38;
	[tilespmem:$0x900] =	vst v63  }
0x38: {  	s12 =	sadd.s32 $0x1, s12;
	_ =	swait.ge [sflag:s7], $0x800  }
0x39: {  	p0 =	sne.s32 s12, s4;
	[sflag:s7] =	ssyncset.done $0x0  }
.Ltmp1:
0x3a: {  	[sflag:s7] =	ssyncadd.s32 $0xFFFFF800;
	(pc) =	sbr.rel @p0 .LBB2_1-.Ltmp1, $4  }
0x3b: {  	[hbm4b:s2+s9] =	stream.indirect.scatter [tilespmem:s8], [sflag:$0x1], $0x80, s10, s9, $0xb8;
	[tilespmem:$0x900] =	vst v63  }
0x3c: {  	_ =	swait.ge [sflag:s11], $0x800  }
0x3d: {  	[sflag:s11] =	ssyncset.done $0x0  }
0x3e: {  	[sflag:s11] =	ssyncadd.s32 $0xFFFFF800  }
0x3f: {  	_ =	sfence.sel $0x180000  }
0x40: {  	[bflag:$0x0] =	sbarrier.arrive $0xFFFF  }
0x41: {  	p0 =	sne.s32 s1, $0x0;
	_ =	strace $0x9000005C  }
0x42: {  	s0 =	sadd.s32 @!p0 $0x100000, s0;
	[bflag:$0x2] =	sbarrier.arrive $0xFFFF  }
0x43: {  	[sflag:s0] =	ssyncadd.tile.s32 @!p0 $0x1;
	_ =	shalt  }
.Lfunc_end2:
_tile_overlayer_lowered:
.L_overlay_start_2:
0x44: {  	(tag) =	ssettag $0x2  }
0x45: {  	s0 =	rddreg [dreg:$0x0];
	s2 =	stileid.u32  }
0x46: {  	s1 =	rddreg [dreg:$0x1];
	p0 =	sne.s32 s2, $0x0  }
0x47: {  	s3 =	rddreg [dreg:$0x2];
	[bflag:$0x3] =	sbarrier.arrive $0xFFFF;
	s2 =	simm.s32 @!p0 $0x1C02  }
0x48: {  	[timem:s3], [sflag:s2] =	dma.local @!p0 [hbm:s0], s1  }
0x49: {  	s0 =	simm.s32 @!p0 $0x2  }
0x4a: {  	_ =	swait.ge @!p0 [sflag:s0], s1  }
0x4b: {  	s1 =	ssub.s32 @!p0 $0x0, s1;
	[sflag:s0] =	ssyncset.done @!p0 $0x0  }
0x4c: {  	[sflag:s0] =	ssyncadd.s32 @!p0 s1  }
0x4d: {  	[bflag:$0x3] =	sbarrier.arrive $0xFFFF  }
0x4e: {  	_ =	shalt  }

</sc_bundles>
